<compile_context>
chip_gen: v7x
topology: tpu7x:2x2x1
jax: 0.10.2.dev20260603
libtpu: 0.0.44.dev20260713+nightly
codegen_flags: <defaults>
</compile_context>

<pallas_src>
import functools

import jax
import jax.numpy as jnp
from jax import lax
from jax.experimental import pallas as pl
from jax.experimental.pallas import tpu as pltpu
from jax.experimental.pallas import tpu_sc as plsc

N_ENT = 50000
D = 128
N_REL_W = 25
R_LO, R_HI = 42033, 44630
RN = R_HI - R_LO
RP = 2688

NC, NS = 2, 16
NW = NC * NS
EB = 64
SB = 512
FB = 128
CB = 512
CH = 12544
NROW = 4 * CH
CNT_R = 448
CNT_CHUNK = 32


def _region_body(rwm_ref, er_full_ref, er_blk_ref, o_ref):
    acc = jnp.dot(rwm_ref[...], er_full_ref[...], preferred_element_type=jnp.float32)
    o_ref[...] = 0.8 * er_blk_ref[...] + 0.2 * acc


def _region_matmul(rwm_p, er_p):
    return pl.pallas_call(
        _region_body,
        grid=(RP // 128,),
        in_specs=[
            pl.BlockSpec((128, RP), lambda i: (i, 0)),
            pl.BlockSpec((RP, 128), lambda i: (0, 0)),
            pl.BlockSpec((128, 128), lambda i: (i, 0)),
        ],
        out_specs=pl.BlockSpec((128, 128), lambda i: (i, 0)),
        out_shape=jax.ShapeDtypeStruct((RP, 128), jnp.float32),
    )(rwm_p, er_p, er_p)


def _mm_body(a_ref, b_ref, o_ref, *, kb, ktot):
    j = pl.program_id(1)
    nk = pl.num_programs(1)

    @pl.when(j == 0)
    def _():
        o_ref[...] = jnp.zeros_like(o_ref)

    @pl.when(j < nk - 1)
    def _():
        o_ref[...] += jnp.dot(a_ref[...], b_ref[...],
                              preferred_element_type=jnp.float32)

    @pl.when(j == nk - 1)
    def _():
        valid = ktot - j * kb
        a = a_ref[...]
        b = b_ref[...]
        acol = jax.lax.broadcasted_iota(jnp.int32, a.shape, 1)
        brow = jax.lax.broadcasted_iota(jnp.int32, b.shape, 0)
        a = jnp.where(acol < valid, a, 0.0)
        b = jnp.where(brow < valid, b, 0.0)
        o_ref[...] += jnp.dot(a, b, preferred_element_type=jnp.float32)


def _user_matmul(im, e2):
    m, k = im.shape
    mb, kb = 1024, 2048
    grid = (m // mb, (k + kb - 1) // kb)
    return pl.pallas_call(
        functools.partial(_mm_body, kb=kb, ktot=k),
        grid=grid,
        in_specs=[
            pl.BlockSpec((mb, kb), lambda i, j: (i, j)),
            pl.BlockSpec((kb, D), lambda i, j: (j, 0)),
        ],
        out_specs=pl.BlockSpec((mb, D), lambda i, j: (i, 0)),
        out_shape=jax.ShapeDtypeStruct((m, D), jnp.float32),
        compiler_params=pltpu.CompilerParams(
            dimension_semantics=("parallel", "arbitrary")),
    )(im, e2)


def _div_body(s_ref, ca_ref, cb_ref, o_ref):
    c = ca_ref[...] + cb_ref[...]
    o_ref[...] = s_ref[...] / jnp.maximum(c, 1.0)


def _mean_div(sums, cnt_a, cnt_b):
    rb = 3136
    return pl.pallas_call(
        _div_body,
        grid=(NROW // rb,),
        in_specs=[
            pl.BlockSpec((rb, 128), lambda i: (i, 0)),
            pl.BlockSpec((rb, 1), lambda i: (i, 0)),
            pl.BlockSpec((rb, 1), lambda i: (i, 0)),
        ],
        out_specs=pl.BlockSpec((rb, 128), lambda i: (i, 0)),
        out_shape=jax.ShapeDtypeStruct((NROW, 128), jnp.float32),
    )(sums, cnt_a, cnt_b)


def _sc_count_body(head_hbm, cnt_hbm, acc_cnt, head_v, hist, cidx, per_w):
    cid = lax.axis_index("c")
    sid = lax.axis_index("s")
    wid = sid * NC + cid
    z16 = jnp.zeros((16,), jnp.float32)
    ones16 = jnp.ones((16,), jnp.float32)
    iota16 = lax.iota(jnp.int32, 16)

    for j in range(CNT_R // CNT_CHUNK):
        for m in range(CNT_CHUNK // 16):
            cidx[j, pl.ds(m * 16, 16)] = iota16 + (j * CNT_CHUNK + m * 16)

    def _zh(r, _):
        for kk in range(8):
            hist[r, pl.ds(kk * 16, 16)] = z16
        return 0

    lax.fori_loop(0, CNT_R, _zh, 0)

    @pl.when(sid < CNT_R // 32)
    def _():
        pltpu.sync_copy(hist.at[pl.ds(0, 32)],
                        acc_cnt.at[pl.ds(sid * 32, 32)])
    plsc.subcore_barrier()

    def _block(b, _):
        pltpu.sync_copy(head_hbm.at[pl.ds(wid * per_w + b * CB, CB)], head_v)

        def _h(i, _):
            h = head_v[pl.ds(i * 16, 16)]
            plsc.addupdate_scatter(
                hist, [lax.shift_right_logical(h, 7),
                       lax.bitwise_and(h, 127)], ones16)
            return 0

        lax.fori_loop(0, CB // 16, _h, 0)
        return 0

    lax.fori_loop(0, per_w // CB, _block, 0)

    for j in range(CNT_R // CNT_CHUNK):
        pltpu.sync_copy(hist.at[pl.ds(j * CNT_CHUNK, CNT_CHUNK)],
                        acc_cnt.at[cidx.at[j]], add=True)
    plsc.subcore_barrier()

    @pl.when(sid < CNT_R // 32)
    def _():
        pltpu.sync_copy(acc_cnt.at[pl.ds(sid * 32, 32)],
                        cnt_hbm.at[cid, pl.ds(sid * 32, 32)])


def _sc_count(head, per_w):
    mesh = plsc.VectorSubcoreMesh(core_axis_name="c", subcore_axis_name="s")
    kern = functools.partial(
        pl.kernel,
        out_type=jax.ShapeDtypeStruct((NC, CNT_R, 128), jnp.float32),
        mesh=mesh,
        compiler_params=pltpu.CompilerParams(needs_layout_passes=False),
        scratch_types=[
            pltpu.VMEM_SHARED((CNT_R, 128), jnp.float32),
            pltpu.VMEM((CB,), jnp.int32),
            pltpu.VMEM((CNT_R, 128), jnp.float32),
            pltpu.VMEM((CNT_R // CNT_CHUNK, CNT_CHUNK), jnp.int32),
        ],
    )(functools.partial(_sc_count_body, per_w=per_w))
    return kern(head)


def _sc_edge_body(e2_hbm, w_hbm, edata_hbm, out_hbm,
                  acc, ebuf0, ebuf1, ctail, crel, sapp, sfire,
                  rows_v, w_v, sem, semg, nsb):
    cid = lax.axis_index("c")
    sid = lax.axis_index("s")
    rpt = CH // NS
    z16 = jnp.zeros((16,), jnp.float32)
    iota16 = lax.iota(jnp.int32, 16)
    blk0 = sid * nsb

    pltpu.sync_copy(w_hbm, w_v)

    for p in range(2):
        chunk = p * 2 + cid
        base_row = chunk * CH

        def _zr(r, _):
            for kk in range(8):
                rows_v[r, pl.ds(kk * 16, 16)] = z16
            return 0

        lax.fori_loop(0, EB, _zr, 0)
        for j in range(rpt // EB):
            pltpu.sync_copy(rows_v, acc.at[pl.ds(sid * rpt + j * EB, EB)])
        rem = rpt % EB
        if rem:
            pltpu.sync_copy(rows_v.at[pl.ds(0, rem)],
                            acc.at[pl.ds(sid * rpt + (rpt // EB) * EB, rem)])
        plsc.subcore_barrier()

        def _fire():
            pltpu.async_copy(
                e2_hbm.at[ctail.at[pl.ds(0, EB)]], rows_v, semg).wait()
            def _mulrow(e, _):
                rr = crel[pl.ds(e, 16)][0]
                for kk in range(8):
                    rows_v[e, pl.ds(kk * 16, 16)] = (
                        rows_v[e, pl.ds(kk * 16, 16)]
                        * w_v[rr, pl.ds(kk * 16, 16)])
                return 0

            lax.fori_loop(0, EB, _mulrow, 0)
            for g in range(EB // 16):
                sfire[0, pl.ds(g * 16, 16)] = sapp[pl.ds(g * 16, 16)]
            pltpu.sync_copy(rows_v, acc.at[sfire.at[0]], add=True)
            ctail[pl.ds(0, 16)] = ctail[pl.ds(EB, 16)]
            crel[pl.ds(0, 16)] = crel[pl.ds(EB, 16)]
            sapp[pl.ds(0, 16)] = sapp[pl.ds(EB, 16)]

        def _scan(ebuf, cur):
            def _grp(i, cur):
                h = ebuf[0, pl.ds(i * 16, 16)]
                t = ebuf[1, pl.ds(i * 16, 16)]
                rl = ebuf[2, pl.ds(i * 16, 16)]
                local = h - base_row
                ok = (local >= 0) & (local < CH)
                plsc.store_compressed(ctail.at[pl.ds(cur, 16)], t, mask=ok)
                plsc.store_compressed(crel.at[pl.ds(cur, 16)], rl, mask=ok)
                plsc.store_compressed(sapp.at[pl.ds(cur, 16)], local, mask=ok)
                cur = cur + jnp.sum(ok.astype(jnp.int32))

                def _f():
                    _fire()
                    return cur - EB

                return lax.cond(cur >= EB, _f, lambda: cur)

            return lax.fori_loop(0, SB // 16, _grp, cur)

        pltpu.sync_copy(edata_hbm.at[blk0], ebuf0)

        def _pair(j, cur):
            cp1 = pltpu.async_copy(edata_hbm.at[blk0 + 2 * j + 1], ebuf1, sem)
            cur = _scan(ebuf0, cur)
            cp1.wait()
            nxt = jnp.minimum(2 * j + 2, nsb - 1)
            cp0 = pltpu.async_copy(edata_hbm.at[blk0 + nxt], ebuf0, sem)
            cur = _scan(ebuf1, cur)
            cp0.wait()
            return cur

        cur = lax.fori_loop(0, nsb // 2, _pair, jnp.int32(0))

        for t in range(EB // 16):
            pos = cur + t * 16
            plsc.store_compressed(ctail.at[pl.ds(pos, 16)],
                                  jnp.zeros((16,), jnp.int32),
                                  mask=jnp.full((16,), True))
            plsc.store_compressed(crel.at[pl.ds(pos, 16)],
                                  jnp.full((16,), N_REL_W, jnp.int32),
                                  mask=jnp.full((16,), True))
            plsc.store_compressed(sapp.at[pl.ds(pos, 16)],
                                  jnp.full((16,), CH, jnp.int32),
                                  mask=jnp.full((16,), True))
        _fire()

        plsc.subcore_barrier()

        pltpu.sync_copy(acc.at[pl.ds(sid * rpt, rpt)],
                        out_hbm.at[pl.ds(base_row + sid * rpt, rpt)])
        plsc.subcore_barrier()


def _sc_edge(e2, w_pad, edata, nsb):
    mesh = plsc.VectorSubcoreMesh(core_axis_name="c", subcore_axis_name="s")
    kern = functools.partial(
        pl.kernel,
        out_type=jax.ShapeDtypeStruct((NROW, 128), jnp.float32),
        mesh=mesh,
        compiler_params=pltpu.CompilerParams(needs_layout_passes=False),
        scratch_types=[
            pltpu.VMEM_SHARED((CH + 8, 128), jnp.float32),
            pltpu.VMEM((3, SB), jnp.int32),
            pltpu.VMEM((3, SB), jnp.int32),
            pltpu.VMEM((FB,), jnp.int32),
            pltpu.VMEM((FB,), jnp.int32),
            pltpu.VMEM((FB,), jnp.int32),
            pltpu.VMEM((1, EB), jnp.int32),
            pltpu.VMEM((EB, 128), jnp.float32),
            pltpu.VMEM((32, 128), jnp.float32),
            pltpu.SemaphoreType.DMA,
            pltpu.SemaphoreType.DMA,
        ],
    )(functools.partial(_sc_edge_body, nsb=nsb))
    return kern(e2, w_pad, edata)


def kernel(entity_emb, user_emb, edge_index, edge_type, interact_mat,
           region_weight_matrix, weight):
    del user_emb
    f32 = jnp.float32

    er_p = jnp.zeros((RP, 128), f32).at[:RN].set(entity_emb[R_LO:R_HI])
    rwm_p = jnp.zeros((RP, RP), f32).at[:RN, :RN].set(region_weight_matrix)
    region2 = _region_matmul(rwm_p, er_p)[:RN]
    e2 = entity_emb.at[R_LO:R_HI].set(region2)

    E = edge_index.shape[1]
    per_w = ((E + NW - 1) // NW + CB - 1) // CB * CB
    epad = NW * per_w
    pad = epad - E
    head = jnp.concatenate(
        [edge_index[0], jnp.full((pad,), 52000, jnp.int32)])
    tail = jnp.concatenate([edge_index[1], jnp.zeros((pad,), jnp.int32)])
    rel = jnp.concatenate(
        [(edge_type - 1) % N_REL_W,
         jnp.full((pad,), N_REL_W, jnp.int32)]).astype(jnp.int32)
    w_pad = jnp.concatenate([weight, jnp.zeros((7, 128), f32)], axis=0)

    nbt = epad // SB
    nsb = nbt // NS
    edata = jnp.stack([head, tail, rel]).reshape(3, nbt, SB).transpose(1, 0, 2)

    cnt3d = _sc_count(head, per_w)
    sums = _sc_edge(e2, w_pad, edata, nsb)

    user_agg = _user_matmul(interact_mat, e2)

    cnt_a = cnt3d[0].reshape(-1)[:NROW].reshape(NROW, 1)
    cnt_b = cnt3d[1].reshape(-1)[:NROW].reshape(NROW, 1)
    entity_agg = _mean_div(sums, cnt_a, cnt_b)[:N_ENT]
    return (entity_agg, user_agg)

# --- scband reference (transcript-rebuilt; emitter-appended) ---
"""Pipeline reference for scband-recommender-9964324127510 (READ-ONLY COPY).

The authoritative reference and input builder live on the scoring server;
editing this copy changes nothing except your own understanding.
"""

import jax, jax.numpy as jnp
import numpy as np

N_ENTITIES = 50000
N_USERS = 2048
D = 128
E = 625000
N_REL = 26
R_LO, R_HI = 42033, 44630


def setup_inputs(seed: int = 0):
    key = jax.random.key(seed)
    ks = jax.random.split(key, 7)
    entity_emb = jax.random.normal(ks[0], (N_ENTITIES, D), dtype=jnp.float32)
    user_emb = jax.random.normal(ks[1], (N_USERS, D), dtype=jnp.float32)
    edge_index = jax.random.randint(ks[2], (2, E), 0, N_ENTITIES)
    edge_type = jax.random.randint(ks[3], (E,), 0, N_REL - 1)
    interact_mat = jax.random.uniform(ks[4], (N_USERS, N_ENTITIES), dtype=jnp.float32)
    region_weight_matrix = jax.random.uniform(ks[5], (R_HI - R_LO, R_HI - R_LO), dtype=jnp.float32)
    weight = jax.random.normal(ks[6], (N_REL - 1, D), dtype=jnp.float32)
    return {
        'entity_emb': entity_emb,
        'user_emb': user_emb,
        'edge_index': edge_index,
        'edge_type': edge_type,
        'interact_mat': interact_mat,
        'region_weight_matrix': region_weight_matrix,
        'weight': weight,
    }


def reference(entity_emb, user_emb, edge_index, edge_type, interact_mat, region_weight_matrix, weight):
    n_entities = entity_emb.shape[0]
    # Region aggregate (on a detached copy, mirroring clone().detach())
    nev = jax.lax.stop_gradient(entity_emb)
    region = jnp.matmul(region_weight_matrix, nev[R_LO:R_HI])
    nev = nev.at[R_LO:R_HI].set(region)
    entity_emb2 = entity_emb * 0.8 + nev * 0.2
    # KG aggregate
    head = edge_index[0]
    tail = edge_index[1]
    edge_relation_emb = weight[edge_type - 1]
    neigh_relation_emb = entity_emb2[tail] * edge_relation_emb
    sums = jax.ops.segment_sum(neigh_relation_emb, head, num_segments=n_entities)
    cnt = jax.ops.segment_sum(jnp.ones((head.shape[0],), dtype=entity_emb2.dtype), head, num_segments=n_entities)
    entity_agg = sums / jnp.maximum(cnt, 1.0)[:, None]
    # user aggregate (torch.sparse.mm modeled as dense matmul)
    user_agg = jnp.matmul(interact_mat, entity_emb2)
    return (entity_agg, user_agg)

if __name__ == "__main__":
    import jax
    _d = setup_inputs()
    print(jax.jit(kernel)(*tuple(_d.values())))

</pallas_src>

<mosaic_0001>
#map = affine_map<(d0, d1) -> (0)>
#map1 = affine_map<(d0, d1) -> (0, 0, 0)>
module attributes {stable_mosaic.version = 14 : i64} {
  func.func @_sc_count_body(%arg0: i32, %arg1: i32, %arg2: memref<638976xi32, #tpu.memory_space<hbm>>, %arg3: memref<2x448x128xf32, #tpu.memory_space<hbm>>, %arg4: memref<448x128xf32, #tpu.memory_space<vmem_shared>>, %arg5: memref<512xi32, #tpu.memory_space<vmem>>, %arg6: memref<448x128xf32, #tpu.memory_space<vmem>>, %arg7: memref<14x32xi32, #tpu.memory_space<vmem>>) attributes {dimension_semantics = [#tpu.dimension_semantics<core_parallel>, #tpu.dimension_semantics<subcore_parallel>], iteration_bounds = array<i64: 2, 16>, scalar_prefetch = 0 : i64, scratch_operands = 4 : i64, tpu.core_type = #tpu.core_type<sc_vector_subcore>, window_params = [{transform_indices = #map}, {transform_indices = #map1}]} {
    %mul3A = arith.constant 2 : i32
    %mul3A_0 = arith.muli %arg1, %mul3A : i32
    %add3A = arith.addi %mul3A_0, %arg0 : i32
    %broadcast_in_dim3A = arith.constant 0.000000e+00 : f32
    %broadcast_in_dim3A_1 = vector.broadcast %broadcast_in_dim3A : f32 to vector<16xf32>
    %broadcast_in_dim3A_2 = arith.constant 1.000000e+00 : f32
    %broadcast_in_dim3A_3 = vector.broadcast %broadcast_in_dim3A_2 : f32 to vector<16xf32>
    %iota3A = tpu.iota {dimensions = array<i32: 0>} : vector<16xi32>
    %add3A_4 = arith.constant 0 : i32
    %add3A_5 = vector.broadcast %add3A_4 : i32 to vector<16xi32>
    %add3A_6 = arith.addi %iota3A, %add3A_5 : vector<16xi32>
    %swap3A = arith.constant 0 : i32
    %swap3A_7 = arith.index_cast %swap3A : i32 to index
    %swap3A_8 = arith.constant 0 : index
    %swap3A_9 = tpu.vector_load %arg7[%swap3A_7, %swap3A_8] {strides = array<i32>} : memref<14x32xi32, #tpu.memory_space<vmem>>, vector<16xi32>,
    tpu.vector_store %arg7[%swap3A_7, %swap3A_8], %add3A_6 {strides = array<i32>} : memref<14x32xi32, #tpu.memory_space<vmem>>, vector<16xi32>,
    %add3A_10 = arith.constant 16 : i32
    %add3A_11 = vector.broadcast %add3A_10 : i32 to vector<16xi32>
    %add3A_12 = arith.addi %iota3A, %add3A_11 : vector<16xi32>
    %swap3A_13 = arith.constant 0 : i32
    %swap3A_14 = arith.index_cast %swap3A_13 : i32 to index
    %swap3A_15 = arith.constant 16 : index
    %swap3A_16 = tpu.vector_load %arg7[%swap3A_14, %swap3A_15] {strides = array<i32>} : memref<14x32xi32, #tpu.memory_space<vmem>>, vector<16xi32>,
    tpu.vector_store %arg7[%swap3A_14, %swap3A_15], %add3A_12 {strides = array<i32>} : memref<14x32xi32, #tpu.memory_space<vmem>>, vector<16xi32>,
    %add3A_17 = arith.constant 32 : i32
    %add3A_18 = vector.broadcast %add3A_17 : i32 to vector<16xi32>
    %add3A_19 = arith.addi %iota3A, %add3A_18 : vector<16xi32>
    %swap3A_20 = arith.constant 1 : i32
    %swap3A_21 = arith.index_cast %swap3A_20 : i32 to index
    %swap3A_22 = arith.constant 0 : index
    %swap3A_23 = tpu.vector_load %arg7[%swap3A_21, %swap3A_22] {strides = array<i32>} : memref<14x32xi32, #tpu.memory_space<vmem>>, vector<16xi32>,
    tpu.vector_store %arg7[%swap3A_21, %swap3A_22], %add3A_19 {strides = array<i32>} : memref<14x32xi32, #tpu.memory_space<vmem>>, vector<16xi32>,
    %add3A_24 = arith.constant 48 : i32
    %add3A_25 = vector.broadcast %add3A_24 : i32 to vector<16xi32>
    %add3A_26 = arith.addi %iota3A, %add3A_25 : vector<16xi32>
    %swap3A_27 = arith.constant 1 : i32
    %swap3A_28 = arith.index_cast %swap3A_27 : i32 to index
    %swap3A_29 = arith.constant 16 : index
    %swap3A_30 = tpu.vector_load %arg7[%swap3A_28, %swap3A_29] {strides = array<i32>} : memref<14x32xi32, #tpu.memory_space<vmem>>, vector<16xi32>,
    tpu.vector_store %arg7[%swap3A_28, %swap3A_29], %add3A_26 {strides = array<i32>} : memref<14x32xi32, #tpu.memory_space<vmem>>, vector<16xi32>,
    %add3A_31 = arith.constant 64 : i32
    %add3A_32 = vector.broadcast %add3A_31 : i32 to vector<16xi32>
    %add3A_33 = arith.addi %iota3A, %add3A_32 : vector<16xi32>
    %swap3A_34 = arith.constant 2 : i32
    %swap3A_35 = arith.index_cast %swap3A_34 : i32 to index
    %swap3A_36 = arith.constant 0 : index
    %swap3A_37 = tpu.vector_load %arg7[%swap3A_35, %swap3A_36] {strides = array<i32>} : memref<14x32xi32, #tpu.memory_space<vmem>>, vector<16xi32>,
    tpu.vector_store %arg7[%swap3A_35, %swap3A_36], %add3A_33 {strides = array<i32>} : memref<14x32xi32, #tpu.memory_space<vmem>>, vector<16xi32>,
    %add3A_38 = arith.constant 80 : i32
    %add3A_39 = vector.broadcast %add3A_38 : i32 to vector<16xi32>
    %add3A_40 = arith.addi %iota3A, %add3A_39 : vector<16xi32>
    %swap3A_41 = arith.constant 2 : i32
    %swap3A_42 = arith.index_cast %swap3A_41 : i32 to index
    %swap3A_43 = arith.constant 16 : index
    %swap3A_44 = tpu.vector_load %arg7[%swap3A_42, %swap3A_43] {strides = array<i32>} : memref<14x32xi32, #tpu.memory_space<vmem>>, vector<16xi32>,
    tpu.vector_store %arg7[%swap3A_42, %swap3A_43], %add3A_40 {strides = array<i32>} : memref<14x32xi32, #tpu.memory_space<vmem>>, vector<16xi32>,
    %add3A_45 = arith.constant 96 : i32
    %add3A_46 = vector.broadcast %add3A_45 : i32 to vector<16xi32>
    %add3A_47 = arith.addi %iota3A, %add3A_46 : vector<16xi32>
    %swap3A_48 = arith.constant 3 : i32
    %swap3A_49 = arith.index_cast %swap3A_48 : i32 to index
    %swap3A_50 = arith.constant 0 : index
    %swap3A_51 = tpu.vector_load %arg7[%swap3A_49, %swap3A_50] {strides = array<i32>} : memref<14x32xi32, #tpu.memory_space<vmem>>, vector<16xi32>,
    tpu.vector_store %arg7[%swap3A_49, %swap3A_50], %add3A_47 {strides = array<i32>} : memref<14x32xi32, #tpu.memory_space<vmem>>, vector<16xi32>,
    %add3A_52 = arith.constant 112 : i32
    %add3A_53 = vector.broadcast %add3A_52 : i32 to vector<16xi32>
    %add3A_54 = arith.addi %iota3A, %add3A_53 : vector<16xi32>
    %swap3A_55 = arith.constant 3 : i32
    %swap3A_56 = arith.index_cast %swap3A_55 : i32 to index
    %swap3A_57 = arith.constant 16 : index
    %swap3A_58 = tpu.vector_load %arg7[%swap3A_56, %swap3A_57] {strides = array<i32>} : memref<14x32xi32, #tpu.memory_space<vmem>>, vector<16xi32>,
    tpu.vector_store %arg7[%swap3A_56, %swap3A_57], %add3A_54 {strides = array<i32>} : memref<14x32xi32, #tpu.memory_space<vmem>>, vector<16xi32>,
    %add3A_59 = arith.constant 128 : i32
    %add3A_60 = vector.broadcast %add3A_59 : i32 to vector<16xi32>
    %add3A_61 = arith.addi %iota3A, %add3A_60 : vector<16xi32>
    %swap3A_62 = arith.constant 4 : i32
    %swap3A_63 = arith.index_cast %swap3A_62 : i32 to index
    %swap3A_64 = arith.constant 0 : index
    %swap3A_65 = tpu.vector_load %arg7[%swap3A_63, %swap3A_64] {strides = array<i32>} : memref<14x32xi32, #tpu.memory_space<vmem>>, vector<16xi32>,
    tpu.vector_store %arg7[%swap3A_63, %swap3A_64], %add3A_61 {strides = array<i32>} : memref<14x32xi32, #tpu.memory_space<vmem>>, vector<16xi32>,
    %add3A_66 = arith.constant 144 : i32
    %add3A_67 = vector.broadcast %add3A_66 : i32 to vector<16xi32>
    %add3A_68 = arith.addi %iota3A, %add3A_67 : vector<16xi32>
    %swap3A_69 = arith.constant 4 : i32
    %swap3A_70 = arith.index_cast %swap3A_69 : i32 to index
    %swap3A_71 = arith.constant 16 : index
    %swap3A_72 = tpu.vector_load %arg7[%swap3A_70, %swap3A_71] {strides = array<i32>} : memref<14x32xi32, #tpu.memory_space<vmem>>, vector<16xi32>,
    tpu.vector_store %arg7[%swap3A_70, %swap3A_71], %add3A_68 {strides = array<i32>} : memref<14x32xi32, #tpu.memory_space<vmem>>, vector<16xi32>,
    %add3A_73 = arith.constant 160 : i32
    %add3A_74 = vector.broadcast %add3A_73 : i32 to vector<16xi32>
    %add3A_75 = arith.addi %iota3A, %add3A_74 : vector<16xi32>
    %swap3A_76 = arith.constant 5 : i32
    %swap3A_77 = arith.index_cast %swap3A_76 : i32 to index
    %swap3A_78 = arith.constant 0 : index
    %swap3A_79 = tpu.vector_load %arg7[%swap3A_77, %swap3A_78] {strides = array<i32>} : memref<14x32xi32, #tpu.memory_space<vmem>>, vector<16xi32>,
    tpu.vector_store %arg7[%swap3A_77, %swap3A_78], %add3A_75 {strides = array<i32>} : memref<14x32xi32, #tpu.memory_space<vmem>>, vector<16xi32>,
    %add3A_80 = arith.constant 176 : i32
    %add3A_81 = vector.broadcast %add3A_80 : i32 to vector<16xi32>
    %add3A_82 = arith.addi %iota3A, %add3A_81 : vector<16xi32>
    %swap3A_83 = arith.constant 5 : i32
    %swap3A_84 = arith.index_cast %swap3A_83 : i32 to index
    %swap3A_85 = arith.constant 16 : index
    %swap3A_86 = tpu.vector_load %arg7[%swap3A_84, %swap3A_85] {strides = array<i32>} : memref<14x32xi32, #tpu.memory_space<vmem>>, vector<16xi32>,
    tpu.vector_store %arg7[%swap3A_84, %swap3A_85], %add3A_82 {strides = array<i32>} : memref<14x32xi32, #tpu.memory_space<vmem>>, vector<16xi32>,
    %add3A_87 = arith.constant 192 : i32
    %add3A_88 = vector.broadcast %add3A_87 : i32 to vector<16xi32>
    %add3A_89 = arith.addi %iota3A, %add3A_88 : vector<16xi32>
    %swap3A_90 = arith.constant 6 : i32
    %swap3A_91 = arith.index_cast %swap3A_90 : i32 to index
    %swap3A_92 = arith.constant 0 : index
    %swap3A_93 = tpu.vector_load %arg7[%swap3A_91, %swap3A_92] {strides = array<i32>} : memref<14x32xi32, #tpu.memory_space<vmem>>, vector<16xi32>,
    tpu.vector_store %arg7[%swap3A_91, %swap3A_92], %add3A_89 {strides = array<i32>} : memref<14x32xi32, #tpu.memory_space<vmem>>, vector<16xi32>,
    %add3A_94 = arith.constant 208 : i32
    %add3A_95 = vector.broadcast %add3A_94 : i32 to vector<16xi32>
    %add3A_96 = arith.addi %iota3A, %add3A_95 : vector<16xi32>
    %swap3A_97 = arith.constant 6 : i32
    %swap3A_98 = arith.index_cast %swap3A_97 : i32 to index
    %swap3A_99 = arith.constant 16 : index
    %swap3A_100 = tpu.vector_load %arg7[%swap3A_98, %swap3A_99] {strides = array<i32>} : memref<14x32xi32, #tpu.memory_space<vmem>>, vector<16xi32>,
    tpu.vector_store %arg7[%swap3A_98, %swap3A_99], %add3A_96 {strides = array<i32>} : memref<14x32xi32, #tpu.memory_space<vmem>>, vector<16xi32>,
    %add3A_101 = arith.constant 224 : i32
    %add3A_102 = vector.broadcast %add3A_101 : i32 to vector<16xi32>
    %add3A_103 = arith.addi %iota3A, %add3A_102 : vector<16xi32>
    %swap3A_104 = arith.constant 7 : i32
    %swap3A_105 = arith.index_cast %swap3A_104 : i32 to index
    %swap3A_106 = arith.constant 0 : index
    %swap3A_107 = tpu.vector_load %arg7[%swap3A_105, %swap3A_106] {strides = array<i32>} : memref<14x32xi32, #tpu.memory_space<vmem>>, vector<16xi32>,
    tpu.vector_store %arg7[%swap3A_105, %swap3A_106], %add3A_103 {strides = array<i32>} : memref<14x32xi32, #tpu.memory_space<vmem>>, vector<16xi32>,
    %add3A_108 = arith.constant 240 : i32
    %add3A_109 = vector.broadcast %add3A_108 : i32 to vector<16xi32>
    %add3A_110 = arith.addi %iota3A, %add3A_109 : vector<16xi32>
    %swap3A_111 = arith.constant 7 : i32
    %swap3A_112 = arith.index_cast %swap3A_111 : i32 to index
    %swap3A_113 = arith.constant 16 : index
    %swap3A_114 = tpu.vector_load %arg7[%swap3A_112, %swap3A_113] {strides = array<i32>} : memref<14x32xi32, #tpu.memory_space<vmem>>, vector<16xi32>,
    tpu.vector_store %arg7[%swap3A_112, %swap3A_113], %add3A_110 {strides = array<i32>} : memref<14x32xi32, #tpu.memory_space<vmem>>, vector<16xi32>,
    %add3A_115 = arith.constant 256 : i32
    %add3A_116 = vector.broadcast %add3A_115 : i32 to vector<16xi32>
    %add3A_117 = arith.addi %iota3A, %add3A_116 : vector<16xi32>
    %swap3A_118 = arith.constant 8 : i32
    %swap3A_119 = arith.index_cast %swap3A_118 : i32 to index
    %swap3A_120 = arith.constant 0 : index
    %swap3A_121 = tpu.vector_load %arg7[%swap3A_119, %swap3A_120] {strides = array<i32>} : memref<14x32xi32, #tpu.memory_space<vmem>>, vector<16xi32>,
    tpu.vector_store %arg7[%swap3A_119, %swap3A_120], %add3A_117 {strides = array<i32>} : memref<14x32xi32, #tpu.memory_space<vmem>>, vector<16xi32>,
    %add3A_122 = arith.constant 272 : i32
    %add3A_123 = vector.broadcast %add3A_122 : i32 to vector<16xi32>
    %add3A_124 = arith.addi %iota3A, %add3A_123 : vector<16xi32>
    %swap3A_125 = arith.constant 8 : i32
    %swap3A_126 = arith.index_cast %swap3A_125 : i32 to index
    %swap3A_127 = arith.constant 16 : index
    %swap3A_128 = tpu.vector_load %arg7[%swap3A_126, %swap3A_127] {strides = array<i32>} : memref<14x32xi32, #tpu.memory_space<vmem>>, vector<16xi32>,
    tpu.vector_store %arg7[%swap3A_126, %swap3A_127], %add3A_124 {strides = array<i32>} : memref<14x32xi32, #tpu.memory_space<vmem>>, vector<16xi32>,
    %add3A_129 = arith.constant 288 : i32
    %add3A_130 = vector.broadcast %add3A_129 : i32 to vector<16xi32>
    %add3A_131 = arith.addi %iota3A, %add3A_130 : vector<16xi32>
    %swap3A_132 = arith.constant 9 : i32
    %swap3A_133 = arith.index_cast %swap3A_132 : i32 to index
    %swap3A_134 = arith.constant 0 : index
    %swap3A_135 = tpu.vector_load %arg7[%swap3A_133, %swap3A_134] {strides = array<i32>} : memref<14x32xi32, #tpu.memory_space<vmem>>, vector<16xi32>,
    tpu.vector_store %arg7[%swap3A_133, %swap3A_134], %add3A_131 {strides = array<i32>} : memref<14x32xi32, #tpu.memory_space<vmem>>, vector<16xi32>,
    %add3A_136 = arith.constant 304 : i32
    %add3A_137 = vector.broadcast %add3A_136 : i32 to vector<16xi32>
    %add3A_138 = arith.addi %iota3A, %add3A_137 : vector<16xi32>
    %swap3A_139 = arith.constant 9 : i32
    %swap3A_140 = arith.index_cast %swap3A_139 : i32 to index
    %swap3A_141 = arith.constant 16 : index
    %swap3A_142 = tpu.vector_load %arg7[%swap3A_140, %swap3A_141] {strides = array<i32>} : memref<14x32xi32, #tpu.memory_space<vmem>>, vector<16xi32>,
    tpu.vector_store %arg7[%swap3A_140, %swap3A_141], %add3A_138 {strides = array<i32>} : memref<14x32xi32, #tpu.memory_space<vmem>>, vector<16xi32>,
    %add3A_143 = arith.constant 320 : i32
    %add3A_144 = vector.broadcast %add3A_143 : i32 to vector<16xi32>
    %add3A_145 = arith.addi %iota3A, %add3A_144 : vector<16xi32>
    %swap3A_146 = arith.constant 10 : i32
    %swap3A_147 = arith.index_cast %swap3A_146 : i32 to index
    %swap3A_148 = arith.constant 0 : index
    %swap3A_149 = tpu.vector_load %arg7[%swap3A_147, %swap3A_148] {strides = array<i32>} : memref<14x32xi32, #tpu.memory_space<vmem>>, vector<16xi32>,
    tpu.vector_store %arg7[%swap3A_147, %swap3A_148], %add3A_145 {strides = array<i32>} : memref<14x32xi32, #tpu.memory_space<vmem>>, vector<16xi32>,
    %add3A_150 = arith.constant 336 : i32
    %add3A_151 = vector.broadcast %add3A_150 : i32 to vector<16xi32>
    %add3A_152 = arith.addi %iota3A, %add3A_151 : vector<16xi32>
    %swap3A_153 = arith.constant 10 : i32
    %swap3A_154 = arith.index_cast %swap3A_153 : i32 to index
    %swap3A_155 = arith.constant 16 : index
    %swap3A_156 = tpu.vector_load %arg7[%swap3A_154, %swap3A_155] {strides = array<i32>} : memref<14x32xi32, #tpu.memory_space<vmem>>, vector<16xi32>,
    tpu.vector_store %arg7[%swap3A_154, %swap3A_155], %add3A_152 {strides = array<i32>} : memref<14x32xi32, #tpu.memory_space<vmem>>, vector<16xi32>,
    %add3A_157 = arith.constant 352 : i32
    %add3A_158 = vector.broadcast %add3A_157 : i32 to vector<16xi32>
    %add3A_159 = arith.addi %iota3A, %add3A_158 : vector<16xi32>
    %swap3A_160 = arith.constant 11 : i32
    %swap3A_161 = arith.index_cast %swap3A_160 : i32 to index
    %swap3A_162 = arith.constant 0 : index
    %swap3A_163 = tpu.vector_load %arg7[%swap3A_161, %swap3A_162] {strides = array<i32>} : memref<14x32xi32, #tpu.memory_space<vmem>>, vector<16xi32>,
    tpu.vector_store %arg7[%swap3A_161, %swap3A_162], %add3A_159 {strides = array<i32>} : memref<14x32xi32, #tpu.memory_space<vmem>>, vector<16xi32>,
    %add3A_164 = arith.constant 368 : i32
    %add3A_165 = vector.broadcast %add3A_164 : i32 to vector<16xi32>
    %add3A_166 = arith.addi %iota3A, %add3A_165 : vector<16xi32>
    %swap3A_167 = arith.constant 11 : i32
    %swap3A_168 = arith.index_cast %swap3A_167 : i32 to index
    %swap3A_169 = arith.constant 16 : index
    %swap3A_170 = tpu.vector_load %arg7[%swap3A_168, %swap3A_169] {strides = array<i32>} : memref<14x32xi32, #tpu.memory_space<vmem>>, vector<16xi32>,
    tpu.vector_store %arg7[%swap3A_168, %swap3A_169], %add3A_166 {strides = array<i32>} : memref<14x32xi32, #tpu.memory_space<vmem>>, vector<16xi32>,
    %add3A_171 = arith.constant 384 : i32
    %add3A_172 = vector.broadcast %add3A_171 : i32 to vector<16xi32>
    %add3A_173 = arith.addi %iota3A, %add3A_172 : vector<16xi32>
    %swap3A_174 = arith.constant 12 : i32
    %swap3A_175 = arith.index_cast %swap3A_174 : i32 to index
    %swap3A_176 = arith.constant 0 : index
    %swap3A_177 = tpu.vector_load %arg7[%swap3A_175, %swap3A_176] {strides = array<i32>} : memref<14x32xi32, #tpu.memory_space<vmem>>, vector<16xi32>,
    tpu.vector_store %arg7[%swap3A_175, %swap3A_176], %add3A_173 {strides = array<i32>} : memref<14x32xi32, #tpu.memory_space<vmem>>, vector<16xi32>,
    %add3A_178 = arith.constant 400 : i32
    %add3A_179 = vector.broadcast %add3A_178 : i32 to vector<16xi32>
    %add3A_180 = arith.addi %iota3A, %add3A_179 : vector<16xi32>
    %swap3A_181 = arith.constant 12 : i32
    %swap3A_182 = arith.index_cast %swap3A_181 : i32 to index
    %swap3A_183 = arith.constant 16 : index
    %swap3A_184 = tpu.vector_load %arg7[%swap3A_182, %swap3A_183] {strides = array<i32>} : memref<14x32xi32, #tpu.memory_space<vmem>>, vector<16xi32>,
    tpu.vector_store %arg7[%swap3A_182, %swap3A_183], %add3A_180 {strides = array<i32>} : memref<14x32xi32, #tpu.memory_space<vmem>>, vector<16xi32>,
    %add3A_185 = arith.constant 416 : i32
    %add3A_186 = vector.broadcast %add3A_185 : i32 to vector<16xi32>
    %add3A_187 = arith.addi %iota3A, %add3A_186 : vector<16xi32>
    %swap3A_188 = arith.constant 13 : i32
    %swap3A_189 = arith.index_cast %swap3A_188 : i32 to index
    %swap3A_190 = arith.constant 0 : index
    %swap3A_191 = tpu.vector_load %arg7[%swap3A_189, %swap3A_190] {strides = array<i32>} : memref<14x32xi32, #tpu.memory_space<vmem>>, vector<16xi32>,
    tpu.vector_store %arg7[%swap3A_189, %swap3A_190], %add3A_187 {strides = array<i32>} : memref<14x32xi32, #tpu.memory_space<vmem>>, vector<16xi32>,
    %add3A_192 = arith.constant 432 : i32
    %add3A_193 = vector.broadcast %add3A_192 : i32 to vector<16xi32>
    %add3A_194 = arith.addi %iota3A, %add3A_193 : vector<16xi32>
    %swap3A_195 = arith.constant 13 : i32
    %swap3A_196 = arith.index_cast %swap3A_195 : i32 to index
    %swap3A_197 = arith.constant 16 : index
    %swap3A_198 = tpu.vector_load %arg7[%swap3A_196, %swap3A_197] {strides = array<i32>} : memref<14x32xi32, #tpu.memory_space<vmem>>, vector<16xi32>,
    tpu.vector_store %arg7[%swap3A_196, %swap3A_197], %add3A_194 {strides = array<i32>} : memref<14x32xi32, #tpu.memory_space<vmem>>, vector<16xi32>,
    %scan3A = arith.constant 0 : i32
    %scan3A_199 = arith.constant 0 : i32
    %scan3A_200 = arith.constant 448 : i32
    %scan3A_201 = arith.addi %scan3A_199, %scan3A_200 : i32
    %scan3A_202 = arith.constant 1 : i32
    %scan3A_203 = scf.for %scan3A_233 = %scan3A_199 to %scan3A_201 step %scan3A_202 iter_args(%scan3A_234 = %scan3A) -> (i32)  : i32 {
      %swap3A_235 = arith.index_cast %scan3A_233 : i32 to index
      %swap3A_236 = arith.constant 0 : index
      %swap3A_237 = tpu.vector_load %arg6[%swap3A_235, %swap3A_236] {strides = array<i32>} : memref<448x128xf32, #tpu.memory_space<vmem>>, vector<16xf32>,
      tpu.vector_store %arg6[%swap3A_235, %swap3A_236], %broadcast_in_dim3A_1 {strides = array<i32>} : memref<448x128xf32, #tpu.memory_space<vmem>>, vector<16xf32>,
      %swap3A_238 = arith.index_cast %scan3A_233 : i32 to index
      %swap3A_239 = arith.constant 16 : index
      %swap3A_240 = tpu.vector_load %arg6[%swap3A_238, %swap3A_239] {strides = array<i32>} : memref<448x128xf32, #tpu.memory_space<vmem>>, vector<16xf32>,
      tpu.vector_store %arg6[%swap3A_238, %swap3A_239], %broadcast_in_dim3A_1 {strides = array<i32>} : memref<448x128xf32, #tpu.memory_space<vmem>>, vector<16xf32>,
      %swap3A_241 = arith.index_cast %scan3A_233 : i32 to index
      %swap3A_242 = arith.constant 32 : index
      %swap3A_243 = tpu.vector_load %arg6[%swap3A_241, %swap3A_242] {strides = array<i32>} : memref<448x128xf32, #tpu.memory_space<vmem>>, vector<16xf32>,
      tpu.vector_store %arg6[%swap3A_241, %swap3A_242], %broadcast_in_dim3A_1 {strides = array<i32>} : memref<448x128xf32, #tpu.memory_space<vmem>>, vector<16xf32>,
      %swap3A_244 = arith.index_cast %scan3A_233 : i32 to index
      %swap3A_245 = arith.constant 48 : index
      %swap3A_246 = tpu.vector_load %arg6[%swap3A_244, %swap3A_245] {strides = array<i32>} : memref<448x128xf32, #tpu.memory_space<vmem>>, vector<16xf32>,
      tpu.vector_store %arg6[%swap3A_244, %swap3A_245], %broadcast_in_dim3A_1 {strides = array<i32>} : memref<448x128xf32, #tpu.memory_space<vmem>>, vector<16xf32>,
      %swap3A_247 = arith.index_cast %scan3A_233 : i32 to index
      %swap3A_248 = arith.constant 64 : index
      %swap3A_249 = tpu.vector_load %arg6[%swap3A_247, %swap3A_248] {strides = array<i32>} : memref<448x128xf32, #tpu.memory_space<vmem>>, vector<16xf32>,
      tpu.vector_store %arg6[%swap3A_247, %swap3A_248], %broadcast_in_dim3A_1 {strides = array<i32>} : memref<448x128xf32, #tpu.memory_space<vmem>>, vector<16xf32>,
      %swap3A_250 = arith.index_cast %scan3A_233 : i32 to index
      %swap3A_251 = arith.constant 80 : index
      %swap3A_252 = tpu.vector_load %arg6[%swap3A_250, %swap3A_251] {strides = array<i32>} : memref<448x128xf32, #tpu.memory_space<vmem>>, vector<16xf32>,
      tpu.vector_store %arg6[%swap3A_250, %swap3A_251], %broadcast_in_dim3A_1 {strides = array<i32>} : memref<448x128xf32, #tpu.memory_space<vmem>>, vector<16xf32>,
      %swap3A_253 = arith.index_cast %scan3A_233 : i32 to index
      %swap3A_254 = arith.constant 96 : index
      %swap3A_255 = tpu.vector_load %arg6[%swap3A_253, %swap3A_254] {strides = array<i32>} : memref<448x128xf32, #tpu.memory_space<vmem>>, vector<16xf32>,
      tpu.vector_store %arg6[%swap3A_253, %swap3A_254], %broadcast_in_dim3A_1 {strides = array<i32>} : memref<448x128xf32, #tpu.memory_space<vmem>>, vector<16xf32>,
      %swap3A_256 = arith.index_cast %scan3A_233 : i32 to index
      %swap3A_257 = arith.constant 112 : index
      %swap3A_258 = tpu.vector_load %arg6[%swap3A_256, %swap3A_257] {strides = array<i32>} : memref<448x128xf32, #tpu.memory_space<vmem>>, vector<16xf32>,
      tpu.vector_store %arg6[%swap3A_256, %swap3A_257], %broadcast_in_dim3A_1 {strides = array<i32>} : memref<448x128xf32, #tpu.memory_space<vmem>>, vector<16xf32>,
      %scan3A_259 = arith.constant 0 : i32
      scf.yield %scan3A_259 : i32
    }
    %scan3A_204 = arith.constant 448 : i32
    %lt3A = arith.constant 14 : i32
    %lt3A_205 = arith.cmpi slt, %arg1, %lt3A : i32
    %convert_element_type3A = arith.extui %lt3A_205 : i1 to i32
    %cond3A = arith.constant 0 : i32
    %cond3A_206 = arith.cmpi ne, %convert_element_type3A, %cond3A : i32
    scf.if %cond3A_206 {
      %mul3A_233 = arith.constant 32 : i32
      %mul3A_234 = arith.muli %arg1, %mul3A_233 : i32
      "tpu.region"() ({
        %run_scoped3A_235 = tpu.sem_alloc : memref<!tpu.dma_semaphore, #tpu.memory_space<semaphore_mem>>
        %dma_start3A = arith.constant 0 : i32
        %dma_start3A_236 = arith.constant 0 : i32
        %dma_start3A_237 = tpu.memref_slice %arg6[%dma_start3A, %dma_start3A_236] : memref<448x128xf32, #tpu.memory_space<vmem>> -> memref<32x128xf32, #tpu.memory_space<vmem>>
        %dma_start3A_238 = arith.constant 0 : i32
        %dma_start3A_239 = tpu.memref_slice %arg4[%mul3A_234, %dma_start3A_238] : memref<448x128xf32, #tpu.memory_space<vmem_shared>> -> memref<32x128xf32, #tpu.memory_space<vmem_shared>>
        %dma_start3A_240 = arith.constant 0 : i32
        %dma_start3A_241 = tpu.memref_slice %arg4[%mul3A_234, %dma_start3A_240] : memref<448x128xf32, #tpu.memory_space<vmem_shared>> -> memref<32x128xf32, #tpu.memory_space<vmem_shared>>
        %dma_start3A_242 = arith.constant 0 : i32
        %dma_start3A_243 = arith.constant 0 : i32
        %dma_start3A_244 = tpu.memref_slice %arg6[%dma_start3A_242, %dma_start3A_243] : memref<448x128xf32, #tpu.memory_space<vmem>> -> memref<32x128xf32, #tpu.memory_space<vmem>>
        tpu.enqueue_dma source(%dma_start3A_244 : memref<32x128xf32, #tpu.memory_space<vmem>>) target(%dma_start3A_241 : memref<32x128xf32, #tpu.memory_space<vmem_shared>>) target_semaphore(%run_scoped3A_235 : memref<!tpu.dma_semaphore, #tpu.memory_space<semaphore_mem>>)
        %dma_wait3A = arith.constant 0 : i32
        %dma_wait3A_245 = arith.constant 0 : i32
        %dma_wait3A_246 = tpu.memref_slice %arg6[%dma_wait3A, %dma_wait3A_245] : memref<448x128xf32, #tpu.memory_space<vmem>> -> memref<32x128xf32, #tpu.memory_space<vmem>>
        %dma_wait3A_247 = arith.constant 0 : i32
        %dma_wait3A_248 = tpu.memref_slice %arg4[%mul3A_234, %dma_wait3A_247] : memref<448x128xf32, #tpu.memory_space<vmem_shared>> -> memref<32x128xf32, #tpu.memory_space<vmem_shared>>
        %dma_wait3A_249 = arith.constant 0 : i32
        %dma_wait3A_250 = tpu.memref_slice %arg4[%mul3A_234, %dma_wait3A_249] : memref<448x128xf32, #tpu.memory_space<vmem_shared>> -> memref<32x128xf32, #tpu.memory_space<vmem_shared>>
        %dma_wait3A_251 = arith.constant 0 : i32
        %dma_wait3A_252 = arith.constant 0 : i32
        %dma_wait3A_253 = tpu.memref_slice %arg6[%dma_wait3A_251, %dma_wait3A_252] : memref<448x128xf32, #tpu.memory_space<vmem>> -> memref<32x128xf32, #tpu.memory_space<vmem>>
        tpu.wait_dma2 semaphore(%run_scoped3A_235 : memref<!tpu.dma_semaphore, #tpu.memory_space<semaphore_mem>>) src(%dma_wait3A_253 : memref<32x128xf32, #tpu.memory_space<vmem>>) dst(%dma_wait3A_250 : memref<32x128xf32, #tpu.memory_space<vmem_shared>>)
        tpu.yield
      }) : () -> ()
    } else {
    }
    %barrier3A = arith.constant 0 : index
    tpu.barrier barrier_id(%barrier3A)
    %scan3A_207 = arith.constant 0 : i32
    %scan3A_208 = arith.constant 0 : i32
    %scan3A_209 = arith.constant 39 : i32
    %scan3A_210 = arith.addi %scan3A_208, %scan3A_209 : i32
    %scan3A_211 = arith.constant 1 : i32
    %scan3A_212 = scf.for %scan3A_233 = %scan3A_208 to %scan3A_210 step %scan3A_211 iter_args(%scan3A_234 = %scan3A_207) -> (i32)  : i32 {
      %mul3A_235 = arith.constant 19968 : i32
      %mul3A_236 = arith.muli %add3A, %mul3A_235 : i32
      %mul3A_237 = arith.constant 512 : i32
      %mul3A_238 = arith.muli %scan3A_233, %mul3A_237 : i32
      %add3A_239 = arith.addi %mul3A_236, %mul3A_238 : i32
      "tpu.region"() ({
        %run_scoped3A_248 = tpu.sem_alloc : memref<!tpu.dma_semaphore, #tpu.memory_space<semaphore_mem>>
        %dma_start3A = tpu.memref_slice %arg2[%add3A_239] : memref<638976xi32, #tpu.memory_space<hbm>> -> memref<512xi32, #tpu.memory_space<hbm>>
        %dma_start3A_249 = tpu.memref_slice %arg2[%add3A_239] : memref<638976xi32, #tpu.memory_space<hbm>> -> memref<512xi32, #tpu.memory_space<hbm>>
        tpu.enqueue_dma source(%dma_start3A_249 : memref<512xi32, #tpu.memory_space<hbm>>) target(%arg5 : memref<512xi32, #tpu.memory_space<vmem>>) target_semaphore(%run_scoped3A_248 : memref<!tpu.dma_semaphore, #tpu.memory_space<semaphore_mem>>)
        %dma_wait3A = tpu.memref_slice %arg2[%add3A_239] : memref<638976xi32, #tpu.memory_space<hbm>> -> memref<512xi32, #tpu.memory_space<hbm>>
        %dma_wait3A_250 = tpu.memref_slice %arg2[%add3A_239] : memref<638976xi32, #tpu.memory_space<hbm>> -> memref<512xi32, #tpu.memory_space<hbm>>
        tpu.wait_dma2 semaphore(%run_scoped3A_248 : memref<!tpu.dma_semaphore, #tpu.memory_space<semaphore_mem>>) src(%dma_wait3A_250 : memref<512xi32, #tpu.memory_space<hbm>>) dst(%arg5 : memref<512xi32, #tpu.memory_space<vmem>>)
        tpu.yield
      }) : () -> ()
      %scan3A_240 = arith.constant 0 : i32
      %scan3A_241 = arith.constant 0 : i32
      %scan3A_242 = arith.constant 32 : i32
      %scan3A_243 = arith.addi %scan3A_241, %scan3A_242 : i32
      %scan3A_244 = arith.constant 1 : i32
      %scan3A_245 = scf.for %scan3A_248 = %scan3A_241 to %scan3A_243 step %scan3A_244 iter_args(%scan3A_249 = %scan3A_240) -> (i32)  : i32 {
        %mul3A_250 = arith.constant 16 : i32
        %mul3A_251 = arith.muli %scan3A_248, %mul3A_250 : i32
        %get3A = arith.index_cast %mul3A_251 : i32 to index
        %get3A_252 = tpu.vector_load %arg5[%get3A] {strides = array<i32>} : memref<512xi32, #tpu.memory_space<vmem>>, vector<16xi32>,
        %shift_right_logical3A = arith.constant 7 : i32
        %shift_right_logical3A_253 = vector.broadcast %shift_right_logical3A : i32 to vector<16xi32>
        %shift_right_logical3A_254 = arith.shrui %get3A_252, %shift_right_logical3A_253 : vector<16xi32>
        %and3A = arith.constant 127 : i32
        %and3A_255 = vector.broadcast %and3A : i32 to vector<16xi32>
        %and3A_256 = arith.andi %get3A_252, %and3A_255 : vector<16xi32>
        tpu.vector_store_idx %arg6[%shift_right_logical3A_254, %and3A_256], %broadcast_in_dim3A_3 {add = true} : memref<448x128xf32, #tpu.memory_space<vmem>>[vector<16xi32>, vector<16xi32>], vector<16xf32>,
        %scan3A_257 = arith.constant 0 : i32
        scf.yield %scan3A_257 : i32
      }
      %scan3A_246 = arith.constant 32 : i32
      %scan3A_247 = arith.constant 0 : i32
      scf.yield %scan3A_247 : i32
    }
    %scan3A_213 = arith.constant 39 : i32
    %run_scoped3A = arith.constant 0 : i32
    "tpu.region"() ({
      %run_scoped3A_233 = tpu.sem_alloc : memref<!tpu.dma_semaphore, #tpu.memory_space<semaphore_mem>>
      %dma_start3A = arith.constant 0 : i32
      %dma_start3A_234 = arith.constant 0 : i32
      %dma_start3A_235 = tpu.memref_slice %arg6[%dma_start3A, %dma_start3A_234] : memref<448x128xf32, #tpu.memory_space<vmem>> -> memref<32x128xf32, #tpu.memory_space<vmem>>
      %dma_start3A_236 = arith.constant 0 : i32
      %dma_start3A_237 = tpu.memref_slice %arg7[%run_scoped3A, %dma_start3A_236] : memref<14x32xi32, #tpu.memory_space<vmem>> -> memref<1x32xi32, #tpu.memory_space<vmem>>
      %dma_start3A_238 = tpu.memref_squeeze %dma_start3A_237 : memref<1x32xi32, #tpu.memory_space<vmem>> -> memref<32xi32, #tpu.memory_space<vmem>>
      %dma_start3A_239 = arith.constant 0 : i32
      %dma_start3A_240 = arith.constant 0 : i32
      %dma_start3A_241 = tpu.memref_slice %arg4[%dma_start3A_239, %dma_start3A_240] : memref<448x128xf32, #tpu.memory_space<vmem_shared>> -> memref<448x128xf32, #tpu.memory_space<vmem_shared>>
      tpu.enqueue_indirect_dma source(%dma_start3A_235 : memref<32x128xf32, #tpu.memory_space<vmem>>) target(%dma_start3A_241 : memref<448x128xf32, #tpu.memory_space<vmem_shared>>) offsets(%dma_start3A_238 : memref<32xi32, #tpu.memory_space<vmem>>) semaphore(%run_scoped3A_233 : memref<!tpu.dma_semaphore, #tpu.memory_space<semaphore_mem>>) {add = true}
      %dma_wait3A = arith.constant 0 : i32
      %dma_wait3A_242 = arith.constant 0 : i32
      %dma_wait3A_243 = tpu.memref_slice %arg6[%dma_wait3A, %dma_wait3A_242] : memref<448x128xf32, #tpu.memory_space<vmem>> -> memref<32x128xf32, #tpu.memory_space<vmem>>
      %dma_wait3A_244 = arith.constant 0 : i32
      %dma_wait3A_245 = tpu.memref_slice %arg7[%run_scoped3A, %dma_wait3A_244] : memref<14x32xi32, #tpu.memory_space<vmem>> -> memref<1x32xi32, #tpu.memory_space<vmem>>
      %dma_wait3A_246 = tpu.memref_squeeze %dma_wait3A_245 : memref<1x32xi32, #tpu.memory_space<vmem>> -> memref<32xi32, #tpu.memory_space<vmem>>
      %dma_wait3A_247 = arith.constant 0 : i32
      %dma_wait3A_248 = arith.constant 0 : i32
      %dma_wait3A_249 = tpu.memref_slice %arg4[%dma_wait3A_247, %dma_wait3A_248] : memref<448x128xf32, #tpu.memory_space<vmem_shared>> -> memref<448x128xf32, #tpu.memory_space<vmem_shared>>
      tpu.wait_indirect_dma semaphore(%run_scoped3A_233 : memref<!tpu.dma_semaphore, #tpu.memory_space<semaphore_mem>>) src(%dma_wait3A_243 : memref<32x128xf32, #tpu.memory_space<vmem>>) dst(%dma_wait3A_249 : memref<448x128xf32, #tpu.memory_space<vmem_shared>>)
      tpu.yield
    }) : () -> ()
    %run_scoped3A_214 = arith.constant 1 : i32
    "tpu.region"() ({
      %run_scoped3A_233 = tpu.sem_alloc : memref<!tpu.dma_semaphore, #tpu.memory_space<semaphore_mem>>
      %dma_start3A = arith.constant 32 : i32
      %dma_start3A_234 = arith.constant 0 : i32
      %dma_start3A_235 = tpu.memref_slice %arg6[%dma_start3A, %dma_start3A_234] : memref<448x128xf32, #tpu.memory_space<vmem>> -> memref<32x128xf32, #tpu.memory_space<vmem>>
      %dma_start3A_236 = arith.constant 0 : i32
      %dma_start3A_237 = tpu.memref_slice %arg7[%run_scoped3A_214, %dma_start3A_236] : memref<14x32xi32, #tpu.memory_space<vmem>> -> memref<1x32xi32, #tpu.memory_space<vmem>>
      %dma_start3A_238 = tpu.memref_squeeze %dma_start3A_237 : memref<1x32xi32, #tpu.memory_space<vmem>> -> memref<32xi32, #tpu.memory_space<vmem>>
      %dma_start3A_239 = arith.constant 0 : i32
      %dma_start3A_240 = arith.constant 0 : i32
      %dma_start3A_241 = tpu.memref_slice %arg4[%dma_start3A_239, %dma_start3A_240] : memref<448x128xf32, #tpu.memory_space<vmem_shared>> -> memref<448x128xf32, #tpu.memory_space<vmem_shared>>
      tpu.enqueue_indirect_dma source(%dma_start3A_235 : memref<32x128xf32, #tpu.memory_space<vmem>>) target(%dma_start3A_241 : memref<448x128xf32, #tpu.memory_space<vmem_shared>>) offsets(%dma_start3A_238 : memref<32xi32, #tpu.memory_space<vmem>>) semaphore(%run_scoped3A_233 : memref<!tpu.dma_semaphore, #tpu.memory_space<semaphore_mem>>) {add = true}
      %dma_wait3A = arith.constant 32 : i32
      %dma_wait3A_242 = arith.constant 0 : i32
      %dma_wait3A_243 = tpu.memref_slice %arg6[%dma_wait3A, %dma_wait3A_242] : memref<448x128xf32, #tpu.memory_space<vmem>> -> memref<32x128xf32, #tpu.memory_space<vmem>>
      %dma_wait3A_244 = arith.constant 0 : i32
      %dma_wait3A_245 = tpu.memref_slice %arg7[%run_scoped3A_214, %dma_wait3A_244] : memref<14x32xi32, #tpu.memory_space<vmem>> -> memref<1x32xi32, #tpu.memory_space<vmem>>
      %dma_wait3A_246 = tpu.memref_squeeze %dma_wait3A_245 : memref<1x32xi32, #tpu.memory_space<vmem>> -> memref<32xi32, #tpu.memory_space<vmem>>
      %dma_wait3A_247 = arith.constant 0 : i32
      %dma_wait3A_248 = arith.constant 0 : i32
      %dma_wait3A_249 = tpu.memref_slice %arg4[%dma_wait3A_247, %dma_wait3A_248] : memref<448x128xf32, #tpu.memory_space<vmem_shared>> -> memref<448x128xf32, #tpu.memory_space<vmem_shared>>
      tpu.wait_indirect_dma semaphore(%run_scoped3A_233 : memref<!tpu.dma_semaphore, #tpu.memory_space<semaphore_mem>>) src(%dma_wait3A_243 : memref<32x128xf32, #tpu.memory_space<vmem>>) dst(%dma_wait3A_249 : memref<448x128xf32, #tpu.memory_space<vmem_shared>>)
      tpu.yield
    }) : () -> ()
    %run_scoped3A_215 = arith.constant 2 : i32
    "tpu.region"() ({
      %run_scoped3A_233 = tpu.sem_alloc : memref<!tpu.dma_semaphore, #tpu.memory_space<semaphore_mem>>
      %dma_start3A = arith.constant 64 : i32
      %dma_start3A_234 = arith.constant 0 : i32
      %dma_start3A_235 = tpu.memref_slice %arg6[%dma_start3A, %dma_start3A_234] : memref<448x128xf32, #tpu.memory_space<vmem>> -> memref<32x128xf32, #tpu.memory_space<vmem>>
      %dma_start3A_236 = arith.constant 0 : i32
      %dma_start3A_237 = tpu.memref_slice %arg7[%run_scoped3A_215, %dma_start3A_236] : memref<14x32xi32, #tpu.memory_space<vmem>> -> memref<1x32xi32, #tpu.memory_space<vmem>>
      %dma_start3A_238 = tpu.memref_squeeze %dma_start3A_237 : memref<1x32xi32, #tpu.memory_space<vmem>> -> memref<32xi32, #tpu.memory_space<vmem>>
      %dma_start3A_239 = arith.constant 0 : i32
      %dma_start3A_240 = arith.constant 0 : i32
      %dma_start3A_241 = tpu.memref_slice %arg4[%dma_start3A_239, %dma_start3A_240] : memref<448x128xf32, #tpu.memory_space<vmem_shared>> -> memref<448x128xf32, #tpu.memory_space<vmem_shared>>
      tpu.enqueue_indirect_dma source(%dma_start3A_235 : memref<32x128xf32, #tpu.memory_space<vmem>>) target(%dma_start3A_241 : memref<448x128xf32, #tpu.memory_space<vmem_shared>>) offsets(%dma_start3A_238 : memref<32xi32, #tpu.memory_space<vmem>>) semaphore(%run_scoped3A_233 : memref<!tpu.dma_semaphore, #tpu.memory_space<semaphore_mem>>) {add = true}
      %dma_wait3A = arith.constant 64 : i32
      %dma_wait3A_242 = arith.constant 0 : i32
      %dma_wait3A_243 = tpu.memref_slice %arg6[%dma_wait3A, %dma_wait3A_242] : memref<448x128xf32, #tpu.memory_space<vmem>> -> memref<32x128xf32, #tpu.memory_space<vmem>>
      %dma_wait3A_244 = arith.constant 0 : i32
      %dma_wait3A_245 = tpu.memref_slice %arg7[%run_scoped3A_215, %dma_wait3A_244] : memref<14x32xi32, #tpu.memory_space<vmem>> -> memref<1x32xi32, #tpu.memory_space<vmem>>
      %dma_wait3A_246 = tpu.memref_squeeze %dma_wait3A_245 : memref<1x32xi32, #tpu.memory_space<vmem>> -> memref<32xi32, #tpu.memory_space<vmem>>
      %dma_wait3A_247 = arith.constant 0 : i32
      %dma_wait3A_248 = arith.constant 0 : i32
      %dma_wait3A_249 = tpu.memref_slice %arg4[%dma_wait3A_247, %dma_wait3A_248] : memref<448x128xf32, #tpu.memory_space<vmem_shared>> -> memref<448x128xf32, #tpu.memory_space<vmem_shared>>
      tpu.wait_indirect_dma semaphore(%run_scoped3A_233 : memref<!tpu.dma_semaphore, #tpu.memory_space<semaphore_mem>>) src(%dma_wait3A_243 : memref<32x128xf32, #tpu.memory_space<vmem>>) dst(%dma_wait3A_249 : memref<448x128xf32, #tpu.memory_space<vmem_shared>>)
      tpu.yield
    }) : () -> ()
    %run_scoped3A_216 = arith.constant 3 : i32
    "tpu.region"() ({
      %run_scoped3A_233 = tpu.sem_alloc : memref<!tpu.dma_semaphore, #tpu.memory_space<semaphore_mem>>
      %dma_start3A = arith.constant 96 : i32
      %dma_start3A_234 = arith.constant 0 : i32
      %dma_start3A_235 = tpu.memref_slice %arg6[%dma_start3A, %dma_start3A_234] : memref<448x128xf32, #tpu.memory_space<vmem>> -> memref<32x128xf32, #tpu.memory_space<vmem>>
      %dma_start3A_236 = arith.constant 0 : i32
      %dma_start3A_237 = tpu.memref_slice %arg7[%run_scoped3A_216, %dma_start3A_236] : memref<14x32xi32, #tpu.memory_space<vmem>> -> memref<1x32xi32, #tpu.memory_space<vmem>>
      %dma_start3A_238 = tpu.memref_squeeze %dma_start3A_237 : memref<1x32xi32, #tpu.memory_space<vmem>> -> memref<32xi32, #tpu.memory_space<vmem>>
      %dma_start3A_239 = arith.constant 0 : i32
      %dma_start3A_240 = arith.constant 0 : i32
      %dma_start3A_241 = tpu.memref_slice %arg4[%dma_start3A_239, %dma_start3A_240] : memref<448x128xf32, #tpu.memory_space<vmem_shared>> -> memref<448x128xf32, #tpu.memory_space<vmem_shared>>
      tpu.enqueue_indirect_dma source(%dma_start3A_235 : memref<32x128xf32, #tpu.memory_space<vmem>>) target(%dma_start3A_241 : memref<448x128xf32, #tpu.memory_space<vmem_shared>>) offsets(%dma_start3A_238 : memref<32xi32, #tpu.memory_space<vmem>>) semaphore(%run_scoped3A_233 : memref<!tpu.dma_semaphore, #tpu.memory_space<semaphore_mem>>) {add = true}
      %dma_wait3A = arith.constant 96 : i32
      %dma_wait3A_242 = arith.constant 0 : i32
      %dma_wait3A_243 = tpu.memref_slice %arg6[%dma_wait3A, %dma_wait3A_242] : memref<448x128xf32, #tpu.memory_space<vmem>> -> memref<32x128xf32, #tpu.memory_space<vmem>>
      %dma_wait3A_244 = arith.constant 0 : i32
      %dma_wait3A_245 = tpu.memref_slice %arg7[%run_scoped3A_216, %dma_wait3A_244] : memref<14x32xi32, #tpu.memory_space<vmem>> -> memref<1x32xi32, #tpu.memory_space<vmem>>
      %dma_wait3A_246 = tpu.memref_squeeze %dma_wait3A_245 : memref<1x32xi32, #tpu.memory_space<vmem>> -> memref<32xi32, #tpu.memory_space<vmem>>
      %dma_wait3A_247 = arith.constant 0 : i32
      %dma_wait3A_248 = arith.constant 0 : i32
      %dma_wait3A_249 = tpu.memref_slice %arg4[%dma_wait3A_247, %dma_wait3A_248] : memref<448x128xf32, #tpu.memory_space<vmem_shared>> -> memref<448x128xf32, #tpu.memory_space<vmem_shared>>
      tpu.wait_indirect_dma semaphore(%run_scoped3A_233 : memref<!tpu.dma_semaphore, #tpu.memory_space<semaphore_mem>>) src(%dma_wait3A_243 : memref<32x128xf32, #tpu.memory_space<vmem>>) dst(%dma_wait3A_249 : memref<448x128xf32, #tpu.memory_space<vmem_shared>>)
      tpu.yield
    }) : () -> ()
    %run_scoped3A_217 = arith.constant 4 : i32
    "tpu.region"() ({
      %run_scoped3A_233 = tpu.sem_alloc : memref<!tpu.dma_semaphore, #tpu.memory_space<semaphore_mem>>
      %dma_start3A = arith.constant 128 : i32
      %dma_start3A_234 = arith.constant 0 : i32
      %dma_start3A_235 = tpu.memref_slice %arg6[%dma_start3A, %dma_start3A_234] : memref<448x128xf32, #tpu.memory_space<vmem>> -> memref<32x128xf32, #tpu.memory_space<vmem>>
      %dma_start3A_236 = arith.constant 0 : i32
      %dma_start3A_237 = tpu.memref_slice %arg7[%run_scoped3A_217, %dma_start3A_236] : memref<14x32xi32, #tpu.memory_space<vmem>> -> memref<1x32xi32, #tpu.memory_space<vmem>>
      %dma_start3A_238 = tpu.memref_squeeze %dma_start3A_237 : memref<1x32xi32, #tpu.memory_space<vmem>> -> memref<32xi32, #tpu.memory_space<vmem>>
      %dma_start3A_239 = arith.constant 0 : i32
      %dma_start3A_240 = arith.constant 0 : i32
      %dma_start3A_241 = tpu.memref_slice %arg4[%dma_start3A_239, %dma_start3A_240] : memref<448x128xf32, #tpu.memory_space<vmem_shared>> -> memref<448x128xf32, #tpu.memory_space<vmem_shared>>
      tpu.enqueue_indirect_dma source(%dma_start3A_235 : memref<32x128xf32, #tpu.memory_space<vmem>>) target(%dma_start3A_241 : memref<448x128xf32, #tpu.memory_space<vmem_shared>>) offsets(%dma_start3A_238 : memref<32xi32, #tpu.memory_space<vmem>>) semaphore(%run_scoped3A_233 : memref<!tpu.dma_semaphore, #tpu.memory_space<semaphore_mem>>) {add = true}
      %dma_wait3A = arith.constant 128 : i32
      %dma_wait3A_242 = arith.constant 0 : i32
      %dma_wait3A_243 = tpu.memref_slice %arg6[%dma_wait3A, %dma_wait3A_242] : memref<448x128xf32, #tpu.memory_space<vmem>> -> memref<32x128xf32, #tpu.memory_space<vmem>>
      %dma_wait3A_244 = arith.constant 0 : i32
      %dma_wait3A_245 = tpu.memref_slice %arg7[%run_scoped3A_217, %dma_wait3A_244] : memref<14x32xi32, #tpu.memory_space<vmem>> -> memref<1x32xi32, #tpu.memory_space<vmem>>
      %dma_wait3A_246 = tpu.memref_squeeze %dma_wait3A_245 : memref<1x32xi32, #tpu.memory_space<vmem>> -> memref<32xi32, #tpu.memory_space<vmem>>
      %dma_wait3A_247 = arith.constant 0 : i32
      %dma_wait3A_248 = arith.constant 0 : i32
      %dma_wait3A_249 = tpu.memref_slice %arg4[%dma_wait3A_247, %dma_wait3A_248] : memref<448x128xf32, #tpu.memory_space<vmem_shared>> -> memref<448x128xf32, #tpu.memory_space<vmem_shared>>
      tpu.wait_indirect_dma semaphore(%run_scoped3A_233 : memref<!tpu.dma_semaphore, #tpu.memory_space<semaphore_mem>>) src(%dma_wait3A_243 : memref<32x128xf32, #tpu.memory_space<vmem>>) dst(%dma_wait3A_249 : memref<448x128xf32, #tpu.memory_space<vmem_shared>>)
      tpu.yield
    }) : () -> ()
    %run_scoped3A_218 = arith.constant 5 : i32
    "tpu.region"() ({
      %run_scoped3A_233 = tpu.sem_alloc : memref<!tpu.dma_semaphore, #tpu.memory_space<semaphore_mem>>
      %dma_start3A = arith.constant 160 : i32
      %dma_start3A_234 = arith.constant 0 : i32
      %dma_start3A_235 = tpu.memref_slice %arg6[%dma_start3A, %dma_start3A_234] : memref<448x128xf32, #tpu.memory_space<vmem>> -> memref<32x128xf32, #tpu.memory_space<vmem>>
      %dma_start3A_236 = arith.constant 0 : i32
      %dma_start3A_237 = tpu.memref_slice %arg7[%run_scoped3A_218, %dma_start3A_236] : memref<14x32xi32, #tpu.memory_space<vmem>> -> memref<1x32xi32, #tpu.memory_space<vmem>>
      %dma_start3A_238 = tpu.memref_squeeze %dma_start3A_237 : memref<1x32xi32, #tpu.memory_space<vmem>> -> memref<32xi32, #tpu.memory_space<vmem>>
      %dma_start3A_239 = arith.constant 0 : i32
      %dma_start3A_240 = arith.constant 0 : i32
      %dma_start3A_241 = tpu.memref_slice %arg4[%dma_start3A_239, %dma_start3A_240] : memref<448x128xf32, #tpu.memory_space<vmem_shared>> -> memref<448x128xf32, #tpu.memory_space<vmem_shared>>
      tpu.enqueue_indirect_dma source(%dma_start3A_235 : memref<32x128xf32, #tpu.memory_space<vmem>>) target(%dma_start3A_241 : memref<448x128xf32, #tpu.memory_space<vmem_shared>>) offsets(%dma_start3A_238 : memref<32xi32, #tpu.memory_space<vmem>>) semaphore(%run_scoped3A_233 : memref<!tpu.dma_semaphore, #tpu.memory_space<semaphore_mem>>) {add = true}
      %dma_wait3A = arith.constant 160 : i32
      %dma_wait3A_242 = arith.constant 0 : i32
      %dma_wait3A_243 = tpu.memref_slice %arg6[%dma_wait3A, %dma_wait3A_242] : memref<448x128xf32, #tpu.memory_space<vmem>> -> memref<32x128xf32, #tpu.memory_space<vmem>>
      %dma_wait3A_244 = arith.constant 0 : i32
      %dma_wait3A_245 = tpu.memref_slice %arg7[%run_scoped3A_218, %dma_wait3A_244] : memref<14x32xi32, #tpu.memory_space<vmem>> -> memref<1x32xi32, #tpu.memory_space<vmem>>
      %dma_wait3A_246 = tpu.memref_squeeze %dma_wait3A_245 : memref<1x32xi32, #tpu.memory_space<vmem>> -> memref<32xi32, #tpu.memory_space<vmem>>
      %dma_wait3A_247 = arith.constant 0 : i32
      %dma_wait3A_248 = arith.constant 0 : i32
      %dma_wait3A_249 = tpu.memref_slice %arg4[%dma_wait3A_247, %dma_wait3A_248] : memref<448x128xf32, #tpu.memory_space<vmem_shared>> -> memref<448x128xf32, #tpu.memory_space<vmem_shared>>
      tpu.wait_indirect_dma semaphore(%run_scoped3A_233 : memref<!tpu.dma_semaphore, #tpu.memory_space<semaphore_mem>>) src(%dma_wait3A_243 : memref<32x128xf32, #tpu.memory_space<vmem>>) dst(%dma_wait3A_249 : memref<448x128xf32, #tpu.memory_space<vmem_shared>>)
      tpu.yield
    }) : () -> ()
    %run_scoped3A_219 = arith.constant 6 : i32
    "tpu.region"() ({
      %run_scoped3A_233 = tpu.sem_alloc : memref<!tpu.dma_semaphore, #tpu.memory_space<semaphore_mem>>
      %dma_start3A = arith.constant 192 : i32
      %dma_start3A_234 = arith.constant 0 : i32
      %dma_start3A_235 = tpu.memref_slice %arg6[%dma_start3A, %dma_start3A_234] : memref<448x128xf32, #tpu.memory_space<vmem>> -> memref<32x128xf32, #tpu.memory_space<vmem>>
      %dma_start3A_236 = arith.constant 0 : i32
      %dma_start3A_237 = tpu.memref_slice %arg7[%run_scoped3A_219, %dma_start3A_236] : memref<14x32xi32, #tpu.memory_space<vmem>> -> memref<1x32xi32, #tpu.memory_space<vmem>>
      %dma_start3A_238 = tpu.memref_squeeze %dma_start3A_237 : memref<1x32xi32, #tpu.memory_space<vmem>> -> memref<32xi32, #tpu.memory_space<vmem>>
      %dma_start3A_239 = arith.constant 0 : i32
      %dma_start3A_240 = arith.constant 0 : i32
      %dma_start3A_241 = tpu.memref_slice %arg4[%dma_start3A_239, %dma_start3A_240] : memref<448x128xf32, #tpu.memory_space<vmem_shared>> -> memref<448x128xf32, #tpu.memory_space<vmem_shared>>
      tpu.enqueue_indirect_dma source(%dma_start3A_235 : memref<32x128xf32, #tpu.memory_space<vmem>>) target(%dma_start3A_241 : memref<448x128xf32, #tpu.memory_space<vmem_shared>>) offsets(%dma_start3A_238 : memref<32xi32, #tpu.memory_space<vmem>>) semaphore(%run_scoped3A_233 : memref<!tpu.dma_semaphore, #tpu.memory_space<semaphore_mem>>) {add = true}
      %dma_wait3A = arith.constant 192 : i32
      %dma_wait3A_242 = arith.constant 0 : i32
      %dma_wait3A_243 = tpu.memref_slice %arg6[%dma_wait3A, %dma_wait3A_242] : memref<448x128xf32, #tpu.memory_space<vmem>> -> memref<32x128xf32, #tpu.memory_space<vmem>>
      %dma_wait3A_244 = arith.constant 0 : i32
      %dma_wait3A_245 = tpu.memref_slice %arg7[%run_scoped3A_219, %dma_wait3A_244] : memref<14x32xi32, #tpu.memory_space<vmem>> -> memref<1x32xi32, #tpu.memory_space<vmem>>
      %dma_wait3A_246 = tpu.memref_squeeze %dma_wait3A_245 : memref<1x32xi32, #tpu.memory_space<vmem>> -> memref<32xi32, #tpu.memory_space<vmem>>
      %dma_wait3A_247 = arith.constant 0 : i32
      %dma_wait3A_248 = arith.constant 0 : i32
      %dma_wait3A_249 = tpu.memref_slice %arg4[%dma_wait3A_247, %dma_wait3A_248] : memref<448x128xf32, #tpu.memory_space<vmem_shared>> -> memref<448x128xf32, #tpu.memory_space<vmem_shared>>
      tpu.wait_indirect_dma semaphore(%run_scoped3A_233 : memref<!tpu.dma_semaphore, #tpu.memory_space<semaphore_mem>>) src(%dma_wait3A_243 : memref<32x128xf32, #tpu.memory_space<vmem>>) dst(%dma_wait3A_249 : memref<448x128xf32, #tpu.memory_space<vmem_shared>>)
      tpu.yield
    }) : () -> ()
    %run_scoped3A_220 = arith.constant 7 : i32
    "tpu.region"() ({
      %run_scoped3A_233 = tpu.sem_alloc : memref<!tpu.dma_semaphore, #tpu.memory_space<semaphore_mem>>
      %dma_start3A = arith.constant 224 : i32
      %dma_start3A_234 = arith.constant 0 : i32
      %dma_start3A_235 = tpu.memref_slice %arg6[%dma_start3A, %dma_start3A_234] : memref<448x128xf32, #tpu.memory_space<vmem>> -> memref<32x128xf32, #tpu.memory_space<vmem>>
      %dma_start3A_236 = arith.constant 0 : i32
      %dma_start3A_237 = tpu.memref_slice %arg7[%run_scoped3A_220, %dma_start3A_236] : memref<14x32xi32, #tpu.memory_space<vmem>> -> memref<1x32xi32, #tpu.memory_space<vmem>>
      %dma_start3A_238 = tpu.memref_squeeze %dma_start3A_237 : memref<1x32xi32, #tpu.memory_space<vmem>> -> memref<32xi32, #tpu.memory_space<vmem>>
      %dma_start3A_239 = arith.constant 0 : i32
      %dma_start3A_240 = arith.constant 0 : i32
      %dma_start3A_241 = tpu.memref_slice %arg4[%dma_start3A_239, %dma_start3A_240] : memref<448x128xf32, #tpu.memory_space<vmem_shared>> -> memref<448x128xf32, #tpu.memory_space<vmem_shared>>
      tpu.enqueue_indirect_dma source(%dma_start3A_235 : memref<32x128xf32, #tpu.memory_space<vmem>>) target(%dma_start3A_241 : memref<448x128xf32, #tpu.memory_space<vmem_shared>>) offsets(%dma_start3A_238 : memref<32xi32, #tpu.memory_space<vmem>>) semaphore(%run_scoped3A_233 : memref<!tpu.dma_semaphore, #tpu.memory_space<semaphore_mem>>) {add = true}
      %dma_wait3A = arith.constant 224 : i32
      %dma_wait3A_242 = arith.constant 0 : i32
      %dma_wait3A_243 = tpu.memref_slice %arg6[%dma_wait3A, %dma_wait3A_242] : memref<448x128xf32, #tpu.memory_space<vmem>> -> memref<32x128xf32, #tpu.memory_space<vmem>>
      %dma_wait3A_244 = arith.constant 0 : i32
      %dma_wait3A_245 = tpu.memref_slice %arg7[%run_scoped3A_220, %dma_wait3A_244] : memref<14x32xi32, #tpu.memory_space<vmem>> -> memref<1x32xi32, #tpu.memory_space<vmem>>
      %dma_wait3A_246 = tpu.memref_squeeze %dma_wait3A_245 : memref<1x32xi32, #tpu.memory_space<vmem>> -> memref<32xi32, #tpu.memory_space<vmem>>
      %dma_wait3A_247 = arith.constant 0 : i32
      %dma_wait3A_248 = arith.constant 0 : i32
      %dma_wait3A_249 = tpu.memref_slice %arg4[%dma_wait3A_247, %dma_wait3A_248] : memref<448x128xf32, #tpu.memory_space<vmem_shared>> -> memref<448x128xf32, #tpu.memory_space<vmem_shared>>
      tpu.wait_indirect_dma semaphore(%run_scoped3A_233 : memref<!tpu.dma_semaphore, #tpu.memory_space<semaphore_mem>>) src(%dma_wait3A_243 : memref<32x128xf32, #tpu.memory_space<vmem>>) dst(%dma_wait3A_249 : memref<448x128xf32, #tpu.memory_space<vmem_shared>>)
      tpu.yield
    }) : () -> ()
    %run_scoped3A_221 = arith.constant 8 : i32
    "tpu.region"() ({
      %run_scoped3A_233 = tpu.sem_alloc : memref<!tpu.dma_semaphore, #tpu.memory_space<semaphore_mem>>
      %dma_start3A = arith.constant 256 : i32
      %dma_start3A_234 = arith.constant 0 : i32
      %dma_start3A_235 = tpu.memref_slice %arg6[%dma_start3A, %dma_start3A_234] : memref<448x128xf32, #tpu.memory_space<vmem>> -> memref<32x128xf32, #tpu.memory_space<vmem>>
      %dma_start3A_236 = arith.constant 0 : i32
      %dma_start3A_237 = tpu.memref_slice %arg7[%run_scoped3A_221, %dma_start3A_236] : memref<14x32xi32, #tpu.memory_space<vmem>> -> memref<1x32xi32, #tpu.memory_space<vmem>>
      %dma_start3A_238 = tpu.memref_squeeze %dma_start3A_237 : memref<1x32xi32, #tpu.memory_space<vmem>> -> memref<32xi32, #tpu.memory_space<vmem>>
      %dma_start3A_239 = arith.constant 0 : i32
      %dma_start3A_240 = arith.constant 0 : i32
      %dma_start3A_241 = tpu.memref_slice %arg4[%dma_start3A_239, %dma_start3A_240] : memref<448x128xf32, #tpu.memory_space<vmem_shared>> -> memref<448x128xf32, #tpu.memory_space<vmem_shared>>
      tpu.enqueue_indirect_dma source(%dma_start3A_235 : memref<32x128xf32, #tpu.memory_space<vmem>>) target(%dma_start3A_241 : memref<448x128xf32, #tpu.memory_space<vmem_shared>>) offsets(%dma_start3A_238 : memref<32xi32, #tpu.memory_space<vmem>>) semaphore(%run_scoped3A_233 : memref<!tpu.dma_semaphore, #tpu.memory_space<semaphore_mem>>) {add = true}
      %dma_wait3A = arith.constant 256 : i32
      %dma_wait3A_242 = arith.constant 0 : i32
      %dma_wait3A_243 = tpu.memref_slice %arg6[%dma_wait3A, %dma_wait3A_242] : memref<448x128xf32, #tpu.memory_space<vmem>> -> memref<32x128xf32, #tpu.memory_space<vmem>>
      %dma_wait3A_244 = arith.constant 0 : i32
      %dma_wait3A_245 = tpu.memref_slice %arg7[%run_scoped3A_221, %dma_wait3A_244] : memref<14x32xi32, #tpu.memory_space<vmem>> -> memref<1x32xi32, #tpu.memory_space<vmem>>
      %dma_wait3A_246 = tpu.memref_squeeze %dma_wait3A_245 : memref<1x32xi32, #tpu.memory_space<vmem>> -> memref<32xi32, #tpu.memory_space<vmem>>
      %dma_wait3A_247 = arith.constant 0 : i32
      %dma_wait3A_248 = arith.constant 0 : i32
      %dma_wait3A_249 = tpu.memref_slice %arg4[%dma_wait3A_247, %dma_wait3A_248] : memref<448x128xf32, #tpu.memory_space<vmem_shared>> -> memref<448x128xf32, #tpu.memory_space<vmem_shared>>
      tpu.wait_indirect_dma semaphore(%run_scoped3A_233 : memref<!tpu.dma_semaphore, #tpu.memory_space<semaphore_mem>>) src(%dma_wait3A_243 : memref<32x128xf32, #tpu.memory_space<vmem>>) dst(%dma_wait3A_249 : memref<448x128xf32, #tpu.memory_space<vmem_shared>>)
      tpu.yield
    }) : () -> ()
    %run_scoped3A_222 = arith.constant 9 : i32
    "tpu.region"() ({
      %run_scoped3A_233 = tpu.sem_alloc : memref<!tpu.dma_semaphore, #tpu.memory_space<semaphore_mem>>
      %dma_start3A = arith.constant 288 : i32
      %dma_start3A_234 = arith.constant 0 : i32
      %dma_start3A_235 = tpu.memref_slice %arg6[%dma_start3A, %dma_start3A_234] : memref<448x128xf32, #tpu.memory_space<vmem>> -> memref<32x128xf32, #tpu.memory_space<vmem>>
      %dma_start3A_236 = arith.constant 0 : i32
      %dma_start3A_237 = tpu.memref_slice %arg7[%run_scoped3A_222, %dma_start3A_236] : memref<14x32xi32, #tpu.memory_space<vmem>> -> memref<1x32xi32, #tpu.memory_space<vmem>>
      %dma_start3A_238 = tpu.memref_squeeze %dma_start3A_237 : memref<1x32xi32, #tpu.memory_space<vmem>> -> memref<32xi32, #tpu.memory_space<vmem>>
      %dma_start3A_239 = arith.constant 0 : i32
      %dma_start3A_240 = arith.constant 0 : i32
      %dma_start3A_241 = tpu.memref_slice %arg4[%dma_start3A_239, %dma_start3A_240] : memref<448x128xf32, #tpu.memory_space<vmem_shared>> -> memref<448x128xf32, #tpu.memory_space<vmem_shared>>
      tpu.enqueue_indirect_dma source(%dma_start3A_235 : memref<32x128xf32, #tpu.memory_space<vmem>>) target(%dma_start3A_241 : memref<448x128xf32, #tpu.memory_space<vmem_shared>>) offsets(%dma_start3A_238 : memref<32xi32, #tpu.memory_space<vmem>>) semaphore(%run_scoped3A_233 : memref<!tpu.dma_semaphore, #tpu.memory_space<semaphore_mem>>) {add = true}
      %dma_wait3A = arith.constant 288 : i32
      %dma_wait3A_242 = arith.constant 0 : i32
      %dma_wait3A_243 = tpu.memref_slice %arg6[%dma_wait3A, %dma_wait3A_242] : memref<448x128xf32, #tpu.memory_space<vmem>> -> memref<32x128xf32, #tpu.memory_space<vmem>>
      %dma_wait3A_244 = arith.constant 0 : i32
      %dma_wait3A_245 = tpu.memref_slice %arg7[%run_scoped3A_222, %dma_wait3A_244] : memref<14x32xi32, #tpu.memory_space<vmem>> -> memref<1x32xi32, #tpu.memory_space<vmem>>
      %dma_wait3A_246 = tpu.memref_squeeze %dma_wait3A_245 : memref<1x32xi32, #tpu.memory_space<vmem>> -> memref<32xi32, #tpu.memory_space<vmem>>
      %dma_wait3A_247 = arith.constant 0 : i32
      %dma_wait3A_248 = arith.constant 0 : i32
      %dma_wait3A_249 = tpu.memref_slice %arg4[%dma_wait3A_247, %dma_wait3A_248] : memref<448x128xf32, #tpu.memory_space<vmem_shared>> -> memref<448x128xf32, #tpu.memory_space<vmem_shared>>
      tpu.wait_indirect_dma semaphore(%run_scoped3A_233 : memref<!tpu.dma_semaphore, #tpu.memory_space<semaphore_mem>>) src(%dma_wait3A_243 : memref<32x128xf32, #tpu.memory_space<vmem>>) dst(%dma_wait3A_249 : memref<448x128xf32, #tpu.memory_space<vmem_shared>>)
      tpu.yield
    }) : () -> ()
    %run_scoped3A_223 = arith.constant 10 : i32
    "tpu.region"() ({
      %run_scoped3A_233 = tpu.sem_alloc : memref<!tpu.dma_semaphore, #tpu.memory_space<semaphore_mem>>
      %dma_start3A = arith.constant 320 : i32
      %dma_start3A_234 = arith.constant 0 : i32
      %dma_start3A_235 = tpu.memref_slice %arg6[%dma_start3A, %dma_start3A_234] : memref<448x128xf32, #tpu.memory_space<vmem>> -> memref<32x128xf32, #tpu.memory_space<vmem>>
      %dma_start3A_236 = arith.constant 0 : i32
      %dma_start3A_237 = tpu.memref_slice %arg7[%run_scoped3A_223, %dma_start3A_236] : memref<14x32xi32, #tpu.memory_space<vmem>> -> memref<1x32xi32, #tpu.memory_space<vmem>>
      %dma_start3A_238 = tpu.memref_squeeze %dma_start3A_237 : memref<1x32xi32, #tpu.memory_space<vmem>> -> memref<32xi32, #tpu.memory_space<vmem>>
      %dma_start3A_239 = arith.constant 0 : i32
      %dma_start3A_240 = arith.constant 0 : i32
      %dma_start3A_241 = tpu.memref_slice %arg4[%dma_start3A_239, %dma_start3A_240] : memref<448x128xf32, #tpu.memory_space<vmem_shared>> -> memref<448x128xf32, #tpu.memory_space<vmem_shared>>
      tpu.enqueue_indirect_dma source(%dma_start3A_235 : memref<32x128xf32, #tpu.memory_space<vmem>>) target(%dma_start3A_241 : memref<448x128xf32, #tpu.memory_space<vmem_shared>>) offsets(%dma_start3A_238 : memref<32xi32, #tpu.memory_space<vmem>>) semaphore(%run_scoped3A_233 : memref<!tpu.dma_semaphore, #tpu.memory_space<semaphore_mem>>) {add = true}
      %dma_wait3A = arith.constant 320 : i32
      %dma_wait3A_242 = arith.constant 0 : i32
      %dma_wait3A_243 = tpu.memref_slice %arg6[%dma_wait3A, %dma_wait3A_242] : memref<448x128xf32, #tpu.memory_space<vmem>> -> memref<32x128xf32, #tpu.memory_space<vmem>>
      %dma_wait3A_244 = arith.constant 0 : i32
      %dma_wait3A_245 = tpu.memref_slice %arg7[%run_scoped3A_223, %dma_wait3A_244] : memref<14x32xi32, #tpu.memory_space<vmem>> -> memref<1x32xi32, #tpu.memory_space<vmem>>
      %dma_wait3A_246 = tpu.memref_squeeze %dma_wait3A_245 : memref<1x32xi32, #tpu.memory_space<vmem>> -> memref<32xi32, #tpu.memory_space<vmem>>
      %dma_wait3A_247 = arith.constant 0 : i32
      %dma_wait3A_248 = arith.constant 0 : i32
      %dma_wait3A_249 = tpu.memref_slice %arg4[%dma_wait3A_247, %dma_wait3A_248] : memref<448x128xf32, #tpu.memory_space<vmem_shared>> -> memref<448x128xf32, #tpu.memory_space<vmem_shared>>
      tpu.wait_indirect_dma semaphore(%run_scoped3A_233 : memref<!tpu.dma_semaphore, #tpu.memory_space<semaphore_mem>>) src(%dma_wait3A_243 : memref<32x128xf32, #tpu.memory_space<vmem>>) dst(%dma_wait3A_249 : memref<448x128xf32, #tpu.memory_space<vmem_shared>>)
      tpu.yield
    }) : () -> ()
    %run_scoped3A_224 = arith.constant 11 : i32
    "tpu.region"() ({
      %run_scoped3A_233 = tpu.sem_alloc : memref<!tpu.dma_semaphore, #tpu.memory_space<semaphore_mem>>
      %dma_start3A = arith.constant 352 : i32
      %dma_start3A_234 = arith.constant 0 : i32
      %dma_start3A_235 = tpu.memref_slice %arg6[%dma_start3A, %dma_start3A_234] : memref<448x128xf32, #tpu.memory_space<vmem>> -> memref<32x128xf32, #tpu.memory_space<vmem>>
      %dma_start3A_236 = arith.constant 0 : i32
      %dma_start3A_237 = tpu.memref_slice %arg7[%run_scoped3A_224, %dma_start3A_236] : memref<14x32xi32, #tpu.memory_space<vmem>> -> memref<1x32xi32, #tpu.memory_space<vmem>>
      %dma_start3A_238 = tpu.memref_squeeze %dma_start3A_237 : memref<1x32xi32, #tpu.memory_space<vmem>> -> memref<32xi32, #tpu.memory_space<vmem>>
      %dma_start3A_239 = arith.constant 0 : i32
      %dma_start3A_240 = arith.constant 0 : i32
      %dma_start3A_241 = tpu.memref_slice %arg4[%dma_start3A_239, %dma_start3A_240] : memref<448x128xf32, #tpu.memory_space<vmem_shared>> -> memref<448x128xf32, #tpu.memory_space<vmem_shared>>
      tpu.enqueue_indirect_dma source(%dma_start3A_235 : memref<32x128xf32, #tpu.memory_space<vmem>>) target(%dma_start3A_241 : memref<448x128xf32, #tpu.memory_space<vmem_shared>>) offsets(%dma_start3A_238 : memref<32xi32, #tpu.memory_space<vmem>>) semaphore(%run_scoped3A_233 : memref<!tpu.dma_semaphore, #tpu.memory_space<semaphore_mem>>) {add = true}
      %dma_wait3A = arith.constant 352 : i32
      %dma_wait3A_242 = arith.constant 0 : i32
      %dma_wait3A_243 = tpu.memref_slice %arg6[%dma_wait3A, %dma_wait3A_242] : memref<448x128xf32, #tpu.memory_space<vmem>> -> memref<32x128xf32, #tpu.memory_space<vmem>>
      %dma_wait3A_244 = arith.constant 0 : i32
      %dma_wait3A_245 = tpu.memref_slice %arg7[%run_scoped3A_224, %dma_wait3A_244] : memref<14x32xi32, #tpu.memory_space<vmem>> -> memref<1x32xi32, #tpu.memory_space<vmem>>
      %dma_wait3A_246 = tpu.memref_squeeze %dma_wait3A_245 : memref<1x32xi32, #tpu.memory_space<vmem>> -> memref<32xi32, #tpu.memory_space<vmem>>
      %dma_wait3A_247 = arith.constant 0 : i32
      %dma_wait3A_248 = arith.constant 0 : i32
      %dma_wait3A_249 = tpu.memref_slice %arg4[%dma_wait3A_247, %dma_wait3A_248] : memref<448x128xf32, #tpu.memory_space<vmem_shared>> -> memref<448x128xf32, #tpu.memory_space<vmem_shared>>
      tpu.wait_indirect_dma semaphore(%run_scoped3A_233 : memref<!tpu.dma_semaphore, #tpu.memory_space<semaphore_mem>>) src(%dma_wait3A_243 : memref<32x128xf32, #tpu.memory_space<vmem>>) dst(%dma_wait3A_249 : memref<448x128xf32, #tpu.memory_space<vmem_shared>>)
      tpu.yield
    }) : () -> ()
    %run_scoped3A_225 = arith.constant 12 : i32
    "tpu.region"() ({
      %run_scoped3A_233 = tpu.sem_alloc : memref<!tpu.dma_semaphore, #tpu.memory_space<semaphore_mem>>
      %dma_start3A = arith.constant 384 : i32
      %dma_start3A_234 = arith.constant 0 : i32
      %dma_start3A_235 = tpu.memref_slice %arg6[%dma_start3A, %dma_start3A_234] : memref<448x128xf32, #tpu.memory_space<vmem>> -> memref<32x128xf32, #tpu.memory_space<vmem>>
      %dma_start3A_236 = arith.constant 0 : i32
      %dma_start3A_237 = tpu.memref_slice %arg7[%run_scoped3A_225, %dma_start3A_236] : memref<14x32xi32, #tpu.memory_space<vmem>> -> memref<1x32xi32, #tpu.memory_space<vmem>>
      %dma_start3A_238 = tpu.memref_squeeze %dma_start3A_237 : memref<1x32xi32, #tpu.memory_space<vmem>> -> memref<32xi32, #tpu.memory_space<vmem>>
      %dma_start3A_239 = arith.constant 0 : i32
      %dma_start3A_240 = arith.constant 0 : i32
      %dma_start3A_241 = tpu.memref_slice %arg4[%dma_start3A_239, %dma_start3A_240] : memref<448x128xf32, #tpu.memory_space<vmem_shared>> -> memref<448x128xf32, #tpu.memory_space<vmem_shared>>
      tpu.enqueue_indirect_dma source(%dma_start3A_235 : memref<32x128xf32, #tpu.memory_space<vmem>>) target(%dma_start3A_241 : memref<448x128xf32, #tpu.memory_space<vmem_shared>>) offsets(%dma_start3A_238 : memref<32xi32, #tpu.memory_space<vmem>>) semaphore(%run_scoped3A_233 : memref<!tpu.dma_semaphore, #tpu.memory_space<semaphore_mem>>) {add = true}
      %dma_wait3A = arith.constant 384 : i32
      %dma_wait3A_242 = arith.constant 0 : i32
      %dma_wait3A_243 = tpu.memref_slice %arg6[%dma_wait3A, %dma_wait3A_242] : memref<448x128xf32, #tpu.memory_space<vmem>> -> memref<32x128xf32, #tpu.memory_space<vmem>>
      %dma_wait3A_244 = arith.constant 0 : i32
      %dma_wait3A_245 = tpu.memref_slice %arg7[%run_scoped3A_225, %dma_wait3A_244] : memref<14x32xi32, #tpu.memory_space<vmem>> -> memref<1x32xi32, #tpu.memory_space<vmem>>
      %dma_wait3A_246 = tpu.memref_squeeze %dma_wait3A_245 : memref<1x32xi32, #tpu.memory_space<vmem>> -> memref<32xi32, #tpu.memory_space<vmem>>
      %dma_wait3A_247 = arith.constant 0 : i32
      %dma_wait3A_248 = arith.constant 0 : i32
      %dma_wait3A_249 = tpu.memref_slice %arg4[%dma_wait3A_247, %dma_wait3A_248] : memref<448x128xf32, #tpu.memory_space<vmem_shared>> -> memref<448x128xf32, #tpu.memory_space<vmem_shared>>
      tpu.wait_indirect_dma semaphore(%run_scoped3A_233 : memref<!tpu.dma_semaphore, #tpu.memory_space<semaphore_mem>>) src(%dma_wait3A_243 : memref<32x128xf32, #tpu.memory_space<vmem>>) dst(%dma_wait3A_249 : memref<448x128xf32, #tpu.memory_space<vmem_shared>>)
      tpu.yield
    }) : () -> ()
    %run_scoped3A_226 = arith.constant 13 : i32
    "tpu.region"() ({
      %run_scoped3A_233 = tpu.sem_alloc : memref<!tpu.dma_semaphore, #tpu.memory_space<semaphore_mem>>
      %dma_start3A = arith.constant 416 : i32
      %dma_start3A_234 = arith.constant 0 : i32
      %dma_start3A_235 = tpu.memref_slice %arg6[%dma_start3A, %dma_start3A_234] : memref<448x128xf32, #tpu.memory_space<vmem>> -> memref<32x128xf32, #tpu.memory_space<vmem>>
      %dma_start3A_236 = arith.constant 0 : i32
      %dma_start3A_237 = tpu.memref_slice %arg7[%run_scoped3A_226, %dma_start3A_236] : memref<14x32xi32, #tpu.memory_space<vmem>> -> memref<1x32xi32, #tpu.memory_space<vmem>>
      %dma_start3A_238 = tpu.memref_squeeze %dma_start3A_237 : memref<1x32xi32, #tpu.memory_space<vmem>> -> memref<32xi32, #tpu.memory_space<vmem>>
      %dma_start3A_239 = arith.constant 0 : i32
      %dma_start3A_240 = arith.constant 0 : i32
      %dma_start3A_241 = tpu.memref_slice %arg4[%dma_start3A_239, %dma_start3A_240] : memref<448x128xf32, #tpu.memory_space<vmem_shared>> -> memref<448x128xf32, #tpu.memory_space<vmem_shared>>
      tpu.enqueue_indirect_dma source(%dma_start3A_235 : memref<32x128xf32, #tpu.memory_space<vmem>>) target(%dma_start3A_241 : memref<448x128xf32, #tpu.memory_space<vmem_shared>>) offsets(%dma_start3A_238 : memref<32xi32, #tpu.memory_space<vmem>>) semaphore(%run_scoped3A_233 : memref<!tpu.dma_semaphore, #tpu.memory_space<semaphore_mem>>) {add = true}
      %dma_wait3A = arith.constant 416 : i32
      %dma_wait3A_242 = arith.constant 0 : i32
      %dma_wait3A_243 = tpu.memref_slice %arg6[%dma_wait3A, %dma_wait3A_242] : memref<448x128xf32, #tpu.memory_space<vmem>> -> memref<32x128xf32, #tpu.memory_space<vmem>>
      %dma_wait3A_244 = arith.constant 0 : i32
      %dma_wait3A_245 = tpu.memref_slice %arg7[%run_scoped3A_226, %dma_wait3A_244] : memref<14x32xi32, #tpu.memory_space<vmem>> -> memref<1x32xi32, #tpu.memory_space<vmem>>
      %dma_wait3A_246 = tpu.memref_squeeze %dma_wait3A_245 : memref<1x32xi32, #tpu.memory_space<vmem>> -> memref<32xi32, #tpu.memory_space<vmem>>
      %dma_wait3A_247 = arith.constant 0 : i32
      %dma_wait3A_248 = arith.constant 0 : i32
      %dma_wait3A_249 = tpu.memref_slice %arg4[%dma_wait3A_247, %dma_wait3A_248] : memref<448x128xf32, #tpu.memory_space<vmem_shared>> -> memref<448x128xf32, #tpu.memory_space<vmem_shared>>
      tpu.wait_indirect_dma semaphore(%run_scoped3A_233 : memref<!tpu.dma_semaphore, #tpu.memory_space<semaphore_mem>>) src(%dma_wait3A_243 : memref<32x128xf32, #tpu.memory_space<vmem>>) dst(%dma_wait3A_249 : memref<448x128xf32, #tpu.memory_space<vmem_shared>>)
      tpu.yield
    }) : () -> ()
    %barrier3A_227 = arith.constant 0 : index
    tpu.barrier barrier_id(%barrier3A_227)
    %lt3A_228 = arith.constant 14 : i32
    %lt3A_229 = arith.cmpi slt, %arg1, %lt3A_228 : i32
    %convert_element_type3A_230 = arith.extui %lt3A_229 : i1 to i32
    %cond3A_231 = arith.constant 0 : i32
    %cond3A_232 = arith.cmpi ne, %convert_element_type3A_230, %cond3A_231 : i32
    scf.if %cond3A_232 {
      %mul3A_233 = arith.constant 32 : i32
      %mul3A_234 = arith.muli %arg1, %mul3A_233 : i32
      %mul3A_235 = arith.constant 32 : i32
      %mul3A_236 = arith.muli %arg1, %mul3A_235 : i32
      "tpu.region"() ({
        %run_scoped3A_237 = tpu.sem_alloc : memref<!tpu.dma_semaphore, #tpu.memory_space<semaphore_mem>>
        %dma_start3A = arith.constant 0 : i32
        %dma_start3A_238 = tpu.memref_slice %arg3[%arg0, %mul3A_236, %dma_start3A] : memref<2x448x128xf32, #tpu.memory_space<hbm>> -> memref<1x32x128xf32, #tpu.memory_space<hbm>>
        %dma_start3A_239 = tpu.memref_squeeze %dma_start3A_238 : memref<1x32x128xf32, #tpu.memory_space<hbm>> -> memref<32x128xf32, #tpu.memory_space<hbm>>
        %dma_start3A_240 = arith.constant 0 : i32
        %dma_start3A_241 = tpu.memref_slice %arg4[%mul3A_234, %dma_start3A_240] : memref<448x128xf32, #tpu.memory_space<vmem_shared>> -> memref<32x128xf32, #tpu.memory_space<vmem_shared>>
        tpu.enqueue_dma source(%dma_start3A_241 : memref<32x128xf32, #tpu.memory_space<vmem_shared>>) target(%dma_start3A_239 : memref<32x128xf32, #tpu.memory_space<hbm>>) target_semaphore(%run_scoped3A_237 : memref<!tpu.dma_semaphore, #tpu.memory_space<semaphore_mem>>)
        %dma_wait3A = arith.constant 0 : i32
        %dma_wait3A_242 = tpu.memref_slice %arg3[%arg0, %mul3A_236, %dma_wait3A] : memref<2x448x128xf32, #tpu.memory_space<hbm>> -> memref<1x32x128xf32, #tpu.memory_space<hbm>>
        %dma_wait3A_243 = tpu.memref_squeeze %dma_wait3A_242 : memref<1x32x128xf32, #tpu.memory_space<hbm>> -> memref<32x128xf32, #tpu.memory_space<hbm>>
        %dma_wait3A_244 = arith.constant 0 : i32
        %dma_wait3A_245 = tpu.memref_slice %arg4[%mul3A_234, %dma_wait3A_244] : memref<448x128xf32, #tpu.memory_space<vmem_shared>> -> memref<32x128xf32, #tpu.memory_space<vmem_shared>>
        tpu.wait_dma2 semaphore(%run_scoped3A_237 : memref<!tpu.dma_semaphore, #tpu.memory_space<semaphore_mem>>) src(%dma_wait3A_245 : memref<32x128xf32, #tpu.memory_space<vmem_shared>>) dst(%dma_wait3A_243 : memref<32x128xf32, #tpu.memory_space<hbm>>)
        tpu.yield
      }) : () -> ()
    } else {
    }
    return
  }
}

#map = affine_map<(d0, d1) -> (0, 0)>
#map1 = affine_map<(d0, d1) -> (0, 0, 0)>
module attributes {stable_mosaic.version = 14 : i64} {
  func.func @_sc_edge_body(%arg0: i32, %arg1: i32, %arg2: memref<50000x128xf32, #tpu.memory_space<hbm>>, %arg3: memref<32x128xf32, #tpu.memory_space<hbm>>, %arg4: memref<1248x3x512xi32, #tpu.memory_space<hbm>>, %arg5: memref<50176x128xf32, #tpu.memory_space<hbm>>, %arg6: memref<12552x128xf32, #tpu.memory_space<vmem_shared>>, %arg7: memref<3x512xi32, #tpu.memory_space<vmem>>, %arg8: memref<3x512xi32, #tpu.memory_space<vmem>>, %arg9: memref<128xi32, #tpu.memory_space<vmem>>, %arg10: memref<128xi32, #tpu.memory_space<vmem>>, %arg11: memref<128xi32, #tpu.memory_space<vmem>>, %arg12: memref<1x64xi32, #tpu.memory_space<vmem>>, %arg13: memref<64x128xf32, #tpu.memory_space<vmem>>, %arg14: memref<32x128xf32, #tpu.memory_space<vmem>>, %arg15: memref<!tpu.dma_semaphore, #tpu.memory_space<semaphore_mem>>, %arg16: memref<!tpu.dma_semaphore, #tpu.memory_space<semaphore_mem>>) attributes {dimension_semantics = [#tpu.dimension_semantics<core_parallel>, #tpu.dimension_semantics<subcore_parallel>], iteration_bounds = array<i64: 2, 16>, scalar_prefetch = 0 : i64, scratch_operands = 11 : i64, tpu.core_type = #tpu.core_type<sc_vector_subcore>, window_params = [{transform_indices = #map}, {transform_indices = #map}, {transform_indices = #map1}, {transform_indices = #map}]} {
    %broadcast_in_dim3A = arith.constant 0.000000e+00 : f32
    %broadcast_in_dim3A_0 = vector.broadcast %broadcast_in_dim3A : f32 to vector<16xf32>
    %iota3A = tpu.iota {dimensions = array<i32: 0>} : vector<16xi32>
    %mul3A = arith.constant 78 : i32
    %mul3A_1 = arith.muli %arg1, %mul3A : i32
    "tpu.region"() ({
      %run_scoped3A_418 = tpu.sem_alloc : memref<!tpu.dma_semaphore, #tpu.memory_space<semaphore_mem>>
      tpu.enqueue_dma source(%arg3 : memref<32x128xf32, #tpu.memory_space<hbm>>) target(%arg14 : memref<32x128xf32, #tpu.memory_space<vmem>>) target_semaphore(%run_scoped3A_418 : memref<!tpu.dma_semaphore, #tpu.memory_space<semaphore_mem>>)
      tpu.wait_dma2 semaphore(%run_scoped3A_418 : memref<!tpu.dma_semaphore, #tpu.memory_space<semaphore_mem>>) src(%arg3 : memref<32x128xf32, #tpu.memory_space<hbm>>) dst(%arg14 : memref<32x128xf32, #tpu.memory_space<vmem>>)
      tpu.yield
    }) : () -> ()
    %add3A = arith.constant 0 : i32
    %add3A_2 = arith.addi %add3A, %arg0 : i32
    %mul3A_3 = arith.constant 12544 : i32
    %mul3A_4 = arith.muli %add3A_2, %mul3A_3 : i32
    %scan3A = arith.constant 0 : i32
    %scan3A_5 = arith.constant 0 : i32
    %scan3A_6 = arith.constant 64 : i32
    %scan3A_7 = arith.addi %scan3A_5, %scan3A_6 : i32
    %scan3A_8 = arith.constant 1 : i32
    %scan3A_9 = scf.for %scan3A_418 = %scan3A_5 to %scan3A_7 step %scan3A_8 iter_args(%scan3A_419 = %scan3A) -> (i32)  : i32 {
      %swap3A_420 = arith.index_cast %scan3A_418 : i32 to index
      %swap3A_421 = arith.constant 0 : index
      %swap3A_422 = tpu.vector_load %arg13[%swap3A_420, %swap3A_421] {strides = array<i32>} : memref<64x128xf32, #tpu.memory_space<vmem>>, vector<16xf32>,
      tpu.vector_store %arg13[%swap3A_420, %swap3A_421], %broadcast_in_dim3A_0 {strides = array<i32>} : memref<64x128xf32, #tpu.memory_space<vmem>>, vector<16xf32>,
      %swap3A_423 = arith.index_cast %scan3A_418 : i32 to index
      %swap3A_424 = arith.constant 16 : index
      %swap3A_425 = tpu.vector_load %arg13[%swap3A_423, %swap3A_424] {strides = array<i32>} : memref<64x128xf32, #tpu.memory_space<vmem>>, vector<16xf32>,
      tpu.vector_store %arg13[%swap3A_423, %swap3A_424], %broadcast_in_dim3A_0 {strides = array<i32>} : memref<64x128xf32, #tpu.memory_space<vmem>>, vector<16xf32>,
      %swap3A_426 = arith.index_cast %scan3A_418 : i32 to index
      %swap3A_427 = arith.constant 32 : index
      %swap3A_428 = tpu.vector_load %arg13[%swap3A_426, %swap3A_427] {strides = array<i32>} : memref<64x128xf32, #tpu.memory_space<vmem>>, vector<16xf32>,
      tpu.vector_store %arg13[%swap3A_426, %swap3A_427], %broadcast_in_dim3A_0 {strides = array<i32>} : memref<64x128xf32, #tpu.memory_space<vmem>>, vector<16xf32>,
      %swap3A_429 = arith.index_cast %scan3A_418 : i32 to index
      %swap3A_430 = arith.constant 48 : index
      %swap3A_431 = tpu.vector_load %arg13[%swap3A_429, %swap3A_430] {strides = array<i32>} : memref<64x128xf32, #tpu.memory_space<vmem>>, vector<16xf32>,
      tpu.vector_store %arg13[%swap3A_429, %swap3A_430], %broadcast_in_dim3A_0 {strides = array<i32>} : memref<64x128xf32, #tpu.memory_space<vmem>>, vector<16xf32>,
      %swap3A_432 = arith.index_cast %scan3A_418 : i32 to index
      %swap3A_433 = arith.constant 64 : index
      %swap3A_434 = tpu.vector_load %arg13[%swap3A_432, %swap3A_433] {strides = array<i32>} : memref<64x128xf32, #tpu.memory_space<vmem>>, vector<16xf32>,
      tpu.vector_store %arg13[%swap3A_432, %swap3A_433], %broadcast_in_dim3A_0 {strides = array<i32>} : memref<64x128xf32, #tpu.memory_space<vmem>>, vector<16xf32>,
      %swap3A_435 = arith.index_cast %scan3A_418 : i32 to index
      %swap3A_436 = arith.constant 80 : index
      %swap3A_437 = tpu.vector_load %arg13[%swap3A_435, %swap3A_436] {strides = array<i32>} : memref<64x128xf32, #tpu.memory_space<vmem>>, vector<16xf32>,
      tpu.vector_store %arg13[%swap3A_435, %swap3A_436], %broadcast_in_dim3A_0 {strides = array<i32>} : memref<64x128xf32, #tpu.memory_space<vmem>>, vector<16xf32>,
      %swap3A_438 = arith.index_cast %scan3A_418 : i32 to index
      %swap3A_439 = arith.constant 96 : index
      %swap3A_440 = tpu.vector_load %arg13[%swap3A_438, %swap3A_439] {strides = array<i32>} : memref<64x128xf32, #tpu.memory_space<vmem>>, vector<16xf32>,
      tpu.vector_store %arg13[%swap3A_438, %swap3A_439], %broadcast_in_dim3A_0 {strides = array<i32>} : memref<64x128xf32, #tpu.memory_space<vmem>>, vector<16xf32>,
      %swap3A_441 = arith.index_cast %scan3A_418 : i32 to index
      %swap3A_442 = arith.constant 112 : index
      %swap3A_443 = tpu.vector_load %arg13[%swap3A_441, %swap3A_442] {strides = array<i32>} : memref<64x128xf32, #tpu.memory_space<vmem>>, vector<16xf32>,
      tpu.vector_store %arg13[%swap3A_441, %swap3A_442], %broadcast_in_dim3A_0 {strides = array<i32>} : memref<64x128xf32, #tpu.memory_space<vmem>>, vector<16xf32>,
      %scan3A_444 = arith.constant 0 : i32
      scf.yield %scan3A_444 : i32
    }
    %scan3A_10 = arith.constant 64 : i32
    %mul3A_11 = arith.constant 784 : i32
    %mul3A_12 = arith.muli %arg1, %mul3A_11 : i32
    %add3A_13 = arith.constant 0 : i32
    %add3A_14 = arith.addi %mul3A_12, %add3A_13 : i32
    "tpu.region"() ({
      %run_scoped3A_418 = tpu.sem_alloc : memref<!tpu.dma_semaphore, #tpu.memory_space<semaphore_mem>>
      %dma_start3A_419 = arith.constant 0 : i32
      %dma_start3A_420 = tpu.memref_slice %arg6[%add3A_14, %dma_start3A_419] : memref<12552x128xf32, #tpu.memory_space<vmem_shared>> -> memref<64x128xf32, #tpu.memory_space<vmem_shared>>
      %dma_start3A_421 = arith.constant 0 : i32
      %dma_start3A_422 = tpu.memref_slice %arg6[%add3A_14, %dma_start3A_421] : memref<12552x128xf32, #tpu.memory_space<vmem_shared>> -> memref<64x128xf32, #tpu.memory_space<vmem_shared>>
      tpu.enqueue_dma source(%arg13 : memref<64x128xf32, #tpu.memory_space<vmem>>) target(%dma_start3A_422 : memref<64x128xf32, #tpu.memory_space<vmem_shared>>) target_semaphore(%run_scoped3A_418 : memref<!tpu.dma_semaphore, #tpu.memory_space<semaphore_mem>>)
      %dma_wait3A_423 = arith.constant 0 : i32
      %dma_wait3A_424 = tpu.memref_slice %arg6[%add3A_14, %dma_wait3A_423] : memref<12552x128xf32, #tpu.memory_space<vmem_shared>> -> memref<64x128xf32, #tpu.memory_space<vmem_shared>>
      %dma_wait3A_425 = arith.constant 0 : i32
      %dma_wait3A_426 = tpu.memref_slice %arg6[%add3A_14, %dma_wait3A_425] : memref<12552x128xf32, #tpu.memory_space<vmem_shared>> -> memref<64x128xf32, #tpu.memory_space<vmem_shared>>
      tpu.wait_dma2 semaphore(%run_scoped3A_418 : memref<!tpu.dma_semaphore, #tpu.memory_space<semaphore_mem>>) src(%arg13 : memref<64x128xf32, #tpu.memory_space<vmem>>) dst(%dma_wait3A_426 : memref<64x128xf32, #tpu.memory_space<vmem_shared>>)
      tpu.yield
    }) : () -> ()
    %mul3A_15 = arith.constant 784 : i32
    %mul3A_16 = arith.muli %arg1, %mul3A_15 : i32
    %add3A_17 = arith.constant 64 : i32
    %add3A_18 = arith.addi %mul3A_16, %add3A_17 : i32
    "tpu.region"() ({
      %run_scoped3A_418 = tpu.sem_alloc : memref<!tpu.dma_semaphore, #tpu.memory_space<semaphore_mem>>
      %dma_start3A_419 = arith.constant 0 : i32
      %dma_start3A_420 = tpu.memref_slice %arg6[%add3A_18, %dma_start3A_419] : memref<12552x128xf32, #tpu.memory_space<vmem_shared>> -> memref<64x128xf32, #tpu.memory_space<vmem_shared>>
      %dma_start3A_421 = arith.constant 0 : i32
      %dma_start3A_422 = tpu.memref_slice %arg6[%add3A_18, %dma_start3A_421] : memref<12552x128xf32, #tpu.memory_space<vmem_shared>> -> memref<64x128xf32, #tpu.memory_space<vmem_shared>>
      tpu.enqueue_dma source(%arg13 : memref<64x128xf32, #tpu.memory_space<vmem>>) target(%dma_start3A_422 : memref<64x128xf32, #tpu.memory_space<vmem_shared>>) target_semaphore(%run_scoped3A_418 : memref<!tpu.dma_semaphore, #tpu.memory_space<semaphore_mem>>)
      %dma_wait3A_423 = arith.constant 0 : i32
      %dma_wait3A_424 = tpu.memref_slice %arg6[%add3A_18, %dma_wait3A_423] : memref<12552x128xf32, #tpu.memory_space<vmem_shared>> -> memref<64x128xf32, #tpu.memory_space<vmem_shared>>
      %dma_wait3A_425 = arith.constant 0 : i32
      %dma_wait3A_426 = tpu.memref_slice %arg6[%add3A_18, %dma_wait3A_425] : memref<12552x128xf32, #tpu.memory_space<vmem_shared>> -> memref<64x128xf32, #tpu.memory_space<vmem_shared>>
      tpu.wait_dma2 semaphore(%run_scoped3A_418 : memref<!tpu.dma_semaphore, #tpu.memory_space<semaphore_mem>>) src(%arg13 : memref<64x128xf32, #tpu.memory_space<vmem>>) dst(%dma_wait3A_426 : memref<64x128xf32, #tpu.memory_space<vmem_shared>>)
      tpu.yield
    }) : () -> ()
    %mul3A_19 = arith.constant 784 : i32
    %mul3A_20 = arith.muli %arg1, %mul3A_19 : i32
    %add3A_21 = arith.constant 128 : i32
    %add3A_22 = arith.addi %mul3A_20, %add3A_21 : i32
    "tpu.region"() ({
      %run_scoped3A_418 = tpu.sem_alloc : memref<!tpu.dma_semaphore, #tpu.memory_space<semaphore_mem>>
      %dma_start3A_419 = arith.constant 0 : i32
      %dma_start3A_420 = tpu.memref_slice %arg6[%add3A_22, %dma_start3A_419] : memref<12552x128xf32, #tpu.memory_space<vmem_shared>> -> memref<64x128xf32, #tpu.memory_space<vmem_shared>>
      %dma_start3A_421 = arith.constant 0 : i32
      %dma_start3A_422 = tpu.memref_slice %arg6[%add3A_22, %dma_start3A_421] : memref<12552x128xf32, #tpu.memory_space<vmem_shared>> -> memref<64x128xf32, #tpu.memory_space<vmem_shared>>
      tpu.enqueue_dma source(%arg13 : memref<64x128xf32, #tpu.memory_space<vmem>>) target(%dma_start3A_422 : memref<64x128xf32, #tpu.memory_space<vmem_shared>>) target_semaphore(%run_scoped3A_418 : memref<!tpu.dma_semaphore, #tpu.memory_space<semaphore_mem>>)
      %dma_wait3A_423 = arith.constant 0 : i32
      %dma_wait3A_424 = tpu.memref_slice %arg6[%add3A_22, %dma_wait3A_423] : memref<12552x128xf32, #tpu.memory_space<vmem_shared>> -> memref<64x128xf32, #tpu.memory_space<vmem_shared>>
      %dma_wait3A_425 = arith.constant 0 : i32
      %dma_wait3A_426 = tpu.memref_slice %arg6[%add3A_22, %dma_wait3A_425] : memref<12552x128xf32, #tpu.memory_space<vmem_shared>> -> memref<64x128xf32, #tpu.memory_space<vmem_shared>>
      tpu.wait_dma2 semaphore(%run_scoped3A_418 : memref<!tpu.dma_semaphore, #tpu.memory_space<semaphore_mem>>) src(%arg13 : memref<64x128xf32, #tpu.memory_space<vmem>>) dst(%dma_wait3A_426 : memref<64x128xf32, #tpu.memory_space<vmem_shared>>)
      tpu.yield
    }) : () -> ()
    %mul3A_23 = arith.constant 784 : i32
    %mul3A_24 = arith.muli %arg1, %mul3A_23 : i32
    %add3A_25 = arith.constant 192 : i32
    %add3A_26 = arith.addi %mul3A_24, %add3A_25 : i32
    "tpu.region"() ({
      %run_scoped3A_418 = tpu.sem_alloc : memref<!tpu.dma_semaphore, #tpu.memory_space<semaphore_mem>>
      %dma_start3A_419 = arith.constant 0 : i32
      %dma_start3A_420 = tpu.memref_slice %arg6[%add3A_26, %dma_start3A_419] : memref<12552x128xf32, #tpu.memory_space<vmem_shared>> -> memref<64x128xf32, #tpu.memory_space<vmem_shared>>
      %dma_start3A_421 = arith.constant 0 : i32
      %dma_start3A_422 = tpu.memref_slice %arg6[%add3A_26, %dma_start3A_421] : memref<12552x128xf32, #tpu.memory_space<vmem_shared>> -> memref<64x128xf32, #tpu.memory_space<vmem_shared>>
      tpu.enqueue_dma source(%arg13 : memref<64x128xf32, #tpu.memory_space<vmem>>) target(%dma_start3A_422 : memref<64x128xf32, #tpu.memory_space<vmem_shared>>) target_semaphore(%run_scoped3A_418 : memref<!tpu.dma_semaphore, #tpu.memory_space<semaphore_mem>>)
      %dma_wait3A_423 = arith.constant 0 : i32
      %dma_wait3A_424 = tpu.memref_slice %arg6[%add3A_26, %dma_wait3A_423] : memref<12552x128xf32, #tpu.memory_space<vmem_shared>> -> memref<64x128xf32, #tpu.memory_space<vmem_shared>>
      %dma_wait3A_425 = arith.constant 0 : i32
      %dma_wait3A_426 = tpu.memref_slice %arg6[%add3A_26, %dma_wait3A_425] : memref<12552x128xf32, #tpu.memory_space<vmem_shared>> -> memref<64x128xf32, #tpu.memory_space<vmem_shared>>
      tpu.wait_dma2 semaphore(%run_scoped3A_418 : memref<!tpu.dma_semaphore, #tpu.memory_space<semaphore_mem>>) src(%arg13 : memref<64x128xf32, #tpu.memory_space<vmem>>) dst(%dma_wait3A_426 : memref<64x128xf32, #tpu.memory_space<vmem_shared>>)
      tpu.yield
    }) : () -> ()
    %mul3A_27 = arith.constant 784 : i32
    %mul3A_28 = arith.muli %arg1, %mul3A_27 : i32
    %add3A_29 = arith.constant 256 : i32
    %add3A_30 = arith.addi %mul3A_28, %add3A_29 : i32
    "tpu.region"() ({
      %run_scoped3A_418 = tpu.sem_alloc : memref<!tpu.dma_semaphore, #tpu.memory_space<semaphore_mem>>
      %dma_start3A_419 = arith.constant 0 : i32
      %dma_start3A_420 = tpu.memref_slice %arg6[%add3A_30, %dma_start3A_419] : memref<12552x128xf32, #tpu.memory_space<vmem_shared>> -> memref<64x128xf32, #tpu.memory_space<vmem_shared>>
      %dma_start3A_421 = arith.constant 0 : i32
      %dma_start3A_422 = tpu.memref_slice %arg6[%add3A_30, %dma_start3A_421] : memref<12552x128xf32, #tpu.memory_space<vmem_shared>> -> memref<64x128xf32, #tpu.memory_space<vmem_shared>>
      tpu.enqueue_dma source(%arg13 : memref<64x128xf32, #tpu.memory_space<vmem>>) target(%dma_start3A_422 : memref<64x128xf32, #tpu.memory_space<vmem_shared>>) target_semaphore(%run_scoped3A_418 : memref<!tpu.dma_semaphore, #tpu.memory_space<semaphore_mem>>)
      %dma_wait3A_423 = arith.constant 0 : i32
      %dma_wait3A_424 = tpu.memref_slice %arg6[%add3A_30, %dma_wait3A_423] : memref<12552x128xf32, #tpu.memory_space<vmem_shared>> -> memref<64x128xf32, #tpu.memory_space<vmem_shared>>
      %dma_wait3A_425 = arith.constant 0 : i32
      %dma_wait3A_426 = tpu.memref_slice %arg6[%add3A_30, %dma_wait3A_425] : memref<12552x128xf32, #tpu.memory_space<vmem_shared>> -> memref<64x128xf32, #tpu.memory_space<vmem_shared>>
      tpu.wait_dma2 semaphore(%run_scoped3A_418 : memref<!tpu.dma_semaphore, #tpu.memory_space<semaphore_mem>>) src(%arg13 : memref<64x128xf32, #tpu.memory_space<vmem>>) dst(%dma_wait3A_426 : memref<64x128xf32, #tpu.memory_space<vmem_shared>>)
      tpu.yield
    }) : () -> ()
    %mul3A_31 = arith.constant 784 : i32
    %mul3A_32 = arith.muli %arg1, %mul3A_31 : i32
    %add3A_33 = arith.constant 320 : i32
    %add3A_34 = arith.addi %mul3A_32, %add3A_33 : i32
    "tpu.region"() ({
      %run_scoped3A_418 = tpu.sem_alloc : memref<!tpu.dma_semaphore, #tpu.memory_space<semaphore_mem>>
      %dma_start3A_419 = arith.constant 0 : i32
      %dma_start3A_420 = tpu.memref_slice %arg6[%add3A_34, %dma_start3A_419] : memref<12552x128xf32, #tpu.memory_space<vmem_shared>> -> memref<64x128xf32, #tpu.memory_space<vmem_shared>>
      %dma_start3A_421 = arith.constant 0 : i32
      %dma_start3A_422 = tpu.memref_slice %arg6[%add3A_34, %dma_start3A_421] : memref<12552x128xf32, #tpu.memory_space<vmem_shared>> -> memref<64x128xf32, #tpu.memory_space<vmem_shared>>
      tpu.enqueue_dma source(%arg13 : memref<64x128xf32, #tpu.memory_space<vmem>>) target(%dma_start3A_422 : memref<64x128xf32, #tpu.memory_space<vmem_shared>>) target_semaphore(%run_scoped3A_418 : memref<!tpu.dma_semaphore, #tpu.memory_space<semaphore_mem>>)
      %dma_wait3A_423 = arith.constant 0 : i32
      %dma_wait3A_424 = tpu.memref_slice %arg6[%add3A_34, %dma_wait3A_423] : memref<12552x128xf32, #tpu.memory_space<vmem_shared>> -> memref<64x128xf32, #tpu.memory_space<vmem_shared>>
      %dma_wait3A_425 = arith.constant 0 : i32
      %dma_wait3A_426 = tpu.memref_slice %arg6[%add3A_34, %dma_wait3A_425] : memref<12552x128xf32, #tpu.memory_space<vmem_shared>> -> memref<64x128xf32, #tpu.memory_space<vmem_shared>>
      tpu.wait_dma2 semaphore(%run_scoped3A_418 : memref<!tpu.dma_semaphore, #tpu.memory_space<semaphore_mem>>) src(%arg13 : memref<64x128xf32, #tpu.memory_space<vmem>>) dst(%dma_wait3A_426 : memref<64x128xf32, #tpu.memory_space<vmem_shared>>)
      tpu.yield
    }) : () -> ()
    %mul3A_35 = arith.constant 784 : i32
    %mul3A_36 = arith.muli %arg1, %mul3A_35 : i32
    %add3A_37 = arith.constant 384 : i32
    %add3A_38 = arith.addi %mul3A_36, %add3A_37 : i32
    "tpu.region"() ({
      %run_scoped3A_418 = tpu.sem_alloc : memref<!tpu.dma_semaphore, #tpu.memory_space<semaphore_mem>>
      %dma_start3A_419 = arith.constant 0 : i32
      %dma_start3A_420 = tpu.memref_slice %arg6[%add3A_38, %dma_start3A_419] : memref<12552x128xf32, #tpu.memory_space<vmem_shared>> -> memref<64x128xf32, #tpu.memory_space<vmem_shared>>
      %dma_start3A_421 = arith.constant 0 : i32
      %dma_start3A_422 = tpu.memref_slice %arg6[%add3A_38, %dma_start3A_421] : memref<12552x128xf32, #tpu.memory_space<vmem_shared>> -> memref<64x128xf32, #tpu.memory_space<vmem_shared>>
      tpu.enqueue_dma source(%arg13 : memref<64x128xf32, #tpu.memory_space<vmem>>) target(%dma_start3A_422 : memref<64x128xf32, #tpu.memory_space<vmem_shared>>) target_semaphore(%run_scoped3A_418 : memref<!tpu.dma_semaphore, #tpu.memory_space<semaphore_mem>>)
      %dma_wait3A_423 = arith.constant 0 : i32
      %dma_wait3A_424 = tpu.memref_slice %arg6[%add3A_38, %dma_wait3A_423] : memref<12552x128xf32, #tpu.memory_space<vmem_shared>> -> memref<64x128xf32, #tpu.memory_space<vmem_shared>>
      %dma_wait3A_425 = arith.constant 0 : i32
      %dma_wait3A_426 = tpu.memref_slice %arg6[%add3A_38, %dma_wait3A_425] : memref<12552x128xf32, #tpu.memory_space<vmem_shared>> -> memref<64x128xf32, #tpu.memory_space<vmem_shared>>
      tpu.wait_dma2 semaphore(%run_scoped3A_418 : memref<!tpu.dma_semaphore, #tpu.memory_space<semaphore_mem>>) src(%arg13 : memref<64x128xf32, #tpu.memory_space<vmem>>) dst(%dma_wait3A_426 : memref<64x128xf32, #tpu.memory_space<vmem_shared>>)
      tpu.yield
    }) : () -> ()
    %mul3A_39 = arith.constant 784 : i32
    %mul3A_40 = arith.muli %arg1, %mul3A_39 : i32
    %add3A_41 = arith.constant 448 : i32
    %add3A_42 = arith.addi %mul3A_40, %add3A_41 : i32
    "tpu.region"() ({
      %run_scoped3A_418 = tpu.sem_alloc : memref<!tpu.dma_semaphore, #tpu.memory_space<semaphore_mem>>
      %dma_start3A_419 = arith.constant 0 : i32
      %dma_start3A_420 = tpu.memref_slice %arg6[%add3A_42, %dma_start3A_419] : memref<12552x128xf32, #tpu.memory_space<vmem_shared>> -> memref<64x128xf32, #tpu.memory_space<vmem_shared>>
      %dma_start3A_421 = arith.constant 0 : i32
      %dma_start3A_422 = tpu.memref_slice %arg6[%add3A_42, %dma_start3A_421] : memref<12552x128xf32, #tpu.memory_space<vmem_shared>> -> memref<64x128xf32, #tpu.memory_space<vmem_shared>>
      tpu.enqueue_dma source(%arg13 : memref<64x128xf32, #tpu.memory_space<vmem>>) target(%dma_start3A_422 : memref<64x128xf32, #tpu.memory_space<vmem_shared>>) target_semaphore(%run_scoped3A_418 : memref<!tpu.dma_semaphore, #tpu.memory_space<semaphore_mem>>)
      %dma_wait3A_423 = arith.constant 0 : i32
      %dma_wait3A_424 = tpu.memref_slice %arg6[%add3A_42, %dma_wait3A_423] : memref<12552x128xf32, #tpu.memory_space<vmem_shared>> -> memref<64x128xf32, #tpu.memory_space<vmem_shared>>
      %dma_wait3A_425 = arith.constant 0 : i32
      %dma_wait3A_426 = tpu.memref_slice %arg6[%add3A_42, %dma_wait3A_425] : memref<12552x128xf32, #tpu.memory_space<vmem_shared>> -> memref<64x128xf32, #tpu.memory_space<vmem_shared>>
      tpu.wait_dma2 semaphore(%run_scoped3A_418 : memref<!tpu.dma_semaphore, #tpu.memory_space<semaphore_mem>>) src(%arg13 : memref<64x128xf32, #tpu.memory_space<vmem>>) dst(%dma_wait3A_426 : memref<64x128xf32, #tpu.memory_space<vmem_shared>>)
      tpu.yield
    }) : () -> ()
    %mul3A_43 = arith.constant 784 : i32
    %mul3A_44 = arith.muli %arg1, %mul3A_43 : i32
    %add3A_45 = arith.constant 512 : i32
    %add3A_46 = arith.addi %mul3A_44, %add3A_45 : i32
    "tpu.region"() ({
      %run_scoped3A_418 = tpu.sem_alloc : memref<!tpu.dma_semaphore, #tpu.memory_space<semaphore_mem>>
      %dma_start3A_419 = arith.constant 0 : i32
      %dma_start3A_420 = tpu.memref_slice %arg6[%add3A_46, %dma_start3A_419] : memref<12552x128xf32, #tpu.memory_space<vmem_shared>> -> memref<64x128xf32, #tpu.memory_space<vmem_shared>>
      %dma_start3A_421 = arith.constant 0 : i32
      %dma_start3A_422 = tpu.memref_slice %arg6[%add3A_46, %dma_start3A_421] : memref<12552x128xf32, #tpu.memory_space<vmem_shared>> -> memref<64x128xf32, #tpu.memory_space<vmem_shared>>
      tpu.enqueue_dma source(%arg13 : memref<64x128xf32, #tpu.memory_space<vmem>>) target(%dma_start3A_422 : memref<64x128xf32, #tpu.memory_space<vmem_shared>>) target_semaphore(%run_scoped3A_418 : memref<!tpu.dma_semaphore, #tpu.memory_space<semaphore_mem>>)
      %dma_wait3A_423 = arith.constant 0 : i32
      %dma_wait3A_424 = tpu.memref_slice %arg6[%add3A_46, %dma_wait3A_423] : memref<12552x128xf32, #tpu.memory_space<vmem_shared>> -> memref<64x128xf32, #tpu.memory_space<vmem_shared>>
      %dma_wait3A_425 = arith.constant 0 : i32
      %dma_wait3A_426 = tpu.memref_slice %arg6[%add3A_46, %dma_wait3A_425] : memref<12552x128xf32, #tpu.memory_space<vmem_shared>> -> memref<64x128xf32, #tpu.memory_space<vmem_shared>>
      tpu.wait_dma2 semaphore(%run_scoped3A_418 : memref<!tpu.dma_semaphore, #tpu.memory_space<semaphore_mem>>) src(%arg13 : memref<64x128xf32, #tpu.memory_space<vmem>>) dst(%dma_wait3A_426 : memref<64x128xf32, #tpu.memory_space<vmem_shared>>)
      tpu.yield
    }) : () -> ()
    %mul3A_47 = arith.constant 784 : i32
    %mul3A_48 = arith.muli %arg1, %mul3A_47 : i32
    %add3A_49 = arith.constant 576 : i32
    %add3A_50 = arith.addi %mul3A_48, %add3A_49 : i32
    "tpu.region"() ({
      %run_scoped3A_418 = tpu.sem_alloc : memref<!tpu.dma_semaphore, #tpu.memory_space<semaphore_mem>>
      %dma_start3A_419 = arith.constant 0 : i32
      %dma_start3A_420 = tpu.memref_slice %arg6[%add3A_50, %dma_start3A_419] : memref<12552x128xf32, #tpu.memory_space<vmem_shared>> -> memref<64x128xf32, #tpu.memory_space<vmem_shared>>
      %dma_start3A_421 = arith.constant 0 : i32
      %dma_start3A_422 = tpu.memref_slice %arg6[%add3A_50, %dma_start3A_421] : memref<12552x128xf32, #tpu.memory_space<vmem_shared>> -> memref<64x128xf32, #tpu.memory_space<vmem_shared>>
      tpu.enqueue_dma source(%arg13 : memref<64x128xf32, #tpu.memory_space<vmem>>) target(%dma_start3A_422 : memref<64x128xf32, #tpu.memory_space<vmem_shared>>) target_semaphore(%run_scoped3A_418 : memref<!tpu.dma_semaphore, #tpu.memory_space<semaphore_mem>>)
      %dma_wait3A_423 = arith.constant 0 : i32
      %dma_wait3A_424 = tpu.memref_slice %arg6[%add3A_50, %dma_wait3A_423] : memref<12552x128xf32, #tpu.memory_space<vmem_shared>> -> memref<64x128xf32, #tpu.memory_space<vmem_shared>>
      %dma_wait3A_425 = arith.constant 0 : i32
      %dma_wait3A_426 = tpu.memref_slice %arg6[%add3A_50, %dma_wait3A_425] : memref<12552x128xf32, #tpu.memory_space<vmem_shared>> -> memref<64x128xf32, #tpu.memory_space<vmem_shared>>
      tpu.wait_dma2 semaphore(%run_scoped3A_418 : memref<!tpu.dma_semaphore, #tpu.memory_space<semaphore_mem>>) src(%arg13 : memref<64x128xf32, #tpu.memory_space<vmem>>) dst(%dma_wait3A_426 : memref<64x128xf32, #tpu.memory_space<vmem_shared>>)
      tpu.yield
    }) : () -> ()
    %mul3A_51 = arith.constant 784 : i32
    %mul3A_52 = arith.muli %arg1, %mul3A_51 : i32
    %add3A_53 = arith.constant 640 : i32
    %add3A_54 = arith.addi %mul3A_52, %add3A_53 : i32
    "tpu.region"() ({
      %run_scoped3A_418 = tpu.sem_alloc : memref<!tpu.dma_semaphore, #tpu.memory_space<semaphore_mem>>
      %dma_start3A_419 = arith.constant 0 : i32
      %dma_start3A_420 = tpu.memref_slice %arg6[%add3A_54, %dma_start3A_419] : memref<12552x128xf32, #tpu.memory_space<vmem_shared>> -> memref<64x128xf32, #tpu.memory_space<vmem_shared>>
      %dma_start3A_421 = arith.constant 0 : i32
      %dma_start3A_422 = tpu.memref_slice %arg6[%add3A_54, %dma_start3A_421] : memref<12552x128xf32, #tpu.memory_space<vmem_shared>> -> memref<64x128xf32, #tpu.memory_space<vmem_shared>>
      tpu.enqueue_dma source(%arg13 : memref<64x128xf32, #tpu.memory_space<vmem>>) target(%dma_start3A_422 : memref<64x128xf32, #tpu.memory_space<vmem_shared>>) target_semaphore(%run_scoped3A_418 : memref<!tpu.dma_semaphore, #tpu.memory_space<semaphore_mem>>)
      %dma_wait3A_423 = arith.constant 0 : i32
      %dma_wait3A_424 = tpu.memref_slice %arg6[%add3A_54, %dma_wait3A_423] : memref<12552x128xf32, #tpu.memory_space<vmem_shared>> -> memref<64x128xf32, #tpu.memory_space<vmem_shared>>
      %dma_wait3A_425 = arith.constant 0 : i32
      %dma_wait3A_426 = tpu.memref_slice %arg6[%add3A_54, %dma_wait3A_425] : memref<12552x128xf32, #tpu.memory_space<vmem_shared>> -> memref<64x128xf32, #tpu.memory_space<vmem_shared>>
      tpu.wait_dma2 semaphore(%run_scoped3A_418 : memref<!tpu.dma_semaphore, #tpu.memory_space<semaphore_mem>>) src(%arg13 : memref<64x128xf32, #tpu.memory_space<vmem>>) dst(%dma_wait3A_426 : memref<64x128xf32, #tpu.memory_space<vmem_shared>>)
      tpu.yield
    }) : () -> ()
    %mul3A_55 = arith.constant 784 : i32
    %mul3A_56 = arith.muli %arg1, %mul3A_55 : i32
    %add3A_57 = arith.constant 704 : i32
    %add3A_58 = arith.addi %mul3A_56, %add3A_57 : i32
    "tpu.region"() ({
      %run_scoped3A_418 = tpu.sem_alloc : memref<!tpu.dma_semaphore, #tpu.memory_space<semaphore_mem>>
      %dma_start3A_419 = arith.constant 0 : i32
      %dma_start3A_420 = tpu.memref_slice %arg6[%add3A_58, %dma_start3A_419] : memref<12552x128xf32, #tpu.memory_space<vmem_shared>> -> memref<64x128xf32, #tpu.memory_space<vmem_shared>>
      %dma_start3A_421 = arith.constant 0 : i32
      %dma_start3A_422 = tpu.memref_slice %arg6[%add3A_58, %dma_start3A_421] : memref<12552x128xf32, #tpu.memory_space<vmem_shared>> -> memref<64x128xf32, #tpu.memory_space<vmem_shared>>
      tpu.enqueue_dma source(%arg13 : memref<64x128xf32, #tpu.memory_space<vmem>>) target(%dma_start3A_422 : memref<64x128xf32, #tpu.memory_space<vmem_shared>>) target_semaphore(%run_scoped3A_418 : memref<!tpu.dma_semaphore, #tpu.memory_space<semaphore_mem>>)
      %dma_wait3A_423 = arith.constant 0 : i32
      %dma_wait3A_424 = tpu.memref_slice %arg6[%add3A_58, %dma_wait3A_423] : memref<12552x128xf32, #tpu.memory_space<vmem_shared>> -> memref<64x128xf32, #tpu.memory_space<vmem_shared>>
      %dma_wait3A_425 = arith.constant 0 : i32
      %dma_wait3A_426 = tpu.memref_slice %arg6[%add3A_58, %dma_wait3A_425] : memref<12552x128xf32, #tpu.memory_space<vmem_shared>> -> memref<64x128xf32, #tpu.memory_space<vmem_shared>>
      tpu.wait_dma2 semaphore(%run_scoped3A_418 : memref<!tpu.dma_semaphore, #tpu.memory_space<semaphore_mem>>) src(%arg13 : memref<64x128xf32, #tpu.memory_space<vmem>>) dst(%dma_wait3A_426 : memref<64x128xf32, #tpu.memory_space<vmem_shared>>)
      tpu.yield
    }) : () -> ()
    %mul3A_59 = arith.constant 784 : i32
    %mul3A_60 = arith.muli %arg1, %mul3A_59 : i32
    %add3A_61 = arith.constant 768 : i32
    %add3A_62 = arith.addi %mul3A_60, %add3A_61 : i32
    "tpu.region"() ({
      %run_scoped3A_418 = tpu.sem_alloc : memref<!tpu.dma_semaphore, #tpu.memory_space<semaphore_mem>>
      %dma_start3A_419 = arith.constant 0 : i32
      %dma_start3A_420 = arith.constant 0 : i32
      %dma_start3A_421 = tpu.memref_slice %arg13[%dma_start3A_419, %dma_start3A_420] : memref<64x128xf32, #tpu.memory_space<vmem>> -> memref<16x128xf32, #tpu.memory_space<vmem>>
      %dma_start3A_422 = arith.constant 0 : i32
      %dma_start3A_423 = tpu.memref_slice %arg6[%add3A_62, %dma_start3A_422] : memref<12552x128xf32, #tpu.memory_space<vmem_shared>> -> memref<16x128xf32, #tpu.memory_space<vmem_shared>>
      %dma_start3A_424 = arith.constant 0 : i32
      %dma_start3A_425 = tpu.memref_slice %arg6[%add3A_62, %dma_start3A_424] : memref<12552x128xf32, #tpu.memory_space<vmem_shared>> -> memref<16x128xf32, #tpu.memory_space<vmem_shared>>
      %dma_start3A_426 = arith.constant 0 : i32
      %dma_start3A_427 = arith.constant 0 : i32
      %dma_start3A_428 = tpu.memref_slice %arg13[%dma_start3A_426, %dma_start3A_427] : memref<64x128xf32, #tpu.memory_space<vmem>> -> memref<16x128xf32, #tpu.memory_space<vmem>>
      tpu.enqueue_dma source(%dma_start3A_428 : memref<16x128xf32, #tpu.memory_space<vmem>>) target(%dma_start3A_425 : memref<16x128xf32, #tpu.memory_space<vmem_shared>>) target_semaphore(%run_scoped3A_418 : memref<!tpu.dma_semaphore, #tpu.memory_space<semaphore_mem>>)
      %dma_wait3A_429 = arith.constant 0 : i32
      %dma_wait3A_430 = arith.constant 0 : i32
      %dma_wait3A_431 = tpu.memref_slice %arg13[%dma_wait3A_429, %dma_wait3A_430] : memref<64x128xf32, #tpu.memory_space<vmem>> -> memref<16x128xf32, #tpu.memory_space<vmem>>
      %dma_wait3A_432 = arith.constant 0 : i32
      %dma_wait3A_433 = tpu.memref_slice %arg6[%add3A_62, %dma_wait3A_432] : memref<12552x128xf32, #tpu.memory_space<vmem_shared>> -> memref<16x128xf32, #tpu.memory_space<vmem_shared>>
      %dma_wait3A_434 = arith.constant 0 : i32
      %dma_wait3A_435 = tpu.memref_slice %arg6[%add3A_62, %dma_wait3A_434] : memref<12552x128xf32, #tpu.memory_space<vmem_shared>> -> memref<16x128xf32, #tpu.memory_space<vmem_shared>>
      %dma_wait3A_436 = arith.constant 0 : i32
      %dma_wait3A_437 = arith.constant 0 : i32
      %dma_wait3A_438 = tpu.memref_slice %arg13[%dma_wait3A_436, %dma_wait3A_437] : memref<64x128xf32, #tpu.memory_space<vmem>> -> memref<16x128xf32, #tpu.memory_space<vmem>>
      tpu.wait_dma2 semaphore(%run_scoped3A_418 : memref<!tpu.dma_semaphore, #tpu.memory_space<semaphore_mem>>) src(%dma_wait3A_438 : memref<16x128xf32, #tpu.memory_space<vmem>>) dst(%dma_wait3A_435 : memref<16x128xf32, #tpu.memory_space<vmem_shared>>)
      tpu.yield
    }) : () -> ()
    %barrier3A = arith.constant 0 : index
    tpu.barrier barrier_id(%barrier3A)
    "tpu.region"() ({
      %run_scoped3A_418 = tpu.sem_alloc : memref<!tpu.dma_semaphore, #tpu.memory_space<semaphore_mem>>
      %dma_start3A_419 = arith.constant 0 : i32
      %dma_start3A_420 = arith.constant 0 : i32
      %dma_start3A_421 = tpu.memref_slice %arg4[%mul3A_1, %dma_start3A_419, %dma_start3A_420] : memref<1248x3x512xi32, #tpu.memory_space<hbm>> -> memref<1x3x512xi32, #tpu.memory_space<hbm>>
      %dma_start3A_422 = tpu.memref_squeeze %dma_start3A_421 : memref<1x3x512xi32, #tpu.memory_space<hbm>> -> memref<3x512xi32, #tpu.memory_space<hbm>>
      %dma_start3A_423 = arith.constant 0 : i32
      %dma_start3A_424 = arith.constant 0 : i32
      %dma_start3A_425 = tpu.memref_slice %arg4[%mul3A_1, %dma_start3A_423, %dma_start3A_424] : memref<1248x3x512xi32, #tpu.memory_space<hbm>> -> memref<1x3x512xi32, #tpu.memory_space<hbm>>
      %dma_start3A_426 = tpu.memref_squeeze %dma_start3A_425 : memref<1x3x512xi32, #tpu.memory_space<hbm>> -> memref<3x512xi32, #tpu.memory_space<hbm>>
      tpu.enqueue_dma source(%dma_start3A_426 : memref<3x512xi32, #tpu.memory_space<hbm>>) target(%arg7 : memref<3x512xi32, #tpu.memory_space<vmem>>) target_semaphore(%run_scoped3A_418 : memref<!tpu.dma_semaphore, #tpu.memory_space<semaphore_mem>>)
      %dma_wait3A_427 = arith.constant 0 : i32
      %dma_wait3A_428 = arith.constant 0 : i32
      %dma_wait3A_429 = tpu.memref_slice %arg4[%mul3A_1, %dma_wait3A_427, %dma_wait3A_428] : memref<1248x3x512xi32, #tpu.memory_space<hbm>> -> memref<1x3x512xi32, #tpu.memory_space<hbm>>
      %dma_wait3A_430 = tpu.memref_squeeze %dma_wait3A_429 : memref<1x3x512xi32, #tpu.memory_space<hbm>> -> memref<3x512xi32, #tpu.memory_space<hbm>>
      %dma_wait3A_431 = arith.constant 0 : i32
      %dma_wait3A_432 = arith.constant 0 : i32
      %dma_wait3A_433 = tpu.memref_slice %arg4[%mul3A_1, %dma_wait3A_431, %dma_wait3A_432] : memref<1248x3x512xi32, #tpu.memory_space<hbm>> -> memref<1x3x512xi32, #tpu.memory_space<hbm>>
      %dma_wait3A_434 = tpu.memref_squeeze %dma_wait3A_433 : memref<1x3x512xi32, #tpu.memory_space<hbm>> -> memref<3x512xi32, #tpu.memory_space<hbm>>
      tpu.wait_dma2 semaphore(%run_scoped3A_418 : memref<!tpu.dma_semaphore, #tpu.memory_space<semaphore_mem>>) src(%dma_wait3A_434 : memref<3x512xi32, #tpu.memory_space<hbm>>) dst(%arg7 : memref<3x512xi32, #tpu.memory_space<vmem>>)
      tpu.yield
    }) : () -> ()
    %scan3A_63 = arith.constant 0 : i32
    %scan3A_64 = arith.constant 0 : i32
    %scan3A_65 = arith.constant 39 : i32
    %scan3A_66 = arith.addi %scan3A_64, %scan3A_65 : i32
    %scan3A_67 = arith.constant 1 : i32
    %scan3A_68 = scf.for %scan3A_418 = %scan3A_64 to %scan3A_66 step %scan3A_67 iter_args(%scan3A_419 = %scan3A_63) -> (i32)  : i32 {
      %mul3A_420 = arith.constant 2 : i32
      %mul3A_421 = arith.muli %mul3A_420, %scan3A_418 : i32
      %add3A_422 = arith.addi %mul3A_1, %mul3A_421 : i32
      %add3A_423 = arith.constant 1 : i32
      %add3A_424 = arith.addi %add3A_422, %add3A_423 : i32
      %dma_start3A_425 = arith.constant 0 : i32
      %dma_start3A_426 = arith.constant 0 : i32
      %dma_start3A_427 = tpu.memref_slice %arg4[%add3A_424, %dma_start3A_425, %dma_start3A_426] : memref<1248x3x512xi32, #tpu.memory_space<hbm>> -> memref<1x3x512xi32, #tpu.memory_space<hbm>>
      %dma_start3A_428 = tpu.memref_squeeze %dma_start3A_427 : memref<1x3x512xi32, #tpu.memory_space<hbm>> -> memref<3x512xi32, #tpu.memory_space<hbm>>
      %dma_start3A_429 = arith.constant 0 : i32
      %dma_start3A_430 = arith.constant 0 : i32
      %dma_start3A_431 = tpu.memref_slice %arg4[%add3A_424, %dma_start3A_429, %dma_start3A_430] : memref<1248x3x512xi32, #tpu.memory_space<hbm>> -> memref<1x3x512xi32, #tpu.memory_space<hbm>>
      %dma_start3A_432 = tpu.memref_squeeze %dma_start3A_431 : memref<1x3x512xi32, #tpu.memory_space<hbm>> -> memref<3x512xi32, #tpu.memory_space<hbm>>
      tpu.enqueue_dma source(%dma_start3A_432 : memref<3x512xi32, #tpu.memory_space<hbm>>) target(%arg8 : memref<3x512xi32, #tpu.memory_space<vmem>>) target_semaphore(%arg15 : memref<!tpu.dma_semaphore, #tpu.memory_space<semaphore_mem>>)
      %scan3A_433 = arith.constant 0 : i32
      %scan3A_434 = arith.constant 32 : i32
      %scan3A_435 = arith.addi %scan3A_433, %scan3A_434 : i32
      %scan3A_436 = arith.constant 1 : i32
      %scan3A_437 = scf.for %scan3A_475 = %scan3A_433 to %scan3A_435 step %scan3A_436 iter_args(%scan3A_476 = %scan3A_419) -> (i32)  : i32 {
        %mul3A_477 = arith.constant 16 : i32
        %mul3A_478 = arith.muli %scan3A_475, %mul3A_477 : i32
        %get3A_479 = arith.constant 0 : i32
        %get3A_480 = arith.index_cast %get3A_479 : i32 to index
        %get3A_481 = arith.index_cast %mul3A_478 : i32 to index
        %get3A_482 = tpu.vector_load %arg7[%get3A_480, %get3A_481] {strides = array<i32>} : memref<3x512xi32, #tpu.memory_space<vmem>>, vector<16xi32>,
        %mul3A_483 = arith.constant 16 : i32
        %mul3A_484 = arith.muli %scan3A_475, %mul3A_483 : i32
        %get3A_485 = arith.constant 1 : i32
        %get3A_486 = arith.index_cast %get3A_485 : i32 to index
        %get3A_487 = arith.index_cast %mul3A_484 : i32 to index
        %get3A_488 = tpu.vector_load %arg7[%get3A_486, %get3A_487] {strides = array<i32>} : memref<3x512xi32, #tpu.memory_space<vmem>>, vector<16xi32>,
        %mul3A_489 = arith.constant 16 : i32
        %mul3A_490 = arith.muli %scan3A_475, %mul3A_489 : i32
        %get3A_491 = arith.constant 2 : i32
        %get3A_492 = arith.index_cast %get3A_491 : i32 to index
        %get3A_493 = arith.index_cast %mul3A_490 : i32 to index
        %get3A_494 = tpu.vector_load %arg7[%get3A_492, %get3A_493] {strides = array<i32>} : memref<3x512xi32, #tpu.memory_space<vmem>>, vector<16xi32>,
        %sub3A = vector.broadcast %mul3A_4 : i32 to vector<16xi32>
        %sub3A_495 = arith.subi %get3A_482, %sub3A : vector<16xi32>
        %ge3A = arith.constant 0 : i32
        %ge3A_496 = vector.broadcast %ge3A : i32 to vector<16xi32>
        %ge3A_497 = arith.cmpi sge, %sub3A_495, %ge3A_496 : vector<16xi32>
        %lt3A = arith.constant 12544 : i32
        %lt3A_498 = vector.broadcast %lt3A : i32 to vector<16xi32>
        %lt3A_499 = arith.cmpi slt, %sub3A_495, %lt3A_498 : vector<16xi32>
        %and3A = arith.andi %ge3A_497, %lt3A_499 : vector<16xi1>
        %swap3A_500 = arith.index_cast %scan3A_476 : i32 to index
        %swap3A_501 = tpu.vector_load %arg9[%swap3A_500] masked %and3A {strides = array<i32>} : memref<128xi32, #tpu.memory_space<vmem>>, vector<16xi32>, vector<16xi1>
        tpu.vector_store %arg9[%swap3A_500], %get3A_488 masked %and3A {strides = array<i32>} : memref<128xi32, #tpu.memory_space<vmem>>, vector<16xi32>, vector<16xi1>
        %swap3A_502 = arith.index_cast %scan3A_476 : i32 to index
        %swap3A_503 = tpu.vector_load %arg10[%swap3A_502] masked %and3A {strides = array<i32>} : memref<128xi32, #tpu.memory_space<vmem>>, vector<16xi32>, vector<16xi1>
        tpu.vector_store %arg10[%swap3A_502], %get3A_494 masked %and3A {strides = array<i32>} : memref<128xi32, #tpu.memory_space<vmem>>, vector<16xi32>, vector<16xi1>
        %swap3A_504 = arith.index_cast %scan3A_476 : i32 to index
        %swap3A_505 = tpu.vector_load %arg11[%swap3A_504] masked %and3A {strides = array<i32>} : memref<128xi32, #tpu.memory_space<vmem>>, vector<16xi32>, vector<16xi1>
        tpu.vector_store %arg11[%swap3A_504], %sub3A_495 masked %and3A {strides = array<i32>} : memref<128xi32, #tpu.memory_space<vmem>>, vector<16xi32>, vector<16xi1>
        %convert_element_type3A = arith.extui %and3A : vector<16xi1> to vector<16xi32>
        %reduce_sum3A = arith.constant true
        %reduce_sum3A_506 = vector.broadcast %reduce_sum3A : i1 to vector<16xi1>
        %reduce_sum3A_507 = tpu.scan <sum>, %convert_element_type3A masked %reduce_sum3A_506 : vector<16xi32>, vector<16xi1> -> vector<16xi32>
        %reduce_sum3A_508 = vector.extract %reduce_sum3A_507[15] : i32 from vector<16xi32>
        %add3A_509 = arith.addi %scan3A_476, %reduce_sum3A_508 : i32
        %ge3A_510 = arith.constant 64 : i32
        %ge3A_511 = arith.cmpi sge, %add3A_509, %ge3A_510 : i32
        %convert_element_type3A_512 = arith.extui %ge3A_511 : i1 to i32
        %cond3A = arith.constant 0 : i32
        %cond3A_513 = arith.cmpi ne, %convert_element_type3A_512, %cond3A : i32
        %cond3A_514 = scf.if %cond3A_513 -> (i32) {
          %dma_start3A_515 = arith.constant 0 : i32
          %dma_start3A_516 = tpu.memref_slice %arg9[%dma_start3A_515] : memref<128xi32, #tpu.memory_space<vmem>> -> memref<64xi32, #tpu.memory_space<vmem>>
          %dma_start3A_517 = arith.constant 0 : i32
          %dma_start3A_518 = arith.constant 0 : i32
          %dma_start3A_519 = tpu.memref_slice %arg2[%dma_start3A_517, %dma_start3A_518] : memref<50000x128xf32, #tpu.memory_space<hbm>> -> memref<50000x128xf32, #tpu.memory_space<hbm>>
          tpu.enqueue_indirect_dma source(%dma_start3A_519 : memref<50000x128xf32, #tpu.memory_space<hbm>>) target(%arg13 : memref<64x128xf32, #tpu.memory_space<vmem>>) offsets(%dma_start3A_516 : memref<64xi32, #tpu.memory_space<vmem>>) semaphore(%arg16 : memref<!tpu.dma_semaphore, #tpu.memory_space<semaphore_mem>>)
          %dma_wait3A_520 = arith.constant 0 : i32
          %dma_wait3A_521 = tpu.memref_slice %arg9[%dma_wait3A_520] : memref<128xi32, #tpu.memory_space<vmem>> -> memref<64xi32, #tpu.memory_space<vmem>>
          %dma_wait3A_522 = arith.constant 0 : i32
          %dma_wait3A_523 = arith.constant 0 : i32
          %dma_wait3A_524 = tpu.memref_slice %arg2[%dma_wait3A_522, %dma_wait3A_523] : memref<50000x128xf32, #tpu.memory_space<hbm>> -> memref<50000x128xf32, #tpu.memory_space<hbm>>
          tpu.wait_indirect_dma semaphore(%arg16 : memref<!tpu.dma_semaphore, #tpu.memory_space<semaphore_mem>>) src(%dma_wait3A_524 : memref<50000x128xf32, #tpu.memory_space<hbm>>) dst(%arg13 : memref<64x128xf32, #tpu.memory_space<vmem>>)
          %scan3A_525 = arith.constant 0 : i32
          %scan3A_526 = arith.constant 0 : i32
          %scan3A_527 = arith.constant 64 : i32
          %scan3A_528 = arith.addi %scan3A_526, %scan3A_527 : i32
          %scan3A_529 = arith.constant 1 : i32
          %scan3A_530 = scf.for %scan3A_571 = %scan3A_526 to %scan3A_528 step %scan3A_529 iter_args(%scan3A_572 = %scan3A_525) -> (i32)  : i32 {
            %get3A_573 = arith.index_cast %scan3A_571 : i32 to index
            %get3A_574 = tpu.vector_load %arg10[%get3A_573] {strides = array<i32>} : memref<128xi32, #tpu.memory_space<vmem>>, vector<16xi32>,
            %slice3A = vector.extract_strided_slice %get3A_574 {offsets = [0], sizes = [1], strides = [1]} : vector<16xi32> to vector<1xi32>
            %squeeze3A = vector.extract %slice3A[0] : i32 from vector<1xi32>
            %get3A_575 = arith.index_cast %scan3A_571 : i32 to index
            %get3A_576 = arith.constant 0 : index
            %get3A_577 = tpu.vector_load %arg13[%get3A_575, %get3A_576] {strides = array<i32>} : memref<64x128xf32, #tpu.memory_space<vmem>>, vector<16xf32>,
            %get3A_578 = arith.index_cast %squeeze3A : i32 to index
            %get3A_579 = arith.constant 0 : index
            %get3A_580 = tpu.vector_load %arg14[%get3A_578, %get3A_579] {strides = array<i32>} : memref<32x128xf32, #tpu.memory_space<vmem>>, vector<16xf32>,
            %mul3A_581 = arith.mulf %get3A_577, %get3A_580 : vector<16xf32>
            %swap3A_582 = arith.index_cast %scan3A_571 : i32 to index
            %swap3A_583 = arith.constant 0 : index
            %swap3A_584 = tpu.vector_load %arg13[%swap3A_582, %swap3A_583] {strides = array<i32>} : memref<64x128xf32, #tpu.memory_space<vmem>>, vector<16xf32>,
            tpu.vector_store %arg13[%swap3A_582, %swap3A_583], %mul3A_581 {strides = array<i32>} : memref<64x128xf32, #tpu.memory_space<vmem>>, vector<16xf32>,
            %get3A_585 = arith.index_cast %scan3A_571 : i32 to index
            %get3A_586 = arith.constant 16 : index
            %get3A_587 = tpu.vector_load %arg13[%get3A_585, %get3A_586] {strides = array<i32>} : memref<64x128xf32, #tpu.memory_space<vmem>>, vector<16xf32>,
            %get3A_588 = arith.index_cast %squeeze3A : i32 to index
            %get3A_589 = arith.constant 16 : index
            %get3A_590 = tpu.vector_load %arg14[%get3A_588, %get3A_589] {strides = array<i32>} : memref<32x128xf32, #tpu.memory_space<vmem>>, vector<16xf32>,
            %mul3A_591 = arith.mulf %get3A_587, %get3A_590 : vector<16xf32>
            %swap3A_592 = arith.index_cast %scan3A_571 : i32 to index
            %swap3A_593 = arith.constant 16 : index
            %swap3A_594 = tpu.vector_load %arg13[%swap3A_592, %swap3A_593] {strides = array<i32>} : memref<64x128xf32, #tpu.memory_space<vmem>>, vector<16xf32>,
            tpu.vector_store %arg13[%swap3A_592, %swap3A_593], %mul3A_591 {strides = array<i32>} : memref<64x128xf32, #tpu.memory_space<vmem>>, vector<16xf32>,
            %get3A_595 = arith.index_cast %scan3A_571 : i32 to index
            %get3A_596 = arith.constant 32 : index
            %get3A_597 = tpu.vector_load %arg13[%get3A_595, %get3A_596] {strides = array<i32>} : memref<64x128xf32, #tpu.memory_space<vmem>>, vector<16xf32>,
            %get3A_598 = arith.index_cast %squeeze3A : i32 to index
            %get3A_599 = arith.constant 32 : index
            %get3A_600 = tpu.vector_load %arg14[%get3A_598, %get3A_599] {strides = array<i32>} : memref<32x128xf32, #tpu.memory_space<vmem>>, vector<16xf32>,
            %mul3A_601 = arith.mulf %get3A_597, %get3A_600 : vector<16xf32>
            %swap3A_602 = arith.index_cast %scan3A_571 : i32 to index
            %swap3A_603 = arith.constant 32 : index
            %swap3A_604 = tpu.vector_load %arg13[%swap3A_602, %swap3A_603] {strides = array<i32>} : memref<64x128xf32, #tpu.memory_space<vmem>>, vector<16xf32>,
            tpu.vector_store %arg13[%swap3A_602, %swap3A_603], %mul3A_601 {strides = array<i32>} : memref<64x128xf32, #tpu.memory_space<vmem>>, vector<16xf32>,
            %get3A_605 = arith.index_cast %scan3A_571 : i32 to index
            %get3A_606 = arith.constant 48 : index
            %get3A_607 = tpu.vector_load %arg13[%get3A_605, %get3A_606] {strides = array<i32>} : memref<64x128xf32, #tpu.memory_space<vmem>>, vector<16xf32>,
            %get3A_608 = arith.index_cast %squeeze3A : i32 to index
            %get3A_609 = arith.constant 48 : index
            %get3A_610 = tpu.vector_load %arg14[%get3A_608, %get3A_609] {strides = array<i32>} : memref<32x128xf32, #tpu.memory_space<vmem>>, vector<16xf32>,
            %mul3A_611 = arith.mulf %get3A_607, %get3A_610 : vector<16xf32>
            %swap3A_612 = arith.index_cast %scan3A_571 : i32 to index
            %swap3A_613 = arith.constant 48 : index
            %swap3A_614 = tpu.vector_load %arg13[%swap3A_612, %swap3A_613] {strides = array<i32>} : memref<64x128xf32, #tpu.memory_space<vmem>>, vector<16xf32>,
            tpu.vector_store %arg13[%swap3A_612, %swap3A_613], %mul3A_611 {strides = array<i32>} : memref<64x128xf32, #tpu.memory_space<vmem>>, vector<16xf32>,
            %get3A_615 = arith.index_cast %scan3A_571 : i32 to index
            %get3A_616 = arith.constant 64 : index
            %get3A_617 = tpu.vector_load %arg13[%get3A_615, %get3A_616] {strides = array<i32>} : memref<64x128xf32, #tpu.memory_space<vmem>>, vector<16xf32>,
            %get3A_618 = arith.index_cast %squeeze3A : i32 to index
            %get3A_619 = arith.constant 64 : index
            %get3A_620 = tpu.vector_load %arg14[%get3A_618, %get3A_619] {strides = array<i32>} : memref<32x128xf32, #tpu.memory_space<vmem>>, vector<16xf32>,
            %mul3A_621 = arith.mulf %get3A_617, %get3A_620 : vector<16xf32>
            %swap3A_622 = arith.index_cast %scan3A_571 : i32 to index
            %swap3A_623 = arith.constant 64 : index
            %swap3A_624 = tpu.vector_load %arg13[%swap3A_622, %swap3A_623] {strides = array<i32>} : memref<64x128xf32, #tpu.memory_space<vmem>>, vector<16xf32>,
            tpu.vector_store %arg13[%swap3A_622, %swap3A_623], %mul3A_621 {strides = array<i32>} : memref<64x128xf32, #tpu.memory_space<vmem>>, vector<16xf32>,
            %get3A_625 = arith.index_cast %scan3A_571 : i32 to index
            %get3A_626 = arith.constant 80 : index
            %get3A_627 = tpu.vector_load %arg13[%get3A_625, %get3A_626] {strides = array<i32>} : memref<64x128xf32, #tpu.memory_space<vmem>>, vector<16xf32>,
            %get3A_628 = arith.index_cast %squeeze3A : i32 to index
            %get3A_629 = arith.constant 80 : index
            %get3A_630 = tpu.vector_load %arg14[%get3A_628, %get3A_629] {strides = array<i32>} : memref<32x128xf32, #tpu.memory_space<vmem>>, vector<16xf32>,
            %mul3A_631 = arith.mulf %get3A_627, %get3A_630 : vector<16xf32>
            %swap3A_632 = arith.index_cast %scan3A_571 : i32 to index
            %swap3A_633 = arith.constant 80 : index
            %swap3A_634 = tpu.vector_load %arg13[%swap3A_632, %swap3A_633] {strides = array<i32>} : memref<64x128xf32, #tpu.memory_space<vmem>>, vector<16xf32>,
            tpu.vector_store %arg13[%swap3A_632, %swap3A_633], %mul3A_631 {strides = array<i32>} : memref<64x128xf32, #tpu.memory_space<vmem>>, vector<16xf32>,
            %get3A_635 = arith.index_cast %scan3A_571 : i32 to index
            %get3A_636 = arith.constant 96 : index
            %get3A_637 = tpu.vector_load %arg13[%get3A_635, %get3A_636] {strides = array<i32>} : memref<64x128xf32, #tpu.memory_space<vmem>>, vector<16xf32>,
            %get3A_638 = arith.index_cast %squeeze3A : i32 to index
            %get3A_639 = arith.constant 96 : index
            %get3A_640 = tpu.vector_load %arg14[%get3A_638, %get3A_639] {strides = array<i32>} : memref<32x128xf32, #tpu.memory_space<vmem>>, vector<16xf32>,
            %mul3A_641 = arith.mulf %get3A_637, %get3A_640 : vector<16xf32>
            %swap3A_642 = arith.index_cast %scan3A_571 : i32 to index
            %swap3A_643 = arith.constant 96 : index
            %swap3A_644 = tpu.vector_load %arg13[%swap3A_642, %swap3A_643] {strides = array<i32>} : memref<64x128xf32, #tpu.memory_space<vmem>>, vector<16xf32>,
            tpu.vector_store %arg13[%swap3A_642, %swap3A_643], %mul3A_641 {strides = array<i32>} : memref<64x128xf32, #tpu.memory_space<vmem>>, vector<16xf32>,
            %get3A_645 = arith.index_cast %scan3A_571 : i32 to index
            %get3A_646 = arith.constant 112 : index
            %get3A_647 = tpu.vector_load %arg13[%get3A_645, %get3A_646] {strides = array<i32>} : memref<64x128xf32, #tpu.memory_space<vmem>>, vector<16xf32>,
            %get3A_648 = arith.index_cast %squeeze3A : i32 to index
            %get3A_649 = arith.constant 112 : index
            %get3A_650 = tpu.vector_load %arg14[%get3A_648, %get3A_649] {strides = array<i32>} : memref<32x128xf32, #tpu.memory_space<vmem>>, vector<16xf32>,
            %mul3A_651 = arith.mulf %get3A_647, %get3A_650 : vector<16xf32>
            %swap3A_652 = arith.index_cast %scan3A_571 : i32 to index
            %swap3A_653 = arith.constant 112 : index
            %swap3A_654 = tpu.vector_load %arg13[%swap3A_652, %swap3A_653] {strides = array<i32>} : memref<64x128xf32, #tpu.memory_space<vmem>>, vector<16xf32>,
            tpu.vector_store %arg13[%swap3A_652, %swap3A_653], %mul3A_651 {strides = array<i32>} : memref<64x128xf32, #tpu.memory_space<vmem>>, vector<16xf32>,
            %scan3A_655 = arith.constant 0 : i32
            scf.yield %scan3A_655 : i32
          }
          %scan3A_531 = arith.constant 64 : i32
          %get3A_532 = arith.constant 0 : index
          %get3A_533 = tpu.vector_load %arg11[%get3A_532] {strides = array<i32>} : memref<128xi32, #tpu.memory_space<vmem>>, vector<16xi32>,
          %swap3A_534 = arith.constant 0 : i32
          %swap3A_535 = arith.index_cast %swap3A_534 : i32 to index
          %swap3A_536 = arith.constant 0 : index
          %swap3A_537 = tpu.vector_load %arg12[%swap3A_535, %swap3A_536] {strides = array<i32>} : memref<1x64xi32, #tpu.memory_space<vmem>>, vector<16xi32>,
          tpu.vector_store %arg12[%swap3A_535, %swap3A_536], %get3A_533 {strides = array<i32>} : memref<1x64xi32, #tpu.memory_space<vmem>>, vector<16xi32>,
          %get3A_538 = arith.constant 16 : index
          %get3A_539 = tpu.vector_load %arg11[%get3A_538] {strides = array<i32>} : memref<128xi32, #tpu.memory_space<vmem>>, vector<16xi32>,
          %swap3A_540 = arith.constant 0 : i32
          %swap3A_541 = arith.index_cast %swap3A_540 : i32 to index
          %swap3A_542 = arith.constant 16 : index
          %swap3A_543 = tpu.vector_load %arg12[%swap3A_541, %swap3A_542] {strides = array<i32>} : memref<1x64xi32, #tpu.memory_space<vmem>>, vector<16xi32>,
          tpu.vector_store %arg12[%swap3A_541, %swap3A_542], %get3A_539 {strides = array<i32>} : memref<1x64xi32, #tpu.memory_space<vmem>>, vector<16xi32>,
          %get3A_544 = arith.constant 32 : index
          %get3A_545 = tpu.vector_load %arg11[%get3A_544] {strides = array<i32>} : memref<128xi32, #tpu.memory_space<vmem>>, vector<16xi32>,
          %swap3A_546 = arith.constant 0 : i32
          %swap3A_547 = arith.index_cast %swap3A_546 : i32 to index
          %swap3A_548 = arith.constant 32 : index
          %swap3A_549 = tpu.vector_load %arg12[%swap3A_547, %swap3A_548] {strides = array<i32>} : memref<1x64xi32, #tpu.memory_space<vmem>>, vector<16xi32>,
          tpu.vector_store %arg12[%swap3A_547, %swap3A_548], %get3A_545 {strides = array<i32>} : memref<1x64xi32, #tpu.memory_space<vmem>>, vector<16xi32>,
          %get3A_550 = arith.constant 48 : index
          %get3A_551 = tpu.vector_load %arg11[%get3A_550] {strides = array<i32>} : memref<128xi32, #tpu.memory_space<vmem>>, vector<16xi32>,
          %swap3A_552 = arith.constant 0 : i32
          %swap3A_553 = arith.index_cast %swap3A_552 : i32 to index
          %swap3A_554 = arith.constant 48 : index
          %swap3A_555 = tpu.vector_load %arg12[%swap3A_553, %swap3A_554] {strides = array<i32>} : memref<1x64xi32, #tpu.memory_space<vmem>>, vector<16xi32>,
          tpu.vector_store %arg12[%swap3A_553, %swap3A_554], %get3A_551 {strides = array<i32>} : memref<1x64xi32, #tpu.memory_space<vmem>>, vector<16xi32>,
          %run_scoped3A_556 = arith.constant 0 : i32
          "tpu.region"() ({
            %run_scoped3A_571 = tpu.sem_alloc : memref<!tpu.dma_semaphore, #tpu.memory_space<semaphore_mem>>
            %dma_start3A_572 = arith.constant 0 : i32
            %dma_start3A_573 = tpu.memref_slice %arg12[%run_scoped3A_556, %dma_start3A_572] : memref<1x64xi32, #tpu.memory_space<vmem>> -> memref<1x64xi32, #tpu.memory_space<vmem>>
            %dma_start3A_574 = tpu.memref_squeeze %dma_start3A_573 : memref<1x64xi32, #tpu.memory_space<vmem>> -> memref<64xi32, #tpu.memory_space<vmem>>
            %dma_start3A_575 = arith.constant 0 : i32
            %dma_start3A_576 = arith.constant 0 : i32
            %dma_start3A_577 = tpu.memref_slice %arg6[%dma_start3A_575, %dma_start3A_576] : memref<12552x128xf32, #tpu.memory_space<vmem_shared>> -> memref<12552x128xf32, #tpu.memory_space<vmem_shared>>
            tpu.enqueue_indirect_dma source(%arg13 : memref<64x128xf32, #tpu.memory_space<vmem>>) target(%dma_start3A_577 : memref<12552x128xf32, #tpu.memory_space<vmem_shared>>) offsets(%dma_start3A_574 : memref<64xi32, #tpu.memory_space<vmem>>) semaphore(%run_scoped3A_571 : memref<!tpu.dma_semaphore, #tpu.memory_space<semaphore_mem>>) {add = true}
            %dma_wait3A_578 = arith.constant 0 : i32
            %dma_wait3A_579 = tpu.memref_slice %arg12[%run_scoped3A_556, %dma_wait3A_578] : memref<1x64xi32, #tpu.memory_space<vmem>> -> memref<1x64xi32, #tpu.memory_space<vmem>>
            %dma_wait3A_580 = tpu.memref_squeeze %dma_wait3A_579 : memref<1x64xi32, #tpu.memory_space<vmem>> -> memref<64xi32, #tpu.memory_space<vmem>>
            %dma_wait3A_581 = arith.constant 0 : i32
            %dma_wait3A_582 = arith.constant 0 : i32
            %dma_wait3A_583 = tpu.memref_slice %arg6[%dma_wait3A_581, %dma_wait3A_582] : memref<12552x128xf32, #tpu.memory_space<vmem_shared>> -> memref<12552x128xf32, #tpu.memory_space<vmem_shared>>
            tpu.wait_indirect_dma semaphore(%run_scoped3A_571 : memref<!tpu.dma_semaphore, #tpu.memory_space<semaphore_mem>>) src(%arg13 : memref<64x128xf32, #tpu.memory_space<vmem>>) dst(%dma_wait3A_583 : memref<12552x128xf32, #tpu.memory_space<vmem_shared>>)
            tpu.yield
          }) : () -> ()
          %get3A_557 = arith.constant 64 : index
          %get3A_558 = tpu.vector_load %arg9[%get3A_557] {strides = array<i32>} : memref<128xi32, #tpu.memory_space<vmem>>, vector<16xi32>,
          %swap3A_559 = arith.constant 0 : index
          %swap3A_560 = tpu.vector_load %arg9[%swap3A_559] {strides = array<i32>} : memref<128xi32, #tpu.memory_space<vmem>>, vector<16xi32>,
          tpu.vector_store %arg9[%swap3A_559], %get3A_558 {strides = array<i32>} : memref<128xi32, #tpu.memory_space<vmem>>, vector<16xi32>,
          %get3A_561 = arith.constant 64 : index
          %get3A_562 = tpu.vector_load %arg10[%get3A_561] {strides = array<i32>} : memref<128xi32, #tpu.memory_space<vmem>>, vector<16xi32>,
          %swap3A_563 = arith.constant 0 : index
          %swap3A_564 = tpu.vector_load %arg10[%swap3A_563] {strides = array<i32>} : memref<128xi32, #tpu.memory_space<vmem>>, vector<16xi32>,
          tpu.vector_store %arg10[%swap3A_563], %get3A_562 {strides = array<i32>} : memref<128xi32, #tpu.memory_space<vmem>>, vector<16xi32>,
          %get3A_565 = arith.constant 64 : index
          %get3A_566 = tpu.vector_load %arg11[%get3A_565] {strides = array<i32>} : memref<128xi32, #tpu.memory_space<vmem>>, vector<16xi32>,
          %swap3A_567 = arith.constant 0 : index
          %swap3A_568 = tpu.vector_load %arg11[%swap3A_567] {strides = array<i32>} : memref<128xi32, #tpu.memory_space<vmem>>, vector<16xi32>,
          tpu.vector_store %arg11[%swap3A_567], %get3A_566 {strides = array<i32>} : memref<128xi32, #tpu.memory_space<vmem>>, vector<16xi32>,
          %sub3A_569 = arith.constant 64 : i32
          %sub3A_570 = arith.subi %add3A_509, %sub3A_569 : i32
          scf.yield %sub3A_570 : i32
        } else {
          scf.yield %add3A_509 : i32
        }
        scf.yield %cond3A_514 : i32
      }
      %scan3A_438 = arith.constant 32 : i32
      %dma_wait3A_439 = arith.constant 0 : i32
      %dma_wait3A_440 = arith.constant 0 : i32
      %dma_wait3A_441 = tpu.memref_slice %arg4[%add3A_424, %dma_wait3A_439, %dma_wait3A_440] : memref<1248x3x512xi32, #tpu.memory_space<hbm>> -> memref<1x3x512xi32, #tpu.memory_space<hbm>>
      %dma_wait3A_442 = tpu.memref_squeeze %dma_wait3A_441 : memref<1x3x512xi32, #tpu.memory_space<hbm>> -> memref<3x512xi32, #tpu.memory_space<hbm>>
      %dma_wait3A_443 = arith.constant 0 : i32
      %dma_wait3A_444 = arith.constant 0 : i32
      %dma_wait3A_445 = tpu.memref_slice %arg4[%add3A_424, %dma_wait3A_443, %dma_wait3A_444] : memref<1248x3x512xi32, #tpu.memory_space<hbm>> -> memref<1x3x512xi32, #tpu.memory_space<hbm>>
      %dma_wait3A_446 = tpu.memref_squeeze %dma_wait3A_445 : memref<1x3x512xi32, #tpu.memory_space<hbm>> -> memref<3x512xi32, #tpu.memory_space<hbm>>
      tpu.wait_dma2 semaphore(%arg15 : memref<!tpu.dma_semaphore, #tpu.memory_space<semaphore_mem>>) src(%dma_wait3A_446 : memref<3x512xi32, #tpu.memory_space<hbm>>) dst(%arg8 : memref<3x512xi32, #tpu.memory_space<vmem>>)
      %mul3A_447 = arith.constant 2 : i32
      %mul3A_448 = arith.muli %mul3A_447, %scan3A_418 : i32
      %add3A_449 = arith.constant 2 : i32
      %add3A_450 = arith.addi %mul3A_448, %add3A_449 : i32
      %min3A = arith.constant 77 : i32
      %min3A_451 = arith.minsi %add3A_450, %min3A : i32
      %add3A_452 = arith.addi %mul3A_1, %min3A_451 : i32
      %dma_start3A_453 = arith.constant 0 : i32
      %dma_start3A_454 = arith.constant 0 : i32
      %dma_start3A_455 = tpu.memref_slice %arg4[%add3A_452, %dma_start3A_453, %dma_start3A_454] : memref<1248x3x512xi32, #tpu.memory_space<hbm>> -> memref<1x3x512xi32, #tpu.memory_space<hbm>>
      %dma_start3A_456 = tpu.memref_squeeze %dma_start3A_455 : memref<1x3x512xi32, #tpu.memory_space<hbm>> -> memref<3x512xi32, #tpu.memory_space<hbm>>
      %dma_start3A_457 = arith.constant 0 : i32
      %dma_start3A_458 = arith.constant 0 : i32
      %dma_start3A_459 = tpu.memref_slice %arg4[%add3A_452, %dma_start3A_457, %dma_start3A_458] : memref<1248x3x512xi32, #tpu.memory_space<hbm>> -> memref<1x3x512xi32, #tpu.memory_space<hbm>>
      %dma_start3A_460 = tpu.memref_squeeze %dma_start3A_459 : memref<1x3x512xi32, #tpu.memory_space<hbm>> -> memref<3x512xi32, #tpu.memory_space<hbm>>
      tpu.enqueue_dma source(%dma_start3A_460 : memref<3x512xi32, #tpu.memory_space<hbm>>) target(%arg7 : memref<3x512xi32, #tpu.memory_space<vmem>>) target_semaphore(%arg15 : memref<!tpu.dma_semaphore, #tpu.memory_space<semaphore_mem>>)
      %scan3A_461 = arith.constant 0 : i32
      %scan3A_462 = arith.constant 32 : i32
      %scan3A_463 = arith.addi %scan3A_461, %scan3A_462 : i32
      %scan3A_464 = arith.constant 1 : i32
      %scan3A_465 = scf.for %scan3A_475 = %scan3A_461 to %scan3A_463 step %scan3A_464 iter_args(%scan3A_476 = %scan3A_437) -> (i32)  : i32 {
        %mul3A_477 = arith.constant 16 : i32
        %mul3A_478 = arith.muli %scan3A_475, %mul3A_477 : i32
        %get3A_479 = arith.constant 0 : i32
        %get3A_480 = arith.index_cast %get3A_479 : i32 to index
        %get3A_481 = arith.index_cast %mul3A_478 : i32 to index
        %get3A_482 = tpu.vector_load %arg8[%get3A_480, %get3A_481] {strides = array<i32>} : memref<3x512xi32, #tpu.memory_space<vmem>>, vector<16xi32>,
        %mul3A_483 = arith.constant 16 : i32
        %mul3A_484 = arith.muli %scan3A_475, %mul3A_483 : i32
        %get3A_485 = arith.constant 1 : i32
        %get3A_486 = arith.index_cast %get3A_485 : i32 to index
        %get3A_487 = arith.index_cast %mul3A_484 : i32 to index
        %get3A_488 = tpu.vector_load %arg8[%get3A_486, %get3A_487] {strides = array<i32>} : memref<3x512xi32, #tpu.memory_space<vmem>>, vector<16xi32>,
        %mul3A_489 = arith.constant 16 : i32
        %mul3A_490 = arith.muli %scan3A_475, %mul3A_489 : i32
        %get3A_491 = arith.constant 2 : i32
        %get3A_492 = arith.index_cast %get3A_491 : i32 to index
        %get3A_493 = arith.index_cast %mul3A_490 : i32 to index
        %get3A_494 = tpu.vector_load %arg8[%get3A_492, %get3A_493] {strides = array<i32>} : memref<3x512xi32, #tpu.memory_space<vmem>>, vector<16xi32>,
        %sub3A = vector.broadcast %mul3A_4 : i32 to vector<16xi32>
        %sub3A_495 = arith.subi %get3A_482, %sub3A : vector<16xi32>
        %ge3A = arith.constant 0 : i32
        %ge3A_496 = vector.broadcast %ge3A : i32 to vector<16xi32>
        %ge3A_497 = arith.cmpi sge, %sub3A_495, %ge3A_496 : vector<16xi32>
        %lt3A = arith.constant 12544 : i32
        %lt3A_498 = vector.broadcast %lt3A : i32 to vector<16xi32>
        %lt3A_499 = arith.cmpi slt, %sub3A_495, %lt3A_498 : vector<16xi32>
        %and3A = arith.andi %ge3A_497, %lt3A_499 : vector<16xi1>
        %swap3A_500 = arith.index_cast %scan3A_476 : i32 to index
        %swap3A_501 = tpu.vector_load %arg9[%swap3A_500] masked %and3A {strides = array<i32>} : memref<128xi32, #tpu.memory_space<vmem>>, vector<16xi32>, vector<16xi1>
        tpu.vector_store %arg9[%swap3A_500], %get3A_488 masked %and3A {strides = array<i32>} : memref<128xi32, #tpu.memory_space<vmem>>, vector<16xi32>, vector<16xi1>
        %swap3A_502 = arith.index_cast %scan3A_476 : i32 to index
        %swap3A_503 = tpu.vector_load %arg10[%swap3A_502] masked %and3A {strides = array<i32>} : memref<128xi32, #tpu.memory_space<vmem>>, vector<16xi32>, vector<16xi1>
        tpu.vector_store %arg10[%swap3A_502], %get3A_494 masked %and3A {strides = array<i32>} : memref<128xi32, #tpu.memory_space<vmem>>, vector<16xi32>, vector<16xi1>
        %swap3A_504 = arith.index_cast %scan3A_476 : i32 to index
        %swap3A_505 = tpu.vector_load %arg11[%swap3A_504] masked %and3A {strides = array<i32>} : memref<128xi32, #tpu.memory_space<vmem>>, vector<16xi32>, vector<16xi1>
        tpu.vector_store %arg11[%swap3A_504], %sub3A_495 masked %and3A {strides = array<i32>} : memref<128xi32, #tpu.memory_space<vmem>>, vector<16xi32>, vector<16xi1>
        %convert_element_type3A = arith.extui %and3A : vector<16xi1> to vector<16xi32>
        %reduce_sum3A = arith.constant true
        %reduce_sum3A_506 = vector.broadcast %reduce_sum3A : i1 to vector<16xi1>
        %reduce_sum3A_507 = tpu.scan <sum>, %convert_element_type3A masked %reduce_sum3A_506 : vector<16xi32>, vector<16xi1> -> vector<16xi32>
        %reduce_sum3A_508 = vector.extract %reduce_sum3A_507[15] : i32 from vector<16xi32>
        %add3A_509 = arith.addi %scan3A_476, %reduce_sum3A_508 : i32
        %ge3A_510 = arith.constant 64 : i32
        %ge3A_511 = arith.cmpi sge, %add3A_509, %ge3A_510 : i32
        %convert_element_type3A_512 = arith.extui %ge3A_511 : i1 to i32
        %cond3A = arith.constant 0 : i32
        %cond3A_513 = arith.cmpi ne, %convert_element_type3A_512, %cond3A : i32
        %cond3A_514 = scf.if %cond3A_513 -> (i32) {
          %dma_start3A_515 = arith.constant 0 : i32
          %dma_start3A_516 = tpu.memref_slice %arg9[%dma_start3A_515] : memref<128xi32, #tpu.memory_space<vmem>> -> memref<64xi32, #tpu.memory_space<vmem>>
          %dma_start3A_517 = arith.constant 0 : i32
          %dma_start3A_518 = arith.constant 0 : i32
          %dma_start3A_519 = tpu.memref_slice %arg2[%dma_start3A_517, %dma_start3A_518] : memref<50000x128xf32, #tpu.memory_space<hbm>> -> memref<50000x128xf32, #tpu.memory_space<hbm>>
          tpu.enqueue_indirect_dma source(%dma_start3A_519 : memref<50000x128xf32, #tpu.memory_space<hbm>>) target(%arg13 : memref<64x128xf32, #tpu.memory_space<vmem>>) offsets(%dma_start3A_516 : memref<64xi32, #tpu.memory_space<vmem>>) semaphore(%arg16 : memref<!tpu.dma_semaphore, #tpu.memory_space<semaphore_mem>>)
          %dma_wait3A_520 = arith.constant 0 : i32
          %dma_wait3A_521 = tpu.memref_slice %arg9[%dma_wait3A_520] : memref<128xi32, #tpu.memory_space<vmem>> -> memref<64xi32, #tpu.memory_space<vmem>>
          %dma_wait3A_522 = arith.constant 0 : i32
          %dma_wait3A_523 = arith.constant 0 : i32
          %dma_wait3A_524 = tpu.memref_slice %arg2[%dma_wait3A_522, %dma_wait3A_523] : memref<50000x128xf32, #tpu.memory_space<hbm>> -> memref<50000x128xf32, #tpu.memory_space<hbm>>
          tpu.wait_indirect_dma semaphore(%arg16 : memref<!tpu.dma_semaphore, #tpu.memory_space<semaphore_mem>>) src(%dma_wait3A_524 : memref<50000x128xf32, #tpu.memory_space<hbm>>) dst(%arg13 : memref<64x128xf32, #tpu.memory_space<vmem>>)
          %scan3A_525 = arith.constant 0 : i32
          %scan3A_526 = arith.constant 0 : i32
          %scan3A_527 = arith.constant 64 : i32
          %scan3A_528 = arith.addi %scan3A_526, %scan3A_527 : i32
          %scan3A_529 = arith.constant 1 : i32
          %scan3A_530 = scf.for %scan3A_571 = %scan3A_526 to %scan3A_528 step %scan3A_529 iter_args(%scan3A_572 = %scan3A_525) -> (i32)  : i32 {
            %get3A_573 = arith.index_cast %scan3A_571 : i32 to index
            %get3A_574 = tpu.vector_load %arg10[%get3A_573] {strides = array<i32>} : memref<128xi32, #tpu.memory_space<vmem>>, vector<16xi32>,
            %slice3A = vector.extract_strided_slice %get3A_574 {offsets = [0], sizes = [1], strides = [1]} : vector<16xi32> to vector<1xi32>
            %squeeze3A = vector.extract %slice3A[0] : i32 from vector<1xi32>
            %get3A_575 = arith.index_cast %scan3A_571 : i32 to index
            %get3A_576 = arith.constant 0 : index
            %get3A_577 = tpu.vector_load %arg13[%get3A_575, %get3A_576] {strides = array<i32>} : memref<64x128xf32, #tpu.memory_space<vmem>>, vector<16xf32>,
            %get3A_578 = arith.index_cast %squeeze3A : i32 to index
            %get3A_579 = arith.constant 0 : index
            %get3A_580 = tpu.vector_load %arg14[%get3A_578, %get3A_579] {strides = array<i32>} : memref<32x128xf32, #tpu.memory_space<vmem>>, vector<16xf32>,
            %mul3A_581 = arith.mulf %get3A_577, %get3A_580 : vector<16xf32>
            %swap3A_582 = arith.index_cast %scan3A_571 : i32 to index
            %swap3A_583 = arith.constant 0 : index
            %swap3A_584 = tpu.vector_load %arg13[%swap3A_582, %swap3A_583] {strides = array<i32>} : memref<64x128xf32, #tpu.memory_space<vmem>>, vector<16xf32>,
            tpu.vector_store %arg13[%swap3A_582, %swap3A_583], %mul3A_581 {strides = array<i32>} : memref<64x128xf32, #tpu.memory_space<vmem>>, vector<16xf32>,
            %get3A_585 = arith.index_cast %scan3A_571 : i32 to index
            %get3A_586 = arith.constant 16 : index
            %get3A_587 = tpu.vector_load %arg13[%get3A_585, %get3A_586] {strides = array<i32>} : memref<64x128xf32, #tpu.memory_space<vmem>>, vector<16xf32>,
            %get3A_588 = arith.index_cast %squeeze3A : i32 to index
            %get3A_589 = arith.constant 16 : index
            %get3A_590 = tpu.vector_load %arg14[%get3A_588, %get3A_589] {strides = array<i32>} : memref<32x128xf32, #tpu.memory_space<vmem>>, vector<16xf32>,
            %mul3A_591 = arith.mulf %get3A_587, %get3A_590 : vector<16xf32>
            %swap3A_592 = arith.index_cast %scan3A_571 : i32 to index
            %swap3A_593 = arith.constant 16 : index
            %swap3A_594 = tpu.vector_load %arg13[%swap3A_592, %swap3A_593] {strides = array<i32>} : memref<64x128xf32, #tpu.memory_space<vmem>>, vector<16xf32>,
            tpu.vector_store %arg13[%swap3A_592, %swap3A_593], %mul3A_591 {strides = array<i32>} : memref<64x128xf32, #tpu.memory_space<vmem>>, vector<16xf32>,
            %get3A_595 = arith.index_cast %scan3A_571 : i32 to index
            %get3A_596 = arith.constant 32 : index
            %get3A_597 = tpu.vector_load %arg13[%get3A_595, %get3A_596] {strides = array<i32>} : memref<64x128xf32, #tpu.memory_space<vmem>>, vector<16xf32>,
            %get3A_598 = arith.index_cast %squeeze3A : i32 to index
            %get3A_599 = arith.constant 32 : index
            %get3A_600 = tpu.vector_load %arg14[%get3A_598, %get3A_599] {strides = array<i32>} : memref<32x128xf32, #tpu.memory_space<vmem>>, vector<16xf32>,
            %mul3A_601 = arith.mulf %get3A_597, %get3A_600 : vector<16xf32>
            %swap3A_602 = arith.index_cast %scan3A_571 : i32 to index
            %swap3A_603 = arith.constant 32 : index
            %swap3A_604 = tpu.vector_load %arg13[%swap3A_602, %swap3A_603] {strides = array<i32>} : memref<64x128xf32, #tpu.memory_space<vmem>>, vector<16xf32>,
            tpu.vector_store %arg13[%swap3A_602, %swap3A_603], %mul3A_601 {strides = array<i32>} : memref<64x128xf32, #tpu.memory_space<vmem>>, vector<16xf32>,
            %get3A_605 = arith.index_cast %scan3A_571 : i32 to index
            %get3A_606 = arith.constant 48 : index
            %get3A_607 = tpu.vector_load %arg13[%get3A_605, %get3A_606] {strides = array<i32>} : memref<64x128xf32, #tpu.memory_space<vmem>>, vector<16xf32>,
            %get3A_608 = arith.index_cast %squeeze3A : i32 to index
            %get3A_609 = arith.constant 48 : index
            %get3A_610 = tpu.vector_load %arg14[%get3A_608, %get3A_609] {strides = array<i32>} : memref<32x128xf32, #tpu.memory_space<vmem>>, vector<16xf32>,
            %mul3A_611 = arith.mulf %get3A_607, %get3A_610 : vector<16xf32>
            %swap3A_612 = arith.index_cast %scan3A_571 : i32 to index
            %swap3A_613 = arith.constant 48 : index
            %swap3A_614 = tpu.vector_load %arg13[%swap3A_612, %swap3A_613] {strides = array<i32>} : memref<64x128xf32, #tpu.memory_space<vmem>>, vector<16xf32>,
            tpu.vector_store %arg13[%swap3A_612, %swap3A_613], %mul3A_611 {strides = array<i32>} : memref<64x128xf32, #tpu.memory_space<vmem>>, vector<16xf32>,
            %get3A_615 = arith.index_cast %scan3A_571 : i32 to index
            %get3A_616 = arith.constant 64 : index
            %get3A_617 = tpu.vector_load %arg13[%get3A_615, %get3A_616] {strides = array<i32>} : memref<64x128xf32, #tpu.memory_space<vmem>>, vector<16xf32>,
            %get3A_618 = arith.index_cast %squeeze3A : i32 to index
            %get3A_619 = arith.constant 64 : index
            %get3A_620 = tpu.vector_load %arg14[%get3A_618, %get3A_619] {strides = array<i32>} : memref<32x128xf32, #tpu.memory_space<vmem>>, vector<16xf32>,
            %mul3A_621 = arith.mulf %get3A_617, %get3A_620 : vector<16xf32>
            %swap3A_622 = arith.index_cast %scan3A_571 : i32 to index
            %swap3A_623 = arith.constant 64 : index
            %swap3A_624 = tpu.vector_load %arg13[%swap3A_622, %swap3A_623] {strides = array<i32>} : memref<64x128xf32, #tpu.memory_space<vmem>>, vector<16xf32>,
            tpu.vector_store %arg13[%swap3A_622, %swap3A_623], %mul3A_621 {strides = array<i32>} : memref<64x128xf32, #tpu.memory_space<vmem>>, vector<16xf32>,
            %get3A_625 = arith.index_cast %scan3A_571 : i32 to index
            %get3A_626 = arith.constant 80 : index
            %get3A_627 = tpu.vector_load %arg13[%get3A_625, %get3A_626] {strides = array<i32>} : memref<64x128xf32, #tpu.memory_space<vmem>>, vector<16xf32>,
            %get3A_628 = arith.index_cast %squeeze3A : i32 to index
            %get3A_629 = arith.constant 80 : index
            %get3A_630 = tpu.vector_load %arg14[%get3A_628, %get3A_629] {strides = array<i32>} : memref<32x128xf32, #tpu.memory_space<vmem>>, vector<16xf32>,
            %mul3A_631 = arith.mulf %get3A_627, %get3A_630 : vector<16xf32>
            %swap3A_632 = arith.index_cast %scan3A_571 : i32 to index
            %swap3A_633 = arith.constant 80 : index
            %swap3A_634 = tpu.vector_load %arg13[%swap3A_632, %swap3A_633] {strides = array<i32>} : memref<64x128xf32, #tpu.memory_space<vmem>>, vector<16xf32>,
            tpu.vector_store %arg13[%swap3A_632, %swap3A_633], %mul3A_631 {strides = array<i32>} : memref<64x128xf32, #tpu.memory_space<vmem>>, vector<16xf32>,
            %get3A_635 = arith.index_cast %scan3A_571 : i32 to index
            %get3A_636 = arith.constant 96 : index
            %get3A_637 = tpu.vector_load %arg13[%get3A_635, %get3A_636] {strides = array<i32>} : memref<64x128xf32, #tpu.memory_space<vmem>>, vector<16xf32>,
            %get3A_638 = arith.index_cast %squeeze3A : i32 to index
            %get3A_639 = arith.constant 96 : index
            %get3A_640 = tpu.vector_load %arg14[%get3A_638, %get3A_639] {strides = array<i32>} : memref<32x128xf32, #tpu.memory_space<vmem>>, vector<16xf32>,
            %mul3A_641 = arith.mulf %get3A_637, %get3A_640 : vector<16xf32>
            %swap3A_642 = arith.index_cast %scan3A_571 : i32 to index
            %swap3A_643 = arith.constant 96 : index
            %swap3A_644 = tpu.vector_load %arg13[%swap3A_642, %swap3A_643] {strides = array<i32>} : memref<64x128xf32, #tpu.memory_space<vmem>>, vector<16xf32>,
            tpu.vector_store %arg13[%swap3A_642, %swap3A_643], %mul3A_641 {strides = array<i32>} : memref<64x128xf32, #tpu.memory_space<vmem>>, vector<16xf32>,
            %get3A_645 = arith.index_cast %scan3A_571 : i32 to index
            %get3A_646 = arith.constant 112 : index
            %get3A_647 = tpu.vector_load %arg13[%get3A_645, %get3A_646] {strides = array<i32>} : memref<64x128xf32, #tpu.memory_space<vmem>>, vector<16xf32>,
            %get3A_648 = arith.index_cast %squeeze3A : i32 to index
            %get3A_649 = arith.constant 112 : index
            %get3A_650 = tpu.vector_load %arg14[%get3A_648, %get3A_649] {strides = array<i32>} : memref<32x128xf32, #tpu.memory_space<vmem>>, vector<16xf32>,
            %mul3A_651 = arith.mulf %get3A_647, %get3A_650 : vector<16xf32>
            %swap3A_652 = arith.index_cast %scan3A_571 : i32 to index
            %swap3A_653 = arith.constant 112 : index
            %swap3A_654 = tpu.vector_load %arg13[%swap3A_652, %swap3A_653] {strides = array<i32>} : memref<64x128xf32, #tpu.memory_space<vmem>>, vector<16xf32>,
            tpu.vector_store %arg13[%swap3A_652, %swap3A_653], %mul3A_651 {strides = array<i32>} : memref<64x128xf32, #tpu.memory_space<vmem>>, vector<16xf32>,
            %scan3A_655 = arith.constant 0 : i32
            scf.yield %scan3A_655 : i32
          }
          %scan3A_531 = arith.constant 64 : i32
          %get3A_532 = arith.constant 0 : index
          %get3A_533 = tpu.vector_load %arg11[%get3A_532] {strides = array<i32>} : memref<128xi32, #tpu.memory_space<vmem>>, vector<16xi32>,
          %swap3A_534 = arith.constant 0 : i32
          %swap3A_535 = arith.index_cast %swap3A_534 : i32 to index
          %swap3A_536 = arith.constant 0 : index
          %swap3A_537 = tpu.vector_load %arg12[%swap3A_535, %swap3A_536] {strides = array<i32>} : memref<1x64xi32, #tpu.memory_space<vmem>>, vector<16xi32>,
          tpu.vector_store %arg12[%swap3A_535, %swap3A_536], %get3A_533 {strides = array<i32>} : memref<1x64xi32, #tpu.memory_space<vmem>>, vector<16xi32>,
          %get3A_538 = arith.constant 16 : index
          %get3A_539 = tpu.vector_load %arg11[%get3A_538] {strides = array<i32>} : memref<128xi32, #tpu.memory_space<vmem>>, vector<16xi32>,
          %swap3A_540 = arith.constant 0 : i32
          %swap3A_541 = arith.index_cast %swap3A_540 : i32 to index
          %swap3A_542 = arith.constant 16 : index
          %swap3A_543 = tpu.vector_load %arg12[%swap3A_541, %swap3A_542] {strides = array<i32>} : memref<1x64xi32, #tpu.memory_space<vmem>>, vector<16xi32>,
          tpu.vector_store %arg12[%swap3A_541, %swap3A_542], %get3A_539 {strides = array<i32>} : memref<1x64xi32, #tpu.memory_space<vmem>>, vector<16xi32>,
          %get3A_544 = arith.constant 32 : index
          %get3A_545 = tpu.vector_load %arg11[%get3A_544] {strides = array<i32>} : memref<128xi32, #tpu.memory_space<vmem>>, vector<16xi32>,
          %swap3A_546 = arith.constant 0 : i32
          %swap3A_547 = arith.index_cast %swap3A_546 : i32 to index
          %swap3A_548 = arith.constant 32 : index
          %swap3A_549 = tpu.vector_load %arg12[%swap3A_547, %swap3A_548] {strides = array<i32>} : memref<1x64xi32, #tpu.memory_space<vmem>>, vector<16xi32>,
          tpu.vector_store %arg12[%swap3A_547, %swap3A_548], %get3A_545 {strides = array<i32>} : memref<1x64xi32, #tpu.memory_space<vmem>>, vector<16xi32>,
          %get3A_550 = arith.constant 48 : index
          %get3A_551 = tpu.vector_load %arg11[%get3A_550] {strides = array<i32>} : memref<128xi32, #tpu.memory_space<vmem>>, vector<16xi32>,
          %swap3A_552 = arith.constant 0 : i32
          %swap3A_553 = arith.index_cast %swap3A_552 : i32 to index
          %swap3A_554 = arith.constant 48 : index
          %swap3A_555 = tpu.vector_load %arg12[%swap3A_553, %swap3A_554] {strides = array<i32>} : memref<1x64xi32, #tpu.memory_space<vmem>>, vector<16xi32>,
          tpu.vector_store %arg12[%swap3A_553, %swap3A_554], %get3A_551 {strides = array<i32>} : memref<1x64xi32, #tpu.memory_space<vmem>>, vector<16xi32>,
          %run_scoped3A_556 = arith.constant 0 : i32
          "tpu.region"() ({
            %run_scoped3A_571 = tpu.sem_alloc : memref<!tpu.dma_semaphore, #tpu.memory_space<semaphore_mem>>
            %dma_start3A_572 = arith.constant 0 : i32
            %dma_start3A_573 = tpu.memref_slice %arg12[%run_scoped3A_556, %dma_start3A_572] : memref<1x64xi32, #tpu.memory_space<vmem>> -> memref<1x64xi32, #tpu.memory_space<vmem>>
            %dma_start3A_574 = tpu.memref_squeeze %dma_start3A_573 : memref<1x64xi32, #tpu.memory_space<vmem>> -> memref<64xi32, #tpu.memory_space<vmem>>
            %dma_start3A_575 = arith.constant 0 : i32
            %dma_start3A_576 = arith.constant 0 : i32
            %dma_start3A_577 = tpu.memref_slice %arg6[%dma_start3A_575, %dma_start3A_576] : memref<12552x128xf32, #tpu.memory_space<vmem_shared>> -> memref<12552x128xf32, #tpu.memory_space<vmem_shared>>
            tpu.enqueue_indirect_dma source(%arg13 : memref<64x128xf32, #tpu.memory_space<vmem>>) target(%dma_start3A_577 : memref<12552x128xf32, #tpu.memory_space<vmem_shared>>) offsets(%dma_start3A_574 : memref<64xi32, #tpu.memory_space<vmem>>) semaphore(%run_scoped3A_571 : memref<!tpu.dma_semaphore, #tpu.memory_space<semaphore_mem>>) {add = true}
            %dma_wait3A_578 = arith.constant 0 : i32
            %dma_wait3A_579 = tpu.memref_slice %arg12[%run_scoped3A_556, %dma_wait3A_578] : memref<1x64xi32, #tpu.memory_space<vmem>> -> memref<1x64xi32, #tpu.memory_space<vmem>>
            %dma_wait3A_580 = tpu.memref_squeeze %dma_wait3A_579 : memref<1x64xi32, #tpu.memory_space<vmem>> -> memref<64xi32, #tpu.memory_space<vmem>>
            %dma_wait3A_581 = arith.constant 0 : i32
            %dma_wait3A_582 = arith.constant 0 : i32
            %dma_wait3A_583 = tpu.memref_slice %arg6[%dma_wait3A_581, %dma_wait3A_582] : memref<12552x128xf32, #tpu.memory_space<vmem_shared>> -> memref<12552x128xf32, #tpu.memory_space<vmem_shared>>
            tpu.wait_indirect_dma semaphore(%run_scoped3A_571 : memref<!tpu.dma_semaphore, #tpu.memory_space<semaphore_mem>>) src(%arg13 : memref<64x128xf32, #tpu.memory_space<vmem>>) dst(%dma_wait3A_583 : memref<12552x128xf32, #tpu.memory_space<vmem_shared>>)
            tpu.yield
          }) : () -> ()
          %get3A_557 = arith.constant 64 : index
          %get3A_558 = tpu.vector_load %arg9[%get3A_557] {strides = array<i32>} : memref<128xi32, #tpu.memory_space<vmem>>, vector<16xi32>,
          %swap3A_559 = arith.constant 0 : index
          %swap3A_560 = tpu.vector_load %arg9[%swap3A_559] {strides = array<i32>} : memref<128xi32, #tpu.memory_space<vmem>>, vector<16xi32>,
          tpu.vector_store %arg9[%swap3A_559], %get3A_558 {strides = array<i32>} : memref<128xi32, #tpu.memory_space<vmem>>, vector<16xi32>,
          %get3A_561 = arith.constant 64 : index
          %get3A_562 = tpu.vector_load %arg10[%get3A_561] {strides = array<i32>} : memref<128xi32, #tpu.memory_space<vmem>>, vector<16xi32>,
          %swap3A_563 = arith.constant 0 : index
          %swap3A_564 = tpu.vector_load %arg10[%swap3A_563] {strides = array<i32>} : memref<128xi32, #tpu.memory_space<vmem>>, vector<16xi32>,
          tpu.vector_store %arg10[%swap3A_563], %get3A_562 {strides = array<i32>} : memref<128xi32, #tpu.memory_space<vmem>>, vector<16xi32>,
          %get3A_565 = arith.constant 64 : index
          %get3A_566 = tpu.vector_load %arg11[%get3A_565] {strides = array<i32>} : memref<128xi32, #tpu.memory_space<vmem>>, vector<16xi32>,
          %swap3A_567 = arith.constant 0 : index
          %swap3A_568 = tpu.vector_load %arg11[%swap3A_567] {strides = array<i32>} : memref<128xi32, #tpu.memory_space<vmem>>, vector<16xi32>,
          tpu.vector_store %arg11[%swap3A_567], %get3A_566 {strides = array<i32>} : memref<128xi32, #tpu.memory_space<vmem>>, vector<16xi32>,
          %sub3A_569 = arith.constant 64 : i32
          %sub3A_570 = arith.subi %add3A_509, %sub3A_569 : i32
          scf.yield %sub3A_570 : i32
        } else {
          scf.yield %add3A_509 : i32
        }
        scf.yield %cond3A_514 : i32
      }
      %scan3A_466 = arith.constant 32 : i32
      %dma_wait3A_467 = arith.constant 0 : i32
      %dma_wait3A_468 = arith.constant 0 : i32
      %dma_wait3A_469 = tpu.memref_slice %arg4[%add3A_452, %dma_wait3A_467, %dma_wait3A_468] : memref<1248x3x512xi32, #tpu.memory_space<hbm>> -> memref<1x3x512xi32, #tpu.memory_space<hbm>>
      %dma_wait3A_470 = tpu.memref_squeeze %dma_wait3A_469 : memref<1x3x512xi32, #tpu.memory_space<hbm>> -> memref<3x512xi32, #tpu.memory_space<hbm>>
      %dma_wait3A_471 = arith.constant 0 : i32
      %dma_wait3A_472 = arith.constant 0 : i32
      %dma_wait3A_473 = tpu.memref_slice %arg4[%add3A_452, %dma_wait3A_471, %dma_wait3A_472] : memref<1248x3x512xi32, #tpu.memory_space<hbm>> -> memref<1x3x512xi32, #tpu.memory_space<hbm>>
      %dma_wait3A_474 = tpu.memref_squeeze %dma_wait3A_473 : memref<1x3x512xi32, #tpu.memory_space<hbm>> -> memref<3x512xi32, #tpu.memory_space<hbm>>
      tpu.wait_dma2 semaphore(%arg15 : memref<!tpu.dma_semaphore, #tpu.memory_space<semaphore_mem>>) src(%dma_wait3A_474 : memref<3x512xi32, #tpu.memory_space<hbm>>) dst(%arg7 : memref<3x512xi32, #tpu.memory_space<vmem>>)
      scf.yield %scan3A_465 : i32
    }
    %scan3A_69 = arith.constant 39 : i32
    %add3A_70 = arith.constant 0 : i32
    %add3A_71 = arith.addi %scan3A_68, %add3A_70 : i32
    %broadcast_in_dim3A_72 = arith.constant 0 : i32
    %broadcast_in_dim3A_73 = vector.broadcast %broadcast_in_dim3A_72 : i32 to vector<16xi32>
    %broadcast_in_dim3A_74 = arith.constant true
    %broadcast_in_dim3A_75 = vector.broadcast %broadcast_in_dim3A_74 : i1 to vector<16xi1>
    %swap3A = arith.index_cast %add3A_71 : i32 to index
    %swap3A_76 = tpu.vector_load %arg9[%swap3A] masked %broadcast_in_dim3A_75 {strides = array<i32>} : memref<128xi32, #tpu.memory_space<vmem>>, vector<16xi32>, vector<16xi1>
    tpu.vector_store %arg9[%swap3A], %broadcast_in_dim3A_73 masked %broadcast_in_dim3A_75 {strides = array<i32>} : memref<128xi32, #tpu.memory_space<vmem>>, vector<16xi32>, vector<16xi1>
    %broadcast_in_dim3A_77 = arith.constant 25 : i32
    %broadcast_in_dim3A_78 = vector.broadcast %broadcast_in_dim3A_77 : i32 to vector<16xi32>
    %broadcast_in_dim3A_79 = arith.constant true
    %broadcast_in_dim3A_80 = vector.broadcast %broadcast_in_dim3A_79 : i1 to vector<16xi1>
    %swap3A_81 = arith.index_cast %add3A_71 : i32 to index
    %swap3A_82 = tpu.vector_load %arg10[%swap3A_81] masked %broadcast_in_dim3A_80 {strides = array<i32>} : memref<128xi32, #tpu.memory_space<vmem>>, vector<16xi32>, vector<16xi1>
    tpu.vector_store %arg10[%swap3A_81], %broadcast_in_dim3A_78 masked %broadcast_in_dim3A_80 {strides = array<i32>} : memref<128xi32, #tpu.memory_space<vmem>>, vector<16xi32>, vector<16xi1>
    %broadcast_in_dim3A_83 = arith.constant 12544 : i32
    %broadcast_in_dim3A_84 = vector.broadcast %broadcast_in_dim3A_83 : i32 to vector<16xi32>
    %broadcast_in_dim3A_85 = arith.constant true
    %broadcast_in_dim3A_86 = vector.broadcast %broadcast_in_dim3A_85 : i1 to vector<16xi1>
    %swap3A_87 = arith.index_cast %add3A_71 : i32 to index
    %swap3A_88 = tpu.vector_load %arg11[%swap3A_87] masked %broadcast_in_dim3A_86 {strides = array<i32>} : memref<128xi32, #tpu.memory_space<vmem>>, vector<16xi32>, vector<16xi1>
    tpu.vector_store %arg11[%swap3A_87], %broadcast_in_dim3A_84 masked %broadcast_in_dim3A_86 {strides = array<i32>} : memref<128xi32, #tpu.memory_space<vmem>>, vector<16xi32>, vector<16xi1>
    %add3A_89 = arith.constant 16 : i32
    %add3A_90 = arith.addi %scan3A_68, %add3A_89 : i32
    %broadcast_in_dim3A_91 = arith.constant 0 : i32
    %broadcast_in_dim3A_92 = vector.broadcast %broadcast_in_dim3A_91 : i32 to vector<16xi32>
    %broadcast_in_dim3A_93 = arith.constant true
    %broadcast_in_dim3A_94 = vector.broadcast %broadcast_in_dim3A_93 : i1 to vector<16xi1>
    %swap3A_95 = arith.index_cast %add3A_90 : i32 to index
    %swap3A_96 = tpu.vector_load %arg9[%swap3A_95] masked %broadcast_in_dim3A_94 {strides = array<i32>} : memref<128xi32, #tpu.memory_space<vmem>>, vector<16xi32>, vector<16xi1>
    tpu.vector_store %arg9[%swap3A_95], %broadcast_in_dim3A_92 masked %broadcast_in_dim3A_94 {strides = array<i32>} : memref<128xi32, #tpu.memory_space<vmem>>, vector<16xi32>, vector<16xi1>
    %broadcast_in_dim3A_97 = arith.constant 25 : i32
    %broadcast_in_dim3A_98 = vector.broadcast %broadcast_in_dim3A_97 : i32 to vector<16xi32>
    %broadcast_in_dim3A_99 = arith.constant true
    %broadcast_in_dim3A_100 = vector.broadcast %broadcast_in_dim3A_99 : i1 to vector<16xi1>
    %swap3A_101 = arith.index_cast %add3A_90 : i32 to index
    %swap3A_102 = tpu.vector_load %arg10[%swap3A_101] masked %broadcast_in_dim3A_100 {strides = array<i32>} : memref<128xi32, #tpu.memory_space<vmem>>, vector<16xi32>, vector<16xi1>
    tpu.vector_store %arg10[%swap3A_101], %broadcast_in_dim3A_98 masked %broadcast_in_dim3A_100 {strides = array<i32>} : memref<128xi32, #tpu.memory_space<vmem>>, vector<16xi32>, vector<16xi1>
    %broadcast_in_dim3A_103 = arith.constant 12544 : i32
    %broadcast_in_dim3A_104 = vector.broadcast %broadcast_in_dim3A_103 : i32 to vector<16xi32>
    %broadcast_in_dim3A_105 = arith.constant true
    %broadcast_in_dim3A_106 = vector.broadcast %broadcast_in_dim3A_105 : i1 to vector<16xi1>
    %swap3A_107 = arith.index_cast %add3A_90 : i32 to index
    %swap3A_108 = tpu.vector_load %arg11[%swap3A_107] masked %broadcast_in_dim3A_106 {strides = array<i32>} : memref<128xi32, #tpu.memory_space<vmem>>, vector<16xi32>, vector<16xi1>
    tpu.vector_store %arg11[%swap3A_107], %broadcast_in_dim3A_104 masked %broadcast_in_dim3A_106 {strides = array<i32>} : memref<128xi32, #tpu.memory_space<vmem>>, vector<16xi32>, vector<16xi1>
    %add3A_109 = arith.constant 32 : i32
    %add3A_110 = arith.addi %scan3A_68, %add3A_109 : i32
    %broadcast_in_dim3A_111 = arith.constant 0 : i32
    %broadcast_in_dim3A_112 = vector.broadcast %broadcast_in_dim3A_111 : i32 to vector<16xi32>
    %broadcast_in_dim3A_113 = arith.constant true
    %broadcast_in_dim3A_114 = vector.broadcast %broadcast_in_dim3A_113 : i1 to vector<16xi1>
    %swap3A_115 = arith.index_cast %add3A_110 : i32 to index
    %swap3A_116 = tpu.vector_load %arg9[%swap3A_115] masked %broadcast_in_dim3A_114 {strides = array<i32>} : memref<128xi32, #tpu.memory_space<vmem>>, vector<16xi32>, vector<16xi1>
    tpu.vector_store %arg9[%swap3A_115], %broadcast_in_dim3A_112 masked %broadcast_in_dim3A_114 {strides = array<i32>} : memref<128xi32, #tpu.memory_space<vmem>>, vector<16xi32>, vector<16xi1>
    %broadcast_in_dim3A_117 = arith.constant 25 : i32
    %broadcast_in_dim3A_118 = vector.broadcast %broadcast_in_dim3A_117 : i32 to vector<16xi32>
    %broadcast_in_dim3A_119 = arith.constant true
    %broadcast_in_dim3A_120 = vector.broadcast %broadcast_in_dim3A_119 : i1 to vector<16xi1>
    %swap3A_121 = arith.index_cast %add3A_110 : i32 to index
    %swap3A_122 = tpu.vector_load %arg10[%swap3A_121] masked %broadcast_in_dim3A_120 {strides = array<i32>} : memref<128xi32, #tpu.memory_space<vmem>>, vector<16xi32>, vector<16xi1>
    tpu.vector_store %arg10[%swap3A_121], %broadcast_in_dim3A_118 masked %broadcast_in_dim3A_120 {strides = array<i32>} : memref<128xi32, #tpu.memory_space<vmem>>, vector<16xi32>, vector<16xi1>
    %broadcast_in_dim3A_123 = arith.constant 12544 : i32
    %broadcast_in_dim3A_124 = vector.broadcast %broadcast_in_dim3A_123 : i32 to vector<16xi32>
    %broadcast_in_dim3A_125 = arith.constant true
    %broadcast_in_dim3A_126 = vector.broadcast %broadcast_in_dim3A_125 : i1 to vector<16xi1>
    %swap3A_127 = arith.index_cast %add3A_110 : i32 to index
    %swap3A_128 = tpu.vector_load %arg11[%swap3A_127] masked %broadcast_in_dim3A_126 {strides = array<i32>} : memref<128xi32, #tpu.memory_space<vmem>>, vector<16xi32>, vector<16xi1>
    tpu.vector_store %arg11[%swap3A_127], %broadcast_in_dim3A_124 masked %broadcast_in_dim3A_126 {strides = array<i32>} : memref<128xi32, #tpu.memory_space<vmem>>, vector<16xi32>, vector<16xi1>
    %add3A_129 = arith.constant 48 : i32
    %add3A_130 = arith.addi %scan3A_68, %add3A_129 : i32
    %broadcast_in_dim3A_131 = arith.constant 0 : i32
    %broadcast_in_dim3A_132 = vector.broadcast %broadcast_in_dim3A_131 : i32 to vector<16xi32>
    %broadcast_in_dim3A_133 = arith.constant true
    %broadcast_in_dim3A_134 = vector.broadcast %broadcast_in_dim3A_133 : i1 to vector<16xi1>
    %swap3A_135 = arith.index_cast %add3A_130 : i32 to index
    %swap3A_136 = tpu.vector_load %arg9[%swap3A_135] masked %broadcast_in_dim3A_134 {strides = array<i32>} : memref<128xi32, #tpu.memory_space<vmem>>, vector<16xi32>, vector<16xi1>
    tpu.vector_store %arg9[%swap3A_135], %broadcast_in_dim3A_132 masked %broadcast_in_dim3A_134 {strides = array<i32>} : memref<128xi32, #tpu.memory_space<vmem>>, vector<16xi32>, vector<16xi1>
    %broadcast_in_dim3A_137 = arith.constant 25 : i32
    %broadcast_in_dim3A_138 = vector.broadcast %broadcast_in_dim3A_137 : i32 to vector<16xi32>
    %broadcast_in_dim3A_139 = arith.constant true
    %broadcast_in_dim3A_140 = vector.broadcast %broadcast_in_dim3A_139 : i1 to vector<16xi1>
    %swap3A_141 = arith.index_cast %add3A_130 : i32 to index
    %swap3A_142 = tpu.vector_load %arg10[%swap3A_141] masked %broadcast_in_dim3A_140 {strides = array<i32>} : memref<128xi32, #tpu.memory_space<vmem>>, vector<16xi32>, vector<16xi1>
    tpu.vector_store %arg10[%swap3A_141], %broadcast_in_dim3A_138 masked %broadcast_in_dim3A_140 {strides = array<i32>} : memref<128xi32, #tpu.memory_space<vmem>>, vector<16xi32>, vector<16xi1>
    %broadcast_in_dim3A_143 = arith.constant 12544 : i32
    %broadcast_in_dim3A_144 = vector.broadcast %broadcast_in_dim3A_143 : i32 to vector<16xi32>
    %broadcast_in_dim3A_145 = arith.constant true
    %broadcast_in_dim3A_146 = vector.broadcast %broadcast_in_dim3A_145 : i1 to vector<16xi1>
    %swap3A_147 = arith.index_cast %add3A_130 : i32 to index
    %swap3A_148 = tpu.vector_load %arg11[%swap3A_147] masked %broadcast_in_dim3A_146 {strides = array<i32>} : memref<128xi32, #tpu.memory_space<vmem>>, vector<16xi32>, vector<16xi1>
    tpu.vector_store %arg11[%swap3A_147], %broadcast_in_dim3A_144 masked %broadcast_in_dim3A_146 {strides = array<i32>} : memref<128xi32, #tpu.memory_space<vmem>>, vector<16xi32>, vector<16xi1>
    %dma_start3A = arith.constant 0 : i32
    %dma_start3A_149 = tpu.memref_slice %arg9[%dma_start3A] : memref<128xi32, #tpu.memory_space<vmem>> -> memref<64xi32, #tpu.memory_space<vmem>>
    %dma_start3A_150 = arith.constant 0 : i32
    %dma_start3A_151 = arith.constant 0 : i32
    %dma_start3A_152 = tpu.memref_slice %arg2[%dma_start3A_150, %dma_start3A_151] : memref<50000x128xf32, #tpu.memory_space<hbm>> -> memref<50000x128xf32, #tpu.memory_space<hbm>>
    tpu.enqueue_indirect_dma source(%dma_start3A_152 : memref<50000x128xf32, #tpu.memory_space<hbm>>) target(%arg13 : memref<64x128xf32, #tpu.memory_space<vmem>>) offsets(%dma_start3A_149 : memref<64xi32, #tpu.memory_space<vmem>>) semaphore(%arg16 : memref<!tpu.dma_semaphore, #tpu.memory_space<semaphore_mem>>)
    %dma_wait3A = arith.constant 0 : i32
    %dma_wait3A_153 = tpu.memref_slice %arg9[%dma_wait3A] : memref<128xi32, #tpu.memory_space<vmem>> -> memref<64xi32, #tpu.memory_space<vmem>>
    %dma_wait3A_154 = arith.constant 0 : i32
    %dma_wait3A_155 = arith.constant 0 : i32
    %dma_wait3A_156 = tpu.memref_slice %arg2[%dma_wait3A_154, %dma_wait3A_155] : memref<50000x128xf32, #tpu.memory_space<hbm>> -> memref<50000x128xf32, #tpu.memory_space<hbm>>
    tpu.wait_indirect_dma semaphore(%arg16 : memref<!tpu.dma_semaphore, #tpu.memory_space<semaphore_mem>>) src(%dma_wait3A_156 : memref<50000x128xf32, #tpu.memory_space<hbm>>) dst(%arg13 : memref<64x128xf32, #tpu.memory_space<vmem>>)
    %scan3A_157 = arith.constant 0 : i32
    %scan3A_158 = arith.constant 0 : i32
    %scan3A_159 = arith.constant 64 : i32
    %scan3A_160 = arith.addi %scan3A_158, %scan3A_159 : i32
    %scan3A_161 = arith.constant 1 : i32
    %scan3A_162 = scf.for %scan3A_418 = %scan3A_158 to %scan3A_160 step %scan3A_161 iter_args(%scan3A_419 = %scan3A_157) -> (i32)  : i32 {
      %get3A_420 = arith.index_cast %scan3A_418 : i32 to index
      %get3A_421 = tpu.vector_load %arg10[%get3A_420] {strides = array<i32>} : memref<128xi32, #tpu.memory_space<vmem>>, vector<16xi32>,
      %slice3A = vector.extract_strided_slice %get3A_421 {offsets = [0], sizes = [1], strides = [1]} : vector<16xi32> to vector<1xi32>
      %squeeze3A = vector.extract %slice3A[0] : i32 from vector<1xi32>
      %get3A_422 = arith.index_cast %scan3A_418 : i32 to index
      %get3A_423 = arith.constant 0 : index
      %get3A_424 = tpu.vector_load %arg13[%get3A_422, %get3A_423] {strides = array<i32>} : memref<64x128xf32, #tpu.memory_space<vmem>>, vector<16xf32>,
      %get3A_425 = arith.index_cast %squeeze3A : i32 to index
      %get3A_426 = arith.constant 0 : index
      %get3A_427 = tpu.vector_load %arg14[%get3A_425, %get3A_426] {strides = array<i32>} : memref<32x128xf32, #tpu.memory_space<vmem>>, vector<16xf32>,
      %mul3A_428 = arith.mulf %get3A_424, %get3A_427 : vector<16xf32>
      %swap3A_429 = arith.index_cast %scan3A_418 : i32 to index
      %swap3A_430 = arith.constant 0 : index
      %swap3A_431 = tpu.vector_load %arg13[%swap3A_429, %swap3A_430] {strides = array<i32>} : memref<64x128xf32, #tpu.memory_space<vmem>>, vector<16xf32>,
      tpu.vector_store %arg13[%swap3A_429, %swap3A_430], %mul3A_428 {strides = array<i32>} : memref<64x128xf32, #tpu.memory_space<vmem>>, vector<16xf32>,
      %get3A_432 = arith.index_cast %scan3A_418 : i32 to index
      %get3A_433 = arith.constant 16 : index
      %get3A_434 = tpu.vector_load %arg13[%get3A_432, %get3A_433] {strides = array<i32>} : memref<64x128xf32, #tpu.memory_space<vmem>>, vector<16xf32>,
      %get3A_435 = arith.index_cast %squeeze3A : i32 to index
      %get3A_436 = arith.constant 16 : index
      %get3A_437 = tpu.vector_load %arg14[%get3A_435, %get3A_436] {strides = array<i32>} : memref<32x128xf32, #tpu.memory_space<vmem>>, vector<16xf32>,
      %mul3A_438 = arith.mulf %get3A_434, %get3A_437 : vector<16xf32>
      %swap3A_439 = arith.index_cast %scan3A_418 : i32 to index
      %swap3A_440 = arith.constant 16 : index
      %swap3A_441 = tpu.vector_load %arg13[%swap3A_439, %swap3A_440] {strides = array<i32>} : memref<64x128xf32, #tpu.memory_space<vmem>>, vector<16xf32>,
      tpu.vector_store %arg13[%swap3A_439, %swap3A_440], %mul3A_438 {strides = array<i32>} : memref<64x128xf32, #tpu.memory_space<vmem>>, vector<16xf32>,
      %get3A_442 = arith.index_cast %scan3A_418 : i32 to index
      %get3A_443 = arith.constant 32 : index
      %get3A_444 = tpu.vector_load %arg13[%get3A_442, %get3A_443] {strides = array<i32>} : memref<64x128xf32, #tpu.memory_space<vmem>>, vector<16xf32>,
      %get3A_445 = arith.index_cast %squeeze3A : i32 to index
      %get3A_446 = arith.constant 32 : index
      %get3A_447 = tpu.vector_load %arg14[%get3A_445, %get3A_446] {strides = array<i32>} : memref<32x128xf32, #tpu.memory_space<vmem>>, vector<16xf32>,
      %mul3A_448 = arith.mulf %get3A_444, %get3A_447 : vector<16xf32>
      %swap3A_449 = arith.index_cast %scan3A_418 : i32 to index
      %swap3A_450 = arith.constant 32 : index
      %swap3A_451 = tpu.vector_load %arg13[%swap3A_449, %swap3A_450] {strides = array<i32>} : memref<64x128xf32, #tpu.memory_space<vmem>>, vector<16xf32>,
      tpu.vector_store %arg13[%swap3A_449, %swap3A_450], %mul3A_448 {strides = array<i32>} : memref<64x128xf32, #tpu.memory_space<vmem>>, vector<16xf32>,
      %get3A_452 = arith.index_cast %scan3A_418 : i32 to index
      %get3A_453 = arith.constant 48 : index
      %get3A_454 = tpu.vector_load %arg13[%get3A_452, %get3A_453] {strides = array<i32>} : memref<64x128xf32, #tpu.memory_space<vmem>>, vector<16xf32>,
      %get3A_455 = arith.index_cast %squeeze3A : i32 to index
      %get3A_456 = arith.constant 48 : index
      %get3A_457 = tpu.vector_load %arg14[%get3A_455, %get3A_456] {strides = array<i32>} : memref<32x128xf32, #tpu.memory_space<vmem>>, vector<16xf32>,
      %mul3A_458 = arith.mulf %get3A_454, %get3A_457 : vector<16xf32>
      %swap3A_459 = arith.index_cast %scan3A_418 : i32 to index
      %swap3A_460 = arith.constant 48 : index
      %swap3A_461 = tpu.vector_load %arg13[%swap3A_459, %swap3A_460] {strides = array<i32>} : memref<64x128xf32, #tpu.memory_space<vmem>>, vector<16xf32>,
      tpu.vector_store %arg13[%swap3A_459, %swap3A_460], %mul3A_458 {strides = array<i32>} : memref<64x128xf32, #tpu.memory_space<vmem>>, vector<16xf32>,
      %get3A_462 = arith.index_cast %scan3A_418 : i32 to index
      %get3A_463 = arith.constant 64 : index
      %get3A_464 = tpu.vector_load %arg13[%get3A_462, %get3A_463] {strides = array<i32>} : memref<64x128xf32, #tpu.memory_space<vmem>>, vector<16xf32>,
      %get3A_465 = arith.index_cast %squeeze3A : i32 to index
      %get3A_466 = arith.constant 64 : index
      %get3A_467 = tpu.vector_load %arg14[%get3A_465, %get3A_466] {strides = array<i32>} : memref<32x128xf32, #tpu.memory_space<vmem>>, vector<16xf32>,
      %mul3A_468 = arith.mulf %get3A_464, %get3A_467 : vector<16xf32>
      %swap3A_469 = arith.index_cast %scan3A_418 : i32 to index
      %swap3A_470 = arith.constant 64 : index
      %swap3A_471 = tpu.vector_load %arg13[%swap3A_469, %swap3A_470] {strides = array<i32>} : memref<64x128xf32, #tpu.memory_space<vmem>>, vector<16xf32>,
      tpu.vector_store %arg13[%swap3A_469, %swap3A_470], %mul3A_468 {strides = array<i32>} : memref<64x128xf32, #tpu.memory_space<vmem>>, vector<16xf32>,
      %get3A_472 = arith.index_cast %scan3A_418 : i32 to index
      %get3A_473 = arith.constant 80 : index
      %get3A_474 = tpu.vector_load %arg13[%get3A_472, %get3A_473] {strides = array<i32>} : memref<64x128xf32, #tpu.memory_space<vmem>>, vector<16xf32>,
      %get3A_475 = arith.index_cast %squeeze3A : i32 to index
      %get3A_476 = arith.constant 80 : index
      %get3A_477 = tpu.vector_load %arg14[%get3A_475, %get3A_476] {strides = array<i32>} : memref<32x128xf32, #tpu.memory_space<vmem>>, vector<16xf32>,
      %mul3A_478 = arith.mulf %get3A_474, %get3A_477 : vector<16xf32>
      %swap3A_479 = arith.index_cast %scan3A_418 : i32 to index
      %swap3A_480 = arith.constant 80 : index
      %swap3A_481 = tpu.vector_load %arg13[%swap3A_479, %swap3A_480] {strides = array<i32>} : memref<64x128xf32, #tpu.memory_space<vmem>>, vector<16xf32>,
      tpu.vector_store %arg13[%swap3A_479, %swap3A_480], %mul3A_478 {strides = array<i32>} : memref<64x128xf32, #tpu.memory_space<vmem>>, vector<16xf32>,
      %get3A_482 = arith.index_cast %scan3A_418 : i32 to index
      %get3A_483 = arith.constant 96 : index
      %get3A_484 = tpu.vector_load %arg13[%get3A_482, %get3A_483] {strides = array<i32>} : memref<64x128xf32, #tpu.memory_space<vmem>>, vector<16xf32>,
      %get3A_485 = arith.index_cast %squeeze3A : i32 to index
      %get3A_486 = arith.constant 96 : index
      %get3A_487 = tpu.vector_load %arg14[%get3A_485, %get3A_486] {strides = array<i32>} : memref<32x128xf32, #tpu.memory_space<vmem>>, vector<16xf32>,
      %mul3A_488 = arith.mulf %get3A_484, %get3A_487 : vector<16xf32>
      %swap3A_489 = arith.index_cast %scan3A_418 : i32 to index
      %swap3A_490 = arith.constant 96 : index
      %swap3A_491 = tpu.vector_load %arg13[%swap3A_489, %swap3A_490] {strides = array<i32>} : memref<64x128xf32, #tpu.memory_space<vmem>>, vector<16xf32>,
      tpu.vector_store %arg13[%swap3A_489, %swap3A_490], %mul3A_488 {strides = array<i32>} : memref<64x128xf32, #tpu.memory_space<vmem>>, vector<16xf32>,
      %get3A_492 = arith.index_cast %scan3A_418 : i32 to index
      %get3A_493 = arith.constant 112 : index
      %get3A_494 = tpu.vector_load %arg13[%get3A_492, %get3A_493] {strides = array<i32>} : memref<64x128xf32, #tpu.memory_space<vmem>>, vector<16xf32>,
      %get3A_495 = arith.index_cast %squeeze3A : i32 to index
      %get3A_496 = arith.constant 112 : index
      %get3A_497 = tpu.vector_load %arg14[%get3A_495, %get3A_496] {strides = array<i32>} : memref<32x128xf32, #tpu.memory_space<vmem>>, vector<16xf32>,
      %mul3A_498 = arith.mulf %get3A_494, %get3A_497 : vector<16xf32>
      %swap3A_499 = arith.index_cast %scan3A_418 : i32 to index
      %swap3A_500 = arith.constant 112 : index
      %swap3A_501 = tpu.vector_load %arg13[%swap3A_499, %swap3A_500] {strides = array<i32>} : memref<64x128xf32, #tpu.memory_space<vmem>>, vector<16xf32>,
      tpu.vector_store %arg13[%swap3A_499, %swap3A_500], %mul3A_498 {strides = array<i32>} : memref<64x128xf32, #tpu.memory_space<vmem>>, vector<16xf32>,
      %scan3A_502 = arith.constant 0 : i32
      scf.yield %scan3A_502 : i32
    }
    %scan3A_163 = arith.constant 64 : i32
    %get3A = arith.constant 0 : index
    %get3A_164 = tpu.vector_load %arg11[%get3A] {strides = array<i32>} : memref<128xi32, #tpu.memory_space<vmem>>, vector<16xi32>,
    %swap3A_165 = arith.constant 0 : i32
    %swap3A_166 = arith.index_cast %swap3A_165 : i32 to index
    %swap3A_167 = arith.constant 0 : index
    %swap3A_168 = tpu.vector_load %arg12[%swap3A_166, %swap3A_167] {strides = array<i32>} : memref<1x64xi32, #tpu.memory_space<vmem>>, vector<16xi32>,
    tpu.vector_store %arg12[%swap3A_166, %swap3A_167], %get3A_164 {strides = array<i32>} : memref<1x64xi32, #tpu.memory_space<vmem>>, vector<16xi32>,
    %get3A_169 = arith.constant 16 : index
    %get3A_170 = tpu.vector_load %arg11[%get3A_169] {strides = array<i32>} : memref<128xi32, #tpu.memory_space<vmem>>, vector<16xi32>,
    %swap3A_171 = arith.constant 0 : i32
    %swap3A_172 = arith.index_cast %swap3A_171 : i32 to index
    %swap3A_173 = arith.constant 16 : index
    %swap3A_174 = tpu.vector_load %arg12[%swap3A_172, %swap3A_173] {strides = array<i32>} : memref<1x64xi32, #tpu.memory_space<vmem>>, vector<16xi32>,
    tpu.vector_store %arg12[%swap3A_172, %swap3A_173], %get3A_170 {strides = array<i32>} : memref<1x64xi32, #tpu.memory_space<vmem>>, vector<16xi32>,
    %get3A_175 = arith.constant 32 : index
    %get3A_176 = tpu.vector_load %arg11[%get3A_175] {strides = array<i32>} : memref<128xi32, #tpu.memory_space<vmem>>, vector<16xi32>,
    %swap3A_177 = arith.constant 0 : i32
    %swap3A_178 = arith.index_cast %swap3A_177 : i32 to index
    %swap3A_179 = arith.constant 32 : index
    %swap3A_180 = tpu.vector_load %arg12[%swap3A_178, %swap3A_179] {strides = array<i32>} : memref<1x64xi32, #tpu.memory_space<vmem>>, vector<16xi32>,
    tpu.vector_store %arg12[%swap3A_178, %swap3A_179], %get3A_176 {strides = array<i32>} : memref<1x64xi32, #tpu.memory_space<vmem>>, vector<16xi32>,
    %get3A_181 = arith.constant 48 : index
    %get3A_182 = tpu.vector_load %arg11[%get3A_181] {strides = array<i32>} : memref<128xi32, #tpu.memory_space<vmem>>, vector<16xi32>,
    %swap3A_183 = arith.constant 0 : i32
    %swap3A_184 = arith.index_cast %swap3A_183 : i32 to index
    %swap3A_185 = arith.constant 48 : index
    %swap3A_186 = tpu.vector_load %arg12[%swap3A_184, %swap3A_185] {strides = array<i32>} : memref<1x64xi32, #tpu.memory_space<vmem>>, vector<16xi32>,
    tpu.vector_store %arg12[%swap3A_184, %swap3A_185], %get3A_182 {strides = array<i32>} : memref<1x64xi32, #tpu.memory_space<vmem>>, vector<16xi32>,
    %run_scoped3A = arith.constant 0 : i32
    "tpu.region"() ({
      %run_scoped3A_418 = tpu.sem_alloc : memref<!tpu.dma_semaphore, #tpu.memory_space<semaphore_mem>>
      %dma_start3A_419 = arith.constant 0 : i32
      %dma_start3A_420 = tpu.memref_slice %arg12[%run_scoped3A, %dma_start3A_419] : memref<1x64xi32, #tpu.memory_space<vmem>> -> memref<1x64xi32, #tpu.memory_space<vmem>>
      %dma_start3A_421 = tpu.memref_squeeze %dma_start3A_420 : memref<1x64xi32, #tpu.memory_space<vmem>> -> memref<64xi32, #tpu.memory_space<vmem>>
      %dma_start3A_422 = arith.constant 0 : i32
      %dma_start3A_423 = arith.constant 0 : i32
      %dma_start3A_424 = tpu.memref_slice %arg6[%dma_start3A_422, %dma_start3A_423] : memref<12552x128xf32, #tpu.memory_space<vmem_shared>> -> memref<12552x128xf32, #tpu.memory_space<vmem_shared>>
      tpu.enqueue_indirect_dma source(%arg13 : memref<64x128xf32, #tpu.memory_space<vmem>>) target(%dma_start3A_424 : memref<12552x128xf32, #tpu.memory_space<vmem_shared>>) offsets(%dma_start3A_421 : memref<64xi32, #tpu.memory_space<vmem>>) semaphore(%run_scoped3A_418 : memref<!tpu.dma_semaphore, #tpu.memory_space<semaphore_mem>>) {add = true}
      %dma_wait3A_425 = arith.constant 0 : i32
      %dma_wait3A_426 = tpu.memref_slice %arg12[%run_scoped3A, %dma_wait3A_425] : memref<1x64xi32, #tpu.memory_space<vmem>> -> memref<1x64xi32, #tpu.memory_space<vmem>>
      %dma_wait3A_427 = tpu.memref_squeeze %dma_wait3A_426 : memref<1x64xi32, #tpu.memory_space<vmem>> -> memref<64xi32, #tpu.memory_space<vmem>>
      %dma_wait3A_428 = arith.constant 0 : i32
      %dma_wait3A_429 = arith.constant 0 : i32
      %dma_wait3A_430 = tpu.memref_slice %arg6[%dma_wait3A_428, %dma_wait3A_429] : memref<12552x128xf32, #tpu.memory_space<vmem_shared>> -> memref<12552x128xf32, #tpu.memory_space<vmem_shared>>
      tpu.wait_indirect_dma semaphore(%run_scoped3A_418 : memref<!tpu.dma_semaphore, #tpu.memory_space<semaphore_mem>>) src(%arg13 : memref<64x128xf32, #tpu.memory_space<vmem>>) dst(%dma_wait3A_430 : memref<12552x128xf32, #tpu.memory_space<vmem_shared>>)
      tpu.yield
    }) : () -> ()
    %get3A_187 = arith.constant 64 : index
    %get3A_188 = tpu.vector_load %arg9[%get3A_187] {strides = array<i32>} : memref<128xi32, #tpu.memory_space<vmem>>, vector<16xi32>,
    %swap3A_189 = arith.constant 0 : index
    %swap3A_190 = tpu.vector_load %arg9[%swap3A_189] {strides = array<i32>} : memref<128xi32, #tpu.memory_space<vmem>>, vector<16xi32>,
    tpu.vector_store %arg9[%swap3A_189], %get3A_188 {strides = array<i32>} : memref<128xi32, #tpu.memory_space<vmem>>, vector<16xi32>,
    %get3A_191 = arith.constant 64 : index
    %get3A_192 = tpu.vector_load %arg10[%get3A_191] {strides = array<i32>} : memref<128xi32, #tpu.memory_space<vmem>>, vector<16xi32>,
    %swap3A_193 = arith.constant 0 : index
    %swap3A_194 = tpu.vector_load %arg10[%swap3A_193] {strides = array<i32>} : memref<128xi32, #tpu.memory_space<vmem>>, vector<16xi32>,
    tpu.vector_store %arg10[%swap3A_193], %get3A_192 {strides = array<i32>} : memref<128xi32, #tpu.memory_space<vmem>>, vector<16xi32>,
    %get3A_195 = arith.constant 64 : index
    %get3A_196 = tpu.vector_load %arg11[%get3A_195] {strides = array<i32>} : memref<128xi32, #tpu.memory_space<vmem>>, vector<16xi32>,
    %swap3A_197 = arith.constant 0 : index
    %swap3A_198 = tpu.vector_load %arg11[%swap3A_197] {strides = array<i32>} : memref<128xi32, #tpu.memory_space<vmem>>, vector<16xi32>,
    tpu.vector_store %arg11[%swap3A_197], %get3A_196 {strides = array<i32>} : memref<128xi32, #tpu.memory_space<vmem>>, vector<16xi32>,
    %barrier3A_199 = arith.constant 0 : index
    tpu.barrier barrier_id(%barrier3A_199)
    %mul3A_200 = arith.constant 784 : i32
    %mul3A_201 = arith.muli %arg1, %mul3A_200 : i32
    %mul3A_202 = arith.constant 784 : i32
    %mul3A_203 = arith.muli %arg1, %mul3A_202 : i32
    %add3A_204 = arith.addi %mul3A_4, %mul3A_203 : i32
    "tpu.region"() ({
      %run_scoped3A_418 = tpu.sem_alloc : memref<!tpu.dma_semaphore, #tpu.memory_space<semaphore_mem>>
      %dma_start3A_419 = arith.constant 0 : i32
      %dma_start3A_420 = tpu.memref_slice %arg5[%add3A_204, %dma_start3A_419] : memref<50176x128xf32, #tpu.memory_space<hbm>> -> memref<784x128xf32, #tpu.memory_space<hbm>>
      %dma_start3A_421 = arith.constant 0 : i32
      %dma_start3A_422 = tpu.memref_slice %arg6[%mul3A_201, %dma_start3A_421] : memref<12552x128xf32, #tpu.memory_space<vmem_shared>> -> memref<784x128xf32, #tpu.memory_space<vmem_shared>>
      tpu.enqueue_dma source(%dma_start3A_422 : memref<784x128xf32, #tpu.memory_space<vmem_shared>>) target(%dma_start3A_420 : memref<784x128xf32, #tpu.memory_space<hbm>>) target_semaphore(%run_scoped3A_418 : memref<!tpu.dma_semaphore, #tpu.memory_space<semaphore_mem>>)
      %dma_wait3A_423 = arith.constant 0 : i32
      %dma_wait3A_424 = tpu.memref_slice %arg5[%add3A_204, %dma_wait3A_423] : memref<50176x128xf32, #tpu.memory_space<hbm>> -> memref<784x128xf32, #tpu.memory_space<hbm>>
      %dma_wait3A_425 = arith.constant 0 : i32
      %dma_wait3A_426 = tpu.memref_slice %arg6[%mul3A_201, %dma_wait3A_425] : memref<12552x128xf32, #tpu.memory_space<vmem_shared>> -> memref<784x128xf32, #tpu.memory_space<vmem_shared>>
      tpu.wait_dma2 semaphore(%run_scoped3A_418 : memref<!tpu.dma_semaphore, #tpu.memory_space<semaphore_mem>>) src(%dma_wait3A_426 : memref<784x128xf32, #tpu.memory_space<vmem_shared>>) dst(%dma_wait3A_424 : memref<784x128xf32, #tpu.memory_space<hbm>>)
      tpu.yield
    }) : () -> ()
    %barrier3A_205 = arith.constant 0 : index
    tpu.barrier barrier_id(%barrier3A_205)
    %add3A_206 = arith.constant 2 : i32
    %add3A_207 = arith.addi %add3A_206, %arg0 : i32
    %mul3A_208 = arith.constant 12544 : i32
    %mul3A_209 = arith.muli %add3A_207, %mul3A_208 : i32
    %scan3A_210 = arith.constant 0 : i32
    %scan3A_211 = arith.constant 0 : i32
    %scan3A_212 = arith.constant 64 : i32
    %scan3A_213 = arith.addi %scan3A_211, %scan3A_212 : i32
    %scan3A_214 = arith.constant 1 : i32
    %scan3A_215 = scf.for %scan3A_418 = %scan3A_211 to %scan3A_213 step %scan3A_214 iter_args(%scan3A_419 = %scan3A_210) -> (i32)  : i32 {
      %swap3A_420 = arith.index_cast %scan3A_418 : i32 to index
      %swap3A_421 = arith.constant 0 : index
      %swap3A_422 = tpu.vector_load %arg13[%swap3A_420, %swap3A_421] {strides = array<i32>} : memref<64x128xf32, #tpu.memory_space<vmem>>, vector<16xf32>,
      tpu.vector_store %arg13[%swap3A_420, %swap3A_421], %broadcast_in_dim3A_0 {strides = array<i32>} : memref<64x128xf32, #tpu.memory_space<vmem>>, vector<16xf32>,
      %swap3A_423 = arith.index_cast %scan3A_418 : i32 to index
      %swap3A_424 = arith.constant 16 : index
      %swap3A_425 = tpu.vector_load %arg13[%swap3A_423, %swap3A_424] {strides = array<i32>} : memref<64x128xf32, #tpu.memory_space<vmem>>, vector<16xf32>,
      tpu.vector_store %arg13[%swap3A_423, %swap3A_424], %broadcast_in_dim3A_0 {strides = array<i32>} : memref<64x128xf32, #tpu.memory_space<vmem>>, vector<16xf32>,
      %swap3A_426 = arith.index_cast %scan3A_418 : i32 to index
      %swap3A_427 = arith.constant 32 : index
      %swap3A_428 = tpu.vector_load %arg13[%swap3A_426, %swap3A_427] {strides = array<i32>} : memref<64x128xf32, #tpu.memory_space<vmem>>, vector<16xf32>,
      tpu.vector_store %arg13[%swap3A_426, %swap3A_427], %broadcast_in_dim3A_0 {strides = array<i32>} : memref<64x128xf32, #tpu.memory_space<vmem>>, vector<16xf32>,
      %swap3A_429 = arith.index_cast %scan3A_418 : i32 to index
      %swap3A_430 = arith.constant 48 : index
      %swap3A_431 = tpu.vector_load %arg13[%swap3A_429, %swap3A_430] {strides = array<i32>} : memref<64x128xf32, #tpu.memory_space<vmem>>, vector<16xf32>,
      tpu.vector_store %arg13[%swap3A_429, %swap3A_430], %broadcast_in_dim3A_0 {strides = array<i32>} : memref<64x128xf32, #tpu.memory_space<vmem>>, vector<16xf32>,
      %swap3A_432 = arith.index_cast %scan3A_418 : i32 to index
      %swap3A_433 = arith.constant 64 : index
      %swap3A_434 = tpu.vector_load %arg13[%swap3A_432, %swap3A_433] {strides = array<i32>} : memref<64x128xf32, #tpu.memory_space<vmem>>, vector<16xf32>,
      tpu.vector_store %arg13[%swap3A_432, %swap3A_433], %broadcast_in_dim3A_0 {strides = array<i32>} : memref<64x128xf32, #tpu.memory_space<vmem>>, vector<16xf32>,
      %swap3A_435 = arith.index_cast %scan3A_418 : i32 to index
      %swap3A_436 = arith.constant 80 : index
      %swap3A_437 = tpu.vector_load %arg13[%swap3A_435, %swap3A_436] {strides = array<i32>} : memref<64x128xf32, #tpu.memory_space<vmem>>, vector<16xf32>,
      tpu.vector_store %arg13[%swap3A_435, %swap3A_436], %broadcast_in_dim3A_0 {strides = array<i32>} : memref<64x128xf32, #tpu.memory_space<vmem>>, vector<16xf32>,
      %swap3A_438 = arith.index_cast %scan3A_418 : i32 to index
      %swap3A_439 = arith.constant 96 : index
      %swap3A_440 = tpu.vector_load %arg13[%swap3A_438, %swap3A_439] {strides = array<i32>} : memref<64x128xf32, #tpu.memory_space<vmem>>, vector<16xf32>,
      tpu.vector_store %arg13[%swap3A_438, %swap3A_439], %broadcast_in_dim3A_0 {strides = array<i32>} : memref<64x128xf32, #tpu.memory_space<vmem>>, vector<16xf32>,
      %swap3A_441 = arith.index_cast %scan3A_418 : i32 to index
      %swap3A_442 = arith.constant 112 : index
      %swap3A_443 = tpu.vector_load %arg13[%swap3A_441, %swap3A_442] {strides = array<i32>} : memref<64x128xf32, #tpu.memory_space<vmem>>, vector<16xf32>,
      tpu.vector_store %arg13[%swap3A_441, %swap3A_442], %broadcast_in_dim3A_0 {strides = array<i32>} : memref<64x128xf32, #tpu.memory_space<vmem>>, vector<16xf32>,
      %scan3A_444 = arith.constant 0 : i32
      scf.yield %scan3A_444 : i32
    }
    %scan3A_216 = arith.constant 64 : i32
    %mul3A_217 = arith.constant 784 : i32
    %mul3A_218 = arith.muli %arg1, %mul3A_217 : i32
    %add3A_219 = arith.constant 0 : i32
    %add3A_220 = arith.addi %mul3A_218, %add3A_219 : i32
    "tpu.region"() ({
      %run_scoped3A_418 = tpu.sem_alloc : memref<!tpu.dma_semaphore, #tpu.memory_space<semaphore_mem>>
      %dma_start3A_419 = arith.constant 0 : i32
      %dma_start3A_420 = tpu.memref_slice %arg6[%add3A_220, %dma_start3A_419] : memref<12552x128xf32, #tpu.memory_space<vmem_shared>> -> memref<64x128xf32, #tpu.memory_space<vmem_shared>>
      %dma_start3A_421 = arith.constant 0 : i32
      %dma_start3A_422 = tpu.memref_slice %arg6[%add3A_220, %dma_start3A_421] : memref<12552x128xf32, #tpu.memory_space<vmem_shared>> -> memref<64x128xf32, #tpu.memory_space<vmem_shared>>
      tpu.enqueue_dma source(%arg13 : memref<64x128xf32, #tpu.memory_space<vmem>>) target(%dma_start3A_422 : memref<64x128xf32, #tpu.memory_space<vmem_shared>>) target_semaphore(%run_scoped3A_418 : memref<!tpu.dma_semaphore, #tpu.memory_space<semaphore_mem>>)
      %dma_wait3A_423 = arith.constant 0 : i32
      %dma_wait3A_424 = tpu.memref_slice %arg6[%add3A_220, %dma_wait3A_423] : memref<12552x128xf32, #tpu.memory_space<vmem_shared>> -> memref<64x128xf32, #tpu.memory_space<vmem_shared>>
      %dma_wait3A_425 = arith.constant 0 : i32
      %dma_wait3A_426 = tpu.memref_slice %arg6[%add3A_220, %dma_wait3A_425] : memref<12552x128xf32, #tpu.memory_space<vmem_shared>> -> memref<64x128xf32, #tpu.memory_space<vmem_shared>>
      tpu.wait_dma2 semaphore(%run_scoped3A_418 : memref<!tpu.dma_semaphore, #tpu.memory_space<semaphore_mem>>) src(%arg13 : memref<64x128xf32, #tpu.memory_space<vmem>>) dst(%dma_wait3A_426 : memref<64x128xf32, #tpu.memory_space<vmem_shared>>)
      tpu.yield
    }) : () -> ()
    %mul3A_221 = arith.constant 784 : i32
    %mul3A_222 = arith.muli %arg1, %mul3A_221 : i32
    %add3A_223 = arith.constant 64 : i32
    %add3A_224 = arith.addi %mul3A_222, %add3A_223 : i32
    "tpu.region"() ({
      %run_scoped3A_418 = tpu.sem_alloc : memref<!tpu.dma_semaphore, #tpu.memory_space<semaphore_mem>>
      %dma_start3A_419 = arith.constant 0 : i32
      %dma_start3A_420 = tpu.memref_slice %arg6[%add3A_224, %dma_start3A_419] : memref<12552x128xf32, #tpu.memory_space<vmem_shared>> -> memref<64x128xf32, #tpu.memory_space<vmem_shared>>
      %dma_start3A_421 = arith.constant 0 : i32
      %dma_start3A_422 = tpu.memref_slice %arg6[%add3A_224, %dma_start3A_421] : memref<12552x128xf32, #tpu.memory_space<vmem_shared>> -> memref<64x128xf32, #tpu.memory_space<vmem_shared>>
      tpu.enqueue_dma source(%arg13 : memref<64x128xf32, #tpu.memory_space<vmem>>) target(%dma_start3A_422 : memref<64x128xf32, #tpu.memory_space<vmem_shared>>) target_semaphore(%run_scoped3A_418 : memref<!tpu.dma_semaphore, #tpu.memory_space<semaphore_mem>>)
      %dma_wait3A_423 = arith.constant 0 : i32
      %dma_wait3A_424 = tpu.memref_slice %arg6[%add3A_224, %dma_wait3A_423] : memref<12552x128xf32, #tpu.memory_space<vmem_shared>> -> memref<64x128xf32, #tpu.memory_space<vmem_shared>>
      %dma_wait3A_425 = arith.constant 0 : i32
      %dma_wait3A_426 = tpu.memref_slice %arg6[%add3A_224, %dma_wait3A_425] : memref<12552x128xf32, #tpu.memory_space<vmem_shared>> -> memref<64x128xf32, #tpu.memory_space<vmem_shared>>
      tpu.wait_dma2 semaphore(%run_scoped3A_418 : memref<!tpu.dma_semaphore, #tpu.memory_space<semaphore_mem>>) src(%arg13 : memref<64x128xf32, #tpu.memory_space<vmem>>) dst(%dma_wait3A_426 : memref<64x128xf32, #tpu.memory_space<vmem_shared>>)
      tpu.yield
    }) : () -> ()
    %mul3A_225 = arith.constant 784 : i32
    %mul3A_226 = arith.muli %arg1, %mul3A_225 : i32
    %add3A_227 = arith.constant 128 : i32
    %add3A_228 = arith.addi %mul3A_226, %add3A_227 : i32
    "tpu.region"() ({
      %run_scoped3A_418 = tpu.sem_alloc : memref<!tpu.dma_semaphore, #tpu.memory_space<semaphore_mem>>
      %dma_start3A_419 = arith.constant 0 : i32
      %dma_start3A_420 = tpu.memref_slice %arg6[%add3A_228, %dma_start3A_419] : memref<12552x128xf32, #tpu.memory_space<vmem_shared>> -> memref<64x128xf32, #tpu.memory_space<vmem_shared>>
      %dma_start3A_421 = arith.constant 0 : i32
      %dma_start3A_422 = tpu.memref_slice %arg6[%add3A_228, %dma_start3A_421] : memref<12552x128xf32, #tpu.memory_space<vmem_shared>> -> memref<64x128xf32, #tpu.memory_space<vmem_shared>>
      tpu.enqueue_dma source(%arg13 : memref<64x128xf32, #tpu.memory_space<vmem>>) target(%dma_start3A_422 : memref<64x128xf32, #tpu.memory_space<vmem_shared>>) target_semaphore(%run_scoped3A_418 : memref<!tpu.dma_semaphore, #tpu.memory_space<semaphore_mem>>)
      %dma_wait3A_423 = arith.constant 0 : i32
      %dma_wait3A_424 = tpu.memref_slice %arg6[%add3A_228, %dma_wait3A_423] : memref<12552x128xf32, #tpu.memory_space<vmem_shared>> -> memref<64x128xf32, #tpu.memory_space<vmem_shared>>
      %dma_wait3A_425 = arith.constant 0 : i32
      %dma_wait3A_426 = tpu.memref_slice %arg6[%add3A_228, %dma_wait3A_425] : memref<12552x128xf32, #tpu.memory_space<vmem_shared>> -> memref<64x128xf32, #tpu.memory_space<vmem_shared>>
      tpu.wait_dma2 semaphore(%run_scoped3A_418 : memref<!tpu.dma_semaphore, #tpu.memory_space<semaphore_mem>>) src(%arg13 : memref<64x128xf32, #tpu.memory_space<vmem>>) dst(%dma_wait3A_426 : memref<64x128xf32, #tpu.memory_space<vmem_shared>>)
      tpu.yield
    }) : () -> ()
    %mul3A_229 = arith.constant 784 : i32
    %mul3A_230 = arith.muli %arg1, %mul3A_229 : i32
    %add3A_231 = arith.constant 192 : i32
    %add3A_232 = arith.addi %mul3A_230, %add3A_231 : i32
    "tpu.region"() ({
      %run_scoped3A_418 = tpu.sem_alloc : memref<!tpu.dma_semaphore, #tpu.memory_space<semaphore_mem>>
      %dma_start3A_419 = arith.constant 0 : i32
      %dma_start3A_420 = tpu.memref_slice %arg6[%add3A_232, %dma_start3A_419] : memref<12552x128xf32, #tpu.memory_space<vmem_shared>> -> memref<64x128xf32, #tpu.memory_space<vmem_shared>>
      %dma_start3A_421 = arith.constant 0 : i32
      %dma_start3A_422 = tpu.memref_slice %arg6[%add3A_232, %dma_start3A_421] : memref<12552x128xf32, #tpu.memory_space<vmem_shared>> -> memref<64x128xf32, #tpu.memory_space<vmem_shared>>
      tpu.enqueue_dma source(%arg13 : memref<64x128xf32, #tpu.memory_space<vmem>>) target(%dma_start3A_422 : memref<64x128xf32, #tpu.memory_space<vmem_shared>>) target_semaphore(%run_scoped3A_418 : memref<!tpu.dma_semaphore, #tpu.memory_space<semaphore_mem>>)
      %dma_wait3A_423 = arith.constant 0 : i32
      %dma_wait3A_424 = tpu.memref_slice %arg6[%add3A_232, %dma_wait3A_423] : memref<12552x128xf32, #tpu.memory_space<vmem_shared>> -> memref<64x128xf32, #tpu.memory_space<vmem_shared>>
      %dma_wait3A_425 = arith.constant 0 : i32
      %dma_wait3A_426 = tpu.memref_slice %arg6[%add3A_232, %dma_wait3A_425] : memref<12552x128xf32, #tpu.memory_space<vmem_shared>> -> memref<64x128xf32, #tpu.memory_space<vmem_shared>>
      tpu.wait_dma2 semaphore(%run_scoped3A_418 : memref<!tpu.dma_semaphore, #tpu.memory_space<semaphore_mem>>) src(%arg13 : memref<64x128xf32, #tpu.memory_space<vmem>>) dst(%dma_wait3A_426 : memref<64x128xf32, #tpu.memory_space<vmem_shared>>)
      tpu.yield
    }) : () -> ()
    %mul3A_233 = arith.constant 784 : i32
    %mul3A_234 = arith.muli %arg1, %mul3A_233 : i32
    %add3A_235 = arith.constant 256 : i32
    %add3A_236 = arith.addi %mul3A_234, %add3A_235 : i32
    "tpu.region"() ({
      %run_scoped3A_418 = tpu.sem_alloc : memref<!tpu.dma_semaphore, #tpu.memory_space<semaphore_mem>>
      %dma_start3A_419 = arith.constant 0 : i32
      %dma_start3A_420 = tpu.memref_slice %arg6[%add3A_236, %dma_start3A_419] : memref<12552x128xf32, #tpu.memory_space<vmem_shared>> -> memref<64x128xf32, #tpu.memory_space<vmem_shared>>
      %dma_start3A_421 = arith.constant 0 : i32
      %dma_start3A_422 = tpu.memref_slice %arg6[%add3A_236, %dma_start3A_421] : memref<12552x128xf32, #tpu.memory_space<vmem_shared>> -> memref<64x128xf32, #tpu.memory_space<vmem_shared>>
      tpu.enqueue_dma source(%arg13 : memref<64x128xf32, #tpu.memory_space<vmem>>) target(%dma_start3A_422 : memref<64x128xf32, #tpu.memory_space<vmem_shared>>) target_semaphore(%run_scoped3A_418 : memref<!tpu.dma_semaphore, #tpu.memory_space<semaphore_mem>>)
      %dma_wait3A_423 = arith.constant 0 : i32
      %dma_wait3A_424 = tpu.memref_slice %arg6[%add3A_236, %dma_wait3A_423] : memref<12552x128xf32, #tpu.memory_space<vmem_shared>> -> memref<64x128xf32, #tpu.memory_space<vmem_shared>>
      %dma_wait3A_425 = arith.constant 0 : i32
      %dma_wait3A_426 = tpu.memref_slice %arg6[%add3A_236, %dma_wait3A_425] : memref<12552x128xf32, #tpu.memory_space<vmem_shared>> -> memref<64x128xf32, #tpu.memory_space<vmem_shared>>
      tpu.wait_dma2 semaphore(%run_scoped3A_418 : memref<!tpu.dma_semaphore, #tpu.memory_space<semaphore_mem>>) src(%arg13 : memref<64x128xf32, #tpu.memory_space<vmem>>) dst(%dma_wait3A_426 : memref<64x128xf32, #tpu.memory_space<vmem_shared>>)
      tpu.yield
    }) : () -> ()
    %mul3A_237 = arith.constant 784 : i32
    %mul3A_238 = arith.muli %arg1, %mul3A_237 : i32
    %add3A_239 = arith.constant 320 : i32
    %add3A_240 = arith.addi %mul3A_238, %add3A_239 : i32
    "tpu.region"() ({
      %run_scoped3A_418 = tpu.sem_alloc : memref<!tpu.dma_semaphore, #tpu.memory_space<semaphore_mem>>
      %dma_start3A_419 = arith.constant 0 : i32
      %dma_start3A_420 = tpu.memref_slice %arg6[%add3A_240, %dma_start3A_419] : memref<12552x128xf32, #tpu.memory_space<vmem_shared>> -> memref<64x128xf32, #tpu.memory_space<vmem_shared>>
      %dma_start3A_421 = arith.constant 0 : i32
      %dma_start3A_422 = tpu.memref_slice %arg6[%add3A_240, %dma_start3A_421] : memref<12552x128xf32, #tpu.memory_space<vmem_shared>> -> memref<64x128xf32, #tpu.memory_space<vmem_shared>>
      tpu.enqueue_dma source(%arg13 : memref<64x128xf32, #tpu.memory_space<vmem>>) target(%dma_start3A_422 : memref<64x128xf32, #tpu.memory_space<vmem_shared>>) target_semaphore(%run_scoped3A_418 : memref<!tpu.dma_semaphore, #tpu.memory_space<semaphore_mem>>)
      %dma_wait3A_423 = arith.constant 0 : i32
      %dma_wait3A_424 = tpu.memref_slice %arg6[%add3A_240, %dma_wait3A_423] : memref<12552x128xf32, #tpu.memory_space<vmem_shared>> -> memref<64x128xf32, #tpu.memory_space<vmem_shared>>
      %dma_wait3A_425 = arith.constant 0 : i32
      %dma_wait3A_426 = tpu.memref_slice %arg6[%add3A_240, %dma_wait3A_425] : memref<12552x128xf32, #tpu.memory_space<vmem_shared>> -> memref<64x128xf32, #tpu.memory_space<vmem_shared>>
      tpu.wait_dma2 semaphore(%run_scoped3A_418 : memref<!tpu.dma_semaphore, #tpu.memory_space<semaphore_mem>>) src(%arg13 : memref<64x128xf32, #tpu.memory_space<vmem>>) dst(%dma_wait3A_426 : memref<64x128xf32, #tpu.memory_space<vmem_shared>>)
      tpu.yield
    }) : () -> ()
    %mul3A_241 = arith.constant 784 : i32
    %mul3A_242 = arith.muli %arg1, %mul3A_241 : i32
    %add3A_243 = arith.constant 384 : i32
    %add3A_244 = arith.addi %mul3A_242, %add3A_243 : i32
    "tpu.region"() ({
      %run_scoped3A_418 = tpu.sem_alloc : memref<!tpu.dma_semaphore, #tpu.memory_space<semaphore_mem>>
      %dma_start3A_419 = arith.constant 0 : i32
      %dma_start3A_420 = tpu.memref_slice %arg6[%add3A_244, %dma_start3A_419] : memref<12552x128xf32, #tpu.memory_space<vmem_shared>> -> memref<64x128xf32, #tpu.memory_space<vmem_shared>>
      %dma_start3A_421 = arith.constant 0 : i32
      %dma_start3A_422 = tpu.memref_slice %arg6[%add3A_244, %dma_start3A_421] : memref<12552x128xf32, #tpu.memory_space<vmem_shared>> -> memref<64x128xf32, #tpu.memory_space<vmem_shared>>
      tpu.enqueue_dma source(%arg13 : memref<64x128xf32, #tpu.memory_space<vmem>>) target(%dma_start3A_422 : memref<64x128xf32, #tpu.memory_space<vmem_shared>>) target_semaphore(%run_scoped3A_418 : memref<!tpu.dma_semaphore, #tpu.memory_space<semaphore_mem>>)
      %dma_wait3A_423 = arith.constant 0 : i32
      %dma_wait3A_424 = tpu.memref_slice %arg6[%add3A_244, %dma_wait3A_423] : memref<12552x128xf32, #tpu.memory_space<vmem_shared>> -> memref<64x128xf32, #tpu.memory_space<vmem_shared>>
      %dma_wait3A_425 = arith.constant 0 : i32
      %dma_wait3A_426 = tpu.memref_slice %arg6[%add3A_244, %dma_wait3A_425] : memref<12552x128xf32, #tpu.memory_space<vmem_shared>> -> memref<64x128xf32, #tpu.memory_space<vmem_shared>>
      tpu.wait_dma2 semaphore(%run_scoped3A_418 : memref<!tpu.dma_semaphore, #tpu.memory_space<semaphore_mem>>) src(%arg13 : memref<64x128xf32, #tpu.memory_space<vmem>>) dst(%dma_wait3A_426 : memref<64x128xf32, #tpu.memory_space<vmem_shared>>)
      tpu.yield
    }) : () -> ()
    %mul3A_245 = arith.constant 784 : i32
    %mul3A_246 = arith.muli %arg1, %mul3A_245 : i32
    %add3A_247 = arith.constant 448 : i32
    %add3A_248 = arith.addi %mul3A_246, %add3A_247 : i32
    "tpu.region"() ({
      %run_scoped3A_418 = tpu.sem_alloc : memref<!tpu.dma_semaphore, #tpu.memory_space<semaphore_mem>>
      %dma_start3A_419 = arith.constant 0 : i32
      %dma_start3A_420 = tpu.memref_slice %arg6[%add3A_248, %dma_start3A_419] : memref<12552x128xf32, #tpu.memory_space<vmem_shared>> -> memref<64x128xf32, #tpu.memory_space<vmem_shared>>
      %dma_start3A_421 = arith.constant 0 : i32
      %dma_start3A_422 = tpu.memref_slice %arg6[%add3A_248, %dma_start3A_421] : memref<12552x128xf32, #tpu.memory_space<vmem_shared>> -> memref<64x128xf32, #tpu.memory_space<vmem_shared>>
      tpu.enqueue_dma source(%arg13 : memref<64x128xf32, #tpu.memory_space<vmem>>) target(%dma_start3A_422 : memref<64x128xf32, #tpu.memory_space<vmem_shared>>) target_semaphore(%run_scoped3A_418 : memref<!tpu.dma_semaphore, #tpu.memory_space<semaphore_mem>>)
      %dma_wait3A_423 = arith.constant 0 : i32
      %dma_wait3A_424 = tpu.memref_slice %arg6[%add3A_248, %dma_wait3A_423] : memref<12552x128xf32, #tpu.memory_space<vmem_shared>> -> memref<64x128xf32, #tpu.memory_space<vmem_shared>>
      %dma_wait3A_425 = arith.constant 0 : i32
      %dma_wait3A_426 = tpu.memref_slice %arg6[%add3A_248, %dma_wait3A_425] : memref<12552x128xf32, #tpu.memory_space<vmem_shared>> -> memref<64x128xf32, #tpu.memory_space<vmem_shared>>
      tpu.wait_dma2 semaphore(%run_scoped3A_418 : memref<!tpu.dma_semaphore, #tpu.memory_space<semaphore_mem>>) src(%arg13 : memref<64x128xf32, #tpu.memory_space<vmem>>) dst(%dma_wait3A_426 : memref<64x128xf32, #tpu.memory_space<vmem_shared>>)
      tpu.yield
    }) : () -> ()
    %mul3A_249 = arith.constant 784 : i32
    %mul3A_250 = arith.muli %arg1, %mul3A_249 : i32
    %add3A_251 = arith.constant 512 : i32
    %add3A_252 = arith.addi %mul3A_250, %add3A_251 : i32
    "tpu.region"() ({
      %run_scoped3A_418 = tpu.sem_alloc : memref<!tpu.dma_semaphore, #tpu.memory_space<semaphore_mem>>
      %dma_start3A_419 = arith.constant 0 : i32
      %dma_start3A_420 = tpu.memref_slice %arg6[%add3A_252, %dma_start3A_419] : memref<12552x128xf32, #tpu.memory_space<vmem_shared>> -> memref<64x128xf32, #tpu.memory_space<vmem_shared>>
      %dma_start3A_421 = arith.constant 0 : i32
      %dma_start3A_422 = tpu.memref_slice %arg6[%add3A_252, %dma_start3A_421] : memref<12552x128xf32, #tpu.memory_space<vmem_shared>> -> memref<64x128xf32, #tpu.memory_space<vmem_shared>>
      tpu.enqueue_dma source(%arg13 : memref<64x128xf32, #tpu.memory_space<vmem>>) target(%dma_start3A_422 : memref<64x128xf32, #tpu.memory_space<vmem_shared>>) target_semaphore(%run_scoped3A_418 : memref<!tpu.dma_semaphore, #tpu.memory_space<semaphore_mem>>)
      %dma_wait3A_423 = arith.constant 0 : i32
      %dma_wait3A_424 = tpu.memref_slice %arg6[%add3A_252, %dma_wait3A_423] : memref<12552x128xf32, #tpu.memory_space<vmem_shared>> -> memref<64x128xf32, #tpu.memory_space<vmem_shared>>
      %dma_wait3A_425 = arith.constant 0 : i32
      %dma_wait3A_426 = tpu.memref_slice %arg6[%add3A_252, %dma_wait3A_425] : memref<12552x128xf32, #tpu.memory_space<vmem_shared>> -> memref<64x128xf32, #tpu.memory_space<vmem_shared>>
      tpu.wait_dma2 semaphore(%run_scoped3A_418 : memref<!tpu.dma_semaphore, #tpu.memory_space<semaphore_mem>>) src(%arg13 : memref<64x128xf32, #tpu.memory_space<vmem>>) dst(%dma_wait3A_426 : memref<64x128xf32, #tpu.memory_space<vmem_shared>>)
      tpu.yield
    }) : () -> ()
    %mul3A_253 = arith.constant 784 : i32
    %mul3A_254 = arith.muli %arg1, %mul3A_253 : i32
    %add3A_255 = arith.constant 576 : i32
    %add3A_256 = arith.addi %mul3A_254, %add3A_255 : i32
    "tpu.region"() ({
      %run_scoped3A_418 = tpu.sem_alloc : memref<!tpu.dma_semaphore, #tpu.memory_space<semaphore_mem>>
      %dma_start3A_419 = arith.constant 0 : i32
      %dma_start3A_420 = tpu.memref_slice %arg6[%add3A_256, %dma_start3A_419] : memref<12552x128xf32, #tpu.memory_space<vmem_shared>> -> memref<64x128xf32, #tpu.memory_space<vmem_shared>>
      %dma_start3A_421 = arith.constant 0 : i32
      %dma_start3A_422 = tpu.memref_slice %arg6[%add3A_256, %dma_start3A_421] : memref<12552x128xf32, #tpu.memory_space<vmem_shared>> -> memref<64x128xf32, #tpu.memory_space<vmem_shared>>
      tpu.enqueue_dma source(%arg13 : memref<64x128xf32, #tpu.memory_space<vmem>>) target(%dma_start3A_422 : memref<64x128xf32, #tpu.memory_space<vmem_shared>>) target_semaphore(%run_scoped3A_418 : memref<!tpu.dma_semaphore, #tpu.memory_space<semaphore_mem>>)
      %dma_wait3A_423 = arith.constant 0 : i32
      %dma_wait3A_424 = tpu.memref_slice %arg6[%add3A_256, %dma_wait3A_423] : memref<12552x128xf32, #tpu.memory_space<vmem_shared>> -> memref<64x128xf32, #tpu.memory_space<vmem_shared>>
      %dma_wait3A_425 = arith.constant 0 : i32
      %dma_wait3A_426 = tpu.memref_slice %arg6[%add3A_256, %dma_wait3A_425] : memref<12552x128xf32, #tpu.memory_space<vmem_shared>> -> memref<64x128xf32, #tpu.memory_space<vmem_shared>>
      tpu.wait_dma2 semaphore(%run_scoped3A_418 : memref<!tpu.dma_semaphore, #tpu.memory_space<semaphore_mem>>) src(%arg13 : memref<64x128xf32, #tpu.memory_space<vmem>>) dst(%dma_wait3A_426 : memref<64x128xf32, #tpu.memory_space<vmem_shared>>)
      tpu.yield
    }) : () -> ()
    %mul3A_257 = arith.constant 784 : i32
    %mul3A_258 = arith.muli %arg1, %mul3A_257 : i32
    %add3A_259 = arith.constant 640 : i32
    %add3A_260 = arith.addi %mul3A_258, %add3A_259 : i32
    "tpu.region"() ({
      %run_scoped3A_418 = tpu.sem_alloc : memref<!tpu.dma_semaphore, #tpu.memory_space<semaphore_mem>>
      %dma_start3A_419 = arith.constant 0 : i32
      %dma_start3A_420 = tpu.memref_slice %arg6[%add3A_260, %dma_start3A_419] : memref<12552x128xf32, #tpu.memory_space<vmem_shared>> -> memref<64x128xf32, #tpu.memory_space<vmem_shared>>
      %dma_start3A_421 = arith.constant 0 : i32
      %dma_start3A_422 = tpu.memref_slice %arg6[%add3A_260, %dma_start3A_421] : memref<12552x128xf32, #tpu.memory_space<vmem_shared>> -> memref<64x128xf32, #tpu.memory_space<vmem_shared>>
      tpu.enqueue_dma source(%arg13 : memref<64x128xf32, #tpu.memory_space<vmem>>) target(%dma_start3A_422 : memref<64x128xf32, #tpu.memory_space<vmem_shared>>) target_semaphore(%run_scoped3A_418 : memref<!tpu.dma_semaphore, #tpu.memory_space<semaphore_mem>>)
      %dma_wait3A_423 = arith.constant 0 : i32
      %dma_wait3A_424 = tpu.memref_slice %arg6[%add3A_260, %dma_wait3A_423] : memref<12552x128xf32, #tpu.memory_space<vmem_shared>> -> memref<64x128xf32, #tpu.memory_space<vmem_shared>>
      %dma_wait3A_425 = arith.constant 0 : i32
      %dma_wait3A_426 = tpu.memref_slice %arg6[%add3A_260, %dma_wait3A_425] : memref<12552x128xf32, #tpu.memory_space<vmem_shared>> -> memref<64x128xf32, #tpu.memory_space<vmem_shared>>
      tpu.wait_dma2 semaphore(%run_scoped3A_418 : memref<!tpu.dma_semaphore, #tpu.memory_space<semaphore_mem>>) src(%arg13 : memref<64x128xf32, #tpu.memory_space<vmem>>) dst(%dma_wait3A_426 : memref<64x128xf32, #tpu.memory_space<vmem_shared>>)
      tpu.yield
    }) : () -> ()
    %mul3A_261 = arith.constant 784 : i32
    %mul3A_262 = arith.muli %arg1, %mul3A_261 : i32
    %add3A_263 = arith.constant 704 : i32
    %add3A_264 = arith.addi %mul3A_262, %add3A_263 : i32
    "tpu.region"() ({
      %run_scoped3A_418 = tpu.sem_alloc : memref<!tpu.dma_semaphore, #tpu.memory_space<semaphore_mem>>
      %dma_start3A_419 = arith.constant 0 : i32
      %dma_start3A_420 = tpu.memref_slice %arg6[%add3A_264, %dma_start3A_419] : memref<12552x128xf32, #tpu.memory_space<vmem_shared>> -> memref<64x128xf32, #tpu.memory_space<vmem_shared>>
      %dma_start3A_421 = arith.constant 0 : i32
      %dma_start3A_422 = tpu.memref_slice %arg6[%add3A_264, %dma_start3A_421] : memref<12552x128xf32, #tpu.memory_space<vmem_shared>> -> memref<64x128xf32, #tpu.memory_space<vmem_shared>>
      tpu.enqueue_dma source(%arg13 : memref<64x128xf32, #tpu.memory_space<vmem>>) target(%dma_start3A_422 : memref<64x128xf32, #tpu.memory_space<vmem_shared>>) target_semaphore(%run_scoped3A_418 : memref<!tpu.dma_semaphore, #tpu.memory_space<semaphore_mem>>)
      %dma_wait3A_423 = arith.constant 0 : i32
      %dma_wait3A_424 = tpu.memref_slice %arg6[%add3A_264, %dma_wait3A_423] : memref<12552x128xf32, #tpu.memory_space<vmem_shared>> -> memref<64x128xf32, #tpu.memory_space<vmem_shared>>
      %dma_wait3A_425 = arith.constant 0 : i32
      %dma_wait3A_426 = tpu.memref_slice %arg6[%add3A_264, %dma_wait3A_425] : memref<12552x128xf32, #tpu.memory_space<vmem_shared>> -> memref<64x128xf32, #tpu.memory_space<vmem_shared>>
      tpu.wait_dma2 semaphore(%run_scoped3A_418 : memref<!tpu.dma_semaphore, #tpu.memory_space<semaphore_mem>>) src(%arg13 : memref<64x128xf32, #tpu.memory_space<vmem>>) dst(%dma_wait3A_426 : memref<64x128xf32, #tpu.memory_space<vmem_shared>>)
      tpu.yield
    }) : () -> ()
    %mul3A_265 = arith.constant 784 : i32
    %mul3A_266 = arith.muli %arg1, %mul3A_265 : i32
    %add3A_267 = arith.constant 768 : i32
    %add3A_268 = arith.addi %mul3A_266, %add3A_267 : i32
    "tpu.region"() ({
      %run_scoped3A_418 = tpu.sem_alloc : memref<!tpu.dma_semaphore, #tpu.memory_space<semaphore_mem>>
      %dma_start3A_419 = arith.constant 0 : i32
      %dma_start3A_420 = arith.constant 0 : i32
      %dma_start3A_421 = tpu.memref_slice %arg13[%dma_start3A_419, %dma_start3A_420] : memref<64x128xf32, #tpu.memory_space<vmem>> -> memref<16x128xf32, #tpu.memory_space<vmem>>
      %dma_start3A_422 = arith.constant 0 : i32
      %dma_start3A_423 = tpu.memref_slice %arg6[%add3A_268, %dma_start3A_422] : memref<12552x128xf32, #tpu.memory_space<vmem_shared>> -> memref<16x128xf32, #tpu.memory_space<vmem_shared>>
      %dma_start3A_424 = arith.constant 0 : i32
      %dma_start3A_425 = tpu.memref_slice %arg6[%add3A_268, %dma_start3A_424] : memref<12552x128xf32, #tpu.memory_space<vmem_shared>> -> memref<16x128xf32, #tpu.memory_space<vmem_shared>>
      %dma_start3A_426 = arith.constant 0 : i32
      %dma_start3A_427 = arith.constant 0 : i32
      %dma_start3A_428 = tpu.memref_slice %arg13[%dma_start3A_426, %dma_start3A_427] : memref<64x128xf32, #tpu.memory_space<vmem>> -> memref<16x128xf32, #tpu.memory_space<vmem>>
      tpu.enqueue_dma source(%dma_start3A_428 : memref<16x128xf32, #tpu.memory_space<vmem>>) target(%dma_start3A_425 : memref<16x128xf32, #tpu.memory_space<vmem_shared>>) target_semaphore(%run_scoped3A_418 : memref<!tpu.dma_semaphore, #tpu.memory_space<semaphore_mem>>)
      %dma_wait3A_429 = arith.constant 0 : i32
      %dma_wait3A_430 = arith.constant 0 : i32
      %dma_wait3A_431 = tpu.memref_slice %arg13[%dma_wait3A_429, %dma_wait3A_430] : memref<64x128xf32, #tpu.memory_space<vmem>> -> memref<16x128xf32, #tpu.memory_space<vmem>>
      %dma_wait3A_432 = arith.constant 0 : i32
      %dma_wait3A_433 = tpu.memref_slice %arg6[%add3A_268, %dma_wait3A_432] : memref<12552x128xf32, #tpu.memory_space<vmem_shared>> -> memref<16x128xf32, #tpu.memory_space<vmem_shared>>
      %dma_wait3A_434 = arith.constant 0 : i32
      %dma_wait3A_435 = tpu.memref_slice %arg6[%add3A_268, %dma_wait3A_434] : memref<12552x128xf32, #tpu.memory_space<vmem_shared>> -> memref<16x128xf32, #tpu.memory_space<vmem_shared>>
      %dma_wait3A_436 = arith.constant 0 : i32
      %dma_wait3A_437 = arith.constant 0 : i32
      %dma_wait3A_438 = tpu.memref_slice %arg13[%dma_wait3A_436, %dma_wait3A_437] : memref<64x128xf32, #tpu.memory_space<vmem>> -> memref<16x128xf32, #tpu.memory_space<vmem>>
      tpu.wait_dma2 semaphore(%run_scoped3A_418 : memref<!tpu.dma_semaphore, #tpu.memory_space<semaphore_mem>>) src(%dma_wait3A_438 : memref<16x128xf32, #tpu.memory_space<vmem>>) dst(%dma_wait3A_435 : memref<16x128xf32, #tpu.memory_space<vmem_shared>>)
      tpu.yield
    }) : () -> ()
    %barrier3A_269 = arith.constant 0 : index
    tpu.barrier barrier_id(%barrier3A_269)
    "tpu.region"() ({
      %run_scoped3A_418 = tpu.sem_alloc : memref<!tpu.dma_semaphore, #tpu.memory_space<semaphore_mem>>
      %dma_start3A_419 = arith.constant 0 : i32
      %dma_start3A_420 = arith.constant 0 : i32
      %dma_start3A_421 = tpu.memref_slice %arg4[%mul3A_1, %dma_start3A_419, %dma_start3A_420] : memref<1248x3x512xi32, #tpu.memory_space<hbm>> -> memref<1x3x512xi32, #tpu.memory_space<hbm>>
      %dma_start3A_422 = tpu.memref_squeeze %dma_start3A_421 : memref<1x3x512xi32, #tpu.memory_space<hbm>> -> memref<3x512xi32, #tpu.memory_space<hbm>>
      %dma_start3A_423 = arith.constant 0 : i32
      %dma_start3A_424 = arith.constant 0 : i32
      %dma_start3A_425 = tpu.memref_slice %arg4[%mul3A_1, %dma_start3A_423, %dma_start3A_424] : memref<1248x3x512xi32, #tpu.memory_space<hbm>> -> memref<1x3x512xi32, #tpu.memory_space<hbm>>
      %dma_start3A_426 = tpu.memref_squeeze %dma_start3A_425 : memref<1x3x512xi32, #tpu.memory_space<hbm>> -> memref<3x512xi32, #tpu.memory_space<hbm>>
      tpu.enqueue_dma source(%dma_start3A_426 : memref<3x512xi32, #tpu.memory_space<hbm>>) target(%arg7 : memref<3x512xi32, #tpu.memory_space<vmem>>) target_semaphore(%run_scoped3A_418 : memref<!tpu.dma_semaphore, #tpu.memory_space<semaphore_mem>>)
      %dma_wait3A_427 = arith.constant 0 : i32
      %dma_wait3A_428 = arith.constant 0 : i32
      %dma_wait3A_429 = tpu.memref_slice %arg4[%mul3A_1, %dma_wait3A_427, %dma_wait3A_428] : memref<1248x3x512xi32, #tpu.memory_space<hbm>> -> memref<1x3x512xi32, #tpu.memory_space<hbm>>
      %dma_wait3A_430 = tpu.memref_squeeze %dma_wait3A_429 : memref<1x3x512xi32, #tpu.memory_space<hbm>> -> memref<3x512xi32, #tpu.memory_space<hbm>>
      %dma_wait3A_431 = arith.constant 0 : i32
      %dma_wait3A_432 = arith.constant 0 : i32
      %dma_wait3A_433 = tpu.memref_slice %arg4[%mul3A_1, %dma_wait3A_431, %dma_wait3A_432] : memref<1248x3x512xi32, #tpu.memory_space<hbm>> -> memref<1x3x512xi32, #tpu.memory_space<hbm>>
      %dma_wait3A_434 = tpu.memref_squeeze %dma_wait3A_433 : memref<1x3x512xi32, #tpu.memory_space<hbm>> -> memref<3x512xi32, #tpu.memory_space<hbm>>
      tpu.wait_dma2 semaphore(%run_scoped3A_418 : memref<!tpu.dma_semaphore, #tpu.memory_space<semaphore_mem>>) src(%dma_wait3A_434 : memref<3x512xi32, #tpu.memory_space<hbm>>) dst(%arg7 : memref<3x512xi32, #tpu.memory_space<vmem>>)
      tpu.yield
    }) : () -> ()
    %scan3A_270 = arith.constant 0 : i32
    %scan3A_271 = arith.constant 0 : i32
    %scan3A_272 = arith.constant 39 : i32
    %scan3A_273 = arith.addi %scan3A_271, %scan3A_272 : i32
    %scan3A_274 = arith.constant 1 : i32
    %scan3A_275 = scf.for %scan3A_418 = %scan3A_271 to %scan3A_273 step %scan3A_274 iter_args(%scan3A_419 = %scan3A_270) -> (i32)  : i32 {
      %mul3A_420 = arith.constant 2 : i32
      %mul3A_421 = arith.muli %mul3A_420, %scan3A_418 : i32
      %add3A_422 = arith.addi %mul3A_1, %mul3A_421 : i32
      %add3A_423 = arith.constant 1 : i32
      %add3A_424 = arith.addi %add3A_422, %add3A_423 : i32
      %dma_start3A_425 = arith.constant 0 : i32
      %dma_start3A_426 = arith.constant 0 : i32
      %dma_start3A_427 = tpu.memref_slice %arg4[%add3A_424, %dma_start3A_425, %dma_start3A_426] : memref<1248x3x512xi32, #tpu.memory_space<hbm>> -> memref<1x3x512xi32, #tpu.memory_space<hbm>>
      %dma_start3A_428 = tpu.memref_squeeze %dma_start3A_427 : memref<1x3x512xi32, #tpu.memory_space<hbm>> -> memref<3x512xi32, #tpu.memory_space<hbm>>
      %dma_start3A_429 = arith.constant 0 : i32
      %dma_start3A_430 = arith.constant 0 : i32
      %dma_start3A_431 = tpu.memref_slice %arg4[%add3A_424, %dma_start3A_429, %dma_start3A_430] : memref<1248x3x512xi32, #tpu.memory_space<hbm>> -> memref<1x3x512xi32, #tpu.memory_space<hbm>>
      %dma_start3A_432 = tpu.memref_squeeze %dma_start3A_431 : memref<1x3x512xi32, #tpu.memory_space<hbm>> -> memref<3x512xi32, #tpu.memory_space<hbm>>
      tpu.enqueue_dma source(%dma_start3A_432 : memref<3x512xi32, #tpu.memory_space<hbm>>) target(%arg8 : memref<3x512xi32, #tpu.memory_space<vmem>>) target_semaphore(%arg15 : memref<!tpu.dma_semaphore, #tpu.memory_space<semaphore_mem>>)
      %scan3A_433 = arith.constant 0 : i32
      %scan3A_434 = arith.constant 32 : i32
      %scan3A_435 = arith.addi %scan3A_433, %scan3A_434 : i32
      %scan3A_436 = arith.constant 1 : i32
      %scan3A_437 = scf.for %scan3A_475 = %scan3A_433 to %scan3A_435 step %scan3A_436 iter_args(%scan3A_476 = %scan3A_419) -> (i32)  : i32 {
        %mul3A_477 = arith.constant 16 : i32
        %mul3A_478 = arith.muli %scan3A_475, %mul3A_477 : i32
        %get3A_479 = arith.constant 0 : i32
        %get3A_480 = arith.index_cast %get3A_479 : i32 to index
        %get3A_481 = arith.index_cast %mul3A_478 : i32 to index
        %get3A_482 = tpu.vector_load %arg7[%get3A_480, %get3A_481] {strides = array<i32>} : memref<3x512xi32, #tpu.memory_space<vmem>>, vector<16xi32>,
        %mul3A_483 = arith.constant 16 : i32
        %mul3A_484 = arith.muli %scan3A_475, %mul3A_483 : i32
        %get3A_485 = arith.constant 1 : i32
        %get3A_486 = arith.index_cast %get3A_485 : i32 to index
        %get3A_487 = arith.index_cast %mul3A_484 : i32 to index
        %get3A_488 = tpu.vector_load %arg7[%get3A_486, %get3A_487] {strides = array<i32>} : memref<3x512xi32, #tpu.memory_space<vmem>>, vector<16xi32>,
        %mul3A_489 = arith.constant 16 : i32
        %mul3A_490 = arith.muli %scan3A_475, %mul3A_489 : i32
        %get3A_491 = arith.constant 2 : i32
        %get3A_492 = arith.index_cast %get3A_491 : i32 to index
        %get3A_493 = arith.index_cast %mul3A_490 : i32 to index
        %get3A_494 = tpu.vector_load %arg7[%get3A_492, %get3A_493] {strides = array<i32>} : memref<3x512xi32, #tpu.memory_space<vmem>>, vector<16xi32>,
        %sub3A = vector.broadcast %mul3A_209 : i32 to vector<16xi32>
        %sub3A_495 = arith.subi %get3A_482, %sub3A : vector<16xi32>
        %ge3A = arith.constant 0 : i32
        %ge3A_496 = vector.broadcast %ge3A : i32 to vector<16xi32>
        %ge3A_497 = arith.cmpi sge, %sub3A_495, %ge3A_496 : vector<16xi32>
        %lt3A = arith.constant 12544 : i32
        %lt3A_498 = vector.broadcast %lt3A : i32 to vector<16xi32>
        %lt3A_499 = arith.cmpi slt, %sub3A_495, %lt3A_498 : vector<16xi32>
        %and3A = arith.andi %ge3A_497, %lt3A_499 : vector<16xi1>
        %swap3A_500 = arith.index_cast %scan3A_476 : i32 to index
        %swap3A_501 = tpu.vector_load %arg9[%swap3A_500] masked %and3A {strides = array<i32>} : memref<128xi32, #tpu.memory_space<vmem>>, vector<16xi32>, vector<16xi1>
        tpu.vector_store %arg9[%swap3A_500], %get3A_488 masked %and3A {strides = array<i32>} : memref<128xi32, #tpu.memory_space<vmem>>, vector<16xi32>, vector<16xi1>
        %swap3A_502 = arith.index_cast %scan3A_476 : i32 to index
        %swap3A_503 = tpu.vector_load %arg10[%swap3A_502] masked %and3A {strides = array<i32>} : memref<128xi32, #tpu.memory_space<vmem>>, vector<16xi32>, vector<16xi1>
        tpu.vector_store %arg10[%swap3A_502], %get3A_494 masked %and3A {strides = array<i32>} : memref<128xi32, #tpu.memory_space<vmem>>, vector<16xi32>, vector<16xi1>
        %swap3A_504 = arith.index_cast %scan3A_476 : i32 to index
        %swap3A_505 = tpu.vector_load %arg11[%swap3A_504] masked %and3A {strides = array<i32>} : memref<128xi32, #tpu.memory_space<vmem>>, vector<16xi32>, vector<16xi1>
        tpu.vector_store %arg11[%swap3A_504], %sub3A_495 masked %and3A {strides = array<i32>} : memref<128xi32, #tpu.memory_space<vmem>>, vector<16xi32>, vector<16xi1>
        %convert_element_type3A = arith.extui %and3A : vector<16xi1> to vector<16xi32>
        %reduce_sum3A = arith.constant true
        %reduce_sum3A_506 = vector.broadcast %reduce_sum3A : i1 to vector<16xi1>
        %reduce_sum3A_507 = tpu.scan <sum>, %convert_element_type3A masked %reduce_sum3A_506 : vector<16xi32>, vector<16xi1> -> vector<16xi32>
        %reduce_sum3A_508 = vector.extract %reduce_sum3A_507[15] : i32 from vector<16xi32>
        %add3A_509 = arith.addi %scan3A_476, %reduce_sum3A_508 : i32
        %ge3A_510 = arith.constant 64 : i32
        %ge3A_511 = arith.cmpi sge, %add3A_509, %ge3A_510 : i32
        %convert_element_type3A_512 = arith.extui %ge3A_511 : i1 to i32
        %cond3A = arith.constant 0 : i32
        %cond3A_513 = arith.cmpi ne, %convert_element_type3A_512, %cond3A : i32
        %cond3A_514 = scf.if %cond3A_513 -> (i32) {
          %dma_start3A_515 = arith.constant 0 : i32
          %dma_start3A_516 = tpu.memref_slice %arg9[%dma_start3A_515] : memref<128xi32, #tpu.memory_space<vmem>> -> memref<64xi32, #tpu.memory_space<vmem>>
          %dma_start3A_517 = arith.constant 0 : i32
          %dma_start3A_518 = arith.constant 0 : i32
          %dma_start3A_519 = tpu.memref_slice %arg2[%dma_start3A_517, %dma_start3A_518] : memref<50000x128xf32, #tpu.memory_space<hbm>> -> memref<50000x128xf32, #tpu.memory_space<hbm>>
          tpu.enqueue_indirect_dma source(%dma_start3A_519 : memref<50000x128xf32, #tpu.memory_space<hbm>>) target(%arg13 : memref<64x128xf32, #tpu.memory_space<vmem>>) offsets(%dma_start3A_516 : memref<64xi32, #tpu.memory_space<vmem>>) semaphore(%arg16 : memref<!tpu.dma_semaphore, #tpu.memory_space<semaphore_mem>>)
          %dma_wait3A_520 = arith.constant 0 : i32
          %dma_wait3A_521 = tpu.memref_slice %arg9[%dma_wait3A_520] : memref<128xi32, #tpu.memory_space<vmem>> -> memref<64xi32, #tpu.memory_space<vmem>>
          %dma_wait3A_522 = arith.constant 0 : i32
          %dma_wait3A_523 = arith.constant 0 : i32
          %dma_wait3A_524 = tpu.memref_slice %arg2[%dma_wait3A_522, %dma_wait3A_523] : memref<50000x128xf32, #tpu.memory_space<hbm>> -> memref<50000x128xf32, #tpu.memory_space<hbm>>
          tpu.wait_indirect_dma semaphore(%arg16 : memref<!tpu.dma_semaphore, #tpu.memory_space<semaphore_mem>>) src(%dma_wait3A_524 : memref<50000x128xf32, #tpu.memory_space<hbm>>) dst(%arg13 : memref<64x128xf32, #tpu.memory_space<vmem>>)
          %scan3A_525 = arith.constant 0 : i32
          %scan3A_526 = arith.constant 0 : i32
          %scan3A_527 = arith.constant 64 : i32
          %scan3A_528 = arith.addi %scan3A_526, %scan3A_527 : i32
          %scan3A_529 = arith.constant 1 : i32
          %scan3A_530 = scf.for %scan3A_571 = %scan3A_526 to %scan3A_528 step %scan3A_529 iter_args(%scan3A_572 = %scan3A_525) -> (i32)  : i32 {
            %get3A_573 = arith.index_cast %scan3A_571 : i32 to index
            %get3A_574 = tpu.vector_load %arg10[%get3A_573] {strides = array<i32>} : memref<128xi32, #tpu.memory_space<vmem>>, vector<16xi32>,
            %slice3A = vector.extract_strided_slice %get3A_574 {offsets = [0], sizes = [1], strides = [1]} : vector<16xi32> to vector<1xi32>
            %squeeze3A = vector.extract %slice3A[0] : i32 from vector<1xi32>
            %get3A_575 = arith.index_cast %scan3A_571 : i32 to index
            %get3A_576 = arith.constant 0 : index
            %get3A_577 = tpu.vector_load %arg13[%get3A_575, %get3A_576] {strides = array<i32>} : memref<64x128xf32, #tpu.memory_space<vmem>>, vector<16xf32>,
            %get3A_578 = arith.index_cast %squeeze3A : i32 to index
            %get3A_579 = arith.constant 0 : index
            %get3A_580 = tpu.vector_load %arg14[%get3A_578, %get3A_579] {strides = array<i32>} : memref<32x128xf32, #tpu.memory_space<vmem>>, vector<16xf32>,
            %mul3A_581 = arith.mulf %get3A_577, %get3A_580 : vector<16xf32>
            %swap3A_582 = arith.index_cast %scan3A_571 : i32 to index
            %swap3A_583 = arith.constant 0 : index
            %swap3A_584 = tpu.vector_load %arg13[%swap3A_582, %swap3A_583] {strides = array<i32>} : memref<64x128xf32, #tpu.memory_space<vmem>>, vector<16xf32>,
            tpu.vector_store %arg13[%swap3A_582, %swap3A_583], %mul3A_581 {strides = array<i32>} : memref<64x128xf32, #tpu.memory_space<vmem>>, vector<16xf32>,
            %get3A_585 = arith.index_cast %scan3A_571 : i32 to index
            %get3A_586 = arith.constant 16 : index
            %get3A_587 = tpu.vector_load %arg13[%get3A_585, %get3A_586] {strides = array<i32>} : memref<64x128xf32, #tpu.memory_space<vmem>>, vector<16xf32>,
            %get3A_588 = arith.index_cast %squeeze3A : i32 to index
            %get3A_589 = arith.constant 16 : index
            %get3A_590 = tpu.vector_load %arg14[%get3A_588, %get3A_589] {strides = array<i32>} : memref<32x128xf32, #tpu.memory_space<vmem>>, vector<16xf32>,
            %mul3A_591 = arith.mulf %get3A_587, %get3A_590 : vector<16xf32>
            %swap3A_592 = arith.index_cast %scan3A_571 : i32 to index
            %swap3A_593 = arith.constant 16 : index
            %swap3A_594 = tpu.vector_load %arg13[%swap3A_592, %swap3A_593] {strides = array<i32>} : memref<64x128xf32, #tpu.memory_space<vmem>>, vector<16xf32>,
            tpu.vector_store %arg13[%swap3A_592, %swap3A_593], %mul3A_591 {strides = array<i32>} : memref<64x128xf32, #tpu.memory_space<vmem>>, vector<16xf32>,
            %get3A_595 = arith.index_cast %scan3A_571 : i32 to index
            %get3A_596 = arith.constant 32 : index
            %get3A_597 = tpu.vector_load %arg13[%get3A_595, %get3A_596] {strides = array<i32>} : memref<64x128xf32, #tpu.memory_space<vmem>>, vector<16xf32>,
            %get3A_598 = arith.index_cast %squeeze3A : i32 to index
            %get3A_599 = arith.constant 32 : index
            %get3A_600 = tpu.vector_load %arg14[%get3A_598, %get3A_599] {strides = array<i32>} : memref<32x128xf32, #tpu.memory_space<vmem>>, vector<16xf32>,
            %mul3A_601 = arith.mulf %get3A_597, %get3A_600 : vector<16xf32>
            %swap3A_602 = arith.index_cast %scan3A_571 : i32 to index
            %swap3A_603 = arith.constant 32 : index
            %swap3A_604 = tpu.vector_load %arg13[%swap3A_602, %swap3A_603] {strides = array<i32>} : memref<64x128xf32, #tpu.memory_space<vmem>>, vector<16xf32>,
            tpu.vector_store %arg13[%swap3A_602, %swap3A_603], %mul3A_601 {strides = array<i32>} : memref<64x128xf32, #tpu.memory_space<vmem>>, vector<16xf32>,
            %get3A_605 = arith.index_cast %scan3A_571 : i32 to index
            %get3A_606 = arith.constant 48 : index
            %get3A_607 = tpu.vector_load %arg13[%get3A_605, %get3A_606] {strides = array<i32>} : memref<64x128xf32, #tpu.memory_space<vmem>>, vector<16xf32>,
            %get3A_608 = arith.index_cast %squeeze3A : i32 to index
            %get3A_609 = arith.constant 48 : index
            %get3A_610 = tpu.vector_load %arg14[%get3A_608, %get3A_609] {strides = array<i32>} : memref<32x128xf32, #tpu.memory_space<vmem>>, vector<16xf32>,
            %mul3A_611 = arith.mulf %get3A_607, %get3A_610 : vector<16xf32>
            %swap3A_612 = arith.index_cast %scan3A_571 : i32 to index
            %swap3A_613 = arith.constant 48 : index
            %swap3A_614 = tpu.vector_load %arg13[%swap3A_612, %swap3A_613] {strides = array<i32>} : memref<64x128xf32, #tpu.memory_space<vmem>>, vector<16xf32>,
            tpu.vector_store %arg13[%swap3A_612, %swap3A_613], %mul3A_611 {strides = array<i32>} : memref<64x128xf32, #tpu.memory_space<vmem>>, vector<16xf32>,
            %get3A_615 = arith.index_cast %scan3A_571 : i32 to index
            %get3A_616 = arith.constant 64 : index
            %get3A_617 = tpu.vector_load %arg13[%get3A_615, %get3A_616] {strides = array<i32>} : memref<64x128xf32, #tpu.memory_space<vmem>>, vector<16xf32>,
            %get3A_618 = arith.index_cast %squeeze3A : i32 to index
            %get3A_619 = arith.constant 64 : index
            %get3A_620 = tpu.vector_load %arg14[%get3A_618, %get3A_619] {strides = array<i32>} : memref<32x128xf32, #tpu.memory_space<vmem>>, vector<16xf32>,
            %mul3A_621 = arith.mulf %get3A_617, %get3A_620 : vector<16xf32>
            %swap3A_622 = arith.index_cast %scan3A_571 : i32 to index
            %swap3A_623 = arith.constant 64 : index
            %swap3A_624 = tpu.vector_load %arg13[%swap3A_622, %swap3A_623] {strides = array<i32>} : memref<64x128xf32, #tpu.memory_space<vmem>>, vector<16xf32>,
            tpu.vector_store %arg13[%swap3A_622, %swap3A_623], %mul3A_621 {strides = array<i32>} : memref<64x128xf32, #tpu.memory_space<vmem>>, vector<16xf32>,
            %get3A_625 = arith.index_cast %scan3A_571 : i32 to index
            %get3A_626 = arith.constant 80 : index
            %get3A_627 = tpu.vector_load %arg13[%get3A_625, %get3A_626] {strides = array<i32>} : memref<64x128xf32, #tpu.memory_space<vmem>>, vector<16xf32>,
            %get3A_628 = arith.index_cast %squeeze3A : i32 to index
            %get3A_629 = arith.constant 80 : index
            %get3A_630 = tpu.vector_load %arg14[%get3A_628, %get3A_629] {strides = array<i32>} : memref<32x128xf32, #tpu.memory_space<vmem>>, vector<16xf32>,
            %mul3A_631 = arith.mulf %get3A_627, %get3A_630 : vector<16xf32>
            %swap3A_632 = arith.index_cast %scan3A_571 : i32 to index
            %swap3A_633 = arith.constant 80 : index
            %swap3A_634 = tpu.vector_load %arg13[%swap3A_632, %swap3A_633] {strides = array<i32>} : memref<64x128xf32, #tpu.memory_space<vmem>>, vector<16xf32>,
            tpu.vector_store %arg13[%swap3A_632, %swap3A_633], %mul3A_631 {strides = array<i32>} : memref<64x128xf32, #tpu.memory_space<vmem>>, vector<16xf32>,
            %get3A_635 = arith.index_cast %scan3A_571 : i32 to index
            %get3A_636 = arith.constant 96 : index
            %get3A_637 = tpu.vector_load %arg13[%get3A_635, %get3A_636] {strides = array<i32>} : memref<64x128xf32, #tpu.memory_space<vmem>>, vector<16xf32>,
            %get3A_638 = arith.index_cast %squeeze3A : i32 to index
            %get3A_639 = arith.constant 96 : index
            %get3A_640 = tpu.vector_load %arg14[%get3A_638, %get3A_639] {strides = array<i32>} : memref<32x128xf32, #tpu.memory_space<vmem>>, vector<16xf32>,
            %mul3A_641 = arith.mulf %get3A_637, %get3A_640 : vector<16xf32>
            %swap3A_642 = arith.index_cast %scan3A_571 : i32 to index
            %swap3A_643 = arith.constant 96 : index
            %swap3A_644 = tpu.vector_load %arg13[%swap3A_642, %swap3A_643] {strides = array<i32>} : memref<64x128xf32, #tpu.memory_space<vmem>>, vector<16xf32>,
            tpu.vector_store %arg13[%swap3A_642, %swap3A_643], %mul3A_641 {strides = array<i32>} : memref<64x128xf32, #tpu.memory_space<vmem>>, vector<16xf32>,
            %get3A_645 = arith.index_cast %scan3A_571 : i32 to index
            %get3A_646 = arith.constant 112 : index
            %get3A_647 = tpu.vector_load %arg13[%get3A_645, %get3A_646] {strides = array<i32>} : memref<64x128xf32, #tpu.memory_space<vmem>>, vector<16xf32>,
            %get3A_648 = arith.index_cast %squeeze3A : i32 to index
            %get3A_649 = arith.constant 112 : index
            %get3A_650 = tpu.vector_load %arg14[%get3A_648, %get3A_649] {strides = array<i32>} : memref<32x128xf32, #tpu.memory_space<vmem>>, vector<16xf32>,
            %mul3A_651 = arith.mulf %get3A_647, %get3A_650 : vector<16xf32>
            %swap3A_652 = arith.index_cast %scan3A_571 : i32 to index
            %swap3A_653 = arith.constant 112 : index
            %swap3A_654 = tpu.vector_load %arg13[%swap3A_652, %swap3A_653] {strides = array<i32>} : memref<64x128xf32, #tpu.memory_space<vmem>>, vector<16xf32>,
            tpu.vector_store %arg13[%swap3A_652, %swap3A_653], %mul3A_651 {strides = array<i32>} : memref<64x128xf32, #tpu.memory_space<vmem>>, vector<16xf32>,
            %scan3A_655 = arith.constant 0 : i32
            scf.yield %scan3A_655 : i32
          }
          %scan3A_531 = arith.constant 64 : i32
          %get3A_532 = arith.constant 0 : index
          %get3A_533 = tpu.vector_load %arg11[%get3A_532] {strides = array<i32>} : memref<128xi32, #tpu.memory_space<vmem>>, vector<16xi32>,
          %swap3A_534 = arith.constant 0 : i32
          %swap3A_535 = arith.index_cast %swap3A_534 : i32 to index
          %swap3A_536 = arith.constant 0 : index
          %swap3A_537 = tpu.vector_load %arg12[%swap3A_535, %swap3A_536] {strides = array<i32>} : memref<1x64xi32, #tpu.memory_space<vmem>>, vector<16xi32>,
          tpu.vector_store %arg12[%swap3A_535, %swap3A_536], %get3A_533 {strides = array<i32>} : memref<1x64xi32, #tpu.memory_space<vmem>>, vector<16xi32>,
          %get3A_538 = arith.constant 16 : index
          %get3A_539 = tpu.vector_load %arg11[%get3A_538] {strides = array<i32>} : memref<128xi32, #tpu.memory_space<vmem>>, vector<16xi32>,
          %swap3A_540 = arith.constant 0 : i32
          %swap3A_541 = arith.index_cast %swap3A_540 : i32 to index
          %swap3A_542 = arith.constant 16 : index
          %swap3A_543 = tpu.vector_load %arg12[%swap3A_541, %swap3A_542] {strides = array<i32>} : memref<1x64xi32, #tpu.memory_space<vmem>>, vector<16xi32>,
          tpu.vector_store %arg12[%swap3A_541, %swap3A_542], %get3A_539 {strides = array<i32>} : memref<1x64xi32, #tpu.memory_space<vmem>>, vector<16xi32>,
          %get3A_544 = arith.constant 32 : index
          %get3A_545 = tpu.vector_load %arg11[%get3A_544] {strides = array<i32>} : memref<128xi32, #tpu.memory_space<vmem>>, vector<16xi32>,
          %swap3A_546 = arith.constant 0 : i32
          %swap3A_547 = arith.index_cast %swap3A_546 : i32 to index
          %swap3A_548 = arith.constant 32 : index
          %swap3A_549 = tpu.vector_load %arg12[%swap3A_547, %swap3A_548] {strides = array<i32>} : memref<1x64xi32, #tpu.memory_space<vmem>>, vector<16xi32>,
          tpu.vector_store %arg12[%swap3A_547, %swap3A_548], %get3A_545 {strides = array<i32>} : memref<1x64xi32, #tpu.memory_space<vmem>>, vector<16xi32>,
          %get3A_550 = arith.constant 48 : index
          %get3A_551 = tpu.vector_load %arg11[%get3A_550] {strides = array<i32>} : memref<128xi32, #tpu.memory_space<vmem>>, vector<16xi32>,
          %swap3A_552 = arith.constant 0 : i32
          %swap3A_553 = arith.index_cast %swap3A_552 : i32 to index
          %swap3A_554 = arith.constant 48 : index
          %swap3A_555 = tpu.vector_load %arg12[%swap3A_553, %swap3A_554] {strides = array<i32>} : memref<1x64xi32, #tpu.memory_space<vmem>>, vector<16xi32>,
          tpu.vector_store %arg12[%swap3A_553, %swap3A_554], %get3A_551 {strides = array<i32>} : memref<1x64xi32, #tpu.memory_space<vmem>>, vector<16xi32>,
          %run_scoped3A_556 = arith.constant 0 : i32
          "tpu.region"() ({
            %run_scoped3A_571 = tpu.sem_alloc : memref<!tpu.dma_semaphore, #tpu.memory_space<semaphore_mem>>
            %dma_start3A_572 = arith.constant 0 : i32
            %dma_start3A_573 = tpu.memref_slice %arg12[%run_scoped3A_556, %dma_start3A_572] : memref<1x64xi32, #tpu.memory_space<vmem>> -> memref<1x64xi32, #tpu.memory_space<vmem>>
            %dma_start3A_574 = tpu.memref_squeeze %dma_start3A_573 : memref<1x64xi32, #tpu.memory_space<vmem>> -> memref<64xi32, #tpu.memory_space<vmem>>
            %dma_start3A_575 = arith.constant 0 : i32
            %dma_start3A_576 = arith.constant 0 : i32
            %dma_start3A_577 = tpu.memref_slice %arg6[%dma_start3A_575, %dma_start3A_576] : memref<12552x128xf32, #tpu.memory_space<vmem_shared>> -> memref<12552x128xf32, #tpu.memory_space<vmem_shared>>
            tpu.enqueue_indirect_dma source(%arg13 : memref<64x128xf32, #tpu.memory_space<vmem>>) target(%dma_start3A_577 : memref<12552x128xf32, #tpu.memory_space<vmem_shared>>) offsets(%dma_start3A_574 : memref<64xi32, #tpu.memory_space<vmem>>) semaphore(%run_scoped3A_571 : memref<!tpu.dma_semaphore, #tpu.memory_space<semaphore_mem>>) {add = true}
            %dma_wait3A_578 = arith.constant 0 : i32
            %dma_wait3A_579 = tpu.memref_slice %arg12[%run_scoped3A_556, %dma_wait3A_578] : memref<1x64xi32, #tpu.memory_space<vmem>> -> memref<1x64xi32, #tpu.memory_space<vmem>>
            %dma_wait3A_580 = tpu.memref_squeeze %dma_wait3A_579 : memref<1x64xi32, #tpu.memory_space<vmem>> -> memref<64xi32, #tpu.memory_space<vmem>>
            %dma_wait3A_581 = arith.constant 0 : i32
            %dma_wait3A_582 = arith.constant 0 : i32
            %dma_wait3A_583 = tpu.memref_slice %arg6[%dma_wait3A_581, %dma_wait3A_582] : memref<12552x128xf32, #tpu.memory_space<vmem_shared>> -> memref<12552x128xf32, #tpu.memory_space<vmem_shared>>
            tpu.wait_indirect_dma semaphore(%run_scoped3A_571 : memref<!tpu.dma_semaphore, #tpu.memory_space<semaphore_mem>>) src(%arg13 : memref<64x128xf32, #tpu.memory_space<vmem>>) dst(%dma_wait3A_583 : memref<12552x128xf32, #tpu.memory_space<vmem_shared>>)
            tpu.yield
          }) : () -> ()
          %get3A_557 = arith.constant 64 : index
          %get3A_558 = tpu.vector_load %arg9[%get3A_557] {strides = array<i32>} : memref<128xi32, #tpu.memory_space<vmem>>, vector<16xi32>,
          %swap3A_559 = arith.constant 0 : index
          %swap3A_560 = tpu.vector_load %arg9[%swap3A_559] {strides = array<i32>} : memref<128xi32, #tpu.memory_space<vmem>>, vector<16xi32>,
          tpu.vector_store %arg9[%swap3A_559], %get3A_558 {strides = array<i32>} : memref<128xi32, #tpu.memory_space<vmem>>, vector<16xi32>,
          %get3A_561 = arith.constant 64 : index
          %get3A_562 = tpu.vector_load %arg10[%get3A_561] {strides = array<i32>} : memref<128xi32, #tpu.memory_space<vmem>>, vector<16xi32>,
          %swap3A_563 = arith.constant 0 : index
          %swap3A_564 = tpu.vector_load %arg10[%swap3A_563] {strides = array<i32>} : memref<128xi32, #tpu.memory_space<vmem>>, vector<16xi32>,
          tpu.vector_store %arg10[%swap3A_563], %get3A_562 {strides = array<i32>} : memref<128xi32, #tpu.memory_space<vmem>>, vector<16xi32>,
          %get3A_565 = arith.constant 64 : index
          %get3A_566 = tpu.vector_load %arg11[%get3A_565] {strides = array<i32>} : memref<128xi32, #tpu.memory_space<vmem>>, vector<16xi32>,
          %swap3A_567 = arith.constant 0 : index
          %swap3A_568 = tpu.vector_load %arg11[%swap3A_567] {strides = array<i32>} : memref<128xi32, #tpu.memory_space<vmem>>, vector<16xi32>,
          tpu.vector_store %arg11[%swap3A_567], %get3A_566 {strides = array<i32>} : memref<128xi32, #tpu.memory_space<vmem>>, vector<16xi32>,
          %sub3A_569 = arith.constant 64 : i32
          %sub3A_570 = arith.subi %add3A_509, %sub3A_569 : i32
          scf.yield %sub3A_570 : i32
        } else {
          scf.yield %add3A_509 : i32
        }
        scf.yield %cond3A_514 : i32
      }
      %scan3A_438 = arith.constant 32 : i32
      %dma_wait3A_439 = arith.constant 0 : i32
      %dma_wait3A_440 = arith.constant 0 : i32
      %dma_wait3A_441 = tpu.memref_slice %arg4[%add3A_424, %dma_wait3A_439, %dma_wait3A_440] : memref<1248x3x512xi32, #tpu.memory_space<hbm>> -> memref<1x3x512xi32, #tpu.memory_space<hbm>>
      %dma_wait3A_442 = tpu.memref_squeeze %dma_wait3A_441 : memref<1x3x512xi32, #tpu.memory_space<hbm>> -> memref<3x512xi32, #tpu.memory_space<hbm>>
      %dma_wait3A_443 = arith.constant 0 : i32
      %dma_wait3A_444 = arith.constant 0 : i32
      %dma_wait3A_445 = tpu.memref_slice %arg4[%add3A_424, %dma_wait3A_443, %dma_wait3A_444] : memref<1248x3x512xi32, #tpu.memory_space<hbm>> -> memref<1x3x512xi32, #tpu.memory_space<hbm>>
      %dma_wait3A_446 = tpu.memref_squeeze %dma_wait3A_445 : memref<1x3x512xi32, #tpu.memory_space<hbm>> -> memref<3x512xi32, #tpu.memory_space<hbm>>
      tpu.wait_dma2 semaphore(%arg15 : memref<!tpu.dma_semaphore, #tpu.memory_space<semaphore_mem>>) src(%dma_wait3A_446 : memref<3x512xi32, #tpu.memory_space<hbm>>) dst(%arg8 : memref<3x512xi32, #tpu.memory_space<vmem>>)
      %mul3A_447 = arith.constant 2 : i32
      %mul3A_448 = arith.muli %mul3A_447, %scan3A_418 : i32
      %add3A_449 = arith.constant 2 : i32
      %add3A_450 = arith.addi %mul3A_448, %add3A_449 : i32
      %min3A = arith.constant 77 : i32
      %min3A_451 = arith.minsi %add3A_450, %min3A : i32
      %add3A_452 = arith.addi %mul3A_1, %min3A_451 : i32
      %dma_start3A_453 = arith.constant 0 : i32
      %dma_start3A_454 = arith.constant 0 : i32
      %dma_start3A_455 = tpu.memref_slice %arg4[%add3A_452, %dma_start3A_453, %dma_start3A_454] : memref<1248x3x512xi32, #tpu.memory_space<hbm>> -> memref<1x3x512xi32, #tpu.memory_space<hbm>>
      %dma_start3A_456 = tpu.memref_squeeze %dma_start3A_455 : memref<1x3x512xi32, #tpu.memory_space<hbm>> -> memref<3x512xi32, #tpu.memory_space<hbm>>
      %dma_start3A_457 = arith.constant 0 : i32
      %dma_start3A_458 = arith.constant 0 : i32
      %dma_start3A_459 = tpu.memref_slice %arg4[%add3A_452, %dma_start3A_457, %dma_start3A_458] : memref<1248x3x512xi32, #tpu.memory_space<hbm>> -> memref<1x3x512xi32, #tpu.memory_space<hbm>>
      %dma_start3A_460 = tpu.memref_squeeze %dma_start3A_459 : memref<1x3x512xi32, #tpu.memory_space<hbm>> -> memref<3x512xi32, #tpu.memory_space<hbm>>
      tpu.enqueue_dma source(%dma_start3A_460 : memref<3x512xi32, #tpu.memory_space<hbm>>) target(%arg7 : memref<3x512xi32, #tpu.memory_space<vmem>>) target_semaphore(%arg15 : memref<!tpu.dma_semaphore, #tpu.memory_space<semaphore_mem>>)
      %scan3A_461 = arith.constant 0 : i32
      %scan3A_462 = arith.constant 32 : i32
      %scan3A_463 = arith.addi %scan3A_461, %scan3A_462 : i32
      %scan3A_464 = arith.constant 1 : i32
      %scan3A_465 = scf.for %scan3A_475 = %scan3A_461 to %scan3A_463 step %scan3A_464 iter_args(%scan3A_476 = %scan3A_437) -> (i32)  : i32 {
        %mul3A_477 = arith.constant 16 : i32
        %mul3A_478 = arith.muli %scan3A_475, %mul3A_477 : i32
        %get3A_479 = arith.constant 0 : i32
        %get3A_480 = arith.index_cast %get3A_479 : i32 to index
        %get3A_481 = arith.index_cast %mul3A_478 : i32 to index
        %get3A_482 = tpu.vector_load %arg8[%get3A_480, %get3A_481] {strides = array<i32>} : memref<3x512xi32, #tpu.memory_space<vmem>>, vector<16xi32>,
        %mul3A_483 = arith.constant 16 : i32
        %mul3A_484 = arith.muli %scan3A_475, %mul3A_483 : i32
        %get3A_485 = arith.constant 1 : i32
        %get3A_486 = arith.index_cast %get3A_485 : i32 to index
        %get3A_487 = arith.index_cast %mul3A_484 : i32 to index
        %get3A_488 = tpu.vector_load %arg8[%get3A_486, %get3A_487] {strides = array<i32>} : memref<3x512xi32, #tpu.memory_space<vmem>>, vector<16xi32>,
        %mul3A_489 = arith.constant 16 : i32
        %mul3A_490 = arith.muli %scan3A_475, %mul3A_489 : i32
        %get3A_491 = arith.constant 2 : i32
        %get3A_492 = arith.index_cast %get3A_491 : i32 to index
        %get3A_493 = arith.index_cast %mul3A_490 : i32 to index
        %get3A_494 = tpu.vector_load %arg8[%get3A_492, %get3A_493] {strides = array<i32>} : memref<3x512xi32, #tpu.memory_space<vmem>>, vector<16xi32>,
        %sub3A = vector.broadcast %mul3A_209 : i32 to vector<16xi32>
        %sub3A_495 = arith.subi %get3A_482, %sub3A : vector<16xi32>
        %ge3A = arith.constant 0 : i32
        %ge3A_496 = vector.broadcast %ge3A : i32 to vector<16xi32>
        %ge3A_497 = arith.cmpi sge, %sub3A_495, %ge3A_496 : vector<16xi32>
        %lt3A = arith.constant 12544 : i32
        %lt3A_498 = vector.broadcast %lt3A : i32 to vector<16xi32>
        %lt3A_499 = arith.cmpi slt, %sub3A_495, %lt3A_498 : vector<16xi32>
        %and3A = arith.andi %ge3A_497, %lt3A_499 : vector<16xi1>
        %swap3A_500 = arith.index_cast %scan3A_476 : i32 to index
        %swap3A_501 = tpu.vector_load %arg9[%swap3A_500] masked %and3A {strides = array<i32>} : memref<128xi32, #tpu.memory_space<vmem>>, vector<16xi32>, vector<16xi1>
        tpu.vector_store %arg9[%swap3A_500], %get3A_488 masked %and3A {strides = array<i32>} : memref<128xi32, #tpu.memory_space<vmem>>, vector<16xi32>, vector<16xi1>
        %swap3A_502 = arith.index_cast %scan3A_476 : i32 to index
        %swap3A_503 = tpu.vector_load %arg10[%swap3A_502] masked %and3A {strides = array<i32>} : memref<128xi32, #tpu.memory_space<vmem>>, vector<16xi32>, vector<16xi1>
        tpu.vector_store %arg10[%swap3A_502], %get3A_494 masked %and3A {strides = array<i32>} : memref<128xi32, #tpu.memory_space<vmem>>, vector<16xi32>, vector<16xi1>
        %swap3A_504 = arith.index_cast %scan3A_476 : i32 to index
        %swap3A_505 = tpu.vector_load %arg11[%swap3A_504] masked %and3A {strides = array<i32>} : memref<128xi32, #tpu.memory_space<vmem>>, vector<16xi32>, vector<16xi1>
        tpu.vector_store %arg11[%swap3A_504], %sub3A_495 masked %and3A {strides = array<i32>} : memref<128xi32, #tpu.memory_space<vmem>>, vector<16xi32>, vector<16xi1>
        %convert_element_type3A = arith.extui %and3A : vector<16xi1> to vector<16xi32>
        %reduce_sum3A = arith.constant true
        %reduce_sum3A_506 = vector.broadcast %reduce_sum3A : i1 to vector<16xi1>
        %reduce_sum3A_507 = tpu.scan <sum>, %convert_element_type3A masked %reduce_sum3A_506 : vector<16xi32>, vector<16xi1> -> vector<16xi32>
        %reduce_sum3A_508 = vector.extract %reduce_sum3A_507[15] : i32 from vector<16xi32>
        %add3A_509 = arith.addi %scan3A_476, %reduce_sum3A_508 : i32
        %ge3A_510 = arith.constant 64 : i32
        %ge3A_511 = arith.cmpi sge, %add3A_509, %ge3A_510 : i32
        %convert_element_type3A_512 = arith.extui %ge3A_511 : i1 to i32
        %cond3A = arith.constant 0 : i32
        %cond3A_513 = arith.cmpi ne, %convert_element_type3A_512, %cond3A : i32
        %cond3A_514 = scf.if %cond3A_513 -> (i32) {
          %dma_start3A_515 = arith.constant 0 : i32
          %dma_start3A_516 = tpu.memref_slice %arg9[%dma_start3A_515] : memref<128xi32, #tpu.memory_space<vmem>> -> memref<64xi32, #tpu.memory_space<vmem>>
          %dma_start3A_517 = arith.constant 0 : i32
          %dma_start3A_518 = arith.constant 0 : i32
          %dma_start3A_519 = tpu.memref_slice %arg2[%dma_start3A_517, %dma_start3A_518] : memref<50000x128xf32, #tpu.memory_space<hbm>> -> memref<50000x128xf32, #tpu.memory_space<hbm>>
          tpu.enqueue_indirect_dma source(%dma_start3A_519 : memref<50000x128xf32, #tpu.memory_space<hbm>>) target(%arg13 : memref<64x128xf32, #tpu.memory_space<vmem>>) offsets(%dma_start3A_516 : memref<64xi32, #tpu.memory_space<vmem>>) semaphore(%arg16 : memref<!tpu.dma_semaphore, #tpu.memory_space<semaphore_mem>>)
          %dma_wait3A_520 = arith.constant 0 : i32
          %dma_wait3A_521 = tpu.memref_slice %arg9[%dma_wait3A_520] : memref<128xi32, #tpu.memory_space<vmem>> -> memref<64xi32, #tpu.memory_space<vmem>>
          %dma_wait3A_522 = arith.constant 0 : i32
          %dma_wait3A_523 = arith.constant 0 : i32
          %dma_wait3A_524 = tpu.memref_slice %arg2[%dma_wait3A_522, %dma_wait3A_523] : memref<50000x128xf32, #tpu.memory_space<hbm>> -> memref<50000x128xf32, #tpu.memory_space<hbm>>
          tpu.wait_indirect_dma semaphore(%arg16 : memref<!tpu.dma_semaphore, #tpu.memory_space<semaphore_mem>>) src(%dma_wait3A_524 : memref<50000x128xf32, #tpu.memory_space<hbm>>) dst(%arg13 : memref<64x128xf32, #tpu.memory_space<vmem>>)
          %scan3A_525 = arith.constant 0 : i32
          %scan3A_526 = arith.constant 0 : i32
          %scan3A_527 = arith.constant 64 : i32
          %scan3A_528 = arith.addi %scan3A_526, %scan3A_527 : i32
          %scan3A_529 = arith.constant 1 : i32
          %scan3A_530 = scf.for %scan3A_571 = %scan3A_526 to %scan3A_528 step %scan3A_529 iter_args(%scan3A_572 = %scan3A_525) -> (i32)  : i32 {
            %get3A_573 = arith.index_cast %scan3A_571 : i32 to index
            %get3A_574 = tpu.vector_load %arg10[%get3A_573] {strides = array<i32>} : memref<128xi32, #tpu.memory_space<vmem>>, vector<16xi32>,
            %slice3A = vector.extract_strided_slice %get3A_574 {offsets = [0], sizes = [1], strides = [1]} : vector<16xi32> to vector<1xi32>
            %squeeze3A = vector.extract %slice3A[0] : i32 from vector<1xi32>
            %get3A_575 = arith.index_cast %scan3A_571 : i32 to index
            %get3A_576 = arith.constant 0 : index
            %get3A_577 = tpu.vector_load %arg13[%get3A_575, %get3A_576] {strides = array<i32>} : memref<64x128xf32, #tpu.memory_space<vmem>>, vector<16xf32>,
            %get3A_578 = arith.index_cast %squeeze3A : i32 to index
            %get3A_579 = arith.constant 0 : index
            %get3A_580 = tpu.vector_load %arg14[%get3A_578, %get3A_579] {strides = array<i32>} : memref<32x128xf32, #tpu.memory_space<vmem>>, vector<16xf32>,
            %mul3A_581 = arith.mulf %get3A_577, %get3A_580 : vector<16xf32>
            %swap3A_582 = arith.index_cast %scan3A_571 : i32 to index
            %swap3A_583 = arith.constant 0 : index
            %swap3A_584 = tpu.vector_load %arg13[%swap3A_582, %swap3A_583] {strides = array<i32>} : memref<64x128xf32, #tpu.memory_space<vmem>>, vector<16xf32>,
            tpu.vector_store %arg13[%swap3A_582, %swap3A_583], %mul3A_581 {strides = array<i32>} : memref<64x128xf32, #tpu.memory_space<vmem>>, vector<16xf32>,
            %get3A_585 = arith.index_cast %scan3A_571 : i32 to index
            %get3A_586 = arith.constant 16 : index
            %get3A_587 = tpu.vector_load %arg13[%get3A_585, %get3A_586] {strides = array<i32>} : memref<64x128xf32, #tpu.memory_space<vmem>>, vector<16xf32>,
            %get3A_588 = arith.index_cast %squeeze3A : i32 to index
            %get3A_589 = arith.constant 16 : index
            %get3A_590 = tpu.vector_load %arg14[%get3A_588, %get3A_589] {strides = array<i32>} : memref<32x128xf32, #tpu.memory_space<vmem>>, vector<16xf32>,
            %mul3A_591 = arith.mulf %get3A_587, %get3A_590 : vector<16xf32>
            %swap3A_592 = arith.index_cast %scan3A_571 : i32 to index
            %swap3A_593 = arith.constant 16 : index
            %swap3A_594 = tpu.vector_load %arg13[%swap3A_592, %swap3A_593] {strides = array<i32>} : memref<64x128xf32, #tpu.memory_space<vmem>>, vector<16xf32>,
            tpu.vector_store %arg13[%swap3A_592, %swap3A_593], %mul3A_591 {strides = array<i32>} : memref<64x128xf32, #tpu.memory_space<vmem>>, vector<16xf32>,
            %get3A_595 = arith.index_cast %scan3A_571 : i32 to index
            %get3A_596 = arith.constant 32 : index
            %get3A_597 = tpu.vector_load %arg13[%get3A_595, %get3A_596] {strides = array<i32>} : memref<64x128xf32, #tpu.memory_space<vmem>>, vector<16xf32>,
            %get3A_598 = arith.index_cast %squeeze3A : i32 to index
            %get3A_599 = arith.constant 32 : index
            %get3A_600 = tpu.vector_load %arg14[%get3A_598, %get3A_599] {strides = array<i32>} : memref<32x128xf32, #tpu.memory_space<vmem>>, vector<16xf32>,
            %mul3A_601 = arith.mulf %get3A_597, %get3A_600 : vector<16xf32>
            %swap3A_602 = arith.index_cast %scan3A_571 : i32 to index
            %swap3A_603 = arith.constant 32 : index
            %swap3A_604 = tpu.vector_load %arg13[%swap3A_602, %swap3A_603] {strides = array<i32>} : memref<64x128xf32, #tpu.memory_space<vmem>>, vector<16xf32>,
            tpu.vector_store %arg13[%swap3A_602, %swap3A_603], %mul3A_601 {strides = array<i32>} : memref<64x128xf32, #tpu.memory_space<vmem>>, vector<16xf32>,
            %get3A_605 = arith.index_cast %scan3A_571 : i32 to index
            %get3A_606 = arith.constant 48 : index
            %get3A_607 = tpu.vector_load %arg13[%get3A_605, %get3A_606] {strides = array<i32>} : memref<64x128xf32, #tpu.memory_space<vmem>>, vector<16xf32>,
            %get3A_608 = arith.index_cast %squeeze3A : i32 to index
            %get3A_609 = arith.constant 48 : index
            %get3A_610 = tpu.vector_load %arg14[%get3A_608, %get3A_609] {strides = array<i32>} : memref<32x128xf32, #tpu.memory_space<vmem>>, vector<16xf32>,
            %mul3A_611 = arith.mulf %get3A_607, %get3A_610 : vector<16xf32>
            %swap3A_612 = arith.index_cast %scan3A_571 : i32 to index
            %swap3A_613 = arith.constant 48 : index
            %swap3A_614 = tpu.vector_load %arg13[%swap3A_612, %swap3A_613] {strides = array<i32>} : memref<64x128xf32, #tpu.memory_space<vmem>>, vector<16xf32>,
            tpu.vector_store %arg13[%swap3A_612, %swap3A_613], %mul3A_611 {strides = array<i32>} : memref<64x128xf32, #tpu.memory_space<vmem>>, vector<16xf32>,
            %get3A_615 = arith.index_cast %scan3A_571 : i32 to index
            %get3A_616 = arith.constant 64 : index
            %get3A_617 = tpu.vector_load %arg13[%get3A_615, %get3A_616] {strides = array<i32>} : memref<64x128xf32, #tpu.memory_space<vmem>>, vector<16xf32>,
            %get3A_618 = arith.index_cast %squeeze3A : i32 to index
            %get3A_619 = arith.constant 64 : index
            %get3A_620 = tpu.vector_load %arg14[%get3A_618, %get3A_619] {strides = array<i32>} : memref<32x128xf32, #tpu.memory_space<vmem>>, vector<16xf32>,
            %mul3A_621 = arith.mulf %get3A_617, %get3A_620 : vector<16xf32>
            %swap3A_622 = arith.index_cast %scan3A_571 : i32 to index
            %swap3A_623 = arith.constant 64 : index
            %swap3A_624 = tpu.vector_load %arg13[%swap3A_622, %swap3A_623] {strides = array<i32>} : memref<64x128xf32, #tpu.memory_space<vmem>>, vector<16xf32>,
            tpu.vector_store %arg13[%swap3A_622, %swap3A_623], %mul3A_621 {strides = array<i32>} : memref<64x128xf32, #tpu.memory_space<vmem>>, vector<16xf32>,
            %get3A_625 = arith.index_cast %scan3A_571 : i32 to index
            %get3A_626 = arith.constant 80 : index
            %get3A_627 = tpu.vector_load %arg13[%get3A_625, %get3A_626] {strides = array<i32>} : memref<64x128xf32, #tpu.memory_space<vmem>>, vector<16xf32>,
            %get3A_628 = arith.index_cast %squeeze3A : i32 to index
            %get3A_629 = arith.constant 80 : index
            %get3A_630 = tpu.vector_load %arg14[%get3A_628, %get3A_629] {strides = array<i32>} : memref<32x128xf32, #tpu.memory_space<vmem>>, vector<16xf32>,
            %mul3A_631 = arith.mulf %get3A_627, %get3A_630 : vector<16xf32>
            %swap3A_632 = arith.index_cast %scan3A_571 : i32 to index
            %swap3A_633 = arith.constant 80 : index
            %swap3A_634 = tpu.vector_load %arg13[%swap3A_632, %swap3A_633] {strides = array<i32>} : memref<64x128xf32, #tpu.memory_space<vmem>>, vector<16xf32>,
            tpu.vector_store %arg13[%swap3A_632, %swap3A_633], %mul3A_631 {strides = array<i32>} : memref<64x128xf32, #tpu.memory_space<vmem>>, vector<16xf32>,
            %get3A_635 = arith.index_cast %scan3A_571 : i32 to index
            %get3A_636 = arith.constant 96 : index
            %get3A_637 = tpu.vector_load %arg13[%get3A_635, %get3A_636] {strides = array<i32>} : memref<64x128xf32, #tpu.memory_space<vmem>>, vector<16xf32>,
            %get3A_638 = arith.index_cast %squeeze3A : i32 to index
            %get3A_639 = arith.constant 96 : index
            %get3A_640 = tpu.vector_load %arg14[%get3A_638, %get3A_639] {strides = array<i32>} : memref<32x128xf32, #tpu.memory_space<vmem>>, vector<16xf32>,
            %mul3A_641 = arith.mulf %get3A_637, %get3A_640 : vector<16xf32>
            %swap3A_642 = arith.index_cast %scan3A_571 : i32 to index
            %swap3A_643 = arith.constant 96 : index
            %swap3A_644 = tpu.vector_load %arg13[%swap3A_642, %swap3A_643] {strides = array<i32>} : memref<64x128xf32, #tpu.memory_space<vmem>>, vector<16xf32>,
            tpu.vector_store %arg13[%swap3A_642, %swap3A_643], %mul3A_641 {strides = array<i32>} : memref<64x128xf32, #tpu.memory_space<vmem>>, vector<16xf32>,
            %get3A_645 = arith.index_cast %scan3A_571 : i32 to index
            %get3A_646 = arith.constant 112 : index
            %get3A_647 = tpu.vector_load %arg13[%get3A_645, %get3A_646] {strides = array<i32>} : memref<64x128xf32, #tpu.memory_space<vmem>>, vector<16xf32>,
            %get3A_648 = arith.index_cast %squeeze3A : i32 to index
            %get3A_649 = arith.constant 112 : index
            %get3A_650 = tpu.vector_load %arg14[%get3A_648, %get3A_649] {strides = array<i32>} : memref<32x128xf32, #tpu.memory_space<vmem>>, vector<16xf32>,
            %mul3A_651 = arith.mulf %get3A_647, %get3A_650 : vector<16xf32>
            %swap3A_652 = arith.index_cast %scan3A_571 : i32 to index
            %swap3A_653 = arith.constant 112 : index
            %swap3A_654 = tpu.vector_load %arg13[%swap3A_652, %swap3A_653] {strides = array<i32>} : memref<64x128xf32, #tpu.memory_space<vmem>>, vector<16xf32>,
            tpu.vector_store %arg13[%swap3A_652, %swap3A_653], %mul3A_651 {strides = array<i32>} : memref<64x128xf32, #tpu.memory_space<vmem>>, vector<16xf32>,
            %scan3A_655 = arith.constant 0 : i32
            scf.yield %scan3A_655 : i32
          }
          %scan3A_531 = arith.constant 64 : i32
          %get3A_532 = arith.constant 0 : index
          %get3A_533 = tpu.vector_load %arg11[%get3A_532] {strides = array<i32>} : memref<128xi32, #tpu.memory_space<vmem>>, vector<16xi32>,
          %swap3A_534 = arith.constant 0 : i32
          %swap3A_535 = arith.index_cast %swap3A_534 : i32 to index
          %swap3A_536 = arith.constant 0 : index
          %swap3A_537 = tpu.vector_load %arg12[%swap3A_535, %swap3A_536] {strides = array<i32>} : memref<1x64xi32, #tpu.memory_space<vmem>>, vector<16xi32>,
          tpu.vector_store %arg12[%swap3A_535, %swap3A_536], %get3A_533 {strides = array<i32>} : memref<1x64xi32, #tpu.memory_space<vmem>>, vector<16xi32>,
          %get3A_538 = arith.constant 16 : index
          %get3A_539 = tpu.vector_load %arg11[%get3A_538] {strides = array<i32>} : memref<128xi32, #tpu.memory_space<vmem>>, vector<16xi32>,
          %swap3A_540 = arith.constant 0 : i32
          %swap3A_541 = arith.index_cast %swap3A_540 : i32 to index
          %swap3A_542 = arith.constant 16 : index
          %swap3A_543 = tpu.vector_load %arg12[%swap3A_541, %swap3A_542] {strides = array<i32>} : memref<1x64xi32, #tpu.memory_space<vmem>>, vector<16xi32>,
          tpu.vector_store %arg12[%swap3A_541, %swap3A_542], %get3A_539 {strides = array<i32>} : memref<1x64xi32, #tpu.memory_space<vmem>>, vector<16xi32>,
          %get3A_544 = arith.constant 32 : index
          %get3A_545 = tpu.vector_load %arg11[%get3A_544] {strides = array<i32>} : memref<128xi32, #tpu.memory_space<vmem>>, vector<16xi32>,
          %swap3A_546 = arith.constant 0 : i32
          %swap3A_547 = arith.index_cast %swap3A_546 : i32 to index
          %swap3A_548 = arith.constant 32 : index
          %swap3A_549 = tpu.vector_load %arg12[%swap3A_547, %swap3A_548] {strides = array<i32>} : memref<1x64xi32, #tpu.memory_space<vmem>>, vector<16xi32>,
          tpu.vector_store %arg12[%swap3A_547, %swap3A_548], %get3A_545 {strides = array<i32>} : memref<1x64xi32, #tpu.memory_space<vmem>>, vector<16xi32>,
          %get3A_550 = arith.constant 48 : index
          %get3A_551 = tpu.vector_load %arg11[%get3A_550] {strides = array<i32>} : memref<128xi32, #tpu.memory_space<vmem>>, vector<16xi32>,
          %swap3A_552 = arith.constant 0 : i32
          %swap3A_553 = arith.index_cast %swap3A_552 : i32 to index
          %swap3A_554 = arith.constant 48 : index
          %swap3A_555 = tpu.vector_load %arg12[%swap3A_553, %swap3A_554] {strides = array<i32>} : memref<1x64xi32, #tpu.memory_space<vmem>>, vector<16xi32>,
          tpu.vector_store %arg12[%swap3A_553, %swap3A_554], %get3A_551 {strides = array<i32>} : memref<1x64xi32, #tpu.memory_space<vmem>>, vector<16xi32>,
          %run_scoped3A_556 = arith.constant 0 : i32
          "tpu.region"() ({
            %run_scoped3A_571 = tpu.sem_alloc : memref<!tpu.dma_semaphore, #tpu.memory_space<semaphore_mem>>
            %dma_start3A_572 = arith.constant 0 : i32
            %dma_start3A_573 = tpu.memref_slice %arg12[%run_scoped3A_556, %dma_start3A_572] : memref<1x64xi32, #tpu.memory_space<vmem>> -> memref<1x64xi32, #tpu.memory_space<vmem>>
            %dma_start3A_574 = tpu.memref_squeeze %dma_start3A_573 : memref<1x64xi32, #tpu.memory_space<vmem>> -> memref<64xi32, #tpu.memory_space<vmem>>
            %dma_start3A_575 = arith.constant 0 : i32
            %dma_start3A_576 = arith.constant 0 : i32
            %dma_start3A_577 = tpu.memref_slice %arg6[%dma_start3A_575, %dma_start3A_576] : memref<12552x128xf32, #tpu.memory_space<vmem_shared>> -> memref<12552x128xf32, #tpu.memory_space<vmem_shared>>
            tpu.enqueue_indirect_dma source(%arg13 : memref<64x128xf32, #tpu.memory_space<vmem>>) target(%dma_start3A_577 : memref<12552x128xf32, #tpu.memory_space<vmem_shared>>) offsets(%dma_start3A_574 : memref<64xi32, #tpu.memory_space<vmem>>) semaphore(%run_scoped3A_571 : memref<!tpu.dma_semaphore, #tpu.memory_space<semaphore_mem>>) {add = true}
            %dma_wait3A_578 = arith.constant 0 : i32
            %dma_wait3A_579 = tpu.memref_slice %arg12[%run_scoped3A_556, %dma_wait3A_578] : memref<1x64xi32, #tpu.memory_space<vmem>> -> memref<1x64xi32, #tpu.memory_space<vmem>>
            %dma_wait3A_580 = tpu.memref_squeeze %dma_wait3A_579 : memref<1x64xi32, #tpu.memory_space<vmem>> -> memref<64xi32, #tpu.memory_space<vmem>>
            %dma_wait3A_581 = arith.constant 0 : i32
            %dma_wait3A_582 = arith.constant 0 : i32
            %dma_wait3A_583 = tpu.memref_slice %arg6[%dma_wait3A_581, %dma_wait3A_582] : memref<12552x128xf32, #tpu.memory_space<vmem_shared>> -> memref<12552x128xf32, #tpu.memory_space<vmem_shared>>
            tpu.wait_indirect_dma semaphore(%run_scoped3A_571 : memref<!tpu.dma_semaphore, #tpu.memory_space<semaphore_mem>>) src(%arg13 : memref<64x128xf32, #tpu.memory_space<vmem>>) dst(%dma_wait3A_583 : memref<12552x128xf32, #tpu.memory_space<vmem_shared>>)
            tpu.yield
          }) : () -> ()
          %get3A_557 = arith.constant 64 : index
          %get3A_558 = tpu.vector_load %arg9[%get3A_557] {strides = array<i32>} : memref<128xi32, #tpu.memory_space<vmem>>, vector<16xi32>,
          %swap3A_559 = arith.constant 0 : index
          %swap3A_560 = tpu.vector_load %arg9[%swap3A_559] {strides = array<i32>} : memref<128xi32, #tpu.memory_space<vmem>>, vector<16xi32>,
          tpu.vector_store %arg9[%swap3A_559], %get3A_558 {strides = array<i32>} : memref<128xi32, #tpu.memory_space<vmem>>, vector<16xi32>,
          %get3A_561 = arith.constant 64 : index
          %get3A_562 = tpu.vector_load %arg10[%get3A_561] {strides = array<i32>} : memref<128xi32, #tpu.memory_space<vmem>>, vector<16xi32>,
          %swap3A_563 = arith.constant 0 : index
          %swap3A_564 = tpu.vector_load %arg10[%swap3A_563] {strides = array<i32>} : memref<128xi32, #tpu.memory_space<vmem>>, vector<16xi32>,
          tpu.vector_store %arg10[%swap3A_563], %get3A_562 {strides = array<i32>} : memref<128xi32, #tpu.memory_space<vmem>>, vector<16xi32>,
          %get3A_565 = arith.constant 64 : index
          %get3A_566 = tpu.vector_load %arg11[%get3A_565] {strides = array<i32>} : memref<128xi32, #tpu.memory_space<vmem>>, vector<16xi32>,
          %swap3A_567 = arith.constant 0 : index
          %swap3A_568 = tpu.vector_load %arg11[%swap3A_567] {strides = array<i32>} : memref<128xi32, #tpu.memory_space<vmem>>, vector<16xi32>,
          tpu.vector_store %arg11[%swap3A_567], %get3A_566 {strides = array<i32>} : memref<128xi32, #tpu.memory_space<vmem>>, vector<16xi32>,
          %sub3A_569 = arith.constant 64 : i32
          %sub3A_570 = arith.subi %add3A_509, %sub3A_569 : i32
          scf.yield %sub3A_570 : i32
        } else {
          scf.yield %add3A_509 : i32
        }
        scf.yield %cond3A_514 : i32
      }
      %scan3A_466 = arith.constant 32 : i32
      %dma_wait3A_467 = arith.constant 0 : i32
      %dma_wait3A_468 = arith.constant 0 : i32
      %dma_wait3A_469 = tpu.memref_slice %arg4[%add3A_452, %dma_wait3A_467, %dma_wait3A_468] : memref<1248x3x512xi32, #tpu.memory_space<hbm>> -> memref<1x3x512xi32, #tpu.memory_space<hbm>>
      %dma_wait3A_470 = tpu.memref_squeeze %dma_wait3A_469 : memref<1x3x512xi32, #tpu.memory_space<hbm>> -> memref<3x512xi32, #tpu.memory_space<hbm>>
      %dma_wait3A_471 = arith.constant 0 : i32
      %dma_wait3A_472 = arith.constant 0 : i32
      %dma_wait3A_473 = tpu.memref_slice %arg4[%add3A_452, %dma_wait3A_471, %dma_wait3A_472] : memref<1248x3x512xi32, #tpu.memory_space<hbm>> -> memref<1x3x512xi32, #tpu.memory_space<hbm>>
      %dma_wait3A_474 = tpu.memref_squeeze %dma_wait3A_473 : memref<1x3x512xi32, #tpu.memory_space<hbm>> -> memref<3x512xi32, #tpu.memory_space<hbm>>
      tpu.wait_dma2 semaphore(%arg15 : memref<!tpu.dma_semaphore, #tpu.memory_space<semaphore_mem>>) src(%dma_wait3A_474 : memref<3x512xi32, #tpu.memory_space<hbm>>) dst(%arg7 : memref<3x512xi32, #tpu.memory_space<vmem>>)
      scf.yield %scan3A_465 : i32
    }
    %scan3A_276 = arith.constant 39 : i32
    %add3A_277 = arith.constant 0 : i32
    %add3A_278 = arith.addi %scan3A_275, %add3A_277 : i32
    %broadcast_in_dim3A_279 = arith.constant 0 : i32
    %broadcast_in_dim3A_280 = vector.broadcast %broadcast_in_dim3A_279 : i32 to vector<16xi32>
    %broadcast_in_dim3A_281 = arith.constant true
    %broadcast_in_dim3A_282 = vector.broadcast %broadcast_in_dim3A_281 : i1 to vector<16xi1>
    %swap3A_283 = arith.index_cast %add3A_278 : i32 to index
    %swap3A_284 = tpu.vector_load %arg9[%swap3A_283] masked %broadcast_in_dim3A_282 {strides = array<i32>} : memref<128xi32, #tpu.memory_space<vmem>>, vector<16xi32>, vector<16xi1>
    tpu.vector_store %arg9[%swap3A_283], %broadcast_in_dim3A_280 masked %broadcast_in_dim3A_282 {strides = array<i32>} : memref<128xi32, #tpu.memory_space<vmem>>, vector<16xi32>, vector<16xi1>
    %broadcast_in_dim3A_285 = arith.constant 25 : i32
    %broadcast_in_dim3A_286 = vector.broadcast %broadcast_in_dim3A_285 : i32 to vector<16xi32>
    %broadcast_in_dim3A_287 = arith.constant true
    %broadcast_in_dim3A_288 = vector.broadcast %broadcast_in_dim3A_287 : i1 to vector<16xi1>
    %swap3A_289 = arith.index_cast %add3A_278 : i32 to index
    %swap3A_290 = tpu.vector_load %arg10[%swap3A_289] masked %broadcast_in_dim3A_288 {strides = array<i32>} : memref<128xi32, #tpu.memory_space<vmem>>, vector<16xi32>, vector<16xi1>
    tpu.vector_store %arg10[%swap3A_289], %broadcast_in_dim3A_286 masked %broadcast_in_dim3A_288 {strides = array<i32>} : memref<128xi32, #tpu.memory_space<vmem>>, vector<16xi32>, vector<16xi1>
    %broadcast_in_dim3A_291 = arith.constant 12544 : i32
    %broadcast_in_dim3A_292 = vector.broadcast %broadcast_in_dim3A_291 : i32 to vector<16xi32>
    %broadcast_in_dim3A_293 = arith.constant true
    %broadcast_in_dim3A_294 = vector.broadcast %broadcast_in_dim3A_293 : i1 to vector<16xi1>
    %swap3A_295 = arith.index_cast %add3A_278 : i32 to index
    %swap3A_296 = tpu.vector_load %arg11[%swap3A_295] masked %broadcast_in_dim3A_294 {strides = array<i32>} : memref<128xi32, #tpu.memory_space<vmem>>, vector<16xi32>, vector<16xi1>
    tpu.vector_store %arg11[%swap3A_295], %broadcast_in_dim3A_292 masked %broadcast_in_dim3A_294 {strides = array<i32>} : memref<128xi32, #tpu.memory_space<vmem>>, vector<16xi32>, vector<16xi1>
    %add3A_297 = arith.constant 16 : i32
    %add3A_298 = arith.addi %scan3A_275, %add3A_297 : i32
    %broadcast_in_dim3A_299 = arith.constant 0 : i32
    %broadcast_in_dim3A_300 = vector.broadcast %broadcast_in_dim3A_299 : i32 to vector<16xi32>
    %broadcast_in_dim3A_301 = arith.constant true
    %broadcast_in_dim3A_302 = vector.broadcast %broadcast_in_dim3A_301 : i1 to vector<16xi1>
    %swap3A_303 = arith.index_cast %add3A_298 : i32 to index
    %swap3A_304 = tpu.vector_load %arg9[%swap3A_303] masked %broadcast_in_dim3A_302 {strides = array<i32>} : memref<128xi32, #tpu.memory_space<vmem>>, vector<16xi32>, vector<16xi1>
    tpu.vector_store %arg9[%swap3A_303], %broadcast_in_dim3A_300 masked %broadcast_in_dim3A_302 {strides = array<i32>} : memref<128xi32, #tpu.memory_space<vmem>>, vector<16xi32>, vector<16xi1>
    %broadcast_in_dim3A_305 = arith.constant 25 : i32
    %broadcast_in_dim3A_306 = vector.broadcast %broadcast_in_dim3A_305 : i32 to vector<16xi32>
    %broadcast_in_dim3A_307 = arith.constant true
    %broadcast_in_dim3A_308 = vector.broadcast %broadcast_in_dim3A_307 : i1 to vector<16xi1>
    %swap3A_309 = arith.index_cast %add3A_298 : i32 to index
    %swap3A_310 = tpu.vector_load %arg10[%swap3A_309] masked %broadcast_in_dim3A_308 {strides = array<i32>} : memref<128xi32, #tpu.memory_space<vmem>>, vector<16xi32>, vector<16xi1>
    tpu.vector_store %arg10[%swap3A_309], %broadcast_in_dim3A_306 masked %broadcast_in_dim3A_308 {strides = array<i32>} : memref<128xi32, #tpu.memory_space<vmem>>, vector<16xi32>, vector<16xi1>
    %broadcast_in_dim3A_311 = arith.constant 12544 : i32
    %broadcast_in_dim3A_312 = vector.broadcast %broadcast_in_dim3A_311 : i32 to vector<16xi32>
    %broadcast_in_dim3A_313 = arith.constant true
    %broadcast_in_dim3A_314 = vector.broadcast %broadcast_in_dim3A_313 : i1 to vector<16xi1>
    %swap3A_315 = arith.index_cast %add3A_298 : i32 to index
    %swap3A_316 = tpu.vector_load %arg11[%swap3A_315] masked %broadcast_in_dim3A_314 {strides = array<i32>} : memref<128xi32, #tpu.memory_space<vmem>>, vector<16xi32>, vector<16xi1>
    tpu.vector_store %arg11[%swap3A_315], %broadcast_in_dim3A_312 masked %broadcast_in_dim3A_314 {strides = array<i32>} : memref<128xi32, #tpu.memory_space<vmem>>, vector<16xi32>, vector<16xi1>
    %add3A_317 = arith.constant 32 : i32
    %add3A_318 = arith.addi %scan3A_275, %add3A_317 : i32
    %broadcast_in_dim3A_319 = arith.constant 0 : i32
    %broadcast_in_dim3A_320 = vector.broadcast %broadcast_in_dim3A_319 : i32 to vector<16xi32>
    %broadcast_in_dim3A_321 = arith.constant true
    %broadcast_in_dim3A_322 = vector.broadcast %broadcast_in_dim3A_321 : i1 to vector<16xi1>
    %swap3A_323 = arith.index_cast %add3A_318 : i32 to index
    %swap3A_324 = tpu.vector_load %arg9[%swap3A_323] masked %broadcast_in_dim3A_322 {strides = array<i32>} : memref<128xi32, #tpu.memory_space<vmem>>, vector<16xi32>, vector<16xi1>
    tpu.vector_store %arg9[%swap3A_323], %broadcast_in_dim3A_320 masked %broadcast_in_dim3A_322 {strides = array<i32>} : memref<128xi32, #tpu.memory_space<vmem>>, vector<16xi32>, vector<16xi1>
    %broadcast_in_dim3A_325 = arith.constant 25 : i32
    %broadcast_in_dim3A_326 = vector.broadcast %broadcast_in_dim3A_325 : i32 to vector<16xi32>
    %broadcast_in_dim3A_327 = arith.constant true
    %broadcast_in_dim3A_328 = vector.broadcast %broadcast_in_dim3A_327 : i1 to vector<16xi1>
    %swap3A_329 = arith.index_cast %add3A_318 : i32 to index
    %swap3A_330 = tpu.vector_load %arg10[%swap3A_329] masked %broadcast_in_dim3A_328 {strides = array<i32>} : memref<128xi32, #tpu.memory_space<vmem>>, vector<16xi32>, vector<16xi1>
    tpu.vector_store %arg10[%swap3A_329], %broadcast_in_dim3A_326 masked %broadcast_in_dim3A_328 {strides = array<i32>} : memref<128xi32, #tpu.memory_space<vmem>>, vector<16xi32>, vector<16xi1>
    %broadcast_in_dim3A_331 = arith.constant 12544 : i32
    %broadcast_in_dim3A_332 = vector.broadcast %broadcast_in_dim3A_331 : i32 to vector<16xi32>
    %broadcast_in_dim3A_333 = arith.constant true
    %broadcast_in_dim3A_334 = vector.broadcast %broadcast_in_dim3A_333 : i1 to vector<16xi1>
    %swap3A_335 = arith.index_cast %add3A_318 : i32 to index
    %swap3A_336 = tpu.vector_load %arg11[%swap3A_335] masked %broadcast_in_dim3A_334 {strides = array<i32>} : memref<128xi32, #tpu.memory_space<vmem>>, vector<16xi32>, vector<16xi1>
    tpu.vector_store %arg11[%swap3A_335], %broadcast_in_dim3A_332 masked %broadcast_in_dim3A_334 {strides = array<i32>} : memref<128xi32, #tpu.memory_space<vmem>>, vector<16xi32>, vector<16xi1>
    %add3A_337 = arith.constant 48 : i32
    %add3A_338 = arith.addi %scan3A_275, %add3A_337 : i32
    %broadcast_in_dim3A_339 = arith.constant 0 : i32
    %broadcast_in_dim3A_340 = vector.broadcast %broadcast_in_dim3A_339 : i32 to vector<16xi32>
    %broadcast_in_dim3A_341 = arith.constant true
    %broadcast_in_dim3A_342 = vector.broadcast %broadcast_in_dim3A_341 : i1 to vector<16xi1>
    %swap3A_343 = arith.index_cast %add3A_338 : i32 to index
    %swap3A_344 = tpu.vector_load %arg9[%swap3A_343] masked %broadcast_in_dim3A_342 {strides = array<i32>} : memref<128xi32, #tpu.memory_space<vmem>>, vector<16xi32>, vector<16xi1>
    tpu.vector_store %arg9[%swap3A_343], %broadcast_in_dim3A_340 masked %broadcast_in_dim3A_342 {strides = array<i32>} : memref<128xi32, #tpu.memory_space<vmem>>, vector<16xi32>, vector<16xi1>
    %broadcast_in_dim3A_345 = arith.constant 25 : i32
    %broadcast_in_dim3A_346 = vector.broadcast %broadcast_in_dim3A_345 : i32 to vector<16xi32>
    %broadcast_in_dim3A_347 = arith.constant true
    %broadcast_in_dim3A_348 = vector.broadcast %broadcast_in_dim3A_347 : i1 to vector<16xi1>
    %swap3A_349 = arith.index_cast %add3A_338 : i32 to index
    %swap3A_350 = tpu.vector_load %arg10[%swap3A_349] masked %broadcast_in_dim3A_348 {strides = array<i32>} : memref<128xi32, #tpu.memory_space<vmem>>, vector<16xi32>, vector<16xi1>
    tpu.vector_store %arg10[%swap3A_349], %broadcast_in_dim3A_346 masked %broadcast_in_dim3A_348 {strides = array<i32>} : memref<128xi32, #tpu.memory_space<vmem>>, vector<16xi32>, vector<16xi1>
    %broadcast_in_dim3A_351 = arith.constant 12544 : i32
    %broadcast_in_dim3A_352 = vector.broadcast %broadcast_in_dim3A_351 : i32 to vector<16xi32>
    %broadcast_in_dim3A_353 = arith.constant true
    %broadcast_in_dim3A_354 = vector.broadcast %broadcast_in_dim3A_353 : i1 to vector<16xi1>
    %swap3A_355 = arith.index_cast %add3A_338 : i32 to index
    %swap3A_356 = tpu.vector_load %arg11[%swap3A_355] masked %broadcast_in_dim3A_354 {strides = array<i32>} : memref<128xi32, #tpu.memory_space<vmem>>, vector<16xi32>, vector<16xi1>
    tpu.vector_store %arg11[%swap3A_355], %broadcast_in_dim3A_352 masked %broadcast_in_dim3A_354 {strides = array<i32>} : memref<128xi32, #tpu.memory_space<vmem>>, vector<16xi32>, vector<16xi1>
    %dma_start3A_357 = arith.constant 0 : i32
    %dma_start3A_358 = tpu.memref_slice %arg9[%dma_start3A_357] : memref<128xi32, #tpu.memory_space<vmem>> -> memref<64xi32, #tpu.memory_space<vmem>>
    %dma_start3A_359 = arith.constant 0 : i32
    %dma_start3A_360 = arith.constant 0 : i32
    %dma_start3A_361 = tpu.memref_slice %arg2[%dma_start3A_359, %dma_start3A_360] : memref<50000x128xf32, #tpu.memory_space<hbm>> -> memref<50000x128xf32, #tpu.memory_space<hbm>>
    tpu.enqueue_indirect_dma source(%dma_start3A_361 : memref<50000x128xf32, #tpu.memory_space<hbm>>) target(%arg13 : memref<64x128xf32, #tpu.memory_space<vmem>>) offsets(%dma_start3A_358 : memref<64xi32, #tpu.memory_space<vmem>>) semaphore(%arg16 : memref<!tpu.dma_semaphore, #tpu.memory_space<semaphore_mem>>)
    %dma_wait3A_362 = arith.constant 0 : i32
    %dma_wait3A_363 = tpu.memref_slice %arg9[%dma_wait3A_362] : memref<128xi32, #tpu.memory_space<vmem>> -> memref<64xi32, #tpu.memory_space<vmem>>
    %dma_wait3A_364 = arith.constant 0 : i32
    %dma_wait3A_365 = arith.constant 0 : i32
    %dma_wait3A_366 = tpu.memref_slice %arg2[%dma_wait3A_364, %dma_wait3A_365] : memref<50000x128xf32, #tpu.memory_space<hbm>> -> memref<50000x128xf32, #tpu.memory_space<hbm>>
    tpu.wait_indirect_dma semaphore(%arg16 : memref<!tpu.dma_semaphore, #tpu.memory_space<semaphore_mem>>) src(%dma_wait3A_366 : memref<50000x128xf32, #tpu.memory_space<hbm>>) dst(%arg13 : memref<64x128xf32, #tpu.memory_space<vmem>>)
    %scan3A_367 = arith.constant 0 : i32
    %scan3A_368 = arith.constant 0 : i32
    %scan3A_369 = arith.constant 64 : i32
    %scan3A_370 = arith.addi %scan3A_368, %scan3A_369 : i32
    %scan3A_371 = arith.constant 1 : i32
    %scan3A_372 = scf.for %scan3A_418 = %scan3A_368 to %scan3A_370 step %scan3A_371 iter_args(%scan3A_419 = %scan3A_367) -> (i32)  : i32 {
      %get3A_420 = arith.index_cast %scan3A_418 : i32 to index
      %get3A_421 = tpu.vector_load %arg10[%get3A_420] {strides = array<i32>} : memref<128xi32, #tpu.memory_space<vmem>>, vector<16xi32>,
      %slice3A = vector.extract_strided_slice %get3A_421 {offsets = [0], sizes = [1], strides = [1]} : vector<16xi32> to vector<1xi32>
      %squeeze3A = vector.extract %slice3A[0] : i32 from vector<1xi32>
      %get3A_422 = arith.index_cast %scan3A_418 : i32 to index
      %get3A_423 = arith.constant 0 : index
      %get3A_424 = tpu.vector_load %arg13[%get3A_422, %get3A_423] {strides = array<i32>} : memref<64x128xf32, #tpu.memory_space<vmem>>, vector<16xf32>,
      %get3A_425 = arith.index_cast %squeeze3A : i32 to index
      %get3A_426 = arith.constant 0 : index
      %get3A_427 = tpu.vector_load %arg14[%get3A_425, %get3A_426] {strides = array<i32>} : memref<32x128xf32, #tpu.memory_space<vmem>>, vector<16xf32>,
      %mul3A_428 = arith.mulf %get3A_424, %get3A_427 : vector<16xf32>
      %swap3A_429 = arith.index_cast %scan3A_418 : i32 to index
      %swap3A_430 = arith.constant 0 : index
      %swap3A_431 = tpu.vector_load %arg13[%swap3A_429, %swap3A_430] {strides = array<i32>} : memref<64x128xf32, #tpu.memory_space<vmem>>, vector<16xf32>,
      tpu.vector_store %arg13[%swap3A_429, %swap3A_430], %mul3A_428 {strides = array<i32>} : memref<64x128xf32, #tpu.memory_space<vmem>>, vector<16xf32>,
      %get3A_432 = arith.index_cast %scan3A_418 : i32 to index
      %get3A_433 = arith.constant 16 : index
      %get3A_434 = tpu.vector_load %arg13[%get3A_432, %get3A_433] {strides = array<i32>} : memref<64x128xf32, #tpu.memory_space<vmem>>, vector<16xf32>,
      %get3A_435 = arith.index_cast %squeeze3A : i32 to index
      %get3A_436 = arith.constant 16 : index
      %get3A_437 = tpu.vector_load %arg14[%get3A_435, %get3A_436] {strides = array<i32>} : memref<32x128xf32, #tpu.memory_space<vmem>>, vector<16xf32>,
      %mul3A_438 = arith.mulf %get3A_434, %get3A_437 : vector<16xf32>
      %swap3A_439 = arith.index_cast %scan3A_418 : i32 to index
      %swap3A_440 = arith.constant 16 : index
      %swap3A_441 = tpu.vector_load %arg13[%swap3A_439, %swap3A_440] {strides = array<i32>} : memref<64x128xf32, #tpu.memory_space<vmem>>, vector<16xf32>,
      tpu.vector_store %arg13[%swap3A_439, %swap3A_440], %mul3A_438 {strides = array<i32>} : memref<64x128xf32, #tpu.memory_space<vmem>>, vector<16xf32>,
      %get3A_442 = arith.index_cast %scan3A_418 : i32 to index
      %get3A_443 = arith.constant 32 : index
      %get3A_444 = tpu.vector_load %arg13[%get3A_442, %get3A_443] {strides = array<i32>} : memref<64x128xf32, #tpu.memory_space<vmem>>, vector<16xf32>,
      %get3A_445 = arith.index_cast %squeeze3A : i32 to index
      %get3A_446 = arith.constant 32 : index
      %get3A_447 = tpu.vector_load %arg14[%get3A_445, %get3A_446] {strides = array<i32>} : memref<32x128xf32, #tpu.memory_space<vmem>>, vector<16xf32>,
      %mul3A_448 = arith.mulf %get3A_444, %get3A_447 : vector<16xf32>
      %swap3A_449 = arith.index_cast %scan3A_418 : i32 to index
      %swap3A_450 = arith.constant 32 : index
      %swap3A_451 = tpu.vector_load %arg13[%swap3A_449, %swap3A_450] {strides = array<i32>} : memref<64x128xf32, #tpu.memory_space<vmem>>, vector<16xf32>,
      tpu.vector_store %arg13[%swap3A_449, %swap3A_450], %mul3A_448 {strides = array<i32>} : memref<64x128xf32, #tpu.memory_space<vmem>>, vector<16xf32>,
      %get3A_452 = arith.index_cast %scan3A_418 : i32 to index
      %get3A_453 = arith.constant 48 : index
      %get3A_454 = tpu.vector_load %arg13[%get3A_452, %get3A_453] {strides = array<i32>} : memref<64x128xf32, #tpu.memory_space<vmem>>, vector<16xf32>,
      %get3A_455 = arith.index_cast %squeeze3A : i32 to index
      %get3A_456 = arith.constant 48 : index
      %get3A_457 = tpu.vector_load %arg14[%get3A_455, %get3A_456] {strides = array<i32>} : memref<32x128xf32, #tpu.memory_space<vmem>>, vector<16xf32>,
      %mul3A_458 = arith.mulf %get3A_454, %get3A_457 : vector<16xf32>
      %swap3A_459 = arith.index_cast %scan3A_418 : i32 to index
      %swap3A_460 = arith.constant 48 : index
      %swap3A_461 = tpu.vector_load %arg13[%swap3A_459, %swap3A_460] {strides = array<i32>} : memref<64x128xf32, #tpu.memory_space<vmem>>, vector<16xf32>,
      tpu.vector_store %arg13[%swap3A_459, %swap3A_460], %mul3A_458 {strides = array<i32>} : memref<64x128xf32, #tpu.memory_space<vmem>>, vector<16xf32>,
      %get3A_462 = arith.index_cast %scan3A_418 : i32 to index
      %get3A_463 = arith.constant 64 : index
      %get3A_464 = tpu.vector_load %arg13[%get3A_462, %get3A_463] {strides = array<i32>} : memref<64x128xf32, #tpu.memory_space<vmem>>, vector<16xf32>,
      %get3A_465 = arith.index_cast %squeeze3A : i32 to index
      %get3A_466 = arith.constant 64 : index
      %get3A_467 = tpu.vector_load %arg14[%get3A_465, %get3A_466] {strides = array<i32>} : memref<32x128xf32, #tpu.memory_space<vmem>>, vector<16xf32>,
      %mul3A_468 = arith.mulf %get3A_464, %get3A_467 : vector<16xf32>
      %swap3A_469 = arith.index_cast %scan3A_418 : i32 to index
      %swap3A_470 = arith.constant 64 : index
      %swap3A_471 = tpu.vector_load %arg13[%swap3A_469, %swap3A_470] {strides = array<i32>} : memref<64x128xf32, #tpu.memory_space<vmem>>, vector<16xf32>,
      tpu.vector_store %arg13[%swap3A_469, %swap3A_470], %mul3A_468 {strides = array<i32>} : memref<64x128xf32, #tpu.memory_space<vmem>>, vector<16xf32>,
      %get3A_472 = arith.index_cast %scan3A_418 : i32 to index
      %get3A_473 = arith.constant 80 : index
      %get3A_474 = tpu.vector_load %arg13[%get3A_472, %get3A_473] {strides = array<i32>} : memref<64x128xf32, #tpu.memory_space<vmem>>, vector<16xf32>,
      %get3A_475 = arith.index_cast %squeeze3A : i32 to index
      %get3A_476 = arith.constant 80 : index
      %get3A_477 = tpu.vector_load %arg14[%get3A_475, %get3A_476] {strides = array<i32>} : memref<32x128xf32, #tpu.memory_space<vmem>>, vector<16xf32>,
      %mul3A_478 = arith.mulf %get3A_474, %get3A_477 : vector<16xf32>
      %swap3A_479 = arith.index_cast %scan3A_418 : i32 to index
      %swap3A_480 = arith.constant 80 : index
      %swap3A_481 = tpu.vector_load %arg13[%swap3A_479, %swap3A_480] {strides = array<i32>} : memref<64x128xf32, #tpu.memory_space<vmem>>, vector<16xf32>,
      tpu.vector_store %arg13[%swap3A_479, %swap3A_480], %mul3A_478 {strides = array<i32>} : memref<64x128xf32, #tpu.memory_space<vmem>>, vector<16xf32>,
      %get3A_482 = arith.index_cast %scan3A_418 : i32 to index
      %get3A_483 = arith.constant 96 : index
      %get3A_484 = tpu.vector_load %arg13[%get3A_482, %get3A_483] {strides = array<i32>} : memref<64x128xf32, #tpu.memory_space<vmem>>, vector<16xf32>,
      %get3A_485 = arith.index_cast %squeeze3A : i32 to index
      %get3A_486 = arith.constant 96 : index
      %get3A_487 = tpu.vector_load %arg14[%get3A_485, %get3A_486] {strides = array<i32>} : memref<32x128xf32, #tpu.memory_space<vmem>>, vector<16xf32>,
      %mul3A_488 = arith.mulf %get3A_484, %get3A_487 : vector<16xf32>
      %swap3A_489 = arith.index_cast %scan3A_418 : i32 to index
      %swap3A_490 = arith.constant 96 : index
      %swap3A_491 = tpu.vector_load %arg13[%swap3A_489, %swap3A_490] {strides = array<i32>} : memref<64x128xf32, #tpu.memory_space<vmem>>, vector<16xf32>,
      tpu.vector_store %arg13[%swap3A_489, %swap3A_490], %mul3A_488 {strides = array<i32>} : memref<64x128xf32, #tpu.memory_space<vmem>>, vector<16xf32>,
      %get3A_492 = arith.index_cast %scan3A_418 : i32 to index
      %get3A_493 = arith.constant 112 : index
      %get3A_494 = tpu.vector_load %arg13[%get3A_492, %get3A_493] {strides = array<i32>} : memref<64x128xf32, #tpu.memory_space<vmem>>, vector<16xf32>,
      %get3A_495 = arith.index_cast %squeeze3A : i32 to index
      %get3A_496 = arith.constant 112 : index
      %get3A_497 = tpu.vector_load %arg14[%get3A_495, %get3A_496] {strides = array<i32>} : memref<32x128xf32, #tpu.memory_space<vmem>>, vector<16xf32>,
      %mul3A_498 = arith.mulf %get3A_494, %get3A_497 : vector<16xf32>
      %swap3A_499 = arith.index_cast %scan3A_418 : i32 to index
      %swap3A_500 = arith.constant 112 : index
      %swap3A_501 = tpu.vector_load %arg13[%swap3A_499, %swap3A_500] {strides = array<i32>} : memref<64x128xf32, #tpu.memory_space<vmem>>, vector<16xf32>,
      tpu.vector_store %arg13[%swap3A_499, %swap3A_500], %mul3A_498 {strides = array<i32>} : memref<64x128xf32, #tpu.memory_space<vmem>>, vector<16xf32>,
      %scan3A_502 = arith.constant 0 : i32
      scf.yield %scan3A_502 : i32
    }
    %scan3A_373 = arith.constant 64 : i32
    %get3A_374 = arith.constant 0 : index
    %get3A_375 = tpu.vector_load %arg11[%get3A_374] {strides = array<i32>} : memref<128xi32, #tpu.memory_space<vmem>>, vector<16xi32>,
    %swap3A_376 = arith.constant 0 : i32
    %swap3A_377 = arith.index_cast %swap3A_376 : i32 to index
    %swap3A_378 = arith.constant 0 : index
    %swap3A_379 = tpu.vector_load %arg12[%swap3A_377, %swap3A_378] {strides = array<i32>} : memref<1x64xi32, #tpu.memory_space<vmem>>, vector<16xi32>,
    tpu.vector_store %arg12[%swap3A_377, %swap3A_378], %get3A_375 {strides = array<i32>} : memref<1x64xi32, #tpu.memory_space<vmem>>, vector<16xi32>,
    %get3A_380 = arith.constant 16 : index
    %get3A_381 = tpu.vector_load %arg11[%get3A_380] {strides = array<i32>} : memref<128xi32, #tpu.memory_space<vmem>>, vector<16xi32>,
    %swap3A_382 = arith.constant 0 : i32
    %swap3A_383 = arith.index_cast %swap3A_382 : i32 to index
    %swap3A_384 = arith.constant 16 : index
    %swap3A_385 = tpu.vector_load %arg12[%swap3A_383, %swap3A_384] {strides = array<i32>} : memref<1x64xi32, #tpu.memory_space<vmem>>, vector<16xi32>,
    tpu.vector_store %arg12[%swap3A_383, %swap3A_384], %get3A_381 {strides = array<i32>} : memref<1x64xi32, #tpu.memory_space<vmem>>, vector<16xi32>,
    %get3A_386 = arith.constant 32 : index
    %get3A_387 = tpu.vector_load %arg11[%get3A_386] {strides = array<i32>} : memref<128xi32, #tpu.memory_space<vmem>>, vector<16xi32>,
    %swap3A_388 = arith.constant 0 : i32
    %swap3A_389 = arith.index_cast %swap3A_388 : i32 to index
    %swap3A_390 = arith.constant 32 : index
    %swap3A_391 = tpu.vector_load %arg12[%swap3A_389, %swap3A_390] {strides = array<i32>} : memref<1x64xi32, #tpu.memory_space<vmem>>, vector<16xi32>,
    tpu.vector_store %arg12[%swap3A_389, %swap3A_390], %get3A_387 {strides = array<i32>} : memref<1x64xi32, #tpu.memory_space<vmem>>, vector<16xi32>,
    %get3A_392 = arith.constant 48 : index
    %get3A_393 = tpu.vector_load %arg11[%get3A_392] {strides = array<i32>} : memref<128xi32, #tpu.memory_space<vmem>>, vector<16xi32>,
    %swap3A_394 = arith.constant 0 : i32
    %swap3A_395 = arith.index_cast %swap3A_394 : i32 to index
    %swap3A_396 = arith.constant 48 : index
    %swap3A_397 = tpu.vector_load %arg12[%swap3A_395, %swap3A_396] {strides = array<i32>} : memref<1x64xi32, #tpu.memory_space<vmem>>, vector<16xi32>,
    tpu.vector_store %arg12[%swap3A_395, %swap3A_396], %get3A_393 {strides = array<i32>} : memref<1x64xi32, #tpu.memory_space<vmem>>, vector<16xi32>,
    %run_scoped3A_398 = arith.constant 0 : i32
    "tpu.region"() ({
      %run_scoped3A_418 = tpu.sem_alloc : memref<!tpu.dma_semaphore, #tpu.memory_space<semaphore_mem>>
      %dma_start3A_419 = arith.constant 0 : i32
      %dma_start3A_420 = tpu.memref_slice %arg12[%run_scoped3A_398, %dma_start3A_419] : memref<1x64xi32, #tpu.memory_space<vmem>> -> memref<1x64xi32, #tpu.memory_space<vmem>>
      %dma_start3A_421 = tpu.memref_squeeze %dma_start3A_420 : memref<1x64xi32, #tpu.memory_space<vmem>> -> memref<64xi32, #tpu.memory_space<vmem>>
      %dma_start3A_422 = arith.constant 0 : i32
      %dma_start3A_423 = arith.constant 0 : i32
      %dma_start3A_424 = tpu.memref_slice %arg6[%dma_start3A_422, %dma_start3A_423] : memref<12552x128xf32, #tpu.memory_space<vmem_shared>> -> memref<12552x128xf32, #tpu.memory_space<vmem_shared>>
      tpu.enqueue_indirect_dma source(%arg13 : memref<64x128xf32, #tpu.memory_space<vmem>>) target(%dma_start3A_424 : memref<12552x128xf32, #tpu.memory_space<vmem_shared>>) offsets(%dma_start3A_421 : memref<64xi32, #tpu.memory_space<vmem>>) semaphore(%run_scoped3A_418 : memref<!tpu.dma_semaphore, #tpu.memory_space<semaphore_mem>>) {add = true}
      %dma_wait3A_425 = arith.constant 0 : i32
      %dma_wait3A_426 = tpu.memref_slice %arg12[%run_scoped3A_398, %dma_wait3A_425] : memref<1x64xi32, #tpu.memory_space<vmem>> -> memref<1x64xi32, #tpu.memory_space<vmem>>
      %dma_wait3A_427 = tpu.memref_squeeze %dma_wait3A_426 : memref<1x64xi32, #tpu.memory_space<vmem>> -> memref<64xi32, #tpu.memory_space<vmem>>
      %dma_wait3A_428 = arith.constant 0 : i32
      %dma_wait3A_429 = arith.constant 0 : i32
      %dma_wait3A_430 = tpu.memref_slice %arg6[%dma_wait3A_428, %dma_wait3A_429] : memref<12552x128xf32, #tpu.memory_space<vmem_shared>> -> memref<12552x128xf32, #tpu.memory_space<vmem_shared>>
      tpu.wait_indirect_dma semaphore(%run_scoped3A_418 : memref<!tpu.dma_semaphore, #tpu.memory_space<semaphore_mem>>) src(%arg13 : memref<64x128xf32, #tpu.memory_space<vmem>>) dst(%dma_wait3A_430 : memref<12552x128xf32, #tpu.memory_space<vmem_shared>>)
      tpu.yield
    }) : () -> ()
    %get3A_399 = arith.constant 64 : index
    %get3A_400 = tpu.vector_load %arg9[%get3A_399] {strides = array<i32>} : memref<128xi32, #tpu.memory_space<vmem>>, vector<16xi32>,
    %swap3A_401 = arith.constant 0 : index
    %swap3A_402 = tpu.vector_load %arg9[%swap3A_401] {strides = array<i32>} : memref<128xi32, #tpu.memory_space<vmem>>, vector<16xi32>,
    tpu.vector_store %arg9[%swap3A_401], %get3A_400 {strides = array<i32>} : memref<128xi32, #tpu.memory_space<vmem>>, vector<16xi32>,
    %get3A_403 = arith.constant 64 : index
    %get3A_404 = tpu.vector_load %arg10[%get3A_403] {strides = array<i32>} : memref<128xi32, #tpu.memory_space<vmem>>, vector<16xi32>,
    %swap3A_405 = arith.constant 0 : index
    %swap3A_406 = tpu.vector_load %arg10[%swap3A_405] {strides = array<i32>} : memref<128xi32, #tpu.memory_space<vmem>>, vector<16xi32>,
    tpu.vector_store %arg10[%swap3A_405], %get3A_404 {strides = array<i32>} : memref<128xi32, #tpu.memory_space<vmem>>, vector<16xi32>,
    %get3A_407 = arith.constant 64 : index
    %get3A_408 = tpu.vector_load %arg11[%get3A_407] {strides = array<i32>} : memref<128xi32, #tpu.memory_space<vmem>>, vector<16xi32>,
    %swap3A_409 = arith.constant 0 : index
    %swap3A_410 = tpu.vector_load %arg11[%swap3A_409] {strides = array<i32>} : memref<128xi32, #tpu.memory_space<vmem>>, vector<16xi32>,
    tpu.vector_store %arg11[%swap3A_409], %get3A_408 {strides = array<i32>} : memref<128xi32, #tpu.memory_space<vmem>>, vector<16xi32>,
    %barrier3A_411 = arith.constant 0 : index
    tpu.barrier barrier_id(%barrier3A_411)
    %mul3A_412 = arith.constant 784 : i32
    %mul3A_413 = arith.muli %arg1, %mul3A_412 : i32
    %mul3A_414 = arith.constant 784 : i32
    %mul3A_415 = arith.muli %arg1, %mul3A_414 : i32
    %add3A_416 = arith.addi %mul3A_209, %mul3A_415 : i32
    "tpu.region"() ({
      %run_scoped3A_418 = tpu.sem_alloc : memref<!tpu.dma_semaphore, #tpu.memory_space<semaphore_mem>>
      %dma_start3A_419 = arith.constant 0 : i32
      %dma_start3A_420 = tpu.memref_slice %arg5[%add3A_416, %dma_start3A_419] : memref<50176x128xf32, #tpu.memory_space<hbm>> -> memref<784x128xf32, #tpu.memory_space<hbm>>
      %dma_start3A_421 = arith.constant 0 : i32
      %dma_start3A_422 = tpu.memref_slice %arg6[%mul3A_413, %dma_start3A_421] : memref<12552x128xf32, #tpu.memory_space<vmem_shared>> -> memref<784x128xf32, #tpu.memory_space<vmem_shared>>
      tpu.enqueue_dma source(%dma_start3A_422 : memref<784x128xf32, #tpu.memory_space<vmem_shared>>) target(%dma_start3A_420 : memref<784x128xf32, #tpu.memory_space<hbm>>) target_semaphore(%run_scoped3A_418 : memref<!tpu.dma_semaphore, #tpu.memory_space<semaphore_mem>>)
      %dma_wait3A_423 = arith.constant 0 : i32
      %dma_wait3A_424 = tpu.memref_slice %arg5[%add3A_416, %dma_wait3A_423] : memref<50176x128xf32, #tpu.memory_space<hbm>> -> memref<784x128xf32, #tpu.memory_space<hbm>>
      %dma_wait3A_425 = arith.constant 0 : i32
      %dma_wait3A_426 = tpu.memref_slice %arg6[%mul3A_413, %dma_wait3A_425] : memref<12552x128xf32, #tpu.memory_space<vmem_shared>> -> memref<784x128xf32, #tpu.memory_space<vmem_shared>>
      tpu.wait_dma2 semaphore(%run_scoped3A_418 : memref<!tpu.dma_semaphore, #tpu.memory_space<semaphore_mem>>) src(%dma_wait3A_426 : memref<784x128xf32, #tpu.memory_space<vmem_shared>>) dst(%dma_wait3A_424 : memref<784x128xf32, #tpu.memory_space<hbm>>)
      tpu.yield
    }) : () -> ()
    %barrier3A_417 = arith.constant 0 : index
    tpu.barrier barrier_id(%barrier3A_417)
    return
  }
}

module attributes {stable_mosaic.version = 14 : i64} {
  func.func @_region_body(%arg0: i32, %arg1: memref<128x2688xf32, #tpu.memory_space<vmem>>, %arg2: memref<2688x128xf32, #tpu.memory_space<vmem>>, %arg3: memref<128x128xf32, #tpu.memory_space<vmem>>, %arg4: memref<128x128xf32, #tpu.memory_space<vmem>>) attributes {dimension_semantics = [#tpu.dimension_semantics<arbitrary>], iteration_bounds = array<i64: 21>, scalar_prefetch = 0 : i64, scratch_operands = 0 : i64, tpu.core_type = #tpu.core_type<tc>, window_params = [{transform_indices = @transform_0, window_bounds = array<i64: 128, 2688>}, {pipeline_mode = #tpu.pipeline_mode<synchronous>, transform_indices = @transform_1, window_bounds = array<i64: 2688, 128>}, {transform_indices = @transform_2, window_bounds = array<i64: 128, 128>}, {transform_indices = @transform_3, window_bounds = array<i64: 128, 128>}]} {
    %get3A = arith.constant 0 : index
    %get3A_0 = arith.constant 0 : index
    %get3A_1 = vector.load %arg1[%get3A, %get3A_0] : memref<128x2688xf32, #tpu.memory_space<vmem>>, vector<128x2688xf32>
    %get3A_2 = arith.constant 0 : index
    %get3A_3 = arith.constant 0 : index
    %get3A_4 = vector.load %arg2[%get3A_2, %get3A_3] : memref<2688x128xf32, #tpu.memory_space<vmem>>, vector<2688x128xf32>
    %dot_general3A = arith.constant dense<0.000000e+00> : vector<128x128xf32>
    %dot_general3A_5 = tpu.matmul %get3A_1, %get3A_4, %dot_general3A {dimension_numbers = #tpu.dot_dimension_numbers<[1], [0], [0], [1], [0, 0, 1, 1], [], []>, transpose_lhs_hint = false} : vector<128x2688xf32>, vector<2688x128xf32>, vector<128x128xf32> -> vector<128x128xf32>
    %get3A_6 = arith.constant 0 : index
    %get3A_7 = arith.constant 0 : index
    %get3A_8 = vector.load %arg3[%get3A_6, %get3A_7] : memref<128x128xf32, #tpu.memory_space<vmem>>, vector<128x128xf32>
    %mul3A = arith.constant 8.000000e-01 : f32
    %mul3A_9 = vector.broadcast %mul3A : f32 to vector<128x128xf32>
    %mul3A_10 = arith.mulf %mul3A_9, %get3A_8 : vector<128x128xf32>
    %mul3A_11 = arith.constant 2.000000e-01 : f32
    %mul3A_12 = vector.broadcast %mul3A_11 : f32 to vector<128x128xf32>
    %mul3A_13 = arith.mulf %mul3A_12, %dot_general3A_5 : vector<128x128xf32>
    %add3A = arith.addf %mul3A_10, %mul3A_13 : vector<128x128xf32>
    %swap3A = arith.constant 0 : index
    %swap3A_14 = arith.constant 0 : index
    %swap3A_15 = vector.load %arg4[%swap3A, %swap3A_14] : memref<128x128xf32, #tpu.memory_space<vmem>>, vector<128x128xf32>
    tpu.vector_store %arg4[%swap3A, %swap3A_14], %add3A {strides = array<i32>} : memref<128x128xf32, #tpu.memory_space<vmem>>, vector<128x128xf32>,
    return
  }
  func.func @transform_0(%arg0: i32) -> (i32, i32) {
    %c0_i32 = arith.constant 0 : i32
    %c0_i32_0 = arith.constant 0 : i32
    return %arg0, %c0_i32 : i32, i32
  }
  func.func @transform_1(%arg0: i32) -> (i32, i32) {
    %c0_i32 = arith.constant 0 : i32
    %c0_i32_0 = arith.constant 0 : i32
    %c0_i32_1 = arith.constant 0 : i32
    return %c0_i32, %c0_i32_0 : i32, i32
  }
  func.func @transform_2(%arg0: i32) -> (i32, i32) {
    %c0_i32 = arith.constant 0 : i32
    %c0_i32_0 = arith.constant 0 : i32
    return %arg0, %c0_i32 : i32, i32
  }
  func.func @transform_3(%arg0: i32) -> (i32, i32) {
    %c0_i32 = arith.constant 0 : i32
    %c0_i32_0 = arith.constant 0 : i32
    return %arg0, %c0_i32 : i32, i32
  }
}

module attributes {stable_mosaic.version = 14 : i64} {
  func.func @_mm_body(%arg0: i32, %arg1: i32, %arg2: memref<1024x2048xf32, #tpu.memory_space<vmem>>, %arg3: memref<2048x128xf32, #tpu.memory_space<vmem>>, %arg4: memref<1024x128xf32, #tpu.memory_space<vmem>>) attributes {dimension_semantics = [#tpu.dimension_semantics<parallel>, #tpu.dimension_semantics<arbitrary>], iteration_bounds = array<i64: 2, 25>, scalar_prefetch = 0 : i64, scratch_operands = 0 : i64, tpu.core_type = #tpu.core_type<tc>, window_params = [{transform_indices = @transform_0, window_bounds = array<i64: 1024, 2048>}, {transform_indices = @transform_1, window_bounds = array<i64: 2048, 128>}, {transform_indices = @transform_2, window_bounds = array<i64: 1024, 128>}]} {
    %eq3A = arith.constant 0 : i32
    %eq3A_0 = arith.cmpi eq, %arg1, %eq3A : i32
    %convert_element_type3A = arith.extui %eq3A_0 : i1 to i32
    %cond3A = arith.constant 0 : i32
    %cond3A_1 = arith.cmpi ne, %convert_element_type3A, %cond3A : i32
    scf.if %cond3A_1 {
      %broadcast_in_dim3A = arith.constant 0.000000e+00 : f32
      %broadcast_in_dim3A_11 = vector.broadcast %broadcast_in_dim3A : f32 to vector<1024x128xf32>
      %swap3A = arith.constant 0 : index
      %swap3A_12 = arith.constant 0 : index
      %swap3A_13 = vector.load %arg4[%swap3A, %swap3A_12] : memref<1024x128xf32, #tpu.memory_space<vmem>>, vector<1024x128xf32>
      tpu.vector_store %arg4[%swap3A, %swap3A_12], %broadcast_in_dim3A_11 {strides = array<i32>} : memref<1024x128xf32, #tpu.memory_space<vmem>>, vector<1024x128xf32>,
    } else {
    }
    %lt3A = arith.constant 24 : i32
    %lt3A_2 = arith.cmpi slt, %arg1, %lt3A : i32
    %convert_element_type3A_3 = arith.extui %lt3A_2 : i1 to i32
    %cond3A_4 = arith.constant 0 : i32
    %cond3A_5 = arith.cmpi ne, %convert_element_type3A_3, %cond3A_4 : i32
    scf.if %cond3A_5 {
      %get3A = arith.constant 0 : index
      %get3A_11 = arith.constant 0 : index
      %get3A_12 = vector.load %arg4[%get3A, %get3A_11] : memref<1024x128xf32, #tpu.memory_space<vmem>>, vector<1024x128xf32>
      %get3A_13 = arith.constant 0 : index
      %get3A_14 = arith.constant 0 : index
      %get3A_15 = vector.load %arg2[%get3A_13, %get3A_14] : memref<1024x2048xf32, #tpu.memory_space<vmem>>, vector<1024x2048xf32>
      %get3A_16 = arith.constant 0 : index
      %get3A_17 = arith.constant 0 : index
      %get3A_18 = vector.load %arg3[%get3A_16, %get3A_17] : memref<2048x128xf32, #tpu.memory_space<vmem>>, vector<2048x128xf32>
      %dot_general3A = arith.constant dense<0.000000e+00> : vector<1024x128xf32>
      %dot_general3A_19 = tpu.matmul %get3A_15, %get3A_18, %dot_general3A {dimension_numbers = #tpu.dot_dimension_numbers<[1], [0], [0], [1], [0, 0, 1, 1], [], []>, transpose_lhs_hint = false} : vector<1024x2048xf32>, vector<2048x128xf32>, vector<1024x128xf32> -> vector<1024x128xf32>
      %add3A = arith.addf %get3A_12, %dot_general3A_19 : vector<1024x128xf32>
      %swap3A = arith.constant 0 : index
      %swap3A_20 = arith.constant 0 : index
      %swap3A_21 = vector.load %arg4[%swap3A, %swap3A_20] : memref<1024x128xf32, #tpu.memory_space<vmem>>, vector<1024x128xf32>
      tpu.vector_store %arg4[%swap3A, %swap3A_20], %add3A {strides = array<i32>} : memref<1024x128xf32, #tpu.memory_space<vmem>>, vector<1024x128xf32>,
    } else {
    }
    %eq3A_6 = arith.constant 24 : i32
    %eq3A_7 = arith.cmpi eq, %arg1, %eq3A_6 : i32
    %convert_element_type3A_8 = arith.extui %eq3A_7 : i1 to i32
    %cond3A_9 = arith.constant 0 : i32
    %cond3A_10 = arith.cmpi ne, %convert_element_type3A_8, %cond3A_9 : i32
    scf.if %cond3A_10 {
      %mul3A = arith.constant 2048 : i32
      %mul3A_11 = arith.muli %arg1, %mul3A : i32
      %sub3A = arith.constant 50000 : i32
      %sub3A_12 = arith.subi %sub3A, %mul3A_11 : i32
      %get3A = arith.constant 0 : index
      %get3A_13 = arith.constant 0 : index
      %get3A_14 = vector.load %arg2[%get3A, %get3A_13] : memref<1024x2048xf32, #tpu.memory_space<vmem>>, vector<1024x2048xf32>
      %get3A_15 = arith.constant 0 : index
      %get3A_16 = arith.constant 0 : index
      %get3A_17 = vector.load %arg3[%get3A_15, %get3A_16] : memref<2048x128xf32, #tpu.memory_space<vmem>>, vector<2048x128xf32>
      %iota3A = tpu.iota {dimensions = array<i32: 1>} : vector<1024x2048xi32>
      %iota3A_18 = tpu.iota {dimensions = array<i32: 0>} : vector<2048x128xi32>
      %lt3A_19 = vector.broadcast %sub3A_12 : i32 to vector<1024x2048xi32>
      %lt3A_20 = arith.cmpi slt, %iota3A, %lt3A_19 : vector<1024x2048xi32>
      %jit3A = arith.constant 0.000000e+00 : f32
      %broadcast_in_dim3A = vector.broadcast %jit3A : f32 to vector<1024x2048xf32>
      %select_n3A = arith.select %lt3A_20, %get3A_14, %broadcast_in_dim3A : vector<1024x2048xi1>, vector<1024x2048xf32>
      %lt3A_21 = vector.broadcast %sub3A_12 : i32 to vector<2048x128xi32>
      %lt3A_22 = arith.cmpi slt, %iota3A_18, %lt3A_21 : vector<2048x128xi32>
      %jit3A_23 = arith.constant 0.000000e+00 : f32
      %broadcast_in_dim3A_24 = vector.broadcast %jit3A_23 : f32 to vector<2048x128xf32>
      %select_n3A_25 = arith.select %lt3A_22, %get3A_17, %broadcast_in_dim3A_24 : vector<2048x128xi1>, vector<2048x128xf32>
      %get3A_26 = arith.constant 0 : index
      %get3A_27 = arith.constant 0 : index
      %get3A_28 = vector.load %arg4[%get3A_26, %get3A_27] : memref<1024x128xf32, #tpu.memory_space<vmem>>, vector<1024x128xf32>
      %dot_general3A = arith.constant dense<0.000000e+00> : vector<1024x128xf32>
      %dot_general3A_29 = tpu.matmul %select_n3A, %select_n3A_25, %dot_general3A {dimension_numbers = #tpu.dot_dimension_numbers<[1], [0], [0], [1], [0, 0, 1, 1], [], []>, transpose_lhs_hint = false} : vector<1024x2048xf32>, vector<2048x128xf32>, vector<1024x128xf32> -> vector<1024x128xf32>
      %add3A = arith.addf %get3A_28, %dot_general3A_29 : vector<1024x128xf32>
      %swap3A = arith.constant 0 : index
      %swap3A_30 = arith.constant 0 : index
      %swap3A_31 = vector.load %arg4[%swap3A, %swap3A_30] : memref<1024x128xf32, #tpu.memory_space<vmem>>, vector<1024x128xf32>
      tpu.vector_store %arg4[%swap3A, %swap3A_30], %add3A {strides = array<i32>} : memref<1024x128xf32, #tpu.memory_space<vmem>>, vector<1024x128xf32>,
    } else {
    }
    return
  }
  func.func @transform_0(%arg0: i32, %arg1: i32) -> (i32, i32) {
    %c0_i32 = arith.constant 0 : i32
    return %arg0, %arg1 : i32, i32
  }
  func.func @transform_1(%arg0: i32, %arg1: i32) -> (i32, i32) {
    %c0_i32 = arith.constant 0 : i32
    %c0_i32_0 = arith.constant 0 : i32
    return %arg1, %c0_i32 : i32, i32
  }
  func.func @transform_2(%arg0: i32, %arg1: i32) -> (i32, i32) {
    %c0_i32 = arith.constant 0 : i32
    %c0_i32_0 = arith.constant 0 : i32
    return %arg0, %c0_i32 : i32, i32
  }
}

module attributes {stable_mosaic.version = 14 : i64} {
  func.func @_div_body(%arg0: i32, %arg1: memref<3136x128xf32, #tpu.memory_space<vmem>>, %arg2: memref<3136x1xf32, #tpu.memory_space<vmem>>, %arg3: memref<3136x1xf32, #tpu.memory_space<vmem>>, %arg4: memref<3136x128xf32, #tpu.memory_space<vmem>>) attributes {dimension_semantics = [#tpu.dimension_semantics<arbitrary>], iteration_bounds = array<i64: 16>, scalar_prefetch = 0 : i64, scratch_operands = 0 : i64, tpu.core_type = #tpu.core_type<tc>, window_params = [{transform_indices = @transform_0, window_bounds = array<i64: 3136, 128>}, {transform_indices = @transform_1, window_bounds = array<i64: 3136, 1>}, {transform_indices = @transform_2, window_bounds = array<i64: 3136, 1>}, {transform_indices = @transform_3, window_bounds = array<i64: 3136, 128>}]} {
    %get3A = arith.constant 0 : index
    %get3A_0 = arith.constant 0 : index
    %get3A_1 = vector.load %arg2[%get3A, %get3A_0] : memref<3136x1xf32, #tpu.memory_space<vmem>>, vector<3136x1xf32>
    %get3A_2 = arith.constant 0 : index
    %get3A_3 = arith.constant 0 : index
    %get3A_4 = vector.load %arg3[%get3A_2, %get3A_3] : memref<3136x1xf32, #tpu.memory_space<vmem>>, vector<3136x1xf32>
    %add3A = arith.addf %get3A_1, %get3A_4 : vector<3136x1xf32>
    %get3A_5 = arith.constant 0 : index
    %get3A_6 = arith.constant 0 : index
    %get3A_7 = vector.load %arg1[%get3A_5, %get3A_6] : memref<3136x128xf32, #tpu.memory_space<vmem>>, vector<3136x128xf32>
    %max3A = arith.constant 1.000000e+00 : f32
    %max3A_8 = vector.broadcast %max3A : f32 to vector<3136x1xf32>
    %max3A_9 = arith.maximumf %add3A, %max3A_8 : vector<3136x1xf32>
    %div3A = vector.broadcast %max3A_9 : vector<3136x1xf32> to vector<3136x128xf32>
    %div3A_10 = arith.divf %get3A_7, %div3A : vector<3136x128xf32>
    %swap3A = arith.constant 0 : index
    %swap3A_11 = arith.constant 0 : index
    %swap3A_12 = vector.load %arg4[%swap3A, %swap3A_11] : memref<3136x128xf32, #tpu.memory_space<vmem>>, vector<3136x128xf32>
    tpu.vector_store %arg4[%swap3A, %swap3A_11], %div3A_10 {strides = array<i32>} : memref<3136x128xf32, #tpu.memory_space<vmem>>, vector<3136x128xf32>,
    return
  }
  func.func @transform_0(%arg0: i32) -> (i32, i32) {
    %c0_i32 = arith.constant 0 : i32
    %c0_i32_0 = arith.constant 0 : i32
    return %arg0, %c0_i32 : i32, i32
  }
  func.func @transform_1(%arg0: i32) -> (i32, i32) {
    %c0_i32 = arith.constant 0 : i32
    %c0_i32_0 = arith.constant 0 : i32
    return %arg0, %c0_i32 : i32, i32
  }
  func.func @transform_2(%arg0: i32) -> (i32, i32) {
    %c0_i32 = arith.constant 0 : i32
    %c0_i32_0 = arith.constant 0 : i32
    return %arg0, %c0_i32 : i32, i32
  }
  func.func @transform_3(%arg0: i32) -> (i32, i32) {
    %c0_i32 = arith.constant 0 : i32
    %c0_i32_0 = arith.constant 0 : i32
    return %arg0, %c0_i32 : i32, i32
  }
}

</mosaic_0001>

<sc_bundles>
// kernel: kernel.10.cloned.1.call-start
scs
__scs_entry_jumppad:
0x0: {  	(pc) =	sbr.rel $0x88, $3  }
0x1: {  	(tag) =	ssettag $0x0;
	lr =	simm.s32 $0x1  }
0x2: {  	[smem:$0x3F9B] =	sst lr;
	_ =	strace $0xD0000000  }
0x3: {  	_ = 	snop  }
0x4: {  	_ = 	snop  }
0x5: {  	_ = 	snop  }
0x6: {  	_ = 	snop  }
0x7: {  	_ = 	snop  }
__scs_overlays_trampoline_lowered:
0x8: {  	[smem:$0x3FAA] =	sst s0  }
0x9: {  	[smem:$0x3FAB] =	sst s1  }
0xa: {  	[smem:$0x3FAC] =	sst s2  }
0xb: {  	[smem:$0x3FAD] =	sst s3  }
0xc: {  	[smem:$0x3FAE] =	sst s4  }
0xd: {  	[smem:$0x3FAF] =	sst s5  }
0xe: {  	[smem:$0x3FB0] =	sst s6  }
0xf: {  	[smem:$0x3FB1] =	sst s7  }
0x10: {  	[smem:$0x3FB2] =	sst s8  }
0x11: {  	[smem:$0x3FB3] =	sst s9;
	s0 =	simm.s32 @!p0 $0x0  }
0x12: {  	s1 =	sld [smem:$0x3F99];
	s0 =	simm.s32 @p0 $0x1  }
0x13: {  	[smem:$0x3FB4] =	sst s0;
	s0 =	simm.s32 @!p1 $0x0  }
0x14: {  	s2 =	sld [smem:$0x3F98];
	s0 =	simm.s32 @p1 $0x1  }
0x15: {  	[smem:$0x3FB5] =	sst s0;
	s0 =	simm.s32 @!p2 $0x0  }
0x16: {  	s3 =	sld [smem:$0x3FDB];
	s0 =	simm.s32 @p2 $0x1  }
0x17: {  	s4 =	simm.s32 $0x1BF5;
	[smem:$0x3FB7] =	sst s0  }
0x18: {  	s0 =	sld [smem:$0x3F9A];
	_ =	swait.ge [sflag:s4], $0x0  }
0x19: {  	s7 =	sld [smem:$0x3F9B]  }
0x1a: {  	s8 =	sadd.s32 $0xFFFFE003, lr  }
0x1b: {  	s9 =	sadd.s32 $0xFFFFFEF7, lr;
	s5 =	simm.s32 $0xFFFFFFFF;
	p2 =	slt.u32 s8, $0xFFFFF086  }
0x1c: {  	p1 =	slt.u32 s9, $0xF7A;
	s5 =	simm.s32 @!p2 $0x0  }
0x1d: {  	s5 =	simm.s32 @p1 $0x1;
	p0 =	seq.s32 s7, s2  }
0x1e: {  	s7 =	smul.u32 @!p0 $0xF7A, s2;
	p2 =	seq.s32 @!p0 s5, $0x0  }
0x1f: {  	s9 =	smul.u32 $0xF7A, s1;
	s8 =	simm.s32 @!p0 $0x1BF5;
	p2 =	por !p2, p0  }
0x20: {  	[sflag:s8] =	ssyncset.s32 @!p0 $0xFFFFF086;
	s6 =	sadd.s32 @!p0 s3, s7;
	s7 =	simm.s32 @!p0 $0x108  }
0x21: {  	s3 =	sadd.s32 s3, s9;
	s6 =	sadd.s32 @!p0 $0x88, s6;
	s7 =	simm.s32 @p2 $0x1082  }
0x22: {  	[simem:s7], [sflag:s8] =	dma.local @!p0 [hbm:s6], $0xF7A  }
0x23: {  	s9 =	sor.u32 $0xD0000000, s2;
	s6 =	simm.s32 $0x108;
	_ =	swait.ge @!p0 [sflag:s8], $0x0  }
0x24: {  	s3 =	sadd.s32 $0x88, s3;
	s6 =	simm.s32 @!p1 $0x1082;
	[sflag:s4] =	ssyncset.s32 $0xFFFFF086  }
0x25: {  	[simem:s6], [sflag:s4] =	dma.local [hbm:s3], $0xF7A  }
0x26: {  	[smem:$0x3F9B] =	sst s1;
	(tag) =	ssettag s2;
	_ =	strace s9  }
0x27: {  	s1 =	sld [smem:$0x3FAB]  }
0x28: {  	s2 =	sld [smem:$0x3FAC]  }
0x29: {  	s4 =	sld [smem:$0x3FAE]  }
0x2a: {  	p0 =	seq.s32 s5, $0x0;
	s5 =	sld [smem:$0x3FAF]  }
0x2b: {  	s6 =	sld [smem:$0x3FB0]  }
0x2c: {  	s7 =	sld [smem:$0x3FB1]  }
0x2d: {  	s3 =	simm.s32 $0x108;
	s8 =	sld [smem:$0x3FB2]  }
0x2e: {  	s3 =	simm.s32 @!p0 $0x1082;
	s9 =	sld [smem:$0x3FB3]  }
0x2f: {  	lr =	sadd.s32 s0, s3;
	s0 =	sld [smem:$0x3FAA]  }
0x30: {  	s3 =	sld [smem:$0x3FAD]  }
0x31: {  	[smem:$0x3FB6] =	sst s10  }
0x32: {  	s10 =	sld [smem:$0x3FB4];
	_ =	sdelay $0x3  }
0x33: {  	p0 =	seq.s32 s10, $0x1;
	s10 =	sld [smem:$0x3FB6];
	_ =	sdelay $0x3  }
0x34: {  	[smem:$0x3FB6] =	sst s10  }
0x35: {  	s10 =	sld [smem:$0x3FB5];
	_ =	sdelay $0x3  }
0x36: {  	p1 =	seq.s32 s10, $0x1;
	s10 =	sld [smem:$0x3FB6];
	_ =	sdelay $0x3  }
0x37: {  	[smem:$0x3FB6] =	sst s10  }
0x38: {  	s10 =	sld [smem:$0x3FB7]  }
0x39: {  	_ = 	snop;
	(pc) =	sbr.ind lr, $3  }
0x3a: {  	_ = 	snop  }
0x3b: {  	_ = 	snop  }
0x3c: {  	p2 =	seq.s32 s10, $0x1;
	s10 =	sld [smem:$0x3FB6]  }
0x3d: {  	_ =	shalt  }
0x3e: {  	_ =	shalt  }
0x3f: {  	_ =	shalt  }
0x40: {  	_ =	shalt  }
0x41: {  	_ =	shalt  }
0x42: {  	_ =	shalt  }
0x43: {  	_ =	shalt  }
0x44: {  	_ =	shalt  }
0x45: {  	_ =	shalt  }
0x46: {  	_ =	shalt  }
0x47: {  	_ =	shalt  }
0x48: {  	_ =	shalt  }
0x49: {  	_ =	shalt  }
0x4a: {  	_ =	shalt  }
0x4b: {  	_ =	shalt  }
0x4c: {  	_ =	shalt  }
0x4d: {  	_ =	shalt  }
0x4e: {  	_ =	shalt  }
0x4f: {  	_ =	shalt  }
0x50: {  	_ =	shalt  }
0x51: {  	_ =	shalt  }
0x52: {  	_ =	shalt  }
0x53: {  	_ =	shalt  }
0x54: {  	_ =	shalt  }
0x55: {  	_ =	shalt  }
0x56: {  	_ =	shalt  }
0x57: {  	_ =	shalt  }
0x58: {  	_ =	shalt  }
0x59: {  	_ =	shalt  }
0x5a: {  	_ =	shalt  }
0x5b: {  	_ =	shalt  }
0x5c: {  	_ =	shalt  }
0x5d: {  	_ =	shalt  }
0x5e: {  	_ =	shalt  }
0x5f: {  	_ =	shalt  }
0x60: {  	_ =	shalt  }
0x61: {  	_ =	shalt  }
0x62: {  	_ =	shalt  }
0x63: {  	_ =	shalt  }
0x64: {  	_ =	shalt  }
0x65: {  	_ =	shalt  }
0x66: {  	_ =	shalt  }
0x67: {  	_ =	shalt  }
0x68: {  	_ =	shalt  }
0x69: {  	_ =	shalt  }
0x6a: {  	_ =	shalt  }
0x6b: {  	_ =	shalt  }
0x6c: {  	_ =	shalt  }
0x6d: {  	_ =	shalt  }
0x6e: {  	_ =	shalt  }
0x6f: {  	_ =	shalt  }
0x70: {  	_ =	shalt  }
0x71: {  	_ =	shalt  }
0x72: {  	_ =	shalt  }
0x73: {  	_ =	shalt  }
0x74: {  	_ =	shalt  }
0x75: {  	_ =	shalt  }
0x76: {  	_ =	shalt  }
0x77: {  	_ =	shalt  }
0x78: {  	_ =	shalt  }
0x79: {  	_ =	shalt  }
0x7a: {  	_ =	shalt  }
0x7b: {  	_ =	shalt  }
0x7c: {  	_ =	shalt  }
0x7d: {  	_ =	shalt  }
0x7e: {  	_ =	shalt  }
0x7f: {  	_ =	shalt  }
0x80: {  	_ =	shalt  }
0x81: {  	_ =	shalt  }
0x82: {  	_ =	shalt  }
0x83: {  	_ =	shalt  }
0x84: {  	_ =	shalt  }
0x85: {  	_ =	shalt  }
0x86: {  	_ =	shalt  }
0x87: {  	_ =	shalt  }
.Lfunc_end0:
.L_simem_size_0:
called_computation.1_lowered:
.L_overlay_start_0:
0x88: {  	s2 =	sld [smem:$0x3FD9]  }
0x89: {  	s3 =	sld [smem:$0x3FFE];
	_ =	sdelay $0x1  }
0x8a: {  	s1 =	srdreg.scid  }
0x8b: {  	s0 =	sand.u32 $0x1, s1  }
0x8c: {  	s15 =	sshll.u32 s0, $0xA;
	s2 =	sadd.s32 s3, s2  }
0x8d: {  	s2 =	sadd.s32 s2, s15  }
0x8e: {  	[smem:$0x3FC2] =	sst s2  }
0x8f: {  	_ = 	snop  }
0x90: {  	s2 =	sld [smem:$0x3FD0];
	_ =	sdelay $0x2  }
0x91: {  	s16 =	simm.s32 $0xB;
	s4 =	simm.s32 $0x10  }
0x92: {  	[smem:s4], [sflag:s16] =	dma.local [hbm:s2], $0x1  }
0x93: {  	_ =	swait.eq [sflag:s16], $0x1  }
0x94: {  	[sflag:s16] =	ssyncset.done $0x0  }
0x95: {  	[sflag:s16] =	ssyncadd.s32 $0xFFFFFFFF  }
0x96: {  	s17 =	sld [smem:$0x10];
	(tm) =	ssettm $0x1  }
0x97: {  	s18 =	sld [smem:$0x3FFB];
	_ =	sdelay $0x3  }
0x98: {  	_ =	strace s18  }
0x99: {  	s2 =	sld [smem:$0x3FFC];
	_ =	sdelay $0x3  }
0x9a: {  	_ =	strace s2  }
0x9b: {  	s2 =	sld [smem:$0x3FFD];
	_ =	sdelay $0x3  }
0x9c: {  	_ =	strace s2  }
0x9d: {  	_ =	strace $0x8FFFFFFF  }
0x9e: {  	s19 =	sld [smem:$0x3FDB];
	_ =	sdelay $0x1  }
0x9f: {  	s20 =	simm.s32 $_scs_section_size  }
0xa0: {  	s5 =	simm.s32 $_size__tile_overlayer_lowered;
	s6 =	simm.s32 $_tile_overlayer_lowered  }
0xa1: {  	s7 =	simm.s32 $0x1BFF;
	s21 =	sshll.u32 s6, $0x1;
	s4 =	sadd.s32 s20, s19  }
0xa2: {  	s22 =	simm.s32 $0x0;
	s5 =	sshll.u32 s5, $0x1;
	s6 =	sadd.s32 s21, s4  }
0xa3: {  	[timem:s22], [sflag:s7] =	dma.local [hbm:s6], s5  }
0xa4: {  	_ =	swait.ge [sflag:s7], s5  }
0xa5: {  	s5 =	ssub.s32 $0x0, s5;
	[sflag:s7] =	ssyncset.done $0x0  }
0xa6: {  	[sflag:s7] =	ssyncadd.s32 s5;
	_ =	sdelay $0x1  }
0xa7: {  	s23 =	simm.s32 $0x1B8B  }
0xa8: {  	_ =	swait.ge [sflag:s23], $0x1  }
0xa9: {  	[sflag:s23] =	ssyncset.done $0x0  }
0xaa: {  	[sflag:s23] =	ssyncadd.s32 $0xFFFFFFFF  }
0xab: {  	s5 =	sld [smem:$0x0]  }
0xac: {  	s6 =	sand.u32 $0xFFFFFFFE, s1  }
0xad: {  	p0 =	sne.s32 s1, s6  }
0xae: {  	s6 =	sshll.u32 @p0 s6, $0xE  }
0xaf: {  	s6 =	sadd.s32 @p0 $0x11B8D, s6;
	s7 =	sshll.u32 @p0 s5, $0x11  }
0xb0: {  	s6 =	sor.u32 @p0 s7, s6  }
0xb1: {  	[sflag:s6] =	ssyncadd.remote.s32 @p0 $0x1;
	_ =	sdelay $0x1  }
0xb2: {  	s6 =	simm.s32 @p0 $0x1B8D  }
0xb3: {  	_ =	swait.eq @p0 [sflag:s6], $0x1  }
0xb4: {  	[sflag:s6] =	ssyncadd.s32 @p0 $0xFFFFFFFF  }
0xb5: {  	s7 =	sshll.u32 @!p0 s1, $0xE  }
0xb6: {  	s7 =	sor.u32 @!p0 $0x4000, s7;
	s6 =	simm.s32 @!p0 $0x1B8D  }
0xb7: {  	s5 =	sshll.u32 @!p0 s5, $0x11;
	s7 =	sadd.s32 @!p0 $0x11B8D, s7;
	_ =	swait.eq @!p0 [sflag:s6], $0x1  }
0xb8: {  	s5 =	sor.u32 @!p0 s5, s7;
	[sflag:s6] =	ssyncadd.s32 @!p0 $0xFFFFFFFF  }
0xb9: {  	s25 =	simm.s32 $0x1B8E;
	s24 =	sld [smem:$0x3FFE];
	[sflag:s5] =	ssyncadd.remote.s32 @!p0 $0x1  }
0xba: {  	s26 =	simm.s32 $execute0_lowered;
	[smem:$0x3FD2] =	sst s25  }
0xbb: {  	s6 =	sshll.u32 s26, $0x1;
	_ =	strace $0x80000049;
	[dreg:$0x1] =	wrdreg $0xFFFFFFFF  }
0xbc: {  	s28 =	simm.s32 $_size_execute0_lowered;
	s4 =	sadd.s32 s4, s6;
	[dreg:$0x0] =	wrdreg $0x0  }
0xbd: {  	s6 =	sshll.u32 s28, $0x1;
	[dreg:$0x2] =	wrdreg s4  }
0xbe: {  	[dreg:$0x3] =	wrdreg s6  }
0xbf: {  	[dreg:$0x4] =	wrdreg $0xC0  }
0xc0: {  	_ =	task [dreg:s22], $0x5FFFF  }
0xc1: {  	[dreg:$0x1] =	wrdreg $0xFFFFFFFF  }
0xc2: {  	[dreg:$0x0] =	wrdreg $0x60  }
0xc3: {  	[dreg:$0x2] =	wrdreg s17  }
0xc4: {  	[dreg:$0x3] =	wrdreg s24  }
0xc5: {  	[dreg:$0x4] =	wrdreg $0x0  }
0xc6: {  	[dreg:$0x5] =	wrdreg $0xA  }
0xc7: {  	_ =	task.clear_ibuf [dreg:s22], $0x6FFFF;
	_ =	strace $0x90000049  }
0xc8: {  	s29 =	simm.s32 $0xA;
	_ =	strace $0x8000004B  }
0xc9: {  	_ =	swait.ge [sflag:s29], $0x1  }
0xca: {  	[sflag:s29] =	ssyncadd.s32 $0xFFFFFFFF  }
0xcb: {  	_ =	strace $0x9000004B  }
0xcc: {  	_ =	sfence  }
0xcd: {  	s30 =	sld [smem:$0x0];
	_ =	sdelay $0x2  }
0xce: {  	s31 =	sshll.u32 s1, $0xD;
	s1 =	sshrl.u32 s1, $0x2  }
0xcf: {  	s4 =	sand.u32 $0x4000, s31;
	s1 =	sadd.s32 s1, s30  }
0xd0: {  	s0 =	sor.u32 s4, s0;
	s1 =	sshll.u32 s1, $0x11  }
0xd1: {  	s0 =	sor.u32 s1, s0  }
0xd2: {  	s0 =	sadd.s32 $0x8F2B, s0  }
0xd3: {  	[sflag:s0] =	ssyncadd.remote.s32 $0x1  }
0xd4: {  	_ =	sfence.sel $0xFFFF  }
0xd5: {  	[dreg:$0x0] =	wrdreg $0xFFFFFFFF;
	(pc) =	sbr.abs _section_cstart, $3  }
0xd6: {  	[dreg:$0x1] =	wrdreg $0xFFFFFFFF  }
0xd7: {  	_ =	task.clear_ibuf [dreg:s22], $0x2FFFF;
	_ =	strace $0x9FFFFFFF  }
0xd8: {  	(tm) =	ssettm $0x7FFFFFFF  }
0xd9: {  	_ =	shalt  }
tec
execute0_lowered:
.L_overlay_start_1:
0x0: {  	(tag) =	ssettag $0x1  }
0x1: {  	s1 =	rddreg [dreg:$0x0]  }
0x2: {  	s0 =	rddreg [dreg:$0x1]  }
0x3: {  	s2 =	rddreg [dreg:$0x2];
	s3 =	simm.s32 $0x0;
	s14 =	srdreg.scid  }
0x4: {  	s12 =	stileid.u32;
	s29 =	simm.s32 $0x3;
	s30 =	simm.s32 $0x19A40  }
0x5: {  	s31 =	simm.s32 $0x18840;
	s28 =	simm.s32 $0x40;
	[smem:$0x7FF] =	sst s3  }
0x6: {  	s4 =	sadd.s32 $0x18000, s0;
	s3 =	sand.u32 $0x1, s14;
	s15 =	smul.u32 $0x62000, s12  }
0x7: {  	s6 =	sadd.s32 $0x2BA00, s0;
	_ =	strace $0x8000004A;
	s8 =	ssub.s32 $0x2, s3  }
0x8: {  	[dreg:$0x4] =	wrdreg s4;
	s9 =	sshrl.u32 s8, $0x1;
	s4 =	sshrl.u32 s15, $0x2  }
0x9: {  	s7 =	smul.u32 $0x4E, s12;
	s9 =	ssub.s32 s8, s9;
	s8 =	sadd.s32 s4, s2  }
0xa: {  	s5 =	sadd.s32 $0x79A00, s0;
	s16 =	smul.u32 $0x310, s12;
	s10 =	sadd.s32 $0x2000, s8  }
0xb: {  	s3 =	smul.u32 $0x3100, s3;
	s17 =	sadd.s32 $0x4000, s8;
	[dreg:$0x5] =	wrdreg s10  }
0xc: {  	s12 =	smul.u32 $0x4E00, s12;
	s18 =	sadd.s32 $0x6000, s8;
	[dreg:$0x6] =	wrdreg s17  }
0xd: {  	s23 =	sadd.s32 $0x6200, s3;
	s19 =	sadd.s32 $0x8000, s8;
	[dreg:$0x7] =	wrdreg s18  }
0xe: {  	s25 =	sadd.s32 s16, s3;
	s20 =	sadd.s32 $0xA000, s8;
	[dreg:$0x8] =	wrdreg s19  }
0xf: {  	v0 =	vmov s3;
	s3 =	simm.s32 $0x2;
	s21 =	sadd.s32 $0xC000, s8;
	[dreg:$0x9] =	wrdreg s20  }
0x10: {  	s22 =	sadd.s32 $0xE000, s8;
	s11 =	sadd.s32 $0x10000, s8;
	[dreg:$0xa] =	wrdreg s21  }
0x11: {  	s4 =	sadd.s32 s16, s23;
	s13 =	sadd.s32 $0x12000, s8;
	[dreg:$0xb] =	wrdreg s22  }
0x12: {  	s26 =	smax.u32 s9, $0x1;
	s24 =	sadd.s32 $0x16000, s8;
	[dreg:$0xc] =	wrdreg s11  }
0x13: {  	s11 =	sshll.u32 s25, $0x4;
	s4 =	sshll.u32 s4, $0x4;
	[dreg:$0xd] =	wrdreg s13  }
0x14: {  	s20 =	sadd.s32 $0x14000, s8;
	s21 =	sadd.s32 s6, s12;
	s22 =	sadd.s32 $0x2BB00, s0  }
0x15: {  	[dreg:$0x10] =	wrdreg s26;
	s25 =	sadd.s32 $0x18000, s8;
	s26 =	sadd.s32 $0x2, s7  }
0x16: {  	s0 =	simm.s32 $0x19040;
	s18 =	simm.s32 $0x1;
	s11 =	sadd.s32 s5, s11  }
0x17: {  	v2 =	vimm.f32 $0.0e+00;
	v3 =	vimm.s32 $0x0;
	s19 =	simm.s32 $0x0;
	s4 =	sadd.s32 s5, s4;
	[dreg:$0xe] =	wrdreg s11  }
0x18: {  	v4 =	vimm.s32 $0x19;
	v5 =	vimm.s32 $0x3100;
	v1 =	vmov s23;
	s5 =	simm.s32 $0x199C0;
	[dreg:$0xf] =	wrdreg s4;
	s4 =	simm.s32 $0x19840  }
.LBB2_1:
0x19: {  	s9 =	simm.s32 $0x0;
	s10 =	rddreg [dreg:$0x4];
	s11 =	simm.s32 $0x1BA40  }
0x1a: {  	[tilespmem:s11], [sflag:$0x3] =	stream.linear.gather [hbm4b:s10+s9], $0x1000, $0x38;
	[tilespmem:$0x1CA40] =	vst v63  }
0x1b: {  	_ =	swait.ge [sflag:s29], $0x1000  }
0x1c: {  	[sflag:s29] =	ssyncset.done $0x0  }
0x1d: {  	s9 =	simm.s32 $0x0;
	s10 =	simm.s32 $0x200;
	[sflag:s29] =	ssyncadd.s32 $0xFFFFF000  }
.LBB2_2:
0x1e: {  	p0 =	sne.s32 s10, $0x7E00;
	[tilespmem:s9+$0x19AB0] =	vst v2  }
0x1f: {  	[tilespmem:s9+$0x19A40] =	vst v2  }
0x20: {  	[tilespmem:s9+$0x19A50] =	vst v2  }
.Ltmp0:
0x21: {  	[tilespmem:s9+$0x19A60] =	vst v2;
	(pc) =	sbr.rel @p0 .LBB2_2-.Ltmp0, $4  }
0x22: {  	[tilespmem:s9+$0x19A70] =	vst v2  }
0x23: {  	[tilespmem:s9+$0x19A80] =	vst v2  }
0x24: {  	[tilespmem:s9+$0x19A90] =	vst v2  }
0x25: {  	[tilespmem:s9+$0x19AA0] =	vst v2;
	s9 =	sshra.s32 s10, $0x2;
	s10 =	sadd.s32 $0x200, s10  }
0x26: {  	[tilespmem:s9+$0x19AB0] =	vst v2  }
0x27: {  	[tilespmem:s9+$0x19A40] =	vst v2  }
0x28: {  	[tilespmem:s9+$0x19A50] =	vst v2  }
0x29: {  	[tilespmem:s9+$0x19A60] =	vst v2  }
0x2a: {  	[tilespmem:s9+$0x19A70] =	vst v2  }
0x2b: {  	[tilespmem:s9+$0x19A80] =	vst v2  }
0x2c: {  	[tilespmem:s9+$0x19A90] =	vst v2  }
0x2d: {  	[tilespmem:s9+$0x19AA0] =	vst v2  }
0x2e: {  	[spmem:s8] =	stream.linear.scatter [tilespmem:s30], [sflag:$0x3], $0x2000, $0x38;
	[tilespmem:$0x1CA40] =	vst v63  }
0x2f: {  	_ =	swait.ge [sflag:s29], $0x2000  }
0x30: {  	[sflag:s29] =	ssyncset.done $0x0  }
0x31: {  	s10 =	rddreg [dreg:$0x5];
	[sflag:s29] =	ssyncadd.s32 $0xFFFFE000  }
0x32: {  	[spmem:s10] =	stream.linear.scatter [tilespmem:s30], [sflag:$0x3], $0x2000, $0x38;
	[tilespmem:$0x1CA40] =	vst v63  }
0x33: {  	_ =	swait.ge [sflag:s29], $0x2000  }
0x34: {  	[sflag:s29] =	ssyncset.done $0x0  }
0x35: {  	s11 =	rddreg [dreg:$0x6];
	[sflag:s29] =	ssyncadd.s32 $0xFFFFE000  }
0x36: {  	[spmem:s11] =	stream.linear.scatter [tilespmem:s30], [sflag:$0x3], $0x2000, $0x38;
	[tilespmem:$0x1CA40] =	vst v63  }
0x37: {  	_ =	swait.ge [sflag:s29], $0x2000  }
0x38: {  	[sflag:s29] =	ssyncset.done $0x0  }
0x39: {  	s12 =	rddreg [dreg:$0x7];
	[sflag:s29] =	ssyncadd.s32 $0xFFFFE000  }
0x3a: {  	[spmem:s12] =	stream.linear.scatter [tilespmem:s30], [sflag:$0x3], $0x2000, $0x38;
	[tilespmem:$0x1CA40] =	vst v63  }
0x3b: {  	_ =	swait.ge [sflag:s29], $0x2000  }
0x3c: {  	[sflag:s29] =	ssyncset.done $0x0  }
0x3d: {  	s13 =	rddreg [dreg:$0x8];
	[sflag:s29] =	ssyncadd.s32 $0xFFFFE000  }
0x3e: {  	[spmem:s13] =	stream.linear.scatter [tilespmem:s30], [sflag:$0x3], $0x2000, $0x38;
	[tilespmem:$0x1CA40] =	vst v63  }
0x3f: {  	_ =	swait.ge [sflag:s29], $0x2000  }
0x40: {  	[sflag:s29] =	ssyncset.done $0x0  }
0x41: {  	s14 =	rddreg [dreg:$0x9];
	[sflag:s29] =	ssyncadd.s32 $0xFFFFE000  }
0x42: {  	[spmem:s14] =	stream.linear.scatter [tilespmem:s30], [sflag:$0x3], $0x2000, $0x38;
	[tilespmem:$0x1CA40] =	vst v63  }
0x43: {  	_ =	swait.ge [sflag:s29], $0x2000  }
0x44: {  	[sflag:s29] =	ssyncset.done $0x0  }
0x45: {  	s15 =	rddreg [dreg:$0xa];
	[sflag:s29] =	ssyncadd.s32 $0xFFFFE000  }
0x46: {  	[spmem:s15] =	stream.linear.scatter [tilespmem:s30], [sflag:$0x3], $0x2000, $0x38;
	[tilespmem:$0x1CA40] =	vst v63  }
0x47: {  	_ =	swait.ge [sflag:s29], $0x2000  }
0x48: {  	[sflag:s29] =	ssyncset.done $0x0  }
0x49: {  	s16 =	rddreg [dreg:$0xb];
	[sflag:s29] =	ssyncadd.s32 $0xFFFFE000  }
0x4a: {  	[spmem:s16] =	stream.linear.scatter [tilespmem:s30], [sflag:$0x3], $0x2000, $0x38;
	[tilespmem:$0x1CA40] =	vst v63  }
0x4b: {  	_ =	swait.ge [sflag:s29], $0x2000  }
0x4c: {  	[sflag:s29] =	ssyncset.done $0x0  }
0x4d: {  	s17 =	rddreg [dreg:$0xc];
	[sflag:s29] =	ssyncadd.s32 $0xFFFFE000  }
0x4e: {  	[spmem:s17] =	stream.linear.scatter [tilespmem:s30], [sflag:$0x3], $0x2000, $0x38;
	[tilespmem:$0x1CA40] =	vst v63  }
0x4f: {  	_ =	swait.ge [sflag:s29], $0x2000  }
0x50: {  	[sflag:s29] =	ssyncset.done $0x0  }
0x51: {  	s23 =	rddreg [dreg:$0xd];
	[sflag:s29] =	ssyncadd.s32 $0xFFFFE000  }
0x52: {  	[spmem:s23] =	stream.linear.scatter [tilespmem:s30], [sflag:$0x3], $0x2000, $0x38;
	[tilespmem:$0x1CA40] =	vst v63  }
0x53: {  	_ =	swait.ge [sflag:s29], $0x2000  }
0x54: {  	[sflag:s29] =	ssyncset.done $0x0  }
0x55: {  	[sflag:s29] =	ssyncadd.s32 $0xFFFFE000  }
0x56: {  	[spmem:s20] =	stream.linear.scatter [tilespmem:s30], [sflag:$0x3], $0x2000, $0x38;
	[tilespmem:$0x1CA40] =	vst v63  }
0x57: {  	_ =	swait.ge [sflag:s29], $0x2000  }
0x58: {  	[sflag:s29] =	ssyncset.done $0x0  }
0x59: {  	[sflag:s29] =	ssyncadd.s32 $0xFFFFE000  }
0x5a: {  	[spmem:s24] =	stream.linear.scatter [tilespmem:s30], [sflag:$0x3], $0x2000, $0x38;
	[tilespmem:$0x1CA40] =	vst v63  }
0x5b: {  	_ =	swait.ge [sflag:s29], $0x2000  }
0x5c: {  	[sflag:s29] =	ssyncset.done $0x0  }
0x5d: {  	[sflag:s29] =	ssyncadd.s32 $0xFFFFE000  }
0x5e: {  	[spmem:s25] =	stream.linear.scatter [tilespmem:s30], [sflag:$0x3], $0x800, $0x38;
	[tilespmem:$0x1CA40] =	vst v63  }
0x5f: {  	_ =	swait.ge [sflag:s29], $0x800  }
0x60: {  	[sflag:s29] =	ssyncset.done $0x0  }
0x61: {  	[sflag:s29] =	ssyncadd.s32 $0xFFFFF800  }
.Ltmp1:
0x62: {  	s10 =	simm.s32 $0x0;
	[bflag:$0x0] =	sbarrier.arrive $0xFFFF;
	(pc) =	sbr.rel .LBB2_4-.Ltmp1, $4  }
0x63: {  	[tilespmem:s31], [sflag:$0x3] =	stream.linear.gather [hbm4b:s21+s10], $0x800, $0x38;
	[tilespmem:$0x1CA40] =	vst v63  }
0x64: {  	_ =	swait.ge [sflag:s29], $0x800  }
0x65: {  	[sflag:s29] =	ssyncset.done $0x0  }
0x66: {  	s9 =	simm.s32 $0x0;
	s11 =	simm.s32 $0x0;
	[sflag:s29] =	ssyncadd.s32 $0xFFFFF800  }
.LBB2_16:
0x67: {  	s11 =	sadd.s32 $0x1, s11  }
0x68: {  	p0 =	sne.s32 s11, $0x27  }
.Ltmp2:
0x69: {  	_ = 	snop;
	(pc) =	sbr.rel @!p0 .LBB2_17-.Ltmp2, $4  }
0x6a: {  	_ = 	snop  }
0x6b: {  	_ =	swait.ge [sflag:s18], $0x800  }
0x6c: {  	[sflag:s18] =	ssyncset.done $0x0  }
0x6d: {  	[sflag:s18] =	ssyncadd.s32 $0xFFFFF800  }
.LBB2_4:
0x6e: {  	s12 =	sshll.u32 s11, $0x1  }
.Ltmp3:
0x6f: {  	s13 =	sadd.s32 s7, s12;
	(pc) =	sbr.rel .LBB2_5-.Ltmp3, $4  }
0x70: {  	s13 =	sshll.u32 s13, $0x8  }
0x71: {  	s13 =	sadd.s32 s13, s22  }
0x72: {  	[tilespmem:s0], [sflag:$0x1] =	stream.linear.gather [hbm4b:s13+s10], $0x800, $0x38;
	[tilespmem:$0x1CA40] =	vst v63  }
0x73: {  	s13 =	simm.s32 $0x0  }
.LBB2_8:
0x74: {  	v6 =	vld [tilespmem:s16+$0x198C0];
	_ =	sdelay $0x4  }
0x75: {  	(v2sf) =	vpush v6, $0x0;
	_ =	sdelay $0xe  }
0x76: {  	s15 =	spop (v2sf)  }
0x77: {  	s14 =	sadd.s32 $0x80, s14;
	s15 =	sshll.u32 s15, $0x9  }
0x78: {  	v6 =	vld [tilespmem:s14+$0xFFFFFFC0];
	s15 =	sshra.s32 s15, $0x2  }
0x79: {  	v7 =	vld [tilespmem:s15+$0x1BA40];
	_ =	sdelay $0x4  }
0x7a: {  	v6 =	vmul.f32 v7, v6;
	_ =	sdelay $0x1  }
0x7b: {  	[tilespmem:s14+$0xFFFFFFC0] =	vst v6;
	v6 =	vld [tilespmem:s14+$0xFFFFFFD0]  }
0x7c: {  	v7 =	vld [tilespmem:s15+$0x1BA50];
	_ =	sdelay $0x4  }
0x7d: {  	v6 =	vmul.f32 v7, v6;
	_ =	sdelay $0x1  }
0x7e: {  	[tilespmem:s14+$0xFFFFFFD0] =	vst v6;
	v6 =	vld [tilespmem:s14+$0xFFFFFFE0]  }
0x7f: {  	v7 =	vld [tilespmem:s15+$0x1BA60];
	_ =	sdelay $0x4  }
0x80: {  	v6 =	vmul.f32 v7, v6;
	_ =	sdelay $0x1  }
0x81: {  	[tilespmem:s14+$0xFFFFFFE0] =	vst v6;
	v6 =	vld [tilespmem:s14+$0xFFFFFFF0]  }
0x82: {  	v7 =	vld [tilespmem:s15+$0x1BA70];
	_ =	sdelay $0x4  }
0x83: {  	v6 =	vmul.f32 v7, v6;
	_ =	sdelay $0x1  }
0x84: {  	[tilespmem:s14+$0xFFFFFFF0] =	vst v6;
	v6 =	vld [tilespmem:s14+$0x0]  }
0x85: {  	v7 =	vld [tilespmem:s15+$0x1BA80];
	_ =	sdelay $0x4  }
0x86: {  	v6 =	vmul.f32 v7, v6;
	_ =	sdelay $0x1  }
0x87: {  	[tilespmem:s14+$0x0] =	vst v6;
	v6 =	vld [tilespmem:s14+$0x10]  }
0x88: {  	v7 =	vld [tilespmem:s15+$0x1BA90];
	_ =	sdelay $0x4  }
0x89: {  	v6 =	vmul.f32 v7, v6;
	_ =	sdelay $0x1  }
0x8a: {  	[tilespmem:s14+$0x10] =	vst v6;
	v6 =	vld [tilespmem:s14+$0x20]  }
0x8b: {  	v7 =	vld [tilespmem:s15+$0x1BAA0];
	_ =	sdelay $0x4  }
0x8c: {  	v6 =	vmul.f32 v7, v6;
	_ =	sdelay $0x1  }
0x8d: {  	[tilespmem:s14+$0x20] =	vst v6;
	v6 =	vld [tilespmem:s14+$0x30]  }
0x8e: {  	v7 =	vld [tilespmem:s15+$0x1BAB0];
	_ =	sdelay $0x4  }
0x8f: {  	v6 =	vmul.f32 v7, v6;
	_ =	sdelay $0x1  }
0x90: {  	[tilespmem:s14+$0x30] =	vst v6  }
0x91: {  	v6 =	vld [tilespmem:$0x19940]  }
0x92: {  	v7 =	vld [tilespmem:$0x19950]  }
0x93: {  	v8 =	vld [tilespmem:$0x19960]  }
0x94: {  	v9 =	vld [tilespmem:$0x19970];
	_ =	sdelay $0x1  }
0x95: {  	[tilespmem:$0x199C0] =	vst v6  }
0x96: {  	[tilespmem:$0x199D0] =	vst v7  }
0x97: {  	[tilespmem:$0x199E0] =	vst v8  }
0x98: {  	[tilespmem:$0x199F0] =	vst v9  }
0x99: {  	[spmem:s2] =	stream.indirect.scatter.add.f32 [tilespmem:s30], [sflag:$0x3], $0x80, s5, s28, $0xb8;
	[tilespmem:$0x1CA40] =	vst v63  }
0x9a: {  	_ =	swait.ge [sflag:s29], $0x2000  }
0x9b: {  	[sflag:s29] =	ssyncset.done $0x0  }
0x9c: {  	[sflag:s29] =	ssyncadd.s32 $0xFFFFE000  }
0x9d: {  	v6 =	vld [tilespmem:$0x19880]  }
0x9e: {  	v7 =	vld [tilespmem:$0x19900]  }
0x9f: {  	v63 =	vld [tilespmem:$0x19980];
	_ =	sdelay $0x2  }
0xa0: {  	[tilespmem:$0x19840] =	vst v6  }
0xa1: {  	[tilespmem:$0x198C0] =	vst v7  }
0xa2: {  	s9 =	sadd.s32 $0xFFFFFFC0, s9;
	[tilespmem:$0x19940] =	vst v63  }
.LBB2_9:
0xa3: {  	s13 =	sadd.s32 $0x1, s13  }
0xa4: {  	p0 =	sne.s32 s13, $0x20  }
.Ltmp4:
0xa5: {  	_ = 	snop;
	(pc) =	sbr.rel @!p0 .LBB2_10-.Ltmp4, $1  }
0xa6: {  	_ =	sdelay $0x3  }
.LBB2_5:
0xa7: {  	s14 =	sshll.u32 s13, $0x4;
	s15 =	sshll.u32 s13, $0x6  }
0xa8: {  	s14 =	sand.u32 $0x70, s14;
	s15 =	sand.u32 $0x600, s15  }
0xa9: {  	s14 =	sor.u32 s14, s15  }
0xaa: {  	v6 =	vld [tilespmem:s14+$0x18840];
	_ =	sdelay $0x4  }
0xab: {  	v6 =	vsub.s32 v6, v0  }
0xac: {  	vm0 =	vlt.u32 v6, $0x3100  }
0xad: {  	v7 =	vsel vm0, $0x1, v3  }
0xae: {  	(xrf0) =	vadd.scan.msk.s32 $0xffff, v7;
	_ =	sdelay $0x5  }
0xaf: {  	v7, _, _ =	vpop (xrf0)  }
0xb0: {  	(v2sf) =	vpush v7, $0xF;
	_ =	sdelay $0x7  }
0xb1: {  	s14 =	sadd.s32 $0x18840, s14  }
0xb2: {  	v7 =	vld [tilespmem:s14+$0x80]  }
0xb3: {  	v8 =	vld [tilespmem:s14+$0x100];
	_ =	sdelay $0x3  }
0xb4: {  	[tilespmem:s9+$0x19840] =	vst.msk vm0, v7  }
0xb5: {  	[tilespmem:s9+$0x198C0] =	vst.msk vm0, v8;
	s23 =	spop (v2sf)  }
0xb6: {  	[tilespmem:s9+$0x19940] =	vst.msk vm0, v6;
	s9 =	sadd.s32 s9, s23  }
0xb7: {  	p0 =	slt.s32 s9, $0x40  }
.Ltmp5:
0xb8: {  	_ = 	snop;
	(pc) =	sbr.rel @p0 .LBB2_9-.Ltmp5, $1  }
0xb9: {  	_ =	sdelay $0x3  }
0xba: {  	[tilespmem:s30], [sflag:$0x2] =	stream.indirect.gather [hbm4b:s1+s28], $0x80, s4, s28, $0xb8;
	[tilespmem:$0x1CA40] =	vst v63  }
0xbb: {  	_ =	swait.ge [sflag:s3], $0x2000  }
0xbc: {  	[sflag:s3] =	ssyncset.done $0x0  }
0xbd: {  	s14 =	simm.s32 $0x0;
	[sflag:s3] =	ssyncadd.s32 $0xFFFFE000  }
0xbe: {  	v6 =	vld [tilespmem:s14+$0x198C0];
	_ =	sdelay $0x4  }
0xbf: {  	(v2sf) =	vpush v6, $0x0;
	_ =	sdelay $0xe  }
0xc0: {  	s15 =	spop (v2sf)  }
0xc1: {  	s14 =	simm.s32 $0x19A80;
	s15 =	sshll.u32 s15, $0x9  }
0xc2: {  	v6 =	vld [tilespmem:s14+$0xFFFFFFC0];
	s15 =	sshra.s32 s15, $0x2  }
0xc3: {  	v7 =	vld [tilespmem:s15+$0x1BA40];
	_ =	sdelay $0x4  }
0xc4: {  	v6 =	vmul.f32 v7, v6;
	_ =	sdelay $0x1  }
0xc5: {  	[tilespmem:s14+$0xFFFFFFC0] =	vst v6;
	v6 =	vld [tilespmem:s14+$0xFFFFFFD0]  }
0xc6: {  	v7 =	vld [tilespmem:s15+$0x1BA50];
	_ =	sdelay $0x4  }
0xc7: {  	v6 =	vmul.f32 v7, v6;
	_ =	sdelay $0x1  }
0xc8: {  	[tilespmem:s14+$0xFFFFFFD0] =	vst v6;
	v6 =	vld [tilespmem:s14+$0xFFFFFFE0]  }
0xc9: {  	v7 =	vld [tilespmem:s15+$0x1BA60];
	_ =	sdelay $0x4  }
0xca: {  	v6 =	vmul.f32 v7, v6;
	_ =	sdelay $0x1  }
0xcb: {  	[tilespmem:s14+$0xFFFFFFE0] =	vst v6;
	v6 =	vld [tilespmem:s14+$0xFFFFFFF0]  }
0xcc: {  	v7 =	vld [tilespmem:s15+$0x1BA70];
	_ =	sdelay $0x4  }
0xcd: {  	v6 =	vmul.f32 v7, v6;
	_ =	sdelay $0x1  }
0xce: {  	[tilespmem:s14+$0xFFFFFFF0] =	vst v6;
	v6 =	vld [tilespmem:s14+$0x0]  }
0xcf: {  	v7 =	vld [tilespmem:s15+$0x1BA80];
	_ =	sdelay $0x4  }
0xd0: {  	v6 =	vmul.f32 v7, v6;
	_ =	sdelay $0x1  }
0xd1: {  	[tilespmem:s14+$0x0] =	vst v6;
	v6 =	vld [tilespmem:s14+$0x10]  }
0xd2: {  	v7 =	vld [tilespmem:s15+$0x1BA90];
	_ =	sdelay $0x4  }
0xd3: {  	v6 =	vmul.f32 v7, v6;
	_ =	sdelay $0x1  }
0xd4: {  	[tilespmem:s14+$0x10] =	vst v6;
	v6 =	vld [tilespmem:s14+$0x20]  }
0xd5: {  	v7 =	vld [tilespmem:s15+$0x1BAA0];
	_ =	sdelay $0x4  }
0xd6: {  	v6 =	vmul.f32 v7, v6;
	_ =	sdelay $0x1  }
0xd7: {  	[tilespmem:s14+$0x20] =	vst v6;
	v6 =	vld [tilespmem:s14+$0x30]  }
0xd8: {  	v7 =	vld [tilespmem:s15+$0x1BAB0];
	_ =	sdelay $0x4  }
0xd9: {  	v6 =	vmul.f32 v7, v6;
	_ =	sdelay $0x1  }
0xda: {  	s16 =	simm.s32 $0x1;
	s15 =	simm.s32 $0x8;
	[tilespmem:s14+$0x30] =	vst v6  }
.LBB2_7:
0xdb: {  	p0 =	sne.s32 s15, $0xFC;
	v6 =	vld [tilespmem:s16+$0x198C0];
	_ =	sdelay $0x4  }
0xdc: {  	(v2sf) =	vpush v6, $0x0;
	_ =	sdelay $0xe  }
0xdd: {  	s16 =	spop (v2sf)  }
0xde: {  	s14 =	sadd.s32 $0x80, s14;
	s16 =	sshll.u32 s16, $0x9  }
0xdf: {  	v6 =	vld [tilespmem:s14+$0xFFFFFFC0];
	s16 =	sshra.s32 s16, $0x2  }
0xe0: {  	v7 =	vld [tilespmem:s16+$0x1BA40];
	_ =	sdelay $0x4  }
0xe1: {  	v6 =	vmul.f32 v7, v6;
	_ =	sdelay $0x1  }
0xe2: {  	[tilespmem:s14+$0xFFFFFFC0] =	vst v6;
	v6 =	vld [tilespmem:s14+$0xFFFFFFD0]  }
0xe3: {  	v7 =	vld [tilespmem:s16+$0x1BA50];
	_ =	sdelay $0x4  }
0xe4: {  	v6 =	vmul.f32 v7, v6;
	_ =	sdelay $0x1  }
0xe5: {  	[tilespmem:s14+$0xFFFFFFD0] =	vst v6;
	v6 =	vld [tilespmem:s14+$0xFFFFFFE0]  }
0xe6: {  	v7 =	vld [tilespmem:s16+$0x1BA60];
	_ =	sdelay $0x4  }
0xe7: {  	v6 =	vmul.f32 v7, v6;
	_ =	sdelay $0x1  }
0xe8: {  	[tilespmem:s14+$0xFFFFFFE0] =	vst v6;
	v6 =	vld [tilespmem:s14+$0xFFFFFFF0]  }
0xe9: {  	v7 =	vld [tilespmem:s16+$0x1BA70];
	_ =	sdelay $0x4  }
0xea: {  	v6 =	vmul.f32 v7, v6;
	_ =	sdelay $0x1  }
0xeb: {  	[tilespmem:s14+$0xFFFFFFF0] =	vst v6;
	v6 =	vld [tilespmem:s14+$0x0]  }
0xec: {  	v7 =	vld [tilespmem:s16+$0x1BA80];
	_ =	sdelay $0x4  }
0xed: {  	v6 =	vmul.f32 v7, v6;
	_ =	sdelay $0x1  }
0xee: {  	[tilespmem:s14+$0x0] =	vst v6;
	v6 =	vld [tilespmem:s14+$0x10]  }
0xef: {  	v7 =	vld [tilespmem:s16+$0x1BA90];
	_ =	sdelay $0x4  }
0xf0: {  	v6 =	vmul.f32 v7, v6;
	_ =	sdelay $0x1  }
0xf1: {  	[tilespmem:s14+$0x10] =	vst v6;
	v6 =	vld [tilespmem:s14+$0x20]  }
0xf2: {  	v7 =	vld [tilespmem:s16+$0x1BAA0];
	_ =	sdelay $0x4  }
0xf3: {  	v6 =	vmul.f32 v7, v6;
	_ =	sdelay $0x1  }
0xf4: {  	[tilespmem:s14+$0x20] =	vst v6;
	v6 =	vld [tilespmem:s14+$0x30]  }
0xf5: {  	v7 =	vld [tilespmem:s16+$0x1BAB0];
	_ =	sdelay $0x2  }
.Ltmp6:
0xf6: {  	(pc) =	sbr.rel @p0 .LBB2_7-.Ltmp6, $3  }
0xf7: {  	_ = 	snop  }
0xf8: {  	v6 =	vmul.f32 v7, v6;
	_ =	sdelay $0x1  }
0xf9: {  	s16 =	sshra.s32 s15, $0x2;
	s15 =	sadd.s32 $0x4, s15;
	[tilespmem:s14+$0x30] =	vst v6  }
.Ltmp7:
0xfa: {  	_ = 	snop;
	(pc) =	sbr.rel .LBB2_8-.Ltmp7, $1  }
0xfb: {  	_ =	sdelay $0x3  }
.LBB2_10:
.Ltmp8:
0xfc: {  	s12 =	smin.u32 s12, $0x4B;
	(pc) =	sbr.rel .LBB2_11-.Ltmp8, $4  }
0xfd: {  	_ =	swait.ge [sflag:s18], $0x800;
	s12 =	sadd.s32 s12, s26  }
0xfe: {  	[sflag:s18] =	ssyncset.done $0x0;
	s12 =	sshll.u32 s12, $0x8  }
0xff: {  	[sflag:s18] =	ssyncadd.s32 $0xFFFFF800;
	s13 =	sadd.s32 s6, s12;
	s12 =	simm.s32 $0x0  }
0x100: {  	[tilespmem:s31], [sflag:$0x1] =	stream.linear.gather [hbm4b:s13+s12], $0x800, $0x38;
	[tilespmem:$0x1CA40] =	vst v63  }
.LBB2_14:
0x101: {  	v6 =	vld [tilespmem:s15+$0x198C0];
	_ =	sdelay $0x4  }
0x102: {  	(v2sf) =	vpush v6, $0x0;
	_ =	sdelay $0xe  }
0x103: {  	s14 =	spop (v2sf)  }
0x104: {  	s13 =	sadd.s32 $0x80, s13;
	s14 =	sshll.u32 s14, $0x9  }
0x105: {  	v6 =	vld [tilespmem:s13+$0xFFFFFFC0];
	s14 =	sshra.s32 s14, $0x2  }
0x106: {  	v7 =	vld [tilespmem:s14+$0x1BA40];
	_ =	sdelay $0x4  }
0x107: {  	v6 =	vmul.f32 v7, v6;
	_ =	sdelay $0x1  }
0x108: {  	[tilespmem:s13+$0xFFFFFFC0] =	vst v6;
	v6 =	vld [tilespmem:s13+$0xFFFFFFD0]  }
0x109: {  	v7 =	vld [tilespmem:s14+$0x1BA50];
	_ =	sdelay $0x4  }
0x10a: {  	v6 =	vmul.f32 v7, v6;
	_ =	sdelay $0x1  }
0x10b: {  	[tilespmem:s13+$0xFFFFFFD0] =	vst v6;
	v6 =	vld [tilespmem:s13+$0xFFFFFFE0]  }
0x10c: {  	v7 =	vld [tilespmem:s14+$0x1BA60];
	_ =	sdelay $0x4  }
0x10d: {  	v6 =	vmul.f32 v7, v6;
	_ =	sdelay $0x1  }
0x10e: {  	[tilespmem:s13+$0xFFFFFFE0] =	vst v6;
	v6 =	vld [tilespmem:s13+$0xFFFFFFF0]  }
0x10f: {  	v7 =	vld [tilespmem:s14+$0x1BA70];
	_ =	sdelay $0x4  }
0x110: {  	v6 =	vmul.f32 v7, v6;
	_ =	sdelay $0x1  }
0x111: {  	[tilespmem:s13+$0xFFFFFFF0] =	vst v6;
	v6 =	vld [tilespmem:s13+$0x0]  }
0x112: {  	v7 =	vld [tilespmem:s14+$0x1BA80];
	_ =	sdelay $0x4  }
0x113: {  	v6 =	vmul.f32 v7, v6;
	_ =	sdelay $0x1  }
0x114: {  	[tilespmem:s13+$0x0] =	vst v6;
	v6 =	vld [tilespmem:s13+$0x10]  }
0x115: {  	v7 =	vld [tilespmem:s14+$0x1BA90];
	_ =	sdelay $0x4  }
0x116: {  	v6 =	vmul.f32 v7, v6;
	_ =	sdelay $0x1  }
0x117: {  	[tilespmem:s13+$0x10] =	vst v6;
	v6 =	vld [tilespmem:s13+$0x20]  }
0x118: {  	v7 =	vld [tilespmem:s14+$0x1BAA0];
	_ =	sdelay $0x4  }
0x119: {  	v6 =	vmul.f32 v7, v6;
	_ =	sdelay $0x1  }
0x11a: {  	[tilespmem:s13+$0x20] =	vst v6;
	v6 =	vld [tilespmem:s13+$0x30]  }
0x11b: {  	v7 =	vld [tilespmem:s14+$0x1BAB0];
	_ =	sdelay $0x4  }
0x11c: {  	v6 =	vmul.f32 v7, v6;
	_ =	sdelay $0x1  }
0x11d: {  	[tilespmem:s13+$0x30] =	vst v6  }
0x11e: {  	v6 =	vld [tilespmem:$0x19940]  }
0x11f: {  	v7 =	vld [tilespmem:$0x19950]  }
0x120: {  	v8 =	vld [tilespmem:$0x19960]  }
0x121: {  	v9 =	vld [tilespmem:$0x19970];
	_ =	sdelay $0x1  }
0x122: {  	[tilespmem:$0x199C0] =	vst v6  }
0x123: {  	[tilespmem:$0x199D0] =	vst v7  }
0x124: {  	[tilespmem:$0x199E0] =	vst v8  }
0x125: {  	[tilespmem:$0x199F0] =	vst v9  }
0x126: {  	[spmem:s2] =	stream.indirect.scatter.add.f32 [tilespmem:s30], [sflag:$0x3], $0x80, s5, s28, $0xb8;
	[tilespmem:$0x1CA40] =	vst v63  }
0x127: {  	_ =	swait.ge [sflag:s29], $0x2000  }
0x128: {  	[sflag:s29] =	ssyncset.done $0x0  }
0x129: {  	[sflag:s29] =	ssyncadd.s32 $0xFFFFE000  }
0x12a: {  	v6 =	vld [tilespmem:$0x19880]  }
0x12b: {  	v7 =	vld [tilespmem:$0x19900]  }
0x12c: {  	v63 =	vld [tilespmem:$0x19980];
	_ =	sdelay $0x2  }
0x12d: {  	[tilespmem:$0x19840] =	vst v6  }
0x12e: {  	[tilespmem:$0x198C0] =	vst v7  }
0x12f: {  	s9 =	sadd.s32 $0xFFFFFFC0, s9;
	[tilespmem:$0x19940] =	vst v63  }
.LBB2_15:
0x130: {  	s12 =	sadd.s32 $0x1, s12  }
0x131: {  	p0 =	sne.s32 s12, $0x20  }
.Ltmp9:
0x132: {  	_ = 	snop;
	(pc) =	sbr.rel @!p0 .LBB2_16-.Ltmp9, $1  }
0x133: {  	_ =	sdelay $0x3  }
.LBB2_11:
0x134: {  	s13 =	sshll.u32 s12, $0x4;
	s14 =	sshll.u32 s12, $0x6  }
0x135: {  	s13 =	sand.u32 $0x70, s13;
	s14 =	sand.u32 $0x600, s14  }
0x136: {  	s13 =	sor.u32 s13, s14  }
0x137: {  	v6 =	vld [tilespmem:s13+$0x19040];
	_ =	sdelay $0x4  }
0x138: {  	v6 =	vsub.s32 v6, v0  }
0x139: {  	vm0 =	vlt.u32 v6, $0x3100  }
0x13a: {  	v7 =	vsel vm0, $0x1, v3  }
0x13b: {  	(xrf0) =	vadd.scan.msk.s32 $0xffff, v7;
	_ =	sdelay $0x5  }
0x13c: {  	v7, _, _ =	vpop (xrf0)  }
0x13d: {  	(v2sf) =	vpush v7, $0xF;
	_ =	sdelay $0x7  }
0x13e: {  	s13 =	sadd.s32 $0x19040, s13  }
0x13f: {  	v7 =	vld [tilespmem:s13+$0x80]  }
0x140: {  	v8 =	vld [tilespmem:s13+$0x100];
	_ =	sdelay $0x3  }
0x141: {  	[tilespmem:s9+$0x19840] =	vst.msk vm0, v7  }
0x142: {  	[tilespmem:s9+$0x198C0] =	vst.msk vm0, v8;
	s23 =	spop (v2sf)  }
0x143: {  	[tilespmem:s9+$0x19940] =	vst.msk vm0, v6;
	s9 =	sadd.s32 s9, s23  }
0x144: {  	p0 =	slt.s32 s9, $0x40  }
.Ltmp10:
0x145: {  	_ = 	snop;
	(pc) =	sbr.rel @p0 .LBB2_15-.Ltmp10, $1  }
0x146: {  	_ =	sdelay $0x3  }
0x147: {  	[tilespmem:s30], [sflag:$0x2] =	stream.indirect.gather [hbm4b:s1+s28], $0x80, s4, s28, $0xb8;
	[tilespmem:$0x1CA40] =	vst v63  }
0x148: {  	_ =	swait.ge [sflag:s3], $0x2000  }
0x149: {  	[sflag:s3] =	ssyncset.done $0x0  }
0x14a: {  	s13 =	simm.s32 $0x0;
	[sflag:s3] =	ssyncadd.s32 $0xFFFFE000  }
0x14b: {  	v6 =	vld [tilespmem:s13+$0x198C0];
	_ =	sdelay $0x4  }
0x14c: {  	(v2sf) =	vpush v6, $0x0;
	_ =	sdelay $0xe  }
0x14d: {  	s14 =	spop (v2sf)  }
0x14e: {  	s13 =	simm.s32 $0x19A80;
	s14 =	sshll.u32 s14, $0x9  }
0x14f: {  	v6 =	vld [tilespmem:s13+$0xFFFFFFC0];
	s14 =	sshra.s32 s14, $0x2  }
0x150: {  	v7 =	vld [tilespmem:s14+$0x1BA40];
	_ =	sdelay $0x4  }
0x151: {  	v6 =	vmul.f32 v7, v6;
	_ =	sdelay $0x1  }
0x152: {  	[tilespmem:s13+$0xFFFFFFC0] =	vst v6;
	v6 =	vld [tilespmem:s13+$0xFFFFFFD0]  }
0x153: {  	v7 =	vld [tilespmem:s14+$0x1BA50];
	_ =	sdelay $0x4  }
0x154: {  	v6 =	vmul.f32 v7, v6;
	_ =	sdelay $0x1  }
0x155: {  	[tilespmem:s13+$0xFFFFFFD0] =	vst v6;
	v6 =	vld [tilespmem:s13+$0xFFFFFFE0]  }
0x156: {  	v7 =	vld [tilespmem:s14+$0x1BA60];
	_ =	sdelay $0x4  }
0x157: {  	v6 =	vmul.f32 v7, v6;
	_ =	sdelay $0x1  }
0x158: {  	[tilespmem:s13+$0xFFFFFFE0] =	vst v6;
	v6 =	vld [tilespmem:s13+$0xFFFFFFF0]  }
0x159: {  	v7 =	vld [tilespmem:s14+$0x1BA70];
	_ =	sdelay $0x4  }
0x15a: {  	v6 =	vmul.f32 v7, v6;
	_ =	sdelay $0x1  }
0x15b: {  	[tilespmem:s13+$0xFFFFFFF0] =	vst v6;
	v6 =	vld [tilespmem:s13+$0x0]  }
0x15c: {  	v7 =	vld [tilespmem:s14+$0x1BA80];
	_ =	sdelay $0x4  }
0x15d: {  	v6 =	vmul.f32 v7, v6;
	_ =	sdelay $0x1  }
0x15e: {  	[tilespmem:s13+$0x0] =	vst v6;
	v6 =	vld [tilespmem:s13+$0x10]  }
0x15f: {  	v7 =	vld [tilespmem:s14+$0x1BA90];
	_ =	sdelay $0x4  }
0x160: {  	v6 =	vmul.f32 v7, v6;
	_ =	sdelay $0x1  }
0x161: {  	[tilespmem:s13+$0x10] =	vst v6;
	v6 =	vld [tilespmem:s13+$0x20]  }
0x162: {  	v7 =	vld [tilespmem:s14+$0x1BAA0];
	_ =	sdelay $0x4  }
0x163: {  	v6 =	vmul.f32 v7, v6;
	_ =	sdelay $0x1  }
0x164: {  	[tilespmem:s13+$0x20] =	vst v6;
	v6 =	vld [tilespmem:s13+$0x30]  }
0x165: {  	v7 =	vld [tilespmem:s14+$0x1BAB0];
	_ =	sdelay $0x4  }
0x166: {  	v6 =	vmul.f32 v7, v6;
	_ =	sdelay $0x1  }
0x167: {  	s15 =	simm.s32 $0x1;
	s14 =	simm.s32 $0x8;
	[tilespmem:s13+$0x30] =	vst v6  }
.LBB2_13:
0x168: {  	p0 =	sne.s32 s14, $0xFC;
	v6 =	vld [tilespmem:s15+$0x198C0];
	_ =	sdelay $0x4  }
0x169: {  	(v2sf) =	vpush v6, $0x0;
	_ =	sdelay $0xe  }
0x16a: {  	s15 =	spop (v2sf)  }
0x16b: {  	s13 =	sadd.s32 $0x80, s13;
	s15 =	sshll.u32 s15, $0x9  }
0x16c: {  	v6 =	vld [tilespmem:s13+$0xFFFFFFC0];
	s15 =	sshra.s32 s15, $0x2  }
0x16d: {  	v7 =	vld [tilespmem:s15+$0x1BA40];
	_ =	sdelay $0x4  }
0x16e: {  	v6 =	vmul.f32 v7, v6;
	_ =	sdelay $0x1  }
0x16f: {  	[tilespmem:s13+$0xFFFFFFC0] =	vst v6;
	v6 =	vld [tilespmem:s13+$0xFFFFFFD0]  }
0x170: {  	v7 =	vld [tilespmem:s15+$0x1BA50];
	_ =	sdelay $0x4  }
0x171: {  	v6 =	vmul.f32 v7, v6;
	_ =	sdelay $0x1  }
0x172: {  	[tilespmem:s13+$0xFFFFFFD0] =	vst v6;
	v6 =	vld [tilespmem:s13+$0xFFFFFFE0]  }
0x173: {  	v7 =	vld [tilespmem:s15+$0x1BA60];
	_ =	sdelay $0x4  }
0x174: {  	v6 =	vmul.f32 v7, v6;
	_ =	sdelay $0x1  }
0x175: {  	[tilespmem:s13+$0xFFFFFFE0] =	vst v6;
	v6 =	vld [tilespmem:s13+$0xFFFFFFF0]  }
0x176: {  	v7 =	vld [tilespmem:s15+$0x1BA70];
	_ =	sdelay $0x4  }
0x177: {  	v6 =	vmul.f32 v7, v6;
	_ =	sdelay $0x1  }
0x178: {  	[tilespmem:s13+$0xFFFFFFF0] =	vst v6;
	v6 =	vld [tilespmem:s13+$0x0]  }
0x179: {  	v7 =	vld [tilespmem:s15+$0x1BA80];
	_ =	sdelay $0x4  }
0x17a: {  	v6 =	vmul.f32 v7, v6;
	_ =	sdelay $0x1  }
0x17b: {  	[tilespmem:s13+$0x0] =	vst v6;
	v6 =	vld [tilespmem:s13+$0x10]  }
0x17c: {  	v7 =	vld [tilespmem:s15+$0x1BA90];
	_ =	sdelay $0x4  }
0x17d: {  	v6 =	vmul.f32 v7, v6;
	_ =	sdelay $0x1  }
0x17e: {  	[tilespmem:s13+$0x10] =	vst v6;
	v6 =	vld [tilespmem:s13+$0x20]  }
0x17f: {  	v7 =	vld [tilespmem:s15+$0x1BAA0];
	_ =	sdelay $0x4  }
0x180: {  	v6 =	vmul.f32 v7, v6;
	_ =	sdelay $0x1  }
0x181: {  	[tilespmem:s13+$0x20] =	vst v6;
	v6 =	vld [tilespmem:s13+$0x30]  }
0x182: {  	v7 =	vld [tilespmem:s15+$0x1BAB0];
	_ =	sdelay $0x2  }
.Ltmp11:
0x183: {  	(pc) =	sbr.rel @p0 .LBB2_13-.Ltmp11, $3  }
0x184: {  	_ = 	snop  }
0x185: {  	v6 =	vmul.f32 v7, v6;
	_ =	sdelay $0x1  }
0x186: {  	s15 =	sshra.s32 s14, $0x2;
	s14 =	sadd.s32 $0x4, s14;
	[tilespmem:s13+$0x30] =	vst v6  }
.Ltmp12:
0x187: {  	_ = 	snop;
	(pc) =	sbr.rel .LBB2_14-.Ltmp12, $1  }
0x188: {  	_ =	sdelay $0x3  }
.LBB2_17:
0x189: {  	[tilespmem:s9+$0x19840] =	vst v3  }
0x18a: {  	[tilespmem:s9+$0x198C0] =	vst v4  }
0x18b: {  	[tilespmem:s9+$0x19940] =	vst v5  }
0x18c: {  	[tilespmem:s9+$0x19850] =	vst v3  }
0x18d: {  	[tilespmem:s9+$0x198D0] =	vst v4  }
0x18e: {  	[tilespmem:s9+$0x19950] =	vst v5  }
0x18f: {  	[tilespmem:s9+$0x19860] =	vst v3  }
0x190: {  	[tilespmem:s9+$0x198E0] =	vst v4  }
0x191: {  	[tilespmem:s9+$0x19960] =	vst v5  }
0x192: {  	[tilespmem:s9+$0x19870] =	vst v3  }
0x193: {  	[tilespmem:s9+$0x198F0] =	vst v4  }
0x194: {  	[tilespmem:s9+$0x19970] =	vst v5  }
0x195: {  	[tilespmem:s30], [sflag:$0x2] =	stream.indirect.gather [hbm4b:s1+s28], $0x80, s4, s28, $0xb8;
	[tilespmem:$0x1CA40] =	vst v63  }
0x196: {  	_ =	swait.ge [sflag:s3], $0x2000  }
0x197: {  	[sflag:s3] =	ssyncset.done $0x0  }
0x198: {  	s23 =	simm.s32 $0x0;
	[sflag:s3] =	ssyncadd.s32 $0xFFFFE000  }
0x199: {  	v6 =	vld [tilespmem:s23+$0x198C0];
	_ =	sdelay $0x4  }
0x19a: {  	(v2sf) =	vpush v6, $0x0;
	_ =	sdelay $0xe  }
0x19b: {  	s10 =	spop (v2sf)  }
0x19c: {  	s9 =	simm.s32 $0x19A80;
	s10 =	sshll.u32 s10, $0x9  }
0x19d: {  	v6 =	vld [tilespmem:s9+$0xFFFFFFC0];
	s10 =	sshra.s32 s10, $0x2  }
0x19e: {  	v7 =	vld [tilespmem:s10+$0x1BA40];
	_ =	sdelay $0x4  }
0x19f: {  	v6 =	vmul.f32 v7, v6;
	_ =	sdelay $0x1  }
0x1a0: {  	[tilespmem:s9+$0xFFFFFFC0] =	vst v6;
	v6 =	vld [tilespmem:s9+$0xFFFFFFD0]  }
0x1a1: {  	v7 =	vld [tilespmem:s10+$0x1BA50];
	_ =	sdelay $0x4  }
0x1a2: {  	v6 =	vmul.f32 v7, v6;
	_ =	sdelay $0x1  }
0x1a3: {  	[tilespmem:s9+$0xFFFFFFD0] =	vst v6;
	v6 =	vld [tilespmem:s9+$0xFFFFFFE0]  }
0x1a4: {  	v7 =	vld [tilespmem:s10+$0x1BA60];
	_ =	sdelay $0x4  }
0x1a5: {  	v6 =	vmul.f32 v7, v6;
	_ =	sdelay $0x1  }
0x1a6: {  	[tilespmem:s9+$0xFFFFFFE0] =	vst v6;
	v6 =	vld [tilespmem:s9+$0xFFFFFFF0]  }
0x1a7: {  	v7 =	vld [tilespmem:s10+$0x1BA70];
	_ =	sdelay $0x4  }
0x1a8: {  	v6 =	vmul.f32 v7, v6;
	_ =	sdelay $0x1  }
0x1a9: {  	[tilespmem:s9+$0xFFFFFFF0] =	vst v6;
	v6 =	vld [tilespmem:s9+$0x0]  }
0x1aa: {  	v7 =	vld [tilespmem:s10+$0x1BA80];
	_ =	sdelay $0x4  }
0x1ab: {  	v6 =	vmul.f32 v7, v6;
	_ =	sdelay $0x1  }
0x1ac: {  	[tilespmem:s9+$0x0] =	vst v6;
	v6 =	vld [tilespmem:s9+$0x10]  }
0x1ad: {  	v7 =	vld [tilespmem:s10+$0x1BA90];
	_ =	sdelay $0x4  }
0x1ae: {  	v6 =	vmul.f32 v7, v6;
	_ =	sdelay $0x1  }
0x1af: {  	[tilespmem:s9+$0x10] =	vst v6;
	v6 =	vld [tilespmem:s9+$0x20]  }
0x1b0: {  	v7 =	vld [tilespmem:s10+$0x1BAA0];
	_ =	sdelay $0x4  }
0x1b1: {  	v6 =	vmul.f32 v7, v6;
	_ =	sdelay $0x1  }
0x1b2: {  	[tilespmem:s9+$0x20] =	vst v6;
	v6 =	vld [tilespmem:s9+$0x30]  }
0x1b3: {  	v7 =	vld [tilespmem:s10+$0x1BAB0];
	_ =	sdelay $0x4  }
0x1b4: {  	v6 =	vmul.f32 v7, v6;
	_ =	sdelay $0x1  }
0x1b5: {  	s11 =	simm.s32 $0x1;
	s10 =	simm.s32 $0x8;
	[tilespmem:s9+$0x30] =	vst v6  }
.LBB2_18:
0x1b6: {  	p0 =	sne.s32 s10, $0xFC;
	v6 =	vld [tilespmem:s11+$0x198C0];
	_ =	sdelay $0x4  }
0x1b7: {  	(v2sf) =	vpush v6, $0x0;
	_ =	sdelay $0xe  }
0x1b8: {  	s11 =	spop (v2sf)  }
0x1b9: {  	s9 =	sadd.s32 $0x80, s9;
	s11 =	sshll.u32 s11, $0x9  }
0x1ba: {  	v6 =	vld [tilespmem:s9+$0xFFFFFFC0];
	s11 =	sshra.s32 s11, $0x2  }
0x1bb: {  	v7 =	vld [tilespmem:s11+$0x1BA40];
	_ =	sdelay $0x4  }
0x1bc: {  	v6 =	vmul.f32 v7, v6;
	_ =	sdelay $0x1  }
0x1bd: {  	[tilespmem:s9+$0xFFFFFFC0] =	vst v6;
	v6 =	vld [tilespmem:s9+$0xFFFFFFD0]  }
0x1be: {  	v7 =	vld [tilespmem:s11+$0x1BA50];
	_ =	sdelay $0x4  }
0x1bf: {  	v6 =	vmul.f32 v7, v6;
	_ =	sdelay $0x1  }
0x1c0: {  	[tilespmem:s9+$0xFFFFFFD0] =	vst v6;
	v6 =	vld [tilespmem:s9+$0xFFFFFFE0]  }
0x1c1: {  	v7 =	vld [tilespmem:s11+$0x1BA60];
	_ =	sdelay $0x4  }
0x1c2: {  	v6 =	vmul.f32 v7, v6;
	_ =	sdelay $0x1  }
0x1c3: {  	[tilespmem:s9+$0xFFFFFFE0] =	vst v6;
	v6 =	vld [tilespmem:s9+$0xFFFFFFF0]  }
0x1c4: {  	v7 =	vld [tilespmem:s11+$0x1BA70];
	_ =	sdelay $0x4  }
0x1c5: {  	v6 =	vmul.f32 v7, v6;
	_ =	sdelay $0x1  }
0x1c6: {  	[tilespmem:s9+$0xFFFFFFF0] =	vst v6;
	v6 =	vld [tilespmem:s9+$0x0]  }
0x1c7: {  	v7 =	vld [tilespmem:s11+$0x1BA80];
	_ =	sdelay $0x4  }
0x1c8: {  	v6 =	vmul.f32 v7, v6;
	_ =	sdelay $0x1  }
0x1c9: {  	[tilespmem:s9+$0x0] =	vst v6;
	v6 =	vld [tilespmem:s9+$0x10]  }
0x1ca: {  	v7 =	vld [tilespmem:s11+$0x1BA90];
	_ =	sdelay $0x4  }
0x1cb: {  	v6 =	vmul.f32 v7, v6;
	_ =	sdelay $0x1  }
0x1cc: {  	[tilespmem:s9+$0x10] =	vst v6;
	v6 =	vld [tilespmem:s9+$0x20]  }
0x1cd: {  	v7 =	vld [tilespmem:s11+$0x1BAA0];
	_ =	sdelay $0x4  }
0x1ce: {  	v6 =	vmul.f32 v7, v6;
	_ =	sdelay $0x1  }
0x1cf: {  	[tilespmem:s9+$0x20] =	vst v6;
	v6 =	vld [tilespmem:s9+$0x30]  }
0x1d0: {  	v7 =	vld [tilespmem:s11+$0x1BAB0];
	_ =	sdelay $0x2  }
.Ltmp13:
0x1d1: {  	(pc) =	sbr.rel @p0 .LBB2_18-.Ltmp13, $3  }
0x1d2: {  	_ = 	snop  }
0x1d3: {  	v6 =	vmul.f32 v7, v6;
	_ =	sdelay $0x1  }
0x1d4: {  	s11 =	sshra.s32 s10, $0x2;
	s10 =	sadd.s32 $0x4, s10;
	[tilespmem:s9+$0x30] =	vst v6  }
0x1d5: {  	v6 =	vld [tilespmem:s11+$0x198C0];
	_ =	sdelay $0x4  }
0x1d6: {  	(v2sf) =	vpush v6, $0x0;
	_ =	sdelay $0xe  }
0x1d7: {  	s10 =	spop (v2sf)  }
0x1d8: {  	s9 =	sadd.s32 $0x80, s9;
	s10 =	sshll.u32 s10, $0x9  }
0x1d9: {  	v6 =	vld [tilespmem:s9+$0xFFFFFFC0];
	s10 =	sshra.s32 s10, $0x2  }
0x1da: {  	v7 =	vld [tilespmem:s10+$0x1BA40];
	_ =	sdelay $0x4  }
0x1db: {  	v6 =	vmul.f32 v7, v6;
	_ =	sdelay $0x1  }
0x1dc: {  	[tilespmem:s9+$0xFFFFFFC0] =	vst v6;
	v6 =	vld [tilespmem:s9+$0xFFFFFFD0]  }
0x1dd: {  	v7 =	vld [tilespmem:s10+$0x1BA50];
	_ =	sdelay $0x4  }
0x1de: {  	v6 =	vmul.f32 v7, v6;
	_ =	sdelay $0x1  }
0x1df: {  	[tilespmem:s9+$0xFFFFFFD0] =	vst v6;
	v6 =	vld [tilespmem:s9+$0xFFFFFFE0]  }
0x1e0: {  	v7 =	vld [tilespmem:s10+$0x1BA60];
	_ =	sdelay $0x4  }
0x1e1: {  	v6 =	vmul.f32 v7, v6;
	_ =	sdelay $0x1  }
0x1e2: {  	[tilespmem:s9+$0xFFFFFFE0] =	vst v6;
	v6 =	vld [tilespmem:s9+$0xFFFFFFF0]  }
0x1e3: {  	v7 =	vld [tilespmem:s10+$0x1BA70];
	_ =	sdelay $0x4  }
0x1e4: {  	v6 =	vmul.f32 v7, v6;
	_ =	sdelay $0x1  }
0x1e5: {  	[tilespmem:s9+$0xFFFFFFF0] =	vst v6;
	v6 =	vld [tilespmem:s9+$0x0]  }
0x1e6: {  	v7 =	vld [tilespmem:s10+$0x1BA80];
	_ =	sdelay $0x4  }
0x1e7: {  	v6 =	vmul.f32 v7, v6;
	_ =	sdelay $0x1  }
0x1e8: {  	[tilespmem:s9+$0x0] =	vst v6;
	v6 =	vld [tilespmem:s9+$0x10]  }
0x1e9: {  	v7 =	vld [tilespmem:s10+$0x1BA90];
	_ =	sdelay $0x4  }
0x1ea: {  	v6 =	vmul.f32 v7, v6;
	_ =	sdelay $0x1  }
0x1eb: {  	[tilespmem:s9+$0x10] =	vst v6;
	v6 =	vld [tilespmem:s9+$0x20]  }
0x1ec: {  	v7 =	vld [tilespmem:s10+$0x1BAA0];
	_ =	sdelay $0x4  }
0x1ed: {  	v6 =	vmul.f32 v7, v6;
	_ =	sdelay $0x1  }
0x1ee: {  	[tilespmem:s9+$0x20] =	vst v6;
	v6 =	vld [tilespmem:s9+$0x30]  }
0x1ef: {  	v7 =	vld [tilespmem:s10+$0x1BAB0];
	_ =	sdelay $0x4  }
0x1f0: {  	v6 =	vmul.f32 v7, v6;
	_ =	sdelay $0x1  }
0x1f1: {  	[tilespmem:s9+$0x30] =	vst v6  }
0x1f2: {  	v6 =	vld [tilespmem:$0x19940]  }
0x1f3: {  	v7 =	vld [tilespmem:$0x19950]  }
0x1f4: {  	v8 =	vld [tilespmem:$0x19960]  }
0x1f5: {  	v9 =	vld [tilespmem:$0x19970];
	_ =	sdelay $0x1  }
0x1f6: {  	[tilespmem:$0x199C0] =	vst v6  }
0x1f7: {  	[tilespmem:$0x199D0] =	vst v7  }
0x1f8: {  	[tilespmem:$0x199E0] =	vst v8  }
0x1f9: {  	[tilespmem:$0x199F0] =	vst v9  }
0x1fa: {  	[spmem:s2] =	stream.indirect.scatter.add.f32 [tilespmem:s30], [sflag:$0x3], $0x80, s5, s28, $0xb8;
	[tilespmem:$0x1CA40] =	vst v63  }
0x1fb: {  	_ =	swait.ge [sflag:s29], $0x2000  }
0x1fc: {  	[sflag:s29] =	ssyncset.done $0x0  }
0x1fd: {  	[sflag:s29] =	ssyncadd.s32 $0xFFFFE000  }
0x1fe: {  	v6 =	vld [tilespmem:$0x19880]  }
0x1ff: {  	v7 =	vld [tilespmem:$0x19900]  }
0x200: {  	v63 =	vld [tilespmem:$0x19980];
	_ =	sdelay $0x2  }
0x201: {  	[tilespmem:$0x19840] =	vst v6  }
0x202: {  	[tilespmem:$0x198C0] =	vst v7  }
0x203: {  	s16 =	stileid.u32;
	[tilespmem:$0x19940] =	vst v63  }
0x204: {  	s9 =	sshll.u32 s16, $0x6;
	[bflag:$0x0] =	sbarrier.arrive $0xFFFF  }
0x205: {  	s23 =	sor.u32 $0x1C03, s9;
	s9 =	sshrl.u32 s8, $0x3;
	s17 =	rddreg [dreg:$0xe]  }
0x206: {  	[hbm:s17], [sflag:s23] =	dma.local [spmem:s9], $0x3100  }
0x207: {  	_ =	swait.ge [sflag:s29], $0x3100  }
0x208: {  	[sflag:s29] =	ssyncset.done $0x0  }
0x209: {  	[sflag:s29] =	ssyncadd.s32 $0xFFFFCF00  }
0x20a: {  	s11 =	simm.s32 $0x200;
	s10 =	simm.s32 $0x0;
	[bflag:$0x0] =	sbarrier.arrive $0xFFFF  }
.LBB2_20:
0x20b: {  	p0 =	sne.s32 s11, $0x7E00;
	[tilespmem:s10+$0x19AB0] =	vst v2  }
0x20c: {  	[tilespmem:s10+$0x19A40] =	vst v2  }
0x20d: {  	[tilespmem:s10+$0x19A50] =	vst v2  }
.Ltmp14:
0x20e: {  	[tilespmem:s10+$0x19A60] =	vst v2;
	(pc) =	sbr.rel @p0 .LBB2_20-.Ltmp14, $4  }
0x20f: {  	[tilespmem:s10+$0x19A70] =	vst v2  }
0x210: {  	[tilespmem:s10+$0x19A80] =	vst v2  }
0x211: {  	[tilespmem:s10+$0x19A90] =	vst v2  }
0x212: {  	[tilespmem:s10+$0x19AA0] =	vst v2;
	s10 =	sshra.s32 s11, $0x2;
	s11 =	sadd.s32 $0x200, s11  }
0x213: {  	[tilespmem:s10+$0x19AB0] =	vst v2  }
0x214: {  	[tilespmem:s10+$0x19A40] =	vst v2  }
0x215: {  	[tilespmem:s10+$0x19A50] =	vst v2  }
0x216: {  	[tilespmem:s10+$0x19A60] =	vst v2  }
0x217: {  	[tilespmem:s10+$0x19A70] =	vst v2  }
0x218: {  	[tilespmem:s10+$0x19A80] =	vst v2  }
0x219: {  	[tilespmem:s10+$0x19A90] =	vst v2  }
0x21a: {  	[tilespmem:s10+$0x19AA0] =	vst v2  }
0x21b: {  	[spmem:s8] =	stream.linear.scatter [tilespmem:s30], [sflag:$0x3], $0x2000, $0x38;
	[tilespmem:$0x1CA40] =	vst v63  }
0x21c: {  	_ =	swait.ge [sflag:s29], $0x2000  }
0x21d: {  	[sflag:s29] =	ssyncset.done $0x0  }
0x21e: {  	s16 =	rddreg [dreg:$0x5];
	[sflag:s29] =	ssyncadd.s32 $0xFFFFE000  }
0x21f: {  	[spmem:s16] =	stream.linear.scatter [tilespmem:s30], [sflag:$0x3], $0x2000, $0x38;
	[tilespmem:$0x1CA40] =	vst v63  }
0x220: {  	_ =	swait.ge [sflag:s29], $0x2000  }
0x221: {  	[sflag:s29] =	ssyncset.done $0x0  }
0x222: {  	s17 =	rddreg [dreg:$0x6];
	[sflag:s29] =	ssyncadd.s32 $0xFFFFE000  }
0x223: {  	[spmem:s17] =	stream.linear.scatter [tilespmem:s30], [sflag:$0x3], $0x2000, $0x38;
	[tilespmem:$0x1CA40] =	vst v63  }
0x224: {  	_ =	swait.ge [sflag:s29], $0x2000  }
0x225: {  	[sflag:s29] =	ssyncset.done $0x0  }
0x226: {  	s11 =	rddreg [dreg:$0x7];
	[sflag:s29] =	ssyncadd.s32 $0xFFFFE000  }
0x227: {  	[spmem:s11] =	stream.linear.scatter [tilespmem:s30], [sflag:$0x3], $0x2000, $0x38;
	[tilespmem:$0x1CA40] =	vst v63  }
0x228: {  	_ =	swait.ge [sflag:s29], $0x2000  }
0x229: {  	[sflag:s29] =	ssyncset.done $0x0  }
0x22a: {  	s12 =	rddreg [dreg:$0x8];
	[sflag:s29] =	ssyncadd.s32 $0xFFFFE000  }
0x22b: {  	[spmem:s12] =	stream.linear.scatter [tilespmem:s30], [sflag:$0x3], $0x2000, $0x38;
	[tilespmem:$0x1CA40] =	vst v63  }
0x22c: {  	_ =	swait.ge [sflag:s29], $0x2000  }
0x22d: {  	[sflag:s29] =	ssyncset.done $0x0  }
0x22e: {  	s13 =	rddreg [dreg:$0x9];
	[sflag:s29] =	ssyncadd.s32 $0xFFFFE000  }
0x22f: {  	[spmem:s13] =	stream.linear.scatter [tilespmem:s30], [sflag:$0x3], $0x2000, $0x38;
	[tilespmem:$0x1CA40] =	vst v63  }
0x230: {  	_ =	swait.ge [sflag:s29], $0x2000  }
0x231: {  	[sflag:s29] =	ssyncset.done $0x0  }
0x232: {  	s14 =	rddreg [dreg:$0xa];
	[sflag:s29] =	ssyncadd.s32 $0xFFFFE000  }
0x233: {  	[spmem:s14] =	stream.linear.scatter [tilespmem:s30], [sflag:$0x3], $0x2000, $0x38;
	[tilespmem:$0x1CA40] =	vst v63  }
0x234: {  	_ =	swait.ge [sflag:s29], $0x2000  }
0x235: {  	[sflag:s29] =	ssyncset.done $0x0  }
0x236: {  	s15 =	rddreg [dreg:$0xb];
	[sflag:s29] =	ssyncadd.s32 $0xFFFFE000  }
0x237: {  	[spmem:s15] =	stream.linear.scatter [tilespmem:s30], [sflag:$0x3], $0x2000, $0x38;
	[tilespmem:$0x1CA40] =	vst v63  }
0x238: {  	_ =	swait.ge [sflag:s29], $0x2000  }
0x239: {  	[sflag:s29] =	ssyncset.done $0x0  }
0x23a: {  	s16 =	rddreg [dreg:$0xc];
	[sflag:s29] =	ssyncadd.s32 $0xFFFFE000  }
0x23b: {  	[spmem:s16] =	stream.linear.scatter [tilespmem:s30], [sflag:$0x3], $0x2000, $0x38;
	[tilespmem:$0x1CA40] =	vst v63  }
0x23c: {  	_ =	swait.ge [sflag:s29], $0x2000  }
0x23d: {  	[sflag:s29] =	ssyncset.done $0x0  }
0x23e: {  	s17 =	rddreg [dreg:$0xd];
	[sflag:s29] =	ssyncadd.s32 $0xFFFFE000  }
0x23f: {  	[spmem:s17] =	stream.linear.scatter [tilespmem:s30], [sflag:$0x3], $0x2000, $0x38;
	[tilespmem:$0x1CA40] =	vst v63  }
0x240: {  	_ =	swait.ge [sflag:s29], $0x2000  }
0x241: {  	[sflag:s29] =	ssyncset.done $0x0  }
0x242: {  	[sflag:s29] =	ssyncadd.s32 $0xFFFFE000  }
0x243: {  	[spmem:s20] =	stream.linear.scatter [tilespmem:s30], [sflag:$0x3], $0x2000, $0x38;
	[tilespmem:$0x1CA40] =	vst v63  }
0x244: {  	_ =	swait.ge [sflag:s29], $0x2000  }
0x245: {  	[sflag:s29] =	ssyncset.done $0x0  }
0x246: {  	[sflag:s29] =	ssyncadd.s32 $0xFFFFE000  }
0x247: {  	[spmem:s24] =	stream.linear.scatter [tilespmem:s30], [sflag:$0x3], $0x2000, $0x38;
	[tilespmem:$0x1CA40] =	vst v63  }
0x248: {  	_ =	swait.ge [sflag:s29], $0x2000  }
0x249: {  	[sflag:s29] =	ssyncset.done $0x0  }
0x24a: {  	[sflag:s29] =	ssyncadd.s32 $0xFFFFE000  }
0x24b: {  	[spmem:s25] =	stream.linear.scatter [tilespmem:s30], [sflag:$0x3], $0x800, $0x38;
	[tilespmem:$0x1CA40] =	vst v63  }
0x24c: {  	_ =	swait.ge [sflag:s29], $0x800  }
0x24d: {  	[sflag:s29] =	ssyncset.done $0x0  }
0x24e: {  	[sflag:s29] =	ssyncadd.s32 $0xFFFFF800  }
.Ltmp15:
0x24f: {  	s11 =	simm.s32 $0x0;
	[bflag:$0x0] =	sbarrier.arrive $0xFFFF;
	(pc) =	sbr.rel .LBB2_22-.Ltmp15, $4  }
0x250: {  	[tilespmem:s31], [sflag:$0x3] =	stream.linear.gather [hbm4b:s21+s11], $0x800, $0x38;
	[tilespmem:$0x1CA40] =	vst v63  }
0x251: {  	_ =	swait.ge [sflag:s29], $0x800  }
0x252: {  	[sflag:s29] =	ssyncset.done $0x0  }
0x253: {  	s10 =	simm.s32 $0x0;
	s12 =	simm.s32 $0x0;
	[sflag:s29] =	ssyncadd.s32 $0xFFFFF800  }
.LBB2_34:
0x254: {  	s12 =	sadd.s32 $0x1, s12  }
0x255: {  	p0 =	sne.s32 s12, $0x27  }
.Ltmp16:
0x256: {  	_ = 	snop;
	(pc) =	sbr.rel @!p0 .LBB2_35-.Ltmp16, $4  }
0x257: {  	_ = 	snop  }
0x258: {  	_ =	swait.ge [sflag:s18], $0x800  }
0x259: {  	[sflag:s18] =	ssyncset.done $0x0  }
0x25a: {  	[sflag:s18] =	ssyncadd.s32 $0xFFFFF800  }
.LBB2_22:
0x25b: {  	s13 =	sshll.u32 s12, $0x1  }
.Ltmp17:
0x25c: {  	s14 =	sadd.s32 s7, s13;
	(pc) =	sbr.rel .LBB2_23-.Ltmp17, $4  }
0x25d: {  	s14 =	sshll.u32 s14, $0x8  }
0x25e: {  	s14 =	sadd.s32 s14, s22  }
0x25f: {  	[tilespmem:s0], [sflag:$0x1] =	stream.linear.gather [hbm4b:s14+s11], $0x800, $0x38;
	[tilespmem:$0x1CA40] =	vst v63  }
0x260: {  	s14 =	simm.s32 $0x0  }
.LBB2_26:
0x261: {  	v6 =	vld [tilespmem:s17+$0x198C0];
	_ =	sdelay $0x4  }
0x262: {  	(v2sf) =	vpush v6, $0x0;
	_ =	sdelay $0xe  }
0x263: {  	s16 =	spop (v2sf)  }
0x264: {  	s15 =	sadd.s32 $0x80, s15;
	s16 =	sshll.u32 s16, $0x9  }
0x265: {  	v6 =	vld [tilespmem:s15+$0xFFFFFFC0];
	s16 =	sshra.s32 s16, $0x2  }
0x266: {  	v7 =	vld [tilespmem:s16+$0x1BA40];
	_ =	sdelay $0x4  }
0x267: {  	v6 =	vmul.f32 v7, v6;
	_ =	sdelay $0x1  }
0x268: {  	[tilespmem:s15+$0xFFFFFFC0] =	vst v6;
	v6 =	vld [tilespmem:s15+$0xFFFFFFD0]  }
0x269: {  	v7 =	vld [tilespmem:s16+$0x1BA50];
	_ =	sdelay $0x4  }
0x26a: {  	v6 =	vmul.f32 v7, v6;
	_ =	sdelay $0x1  }
0x26b: {  	[tilespmem:s15+$0xFFFFFFD0] =	vst v6;
	v6 =	vld [tilespmem:s15+$0xFFFFFFE0]  }
0x26c: {  	v7 =	vld [tilespmem:s16+$0x1BA60];
	_ =	sdelay $0x4  }
0x26d: {  	v6 =	vmul.f32 v7, v6;
	_ =	sdelay $0x1  }
0x26e: {  	[tilespmem:s15+$0xFFFFFFE0] =	vst v6;
	v6 =	vld [tilespmem:s15+$0xFFFFFFF0]  }
0x26f: {  	v7 =	vld [tilespmem:s16+$0x1BA70];
	_ =	sdelay $0x4  }
0x270: {  	v6 =	vmul.f32 v7, v6;
	_ =	sdelay $0x1  }
0x271: {  	[tilespmem:s15+$0xFFFFFFF0] =	vst v6;
	v6 =	vld [tilespmem:s15+$0x0]  }
0x272: {  	v7 =	vld [tilespmem:s16+$0x1BA80];
	_ =	sdelay $0x4  }
0x273: {  	v6 =	vmul.f32 v7, v6;
	_ =	sdelay $0x1  }
0x274: {  	[tilespmem:s15+$0x0] =	vst v6;
	v6 =	vld [tilespmem:s15+$0x10]  }
0x275: {  	v7 =	vld [tilespmem:s16+$0x1BA90];
	_ =	sdelay $0x4  }
0x276: {  	v6 =	vmul.f32 v7, v6;
	_ =	sdelay $0x1  }
0x277: {  	[tilespmem:s15+$0x10] =	vst v6;
	v6 =	vld [tilespmem:s15+$0x20]  }
0x278: {  	v7 =	vld [tilespmem:s16+$0x1BAA0];
	_ =	sdelay $0x4  }
0x279: {  	v6 =	vmul.f32 v7, v6;
	_ =	sdelay $0x1  }
0x27a: {  	[tilespmem:s15+$0x20] =	vst v6;
	v6 =	vld [tilespmem:s15+$0x30]  }
0x27b: {  	v7 =	vld [tilespmem:s16+$0x1BAB0];
	_ =	sdelay $0x4  }
0x27c: {  	v6 =	vmul.f32 v7, v6;
	_ =	sdelay $0x1  }
0x27d: {  	[tilespmem:s15+$0x30] =	vst v6  }
0x27e: {  	v6 =	vld [tilespmem:$0x19940]  }
0x27f: {  	v7 =	vld [tilespmem:$0x19950]  }
0x280: {  	v8 =	vld [tilespmem:$0x19960]  }
0x281: {  	v9 =	vld [tilespmem:$0x19970];
	_ =	sdelay $0x1  }
0x282: {  	[tilespmem:$0x199C0] =	vst v6  }
0x283: {  	[tilespmem:$0x199D0] =	vst v7  }
0x284: {  	[tilespmem:$0x199E0] =	vst v8  }
0x285: {  	[tilespmem:$0x199F0] =	vst v9  }
0x286: {  	[spmem:s2] =	stream.indirect.scatter.add.f32 [tilespmem:s30], [sflag:$0x3], $0x80, s5, s28, $0xb8;
	[tilespmem:$0x1CA40] =	vst v63  }
0x287: {  	_ =	swait.ge [sflag:s29], $0x2000  }
0x288: {  	[sflag:s29] =	ssyncset.done $0x0  }
0x289: {  	[sflag:s29] =	ssyncadd.s32 $0xFFFFE000  }
0x28a: {  	v6 =	vld [tilespmem:$0x19880]  }
0x28b: {  	v7 =	vld [tilespmem:$0x19900]  }
0x28c: {  	v63 =	vld [tilespmem:$0x19980];
	_ =	sdelay $0x2  }
0x28d: {  	[tilespmem:$0x19840] =	vst v6  }
0x28e: {  	[tilespmem:$0x198C0] =	vst v7  }
0x28f: {  	s10 =	sadd.s32 $0xFFFFFFC0, s10;
	[tilespmem:$0x19940] =	vst v63  }
.LBB2_27:
0x290: {  	s14 =	sadd.s32 $0x1, s14  }
0x291: {  	p0 =	sne.s32 s14, $0x20  }
.Ltmp18:
0x292: {  	_ = 	snop;
	(pc) =	sbr.rel @!p0 .LBB2_28-.Ltmp18, $1  }
0x293: {  	_ =	sdelay $0x3  }
.LBB2_23:
0x294: {  	s15 =	sshll.u32 s14, $0x4;
	s16 =	sshll.u32 s14, $0x6  }
0x295: {  	s15 =	sand.u32 $0x70, s15;
	s16 =	sand.u32 $0x600, s16  }
0x296: {  	s15 =	sor.u32 s15, s16  }
0x297: {  	v6 =	vld [tilespmem:s15+$0x18840];
	_ =	sdelay $0x4  }
0x298: {  	v6 =	vsub.s32 v6, v1  }
0x299: {  	vm0 =	vlt.u32 v6, $0x3100  }
0x29a: {  	v7 =	vsel vm0, $0x1, v3  }
0x29b: {  	(xrf0) =	vadd.scan.msk.s32 $0xffff, v7;
	_ =	sdelay $0x5  }
0x29c: {  	v7, _, _ =	vpop (xrf0)  }
0x29d: {  	(v2sf) =	vpush v7, $0xF;
	_ =	sdelay $0x7  }
0x29e: {  	s15 =	sadd.s32 $0x18840, s15  }
0x29f: {  	v7 =	vld [tilespmem:s15+$0x80]  }
0x2a0: {  	v8 =	vld [tilespmem:s15+$0x100];
	_ =	sdelay $0x3  }
0x2a1: {  	[tilespmem:s10+$0x19840] =	vst.msk vm0, v7  }
0x2a2: {  	[tilespmem:s10+$0x198C0] =	vst.msk vm0, v8;
	s17 =	spop (v2sf)  }
0x2a3: {  	[tilespmem:s10+$0x19940] =	vst.msk vm0, v6;
	s10 =	sadd.s32 s10, s17  }
0x2a4: {  	p0 =	slt.s32 s10, $0x40  }
.Ltmp19:
0x2a5: {  	_ = 	snop;
	(pc) =	sbr.rel @p0 .LBB2_27-.Ltmp19, $1  }
0x2a6: {  	_ =	sdelay $0x3  }
0x2a7: {  	[tilespmem:s30], [sflag:$0x2] =	stream.indirect.gather [hbm4b:s1+s28], $0x80, s4, s28, $0xb8;
	[tilespmem:$0x1CA40] =	vst v63  }
0x2a8: {  	_ =	swait.ge [sflag:s3], $0x2000  }
0x2a9: {  	[sflag:s3] =	ssyncset.done $0x0  }
0x2aa: {  	s15 =	simm.s32 $0x0;
	[sflag:s3] =	ssyncadd.s32 $0xFFFFE000  }
0x2ab: {  	v6 =	vld [tilespmem:s15+$0x198C0];
	_ =	sdelay $0x4  }
0x2ac: {  	(v2sf) =	vpush v6, $0x0;
	_ =	sdelay $0xe  }
0x2ad: {  	s16 =	spop (v2sf)  }
0x2ae: {  	s15 =	simm.s32 $0x19A80;
	s16 =	sshll.u32 s16, $0x9  }
0x2af: {  	v6 =	vld [tilespmem:s15+$0xFFFFFFC0];
	s16 =	sshra.s32 s16, $0x2  }
0x2b0: {  	v7 =	vld [tilespmem:s16+$0x1BA40];
	_ =	sdelay $0x4  }
0x2b1: {  	v6 =	vmul.f32 v7, v6;
	_ =	sdelay $0x1  }
0x2b2: {  	[tilespmem:s15+$0xFFFFFFC0] =	vst v6;
	v6 =	vld [tilespmem:s15+$0xFFFFFFD0]  }
0x2b3: {  	v7 =	vld [tilespmem:s16+$0x1BA50];
	_ =	sdelay $0x4  }
0x2b4: {  	v6 =	vmul.f32 v7, v6;
	_ =	sdelay $0x1  }
0x2b5: {  	[tilespmem:s15+$0xFFFFFFD0] =	vst v6;
	v6 =	vld [tilespmem:s15+$0xFFFFFFE0]  }
0x2b6: {  	v7 =	vld [tilespmem:s16+$0x1BA60];
	_ =	sdelay $0x4  }
0x2b7: {  	v6 =	vmul.f32 v7, v6;
	_ =	sdelay $0x1  }
0x2b8: {  	[tilespmem:s15+$0xFFFFFFE0] =	vst v6;
	v6 =	vld [tilespmem:s15+$0xFFFFFFF0]  }
0x2b9: {  	v7 =	vld [tilespmem:s16+$0x1BA70];
	_ =	sdelay $0x4  }
0x2ba: {  	v6 =	vmul.f32 v7, v6;
	_ =	sdelay $0x1  }
0x2bb: {  	[tilespmem:s15+$0xFFFFFFF0] =	vst v6;
	v6 =	vld [tilespmem:s15+$0x0]  }
0x2bc: {  	v7 =	vld [tilespmem:s16+$0x1BA80];
	_ =	sdelay $0x4  }
0x2bd: {  	v6 =	vmul.f32 v7, v6;
	_ =	sdelay $0x1  }
0x2be: {  	[tilespmem:s15+$0x0] =	vst v6;
	v6 =	vld [tilespmem:s15+$0x10]  }
0x2bf: {  	v7 =	vld [tilespmem:s16+$0x1BA90];
	_ =	sdelay $0x4  }
0x2c0: {  	v6 =	vmul.f32 v7, v6;
	_ =	sdelay $0x1  }
0x2c1: {  	[tilespmem:s15+$0x10] =	vst v6;
	v6 =	vld [tilespmem:s15+$0x20]  }
0x2c2: {  	v7 =	vld [tilespmem:s16+$0x1BAA0];
	_ =	sdelay $0x4  }
0x2c3: {  	v6 =	vmul.f32 v7, v6;
	_ =	sdelay $0x1  }
0x2c4: {  	[tilespmem:s15+$0x20] =	vst v6;
	v6 =	vld [tilespmem:s15+$0x30]  }
0x2c5: {  	v7 =	vld [tilespmem:s16+$0x1BAB0];
	_ =	sdelay $0x4  }
0x2c6: {  	v6 =	vmul.f32 v7, v6;
	_ =	sdelay $0x1  }
0x2c7: {  	s17 =	simm.s32 $0x1;
	s16 =	simm.s32 $0x8;
	[tilespmem:s15+$0x30] =	vst v6  }
.LBB2_25:
0x2c8: {  	p0 =	sne.s32 s16, $0xFC;
	v6 =	vld [tilespmem:s17+$0x198C0];
	_ =	sdelay $0x4  }
0x2c9: {  	(v2sf) =	vpush v6, $0x0;
	_ =	sdelay $0xe  }
0x2ca: {  	s17 =	spop (v2sf)  }
0x2cb: {  	s15 =	sadd.s32 $0x80, s15;
	s17 =	sshll.u32 s17, $0x9  }
0x2cc: {  	v6 =	vld [tilespmem:s15+$0xFFFFFFC0];
	s17 =	sshra.s32 s17, $0x2  }
0x2cd: {  	v7 =	vld [tilespmem:s17+$0x1BA40];
	_ =	sdelay $0x4  }
0x2ce: {  	v6 =	vmul.f32 v7, v6;
	_ =	sdelay $0x1  }
0x2cf: {  	[tilespmem:s15+$0xFFFFFFC0] =	vst v6;
	v6 =	vld [tilespmem:s15+$0xFFFFFFD0]  }
0x2d0: {  	v7 =	vld [tilespmem:s17+$0x1BA50];
	_ =	sdelay $0x4  }
0x2d1: {  	v6 =	vmul.f32 v7, v6;
	_ =	sdelay $0x1  }
0x2d2: {  	[tilespmem:s15+$0xFFFFFFD0] =	vst v6;
	v6 =	vld [tilespmem:s15+$0xFFFFFFE0]  }
0x2d3: {  	v7 =	vld [tilespmem:s17+$0x1BA60];
	_ =	sdelay $0x4  }
0x2d4: {  	v6 =	vmul.f32 v7, v6;
	_ =	sdelay $0x1  }
0x2d5: {  	[tilespmem:s15+$0xFFFFFFE0] =	vst v6;
	v6 =	vld [tilespmem:s15+$0xFFFFFFF0]  }
0x2d6: {  	v7 =	vld [tilespmem:s17+$0x1BA70];
	_ =	sdelay $0x4  }
0x2d7: {  	v6 =	vmul.f32 v7, v6;
	_ =	sdelay $0x1  }
0x2d8: {  	[tilespmem:s15+$0xFFFFFFF0] =	vst v6;
	v6 =	vld [tilespmem:s15+$0x0]  }
0x2d9: {  	v7 =	vld [tilespmem:s17+$0x1BA80];
	_ =	sdelay $0x4  }
0x2da: {  	v6 =	vmul.f32 v7, v6;
	_ =	sdelay $0x1  }
0x2db: {  	[tilespmem:s15+$0x0] =	vst v6;
	v6 =	vld [tilespmem:s15+$0x10]  }
0x2dc: {  	v7 =	vld [tilespmem:s17+$0x1BA90];
	_ =	sdelay $0x4  }
0x2dd: {  	v6 =	vmul.f32 v7, v6;
	_ =	sdelay $0x1  }
0x2de: {  	[tilespmem:s15+$0x10] =	vst v6;
	v6 =	vld [tilespmem:s15+$0x20]  }
0x2df: {  	v7 =	vld [tilespmem:s17+$0x1BAA0];
	_ =	sdelay $0x4  }
0x2e0: {  	v6 =	vmul.f32 v7, v6;
	_ =	sdelay $0x1  }
0x2e1: {  	[tilespmem:s15+$0x20] =	vst v6;
	v6 =	vld [tilespmem:s15+$0x30]  }
0x2e2: {  	v7 =	vld [tilespmem:s17+$0x1BAB0];
	_ =	sdelay $0x2  }
.Ltmp20:
0x2e3: {  	(pc) =	sbr.rel @p0 .LBB2_25-.Ltmp20, $3  }
0x2e4: {  	_ = 	snop  }
0x2e5: {  	v6 =	vmul.f32 v7, v6;
	_ =	sdelay $0x1  }
0x2e6: {  	s17 =	sshra.s32 s16, $0x2;
	s16 =	sadd.s32 $0x4, s16;
	[tilespmem:s15+$0x30] =	vst v6  }
.Ltmp21:
0x2e7: {  	_ = 	snop;
	(pc) =	sbr.rel .LBB2_26-.Ltmp21, $1  }
0x2e8: {  	_ =	sdelay $0x3  }
.LBB2_28:
.Ltmp22:
0x2e9: {  	s13 =	smin.u32 s13, $0x4B;
	(pc) =	sbr.rel .LBB2_29-.Ltmp22, $4  }
0x2ea: {  	_ =	swait.ge [sflag:s18], $0x800;
	s13 =	sadd.s32 s13, s26  }
0x2eb: {  	[sflag:s18] =	ssyncset.done $0x0;
	s13 =	sshll.u32 s13, $0x8  }
0x2ec: {  	[sflag:s18] =	ssyncadd.s32 $0xFFFFF800;
	s14 =	sadd.s32 s6, s13;
	s13 =	simm.s32 $0x0  }
0x2ed: {  	[tilespmem:s31], [sflag:$0x1] =	stream.linear.gather [hbm4b:s14+s13], $0x800, $0x38;
	[tilespmem:$0x1CA40] =	vst v63  }
.LBB2_32:
0x2ee: {  	v6 =	vld [tilespmem:s16+$0x198C0];
	_ =	sdelay $0x4  }
0x2ef: {  	(v2sf) =	vpush v6, $0x0;
	_ =	sdelay $0xe  }
0x2f0: {  	s15 =	spop (v2sf)  }
0x2f1: {  	s14 =	sadd.s32 $0x80, s14;
	s15 =	sshll.u32 s15, $0x9  }
0x2f2: {  	v6 =	vld [tilespmem:s14+$0xFFFFFFC0];
	s15 =	sshra.s32 s15, $0x2  }
0x2f3: {  	v7 =	vld [tilespmem:s15+$0x1BA40];
	_ =	sdelay $0x4  }
0x2f4: {  	v6 =	vmul.f32 v7, v6;
	_ =	sdelay $0x1  }
0x2f5: {  	[tilespmem:s14+$0xFFFFFFC0] =	vst v6;
	v6 =	vld [tilespmem:s14+$0xFFFFFFD0]  }
0x2f6: {  	v7 =	vld [tilespmem:s15+$0x1BA50];
	_ =	sdelay $0x4  }
0x2f7: {  	v6 =	vmul.f32 v7, v6;
	_ =	sdelay $0x1  }
0x2f8: {  	[tilespmem:s14+$0xFFFFFFD0] =	vst v6;
	v6 =	vld [tilespmem:s14+$0xFFFFFFE0]  }
0x2f9: {  	v7 =	vld [tilespmem:s15+$0x1BA60];
	_ =	sdelay $0x4  }
0x2fa: {  	v6 =	vmul.f32 v7, v6;
	_ =	sdelay $0x1  }
0x2fb: {  	[tilespmem:s14+$0xFFFFFFE0] =	vst v6;
	v6 =	vld [tilespmem:s14+$0xFFFFFFF0]  }
0x2fc: {  	v7 =	vld [tilespmem:s15+$0x1BA70];
	_ =	sdelay $0x4  }
0x2fd: {  	v6 =	vmul.f32 v7, v6;
	_ =	sdelay $0x1  }
0x2fe: {  	[tilespmem:s14+$0xFFFFFFF0] =	vst v6;
	v6 =	vld [tilespmem:s14+$0x0]  }
0x2ff: {  	v7 =	vld [tilespmem:s15+$0x1BA80];
	_ =	sdelay $0x4  }
0x300: {  	v6 =	vmul.f32 v7, v6;
	_ =	sdelay $0x1  }
0x301: {  	[tilespmem:s14+$0x0] =	vst v6;
	v6 =	vld [tilespmem:s14+$0x10]  }
0x302: {  	v7 =	vld [tilespmem:s15+$0x1BA90];
	_ =	sdelay $0x4  }
0x303: {  	v6 =	vmul.f32 v7, v6;
	_ =	sdelay $0x1  }
0x304: {  	[tilespmem:s14+$0x10] =	vst v6;
	v6 =	vld [tilespmem:s14+$0x20]  }
0x305: {  	v7 =	vld [tilespmem:s15+$0x1BAA0];
	_ =	sdelay $0x4  }
0x306: {  	v6 =	vmul.f32 v7, v6;
	_ =	sdelay $0x1  }
0x307: {  	[tilespmem:s14+$0x20] =	vst v6;
	v6 =	vld [tilespmem:s14+$0x30]  }
0x308: {  	v7 =	vld [tilespmem:s15+$0x1BAB0];
	_ =	sdelay $0x4  }
0x309: {  	v6 =	vmul.f32 v7, v6;
	_ =	sdelay $0x1  }
0x30a: {  	[tilespmem:s14+$0x30] =	vst v6  }
0x30b: {  	v6 =	vld [tilespmem:$0x19940]  }
0x30c: {  	v7 =	vld [tilespmem:$0x19950]  }
0x30d: {  	v8 =	vld [tilespmem:$0x19960]  }
0x30e: {  	v9 =	vld [tilespmem:$0x19970];
	_ =	sdelay $0x1  }
0x30f: {  	[tilespmem:$0x199C0] =	vst v6  }
0x310: {  	[tilespmem:$0x199D0] =	vst v7  }
0x311: {  	[tilespmem:$0x199E0] =	vst v8  }
0x312: {  	[tilespmem:$0x199F0] =	vst v9  }
0x313: {  	[spmem:s2] =	stream.indirect.scatter.add.f32 [tilespmem:s30], [sflag:$0x3], $0x80, s5, s28, $0xb8;
	[tilespmem:$0x1CA40] =	vst v63  }
0x314: {  	_ =	swait.ge [sflag:s29], $0x2000  }
0x315: {  	[sflag:s29] =	ssyncset.done $0x0  }
0x316: {  	[sflag:s29] =	ssyncadd.s32 $0xFFFFE000  }
0x317: {  	v6 =	vld [tilespmem:$0x19880]  }
0x318: {  	v7 =	vld [tilespmem:$0x19900]  }
0x319: {  	v63 =	vld [tilespmem:$0x19980];
	_ =	sdelay $0x2  }
0x31a: {  	[tilespmem:$0x19840] =	vst v6  }
0x31b: {  	[tilespmem:$0x198C0] =	vst v7  }
0x31c: {  	s10 =	sadd.s32 $0xFFFFFFC0, s10;
	[tilespmem:$0x19940] =	vst v63  }
.LBB2_33:
0x31d: {  	s13 =	sadd.s32 $0x1, s13  }
0x31e: {  	p0 =	sne.s32 s13, $0x20  }
.Ltmp23:
0x31f: {  	_ = 	snop;
	(pc) =	sbr.rel @!p0 .LBB2_34-.Ltmp23, $1  }
0x320: {  	_ =	sdelay $0x3  }
.LBB2_29:
0x321: {  	s14 =	sshll.u32 s13, $0x4;
	s15 =	sshll.u32 s13, $0x6  }
0x322: {  	s14 =	sand.u32 $0x70, s14;
	s15 =	sand.u32 $0x600, s15  }
0x323: {  	s14 =	sor.u32 s14, s15  }
0x324: {  	v6 =	vld [tilespmem:s14+$0x19040];
	_ =	sdelay $0x4  }
0x325: {  	v6 =	vsub.s32 v6, v1  }
0x326: {  	vm0 =	vlt.u32 v6, $0x3100  }
0x327: {  	v7 =	vsel vm0, $0x1, v3  }
0x328: {  	(xrf0) =	vadd.scan.msk.s32 $0xffff, v7;
	_ =	sdelay $0x5  }
0x329: {  	v7, _, _ =	vpop (xrf0)  }
0x32a: {  	(v2sf) =	vpush v7, $0xF;
	_ =	sdelay $0x7  }
0x32b: {  	s14 =	sadd.s32 $0x19040, s14  }
0x32c: {  	v7 =	vld [tilespmem:s14+$0x80]  }
0x32d: {  	v8 =	vld [tilespmem:s14+$0x100];
	_ =	sdelay $0x3  }
0x32e: {  	[tilespmem:s10+$0x19840] =	vst.msk vm0, v7  }
0x32f: {  	[tilespmem:s10+$0x198C0] =	vst.msk vm0, v8;
	s17 =	spop (v2sf)  }
0x330: {  	[tilespmem:s10+$0x19940] =	vst.msk vm0, v6;
	s10 =	sadd.s32 s10, s17  }
0x331: {  	p0 =	slt.s32 s10, $0x40  }
.Ltmp24:
0x332: {  	_ = 	snop;
	(pc) =	sbr.rel @p0 .LBB2_33-.Ltmp24, $1  }
0x333: {  	_ =	sdelay $0x3  }
0x334: {  	[tilespmem:s30], [sflag:$0x2] =	stream.indirect.gather [hbm4b:s1+s28], $0x80, s4, s28, $0xb8;
	[tilespmem:$0x1CA40] =	vst v63  }
0x335: {  	_ =	swait.ge [sflag:s3], $0x2000  }
0x336: {  	[sflag:s3] =	ssyncset.done $0x0  }
0x337: {  	s14 =	simm.s32 $0x0;
	[sflag:s3] =	ssyncadd.s32 $0xFFFFE000  }
0x338: {  	v6 =	vld [tilespmem:s14+$0x198C0];
	_ =	sdelay $0x4  }
0x339: {  	(v2sf) =	vpush v6, $0x0;
	_ =	sdelay $0xe  }
0x33a: {  	s15 =	spop (v2sf)  }
0x33b: {  	s14 =	simm.s32 $0x19A80;
	s15 =	sshll.u32 s15, $0x9  }
0x33c: {  	v6 =	vld [tilespmem:s14+$0xFFFFFFC0];
	s15 =	sshra.s32 s15, $0x2  }
0x33d: {  	v7 =	vld [tilespmem:s15+$0x1BA40];
	_ =	sdelay $0x4  }
0x33e: {  	v6 =	vmul.f32 v7, v6;
	_ =	sdelay $0x1  }
0x33f: {  	[tilespmem:s14+$0xFFFFFFC0] =	vst v6;
	v6 =	vld [tilespmem:s14+$0xFFFFFFD0]  }
0x340: {  	v7 =	vld [tilespmem:s15+$0x1BA50];
	_ =	sdelay $0x4  }
0x341: {  	v6 =	vmul.f32 v7, v6;
	_ =	sdelay $0x1  }
0x342: {  	[tilespmem:s14+$0xFFFFFFD0] =	vst v6;
	v6 =	vld [tilespmem:s14+$0xFFFFFFE0]  }
0x343: {  	v7 =	vld [tilespmem:s15+$0x1BA60];
	_ =	sdelay $0x4  }
0x344: {  	v6 =	vmul.f32 v7, v6;
	_ =	sdelay $0x1  }
0x345: {  	[tilespmem:s14+$0xFFFFFFE0] =	vst v6;
	v6 =	vld [tilespmem:s14+$0xFFFFFFF0]  }
0x346: {  	v7 =	vld [tilespmem:s15+$0x1BA70];
	_ =	sdelay $0x4  }
0x347: {  	v6 =	vmul.f32 v7, v6;
	_ =	sdelay $0x1  }
0x348: {  	[tilespmem:s14+$0xFFFFFFF0] =	vst v6;
	v6 =	vld [tilespmem:s14+$0x0]  }
0x349: {  	v7 =	vld [tilespmem:s15+$0x1BA80];
	_ =	sdelay $0x4  }
0x34a: {  	v6 =	vmul.f32 v7, v6;
	_ =	sdelay $0x1  }
0x34b: {  	[tilespmem:s14+$0x0] =	vst v6;
	v6 =	vld [tilespmem:s14+$0x10]  }
0x34c: {  	v7 =	vld [tilespmem:s15+$0x1BA90];
	_ =	sdelay $0x4  }
0x34d: {  	v6 =	vmul.f32 v7, v6;
	_ =	sdelay $0x1  }
0x34e: {  	[tilespmem:s14+$0x10] =	vst v6;
	v6 =	vld [tilespmem:s14+$0x20]  }
0x34f: {  	v7 =	vld [tilespmem:s15+$0x1BAA0];
	_ =	sdelay $0x4  }
0x350: {  	v6 =	vmul.f32 v7, v6;
	_ =	sdelay $0x1  }
0x351: {  	[tilespmem:s14+$0x20] =	vst v6;
	v6 =	vld [tilespmem:s14+$0x30]  }
0x352: {  	v7 =	vld [tilespmem:s15+$0x1BAB0];
	_ =	sdelay $0x4  }
0x353: {  	v6 =	vmul.f32 v7, v6;
	_ =	sdelay $0x1  }
0x354: {  	s16 =	simm.s32 $0x1;
	s15 =	simm.s32 $0x8;
	[tilespmem:s14+$0x30] =	vst v6  }
.LBB2_31:
0x355: {  	p0 =	sne.s32 s15, $0xFC;
	v6 =	vld [tilespmem:s16+$0x198C0];
	_ =	sdelay $0x4  }
0x356: {  	(v2sf) =	vpush v6, $0x0;
	_ =	sdelay $0xe  }
0x357: {  	s16 =	spop (v2sf)  }
0x358: {  	s14 =	sadd.s32 $0x80, s14;
	s16 =	sshll.u32 s16, $0x9  }
0x359: {  	v6 =	vld [tilespmem:s14+$0xFFFFFFC0];
	s16 =	sshra.s32 s16, $0x2  }
0x35a: {  	v7 =	vld [tilespmem:s16+$0x1BA40];
	_ =	sdelay $0x4  }
0x35b: {  	v6 =	vmul.f32 v7, v6;
	_ =	sdelay $0x1  }
0x35c: {  	[tilespmem:s14+$0xFFFFFFC0] =	vst v6;
	v6 =	vld [tilespmem:s14+$0xFFFFFFD0]  }
0x35d: {  	v7 =	vld [tilespmem:s16+$0x1BA50];
	_ =	sdelay $0x4  }
0x35e: {  	v6 =	vmul.f32 v7, v6;
	_ =	sdelay $0x1  }
0x35f: {  	[tilespmem:s14+$0xFFFFFFD0] =	vst v6;
	v6 =	vld [tilespmem:s14+$0xFFFFFFE0]  }
0x360: {  	v7 =	vld [tilespmem:s16+$0x1BA60];
	_ =	sdelay $0x4  }
0x361: {  	v6 =	vmul.f32 v7, v6;
	_ =	sdelay $0x1  }
0x362: {  	[tilespmem:s14+$0xFFFFFFE0] =	vst v6;
	v6 =	vld [tilespmem:s14+$0xFFFFFFF0]  }
0x363: {  	v7 =	vld [tilespmem:s16+$0x1BA70];
	_ =	sdelay $0x4  }
0x364: {  	v6 =	vmul.f32 v7, v6;
	_ =	sdelay $0x1  }
0x365: {  	[tilespmem:s14+$0xFFFFFFF0] =	vst v6;
	v6 =	vld [tilespmem:s14+$0x0]  }
0x366: {  	v7 =	vld [tilespmem:s16+$0x1BA80];
	_ =	sdelay $0x4  }
0x367: {  	v6 =	vmul.f32 v7, v6;
	_ =	sdelay $0x1  }
0x368: {  	[tilespmem:s14+$0x0] =	vst v6;
	v6 =	vld [tilespmem:s14+$0x10]  }
0x369: {  	v7 =	vld [tilespmem:s16+$0x1BA90];
	_ =	sdelay $0x4  }
0x36a: {  	v6 =	vmul.f32 v7, v6;
	_ =	sdelay $0x1  }
0x36b: {  	[tilespmem:s14+$0x10] =	vst v6;
	v6 =	vld [tilespmem:s14+$0x20]  }
0x36c: {  	v7 =	vld [tilespmem:s16+$0x1BAA0];
	_ =	sdelay $0x4  }
0x36d: {  	v6 =	vmul.f32 v7, v6;
	_ =	sdelay $0x1  }
0x36e: {  	[tilespmem:s14+$0x20] =	vst v6;
	v6 =	vld [tilespmem:s14+$0x30]  }
0x36f: {  	v7 =	vld [tilespmem:s16+$0x1BAB0];
	_ =	sdelay $0x2  }
.Ltmp25:
0x370: {  	(pc) =	sbr.rel @p0 .LBB2_31-.Ltmp25, $3  }
0x371: {  	_ = 	snop  }
0x372: {  	v6 =	vmul.f32 v7, v6;
	_ =	sdelay $0x1  }
0x373: {  	s16 =	sshra.s32 s15, $0x2;
	s15 =	sadd.s32 $0x4, s15;
	[tilespmem:s14+$0x30] =	vst v6  }
.Ltmp26:
0x374: {  	_ = 	snop;
	(pc) =	sbr.rel .LBB2_32-.Ltmp26, $1  }
0x375: {  	_ =	sdelay $0x3  }
.LBB2_35:
0x376: {  	[tilespmem:s10+$0x19840] =	vst v3  }
0x377: {  	[tilespmem:s10+$0x198C0] =	vst v4  }
0x378: {  	[tilespmem:s10+$0x19940] =	vst v5  }
0x379: {  	[tilespmem:s10+$0x19850] =	vst v3  }
0x37a: {  	[tilespmem:s10+$0x198D0] =	vst v4  }
0x37b: {  	[tilespmem:s10+$0x19950] =	vst v5  }
0x37c: {  	[tilespmem:s10+$0x19860] =	vst v3  }
0x37d: {  	[tilespmem:s10+$0x198E0] =	vst v4  }
0x37e: {  	[tilespmem:s10+$0x19960] =	vst v5  }
0x37f: {  	[tilespmem:s10+$0x19870] =	vst v3  }
0x380: {  	[tilespmem:s10+$0x198F0] =	vst v4  }
0x381: {  	[tilespmem:s10+$0x19970] =	vst v5  }
0x382: {  	[tilespmem:s30], [sflag:$0x2] =	stream.indirect.gather [hbm4b:s1+s28], $0x80, s4, s28, $0xb8;
	[tilespmem:$0x1CA40] =	vst v63  }
0x383: {  	_ =	swait.ge [sflag:s3], $0x2000  }
0x384: {  	[sflag:s3] =	ssyncset.done $0x0  }
0x385: {  	s17 =	simm.s32 $0x0;
	[sflag:s3] =	ssyncadd.s32 $0xFFFFE000  }
0x386: {  	v6 =	vld [tilespmem:s17+$0x198C0];
	_ =	sdelay $0x4  }
0x387: {  	(v2sf) =	vpush v6, $0x0;
	_ =	sdelay $0xe  }
0x388: {  	s11 =	spop (v2sf)  }
0x389: {  	s10 =	simm.s32 $0x19A80;
	s11 =	sshll.u32 s11, $0x9  }
0x38a: {  	v6 =	vld [tilespmem:s10+$0xFFFFFFC0];
	s11 =	sshra.s32 s11, $0x2  }
0x38b: {  	v7 =	vld [tilespmem:s11+$0x1BA40];
	_ =	sdelay $0x4  }
0x38c: {  	v6 =	vmul.f32 v7, v6;
	_ =	sdelay $0x1  }
0x38d: {  	[tilespmem:s10+$0xFFFFFFC0] =	vst v6;
	v6 =	vld [tilespmem:s10+$0xFFFFFFD0]  }
0x38e: {  	v7 =	vld [tilespmem:s11+$0x1BA50];
	_ =	sdelay $0x4  }
0x38f: {  	v6 =	vmul.f32 v7, v6;
	_ =	sdelay $0x1  }
0x390: {  	[tilespmem:s10+$0xFFFFFFD0] =	vst v6;
	v6 =	vld [tilespmem:s10+$0xFFFFFFE0]  }
0x391: {  	v7 =	vld [tilespmem:s11+$0x1BA60];
	_ =	sdelay $0x4  }
0x392: {  	v6 =	vmul.f32 v7, v6;
	_ =	sdelay $0x1  }
0x393: {  	[tilespmem:s10+$0xFFFFFFE0] =	vst v6;
	v6 =	vld [tilespmem:s10+$0xFFFFFFF0]  }
0x394: {  	v7 =	vld [tilespmem:s11+$0x1BA70];
	_ =	sdelay $0x4  }
0x395: {  	v6 =	vmul.f32 v7, v6;
	_ =	sdelay $0x1  }
0x396: {  	[tilespmem:s10+$0xFFFFFFF0] =	vst v6;
	v6 =	vld [tilespmem:s10+$0x0]  }
0x397: {  	v7 =	vld [tilespmem:s11+$0x1BA80];
	_ =	sdelay $0x4  }
0x398: {  	v6 =	vmul.f32 v7, v6;
	_ =	sdelay $0x1  }
0x399: {  	[tilespmem:s10+$0x0] =	vst v6;
	v6 =	vld [tilespmem:s10+$0x10]  }
0x39a: {  	v7 =	vld [tilespmem:s11+$0x1BA90];
	_ =	sdelay $0x4  }
0x39b: {  	v6 =	vmul.f32 v7, v6;
	_ =	sdelay $0x1  }
0x39c: {  	[tilespmem:s10+$0x10] =	vst v6;
	v6 =	vld [tilespmem:s10+$0x20]  }
0x39d: {  	v7 =	vld [tilespmem:s11+$0x1BAA0];
	_ =	sdelay $0x4  }
0x39e: {  	v6 =	vmul.f32 v7, v6;
	_ =	sdelay $0x1  }
0x39f: {  	[tilespmem:s10+$0x20] =	vst v6;
	v6 =	vld [tilespmem:s10+$0x30]  }
0x3a0: {  	v7 =	vld [tilespmem:s11+$0x1BAB0];
	_ =	sdelay $0x4  }
0x3a1: {  	v6 =	vmul.f32 v7, v6;
	_ =	sdelay $0x1  }
0x3a2: {  	s12 =	simm.s32 $0x1;
	s11 =	simm.s32 $0x8;
	[tilespmem:s10+$0x30] =	vst v6  }
.LBB2_36:
0x3a3: {  	p0 =	sne.s32 s11, $0xFC;
	v6 =	vld [tilespmem:s12+$0x198C0];
	_ =	sdelay $0x4  }
0x3a4: {  	(v2sf) =	vpush v6, $0x0;
	_ =	sdelay $0xe  }
0x3a5: {  	s12 =	spop (v2sf)  }
0x3a6: {  	s10 =	sadd.s32 $0x80, s10;
	s12 =	sshll.u32 s12, $0x9  }
0x3a7: {  	v6 =	vld [tilespmem:s10+$0xFFFFFFC0];
	s12 =	sshra.s32 s12, $0x2  }
0x3a8: {  	v7 =	vld [tilespmem:s12+$0x1BA40];
	_ =	sdelay $0x4  }
0x3a9: {  	v6 =	vmul.f32 v7, v6;
	_ =	sdelay $0x1  }
0x3aa: {  	[tilespmem:s10+$0xFFFFFFC0] =	vst v6;
	v6 =	vld [tilespmem:s10+$0xFFFFFFD0]  }
0x3ab: {  	v7 =	vld [tilespmem:s12+$0x1BA50];
	_ =	sdelay $0x4  }
0x3ac: {  	v6 =	vmul.f32 v7, v6;
	_ =	sdelay $0x1  }
0x3ad: {  	[tilespmem:s10+$0xFFFFFFD0] =	vst v6;
	v6 =	vld [tilespmem:s10+$0xFFFFFFE0]  }
0x3ae: {  	v7 =	vld [tilespmem:s12+$0x1BA60];
	_ =	sdelay $0x4  }
0x3af: {  	v6 =	vmul.f32 v7, v6;
	_ =	sdelay $0x1  }
0x3b0: {  	[tilespmem:s10+$0xFFFFFFE0] =	vst v6;
	v6 =	vld [tilespmem:s10+$0xFFFFFFF0]  }
0x3b1: {  	v7 =	vld [tilespmem:s12+$0x1BA70];
	_ =	sdelay $0x4  }
0x3b2: {  	v6 =	vmul.f32 v7, v6;
	_ =	sdelay $0x1  }
0x3b3: {  	[tilespmem:s10+$0xFFFFFFF0] =	vst v6;
	v6 =	vld [tilespmem:s10+$0x0]  }
0x3b4: {  	v7 =	vld [tilespmem:s12+$0x1BA80];
	_ =	sdelay $0x4  }
0x3b5: {  	v6 =	vmul.f32 v7, v6;
	_ =	sdelay $0x1  }
0x3b6: {  	[tilespmem:s10+$0x0] =	vst v6;
	v6 =	vld [tilespmem:s10+$0x10]  }
0x3b7: {  	v7 =	vld [tilespmem:s12+$0x1BA90];
	_ =	sdelay $0x4  }
0x3b8: {  	v6 =	vmul.f32 v7, v6;
	_ =	sdelay $0x1  }
0x3b9: {  	[tilespmem:s10+$0x10] =	vst v6;
	v6 =	vld [tilespmem:s10+$0x20]  }
0x3ba: {  	v7 =	vld [tilespmem:s12+$0x1BAA0];
	_ =	sdelay $0x4  }
0x3bb: {  	v6 =	vmul.f32 v7, v6;
	_ =	sdelay $0x1  }
0x3bc: {  	[tilespmem:s10+$0x20] =	vst v6;
	v6 =	vld [tilespmem:s10+$0x30]  }
0x3bd: {  	v7 =	vld [tilespmem:s12+$0x1BAB0];
	_ =	sdelay $0x2  }
.Ltmp27:
0x3be: {  	(pc) =	sbr.rel @p0 .LBB2_36-.Ltmp27, $3  }
0x3bf: {  	_ = 	snop  }
0x3c0: {  	v6 =	vmul.f32 v7, v6;
	_ =	sdelay $0x1  }
0x3c1: {  	s12 =	sshra.s32 s11, $0x2;
	s11 =	sadd.s32 $0x4, s11;
	[tilespmem:s10+$0x30] =	vst v6  }
0x3c2: {  	v6 =	vld [tilespmem:s12+$0x198C0];
	_ =	sdelay $0x4  }
0x3c3: {  	(v2sf) =	vpush v6, $0x0;
	_ =	sdelay $0xe  }
0x3c4: {  	s11 =	spop (v2sf)  }
0x3c5: {  	s10 =	sadd.s32 $0x80, s10;
	s11 =	sshll.u32 s11, $0x9  }
0x3c6: {  	v6 =	vld [tilespmem:s10+$0xFFFFFFC0];
	s11 =	sshra.s32 s11, $0x2  }
0x3c7: {  	v7 =	vld [tilespmem:s11+$0x1BA40];
	_ =	sdelay $0x4  }
0x3c8: {  	v6 =	vmul.f32 v7, v6;
	_ =	sdelay $0x1  }
0x3c9: {  	[tilespmem:s10+$0xFFFFFFC0] =	vst v6;
	v6 =	vld [tilespmem:s10+$0xFFFFFFD0]  }
0x3ca: {  	v7 =	vld [tilespmem:s11+$0x1BA50];
	_ =	sdelay $0x4  }
0x3cb: {  	v6 =	vmul.f32 v7, v6;
	_ =	sdelay $0x1  }
0x3cc: {  	[tilespmem:s10+$0xFFFFFFD0] =	vst v6;
	v6 =	vld [tilespmem:s10+$0xFFFFFFE0]  }
0x3cd: {  	v7 =	vld [tilespmem:s11+$0x1BA60];
	_ =	sdelay $0x4  }
0x3ce: {  	v6 =	vmul.f32 v7, v6;
	_ =	sdelay $0x1  }
0x3cf: {  	[tilespmem:s10+$0xFFFFFFE0] =	vst v6;
	v6 =	vld [tilespmem:s10+$0xFFFFFFF0]  }
0x3d0: {  	v7 =	vld [tilespmem:s11+$0x1BA70];
	_ =	sdelay $0x4  }
0x3d1: {  	v6 =	vmul.f32 v7, v6;
	_ =	sdelay $0x1  }
0x3d2: {  	[tilespmem:s10+$0xFFFFFFF0] =	vst v6;
	v6 =	vld [tilespmem:s10+$0x0]  }
0x3d3: {  	v7 =	vld [tilespmem:s11+$0x1BA80];
	_ =	sdelay $0x4  }
0x3d4: {  	v6 =	vmul.f32 v7, v6;
	_ =	sdelay $0x1  }
0x3d5: {  	[tilespmem:s10+$0x0] =	vst v6;
	v6 =	vld [tilespmem:s10+$0x10]  }
0x3d6: {  	v7 =	vld [tilespmem:s11+$0x1BA90];
	_ =	sdelay $0x4  }
0x3d7: {  	v6 =	vmul.f32 v7, v6;
	_ =	sdelay $0x1  }
0x3d8: {  	[tilespmem:s10+$0x10] =	vst v6;
	v6 =	vld [tilespmem:s10+$0x20]  }
0x3d9: {  	v7 =	vld [tilespmem:s11+$0x1BAA0];
	_ =	sdelay $0x4  }
0x3da: {  	v6 =	vmul.f32 v7, v6;
	_ =	sdelay $0x1  }
0x3db: {  	[tilespmem:s10+$0x20] =	vst v6;
	v6 =	vld [tilespmem:s10+$0x30]  }
0x3dc: {  	v7 =	vld [tilespmem:s11+$0x1BAB0];
	_ =	sdelay $0x4  }
0x3dd: {  	v6 =	vmul.f32 v7, v6;
	_ =	sdelay $0x1  }
0x3de: {  	[tilespmem:s10+$0x30] =	vst v6  }
0x3df: {  	v6 =	vld [tilespmem:$0x19940]  }
0x3e0: {  	v7 =	vld [tilespmem:$0x19950]  }
0x3e1: {  	v8 =	vld [tilespmem:$0x19960]  }
0x3e2: {  	v9 =	vld [tilespmem:$0x19970];
	_ =	sdelay $0x1  }
0x3e3: {  	[tilespmem:$0x199C0] =	vst v6  }
0x3e4: {  	[tilespmem:$0x199D0] =	vst v7  }
0x3e5: {  	[tilespmem:$0x199E0] =	vst v8  }
0x3e6: {  	[tilespmem:$0x199F0] =	vst v9  }
0x3e7: {  	[spmem:s2] =	stream.indirect.scatter.add.f32 [tilespmem:s30], [sflag:$0x3], $0x80, s5, s28, $0xb8;
	[tilespmem:$0x1CA40] =	vst v63  }
0x3e8: {  	_ =	swait.ge [sflag:s29], $0x2000  }
0x3e9: {  	[sflag:s29] =	ssyncset.done $0x0  }
0x3ea: {  	[sflag:s29] =	ssyncadd.s32 $0xFFFFE000  }
0x3eb: {  	v6 =	vld [tilespmem:$0x19880]  }
0x3ec: {  	v7 =	vld [tilespmem:$0x19900]  }
0x3ed: {  	v63 =	vld [tilespmem:$0x19980];
	_ =	sdelay $0x2  }
0x3ee: {  	[tilespmem:$0x19840] =	vst v6  }
0x3ef: {  	[tilespmem:$0x198C0] =	vst v7  }
0x3f0: {  	[tilespmem:$0x19940] =	vst v63  }
0x3f1: {  	[bflag:$0x0] =	sbarrier.arrive $0xFFFF  }
0x3f2: {  	s17 =	rddreg [dreg:$0xf]  }
0x3f3: {  	[hbm:s17], [sflag:s23] =	dma.local [spmem:s9], $0x3100  }
0x3f4: {  	_ =	swait.ge [sflag:s29], $0x3100  }
0x3f5: {  	s19 =	sadd.s32 $0x1, s19;
	s23 =	rddreg [dreg:$0x10]  }
0x3f6: {  	p0 =	sne.s32 s19, s23  }
.Ltmp28:
0x3f7: {  	_ = 	snop;
	(pc) =	sbr.rel @p0 .LBB2_1-.Ltmp28, $3  }
0x3f8: {  	[sflag:s29] =	ssyncset.done $0x0  }
0x3f9: {  	[sflag:s29] =	ssyncadd.s32 $0xFFFFCF00  }
0x3fa: {  	[bflag:$0x0] =	sbarrier.arrive $0xFFFF;
	_ =	sdelay $0x1  }
0x3fb: {  	_ =	sfence.sel $0x180000  }
0x3fc: {  	[bflag:$0x0] =	sbarrier.arrive $0xFFFF  }
0x3fd: {  	_ =	strace $0x9000004A  }
0x3fe: {  	s0 =	stileid.u32;
	[bflag:$0x2] =	sbarrier.arrive $0xFFFF  }
0x3ff: {  	p0 =	sne.s32 s0, $0x0;
	s0 =	rddreg [dreg:$0x3]  }
0x400: {  	s0 =	sadd.s32 @!p0 $0x100000, s0  }
0x401: {  	[sflag:s0] =	ssyncadd.tile.s32 @!p0 $0x1;
	_ =	shalt  }
.Lfunc_end2:
_tile_overlayer_lowered:
.L_overlay_start_2:
0x402: {  	(tag) =	ssettag $0x2  }
0x403: {  	s0 =	rddreg [dreg:$0x0];
	s2 =	stileid.u32  }
0x404: {  	s1 =	rddreg [dreg:$0x1];
	p0 =	sne.s32 s2, $0x0  }
0x405: {  	s3 =	rddreg [dreg:$0x2];
	[bflag:$0x3] =	sbarrier.arrive $0xFFFF;
	s2 =	simm.s32 @!p0 $0x1C03  }
0x406: {  	[timem:s3], [sflag:s2] =	dma.local @!p0 [hbm:s0], s1  }
0x407: {  	s0 =	simm.s32 @!p0 $0x3  }
0x408: {  	_ =	swait.ge @!p0 [sflag:s0], s1  }
0x409: {  	s1 =	ssub.s32 @!p0 $0x0, s1;
	[sflag:s0] =	ssyncset.done @!p0 $0x0  }
0x40a: {  	[sflag:s0] =	ssyncadd.s32 @!p0 s1  }
0x40b: {  	[bflag:$0x3] =	sbarrier.arrive $0xFFFF  }
0x40c: {  	_ =	shalt  }

// kernel: kernel.7.cloned.1.call-start
scs
__scs_entry_jumppad:
0x0: {  	(pc) =	sbr.rel $0x88, $3  }
0x1: {  	(tag) =	ssettag $0x0;
	lr =	simm.s32 $0x1  }
0x2: {  	[smem:$0x3F9B] =	sst lr;
	_ =	strace $0xD0000000  }
0x3: {  	_ = 	snop  }
0x4: {  	_ = 	snop  }
0x5: {  	_ = 	snop  }
0x6: {  	_ = 	snop  }
0x7: {  	_ = 	snop  }
__scs_overlays_trampoline_lowered:
0x8: {  	[smem:$0x3FAA] =	sst s0  }
0x9: {  	[smem:$0x3FAB] =	sst s1  }
0xa: {  	[smem:$0x3FAC] =	sst s2  }
0xb: {  	[smem:$0x3FAD] =	sst s3  }
0xc: {  	[smem:$0x3FAE] =	sst s4  }
0xd: {  	[smem:$0x3FAF] =	sst s5  }
0xe: {  	[smem:$0x3FB0] =	sst s6  }
0xf: {  	[smem:$0x3FB1] =	sst s7  }
0x10: {  	[smem:$0x3FB2] =	sst s8  }
0x11: {  	[smem:$0x3FB3] =	sst s9;
	s0 =	simm.s32 @!p0 $0x0  }
0x12: {  	s1 =	sld [smem:$0x3F99];
	s0 =	simm.s32 @p0 $0x1  }
0x13: {  	[smem:$0x3FB4] =	sst s0;
	s0 =	simm.s32 @!p1 $0x0  }
0x14: {  	s2 =	sld [smem:$0x3F98];
	s0 =	simm.s32 @p1 $0x1  }
0x15: {  	[smem:$0x3FB5] =	sst s0;
	s0 =	simm.s32 @!p2 $0x0  }
0x16: {  	s3 =	sld [smem:$0x3FDB];
	s0 =	simm.s32 @p2 $0x1  }
0x17: {  	s4 =	simm.s32 $0x1BF5;
	[smem:$0x3FB7] =	sst s0  }
0x18: {  	s0 =	sld [smem:$0x3F9A];
	_ =	swait.ge [sflag:s4], $0x0  }
0x19: {  	s7 =	sld [smem:$0x3F9B]  }
0x1a: {  	s8 =	sadd.s32 $0xFFFFE003, lr  }
0x1b: {  	s9 =	sadd.s32 $0xFFFFFEF7, lr;
	s5 =	simm.s32 $0xFFFFFFFF;
	p2 =	slt.u32 s8, $0xFFFFF086  }
0x1c: {  	p1 =	slt.u32 s9, $0xF7A;
	s5 =	simm.s32 @!p2 $0x0  }
0x1d: {  	s5 =	simm.s32 @p1 $0x1;
	p0 =	seq.s32 s7, s2  }
0x1e: {  	s7 =	smul.u32 @!p0 $0xF7A, s2;
	p2 =	seq.s32 @!p0 s5, $0x0  }
0x1f: {  	s9 =	smul.u32 $0xF7A, s1;
	s8 =	simm.s32 @!p0 $0x1BF5;
	p2 =	por !p2, p0  }
0x20: {  	[sflag:s8] =	ssyncset.s32 @!p0 $0xFFFFF086;
	s6 =	sadd.s32 @!p0 s3, s7;
	s7 =	simm.s32 @!p0 $0x108  }
0x21: {  	s3 =	sadd.s32 s3, s9;
	s6 =	sadd.s32 @!p0 $0x88, s6;
	s7 =	simm.s32 @p2 $0x1082  }
0x22: {  	[simem:s7], [sflag:s8] =	dma.local @!p0 [hbm:s6], $0xF7A  }
0x23: {  	s9 =	sor.u32 $0xD0000000, s2;
	s6 =	simm.s32 $0x108;
	_ =	swait.ge @!p0 [sflag:s8], $0x0  }
0x24: {  	s3 =	sadd.s32 $0x88, s3;
	s6 =	simm.s32 @!p1 $0x1082;
	[sflag:s4] =	ssyncset.s32 $0xFFFFF086  }
0x25: {  	[simem:s6], [sflag:s4] =	dma.local [hbm:s3], $0xF7A  }
0x26: {  	[smem:$0x3F9B] =	sst s1;
	(tag) =	ssettag s2;
	_ =	strace s9  }
0x27: {  	s1 =	sld [smem:$0x3FAB]  }
0x28: {  	s2 =	sld [smem:$0x3FAC]  }
0x29: {  	s4 =	sld [smem:$0x3FAE]  }
0x2a: {  	p0 =	seq.s32 s5, $0x0;
	s5 =	sld [smem:$0x3FAF]  }
0x2b: {  	s6 =	sld [smem:$0x3FB0]  }
0x2c: {  	s7 =	sld [smem:$0x3FB1]  }
0x2d: {  	s3 =	simm.s32 $0x108;
	s8 =	sld [smem:$0x3FB2]  }
0x2e: {  	s3 =	simm.s32 @!p0 $0x1082;
	s9 =	sld [smem:$0x3FB3]  }
0x2f: {  	lr =	sadd.s32 s0, s3;
	s0 =	sld [smem:$0x3FAA]  }
0x30: {  	s3 =	sld [smem:$0x3FAD]  }
0x31: {  	[smem:$0x3FB6] =	sst s10  }
0x32: {  	s10 =	sld [smem:$0x3FB4];
	_ =	sdelay $0x3  }
0x33: {  	p0 =	seq.s32 s10, $0x1;
	s10 =	sld [smem:$0x3FB6];
	_ =	sdelay $0x3  }
0x34: {  	[smem:$0x3FB6] =	sst s10  }
0x35: {  	s10 =	sld [smem:$0x3FB5];
	_ =	sdelay $0x3  }
0x36: {  	p1 =	seq.s32 s10, $0x1;
	s10 =	sld [smem:$0x3FB6];
	_ =	sdelay $0x3  }
0x37: {  	[smem:$0x3FB6] =	sst s10  }
0x38: {  	s10 =	sld [smem:$0x3FB7]  }
0x39: {  	_ = 	snop;
	(pc) =	sbr.ind lr, $3  }
0x3a: {  	_ = 	snop  }
0x3b: {  	_ = 	snop  }
0x3c: {  	p2 =	seq.s32 s10, $0x1;
	s10 =	sld [smem:$0x3FB6]  }
0x3d: {  	_ =	shalt  }
0x3e: {  	_ =	shalt  }
0x3f: {  	_ =	shalt  }
0x40: {  	_ =	shalt  }
0x41: {  	_ =	shalt  }
0x42: {  	_ =	shalt  }
0x43: {  	_ =	shalt  }
0x44: {  	_ =	shalt  }
0x45: {  	_ =	shalt  }
0x46: {  	_ =	shalt  }
0x47: {  	_ =	shalt  }
0x48: {  	_ =	shalt  }
0x49: {  	_ =	shalt  }
0x4a: {  	_ =	shalt  }
0x4b: {  	_ =	shalt  }
0x4c: {  	_ =	shalt  }
0x4d: {  	_ =	shalt  }
0x4e: {  	_ =	shalt  }
0x4f: {  	_ =	shalt  }
0x50: {  	_ =	shalt  }
0x51: {  	_ =	shalt  }
0x52: {  	_ =	shalt  }
0x53: {  	_ =	shalt  }
0x54: {  	_ =	shalt  }
0x55: {  	_ =	shalt  }
0x56: {  	_ =	shalt  }
0x57: {  	_ =	shalt  }
0x58: {  	_ =	shalt  }
0x59: {  	_ =	shalt  }
0x5a: {  	_ =	shalt  }
0x5b: {  	_ =	shalt  }
0x5c: {  	_ =	shalt  }
0x5d: {  	_ =	shalt  }
0x5e: {  	_ =	shalt  }
0x5f: {  	_ =	shalt  }
0x60: {  	_ =	shalt  }
0x61: {  	_ =	shalt  }
0x62: {  	_ =	shalt  }
0x63: {  	_ =	shalt  }
0x64: {  	_ =	shalt  }
0x65: {  	_ =	shalt  }
0x66: {  	_ =	shalt  }
0x67: {  	_ =	shalt  }
0x68: {  	_ =	shalt  }
0x69: {  	_ =	shalt  }
0x6a: {  	_ =	shalt  }
0x6b: {  	_ =	shalt  }
0x6c: {  	_ =	shalt  }
0x6d: {  	_ =	shalt  }
0x6e: {  	_ =	shalt  }
0x6f: {  	_ =	shalt  }
0x70: {  	_ =	shalt  }
0x71: {  	_ =	shalt  }
0x72: {  	_ =	shalt  }
0x73: {  	_ =	shalt  }
0x74: {  	_ =	shalt  }
0x75: {  	_ =	shalt  }
0x76: {  	_ =	shalt  }
0x77: {  	_ =	shalt  }
0x78: {  	_ =	shalt  }
0x79: {  	_ =	shalt  }
0x7a: {  	_ =	shalt  }
0x7b: {  	_ =	shalt  }
0x7c: {  	_ =	shalt  }
0x7d: {  	_ =	shalt  }
0x7e: {  	_ =	shalt  }
0x7f: {  	_ =	shalt  }
0x80: {  	_ =	shalt  }
0x81: {  	_ =	shalt  }
0x82: {  	_ =	shalt  }
0x83: {  	_ =	shalt  }
0x84: {  	_ =	shalt  }
0x85: {  	_ =	shalt  }
0x86: {  	_ =	shalt  }
0x87: {  	_ =	shalt  }
.Lfunc_end0:
.L_simem_size_0:
called_computation_lowered:
.L_overlay_start_0:
0x88: {  	s2 =	sld [smem:$0x3FD9]  }
0x89: {  	s3 =	sld [smem:$0x3FFE];
	_ =	sdelay $0x1  }
0x8a: {  	s1 =	srdreg.scid  }
0x8b: {  	s0 =	sand.u32 $0x1, s1  }
0x8c: {  	s16 =	sshll.u32 s0, $0xA;
	s2 =	sadd.s32 s3, s2  }
0x8d: {  	s2 =	sadd.s32 s2, s16  }
0x8e: {  	[smem:$0x3FC2] =	sst s2  }
0x8f: {  	_ = 	snop  }
0x90: {  	(tm) =	ssettm $0x1  }
0x91: {  	s17 =	sld [smem:$0x3FFB];
	_ =	sdelay $0x3  }
0x92: {  	_ =	strace s17  }
0x93: {  	s2 =	sld [smem:$0x3FFC];
	_ =	sdelay $0x3  }
0x94: {  	_ =	strace s2  }
0x95: {  	s2 =	sld [smem:$0x3FFD];
	_ =	sdelay $0x3  }
0x96: {  	_ =	strace s2  }
0x97: {  	_ =	strace $0x8FFFFFFF  }
0x98: {  	s18 =	sld [smem:$0x3FDB];
	_ =	sdelay $0x1  }
0x99: {  	s19 =	simm.s32 $_scs_section_size  }
0x9a: {  	s4 =	simm.s32 $_size__tile_overlayer_lowered;
	s5 =	simm.s32 $_tile_overlayer_lowered  }
0x9b: {  	s22 =	simm.s32 $0x1BFF;
	s21 =	sshll.u32 s5, $0x1;
	s2 =	sadd.s32 s19, s18  }
0x9c: {  	s6 =	simm.s32 $0x0;
	s20 =	sshll.u32 s4, $0x1;
	s4 =	sadd.s32 s21, s2  }
0x9d: {  	[timem:s6], [sflag:s22] =	dma.local [hbm:s4], s20  }
0x9e: {  	_ =	swait.ge [sflag:s22], s20  }
0x9f: {  	s3 =	ssub.s32 $0x0, s20;
	[sflag:s22] =	ssyncset.done $0x0  }
0xa0: {  	[sflag:s22] =	ssyncadd.s32 s3;
	_ =	sdelay $0x1  }
0xa1: {  	s23 =	simm.s32 $0x1B8B  }
0xa2: {  	_ =	swait.ge [sflag:s23], $0x1  }
0xa3: {  	[sflag:s23] =	ssyncset.done $0x0  }
0xa4: {  	s25 =	simm.s32 $0x1B8E;
	s24 =	sld [smem:$0x3FFE];
	[sflag:s23] =	ssyncadd.s32 $0xFFFFFFFF  }
0xa5: {  	s26 =	simm.s32 $execute0_lowered;
	[smem:$0x3FD2] =	sst s25  }
0xa6: {  	s4 =	sshll.u32 s26, $0x1;
	_ =	strace $0x80000046;
	[dreg:$0x1] =	wrdreg $0xFFFFFFFF  }
0xa7: {  	s28 =	simm.s32 $_size_execute0_lowered;
	s2 =	sadd.s32 s2, s4;
	[dreg:$0x0] =	wrdreg $0x0  }
0xa8: {  	s4 =	sshll.u32 s28, $0x1;
	[dreg:$0x2] =	wrdreg s2  }
0xa9: {  	[dreg:$0x3] =	wrdreg s4  }
0xaa: {  	[dreg:$0x4] =	wrdreg $0xC0  }
0xab: {  	_ =	task [dreg:s6], $0x5FFFF  }
0xac: {  	[dreg:$0x1] =	wrdreg $0xFFFFFFFF  }
0xad: {  	[dreg:$0x0] =	wrdreg $0x60  }
0xae: {  	[dreg:$0x2] =	wrdreg s24  }
0xaf: {  	[dreg:$0x3] =	wrdreg $0x0  }
0xb0: {  	[dreg:$0x4] =	wrdreg $0x9  }
0xb1: {  	_ =	task.clear_ibuf [dreg:s6], $0x5FFFF;
	_ =	strace $0x90000046  }
0xb2: {  	s29 =	simm.s32 $0x9;
	_ =	strace $0x80000048  }
0xb3: {  	_ =	swait.ge [sflag:s29], $0x1  }
0xb4: {  	[sflag:s29] =	ssyncadd.s32 $0xFFFFFFFF  }
0xb5: {  	_ =	strace $0x90000048  }
0xb6: {  	_ =	sfence  }
0xb7: {  	s30 =	sld [smem:$0x0];
	_ =	sdelay $0x2  }
0xb8: {  	s31 =	sshll.u32 s1, $0xD;
	s1 =	sshrl.u32 s1, $0x2  }
0xb9: {  	s3 =	sand.u32 $0x4000, s31;
	s1 =	sadd.s32 s1, s30  }
0xba: {  	s0 =	sor.u32 s3, s0;
	s1 =	sshll.u32 s1, $0x11  }
0xbb: {  	s0 =	sor.u32 s1, s0  }
0xbc: {  	s0 =	sadd.s32 $0x8F2B, s0  }
0xbd: {  	[sflag:s0] =	ssyncadd.remote.s32 $0x1  }
0xbe: {  	_ =	sfence.sel $0xFFFF  }
0xbf: {  	[dreg:$0x0] =	wrdreg $0xFFFFFFFF;
	(pc) =	sbr.abs _section_cstart, $3  }
0xc0: {  	[dreg:$0x1] =	wrdreg $0xFFFFFFFF  }
0xc1: {  	_ =	task.clear_ibuf [dreg:s6], $0x2FFFF;
	_ =	strace $0x9FFFFFFF  }
0xc2: {  	(tm) =	ssettm $0x7FFFFFFF  }
0xc3: {  	_ =	shalt  }
tec
execute0_lowered:
.L_overlay_start_1:
0x0: {  	(tag) =	ssettag $0x1  }
0x1: {  	s0 =	rddreg [dreg:$0x0];
	s1 =	srdreg.scid  }
0x2: {  	s8 =	stileid.u32;
	s2 =	rddreg [dreg:$0x1]  }
0x3: {  	s3 =	simm.s32 $0x0;
	s9 =	simm.s32 $0x1;
	s10 =	simm.s32 $0x1000  }
0x4: {  	s11 =	simm.s32 $0x20;
	s21 =	simm.s32 $0xF280;
	s22 =	simm.s32 $0x6000  }
0x5: {  	s23 =	simm.s32 $0xF300;
	s28 =	simm.s32 $0xF400;
	s29 =	simm.s32 $0x9000  }
0x6: {  	s30 =	simm.s32 $0xF480;
	s31 =	simm.s32 $0xA000;
	s12 =	simm.s32 $0xF580  }
0x7: {  	s13 =	simm.s32 $0xC000;
	s14 =	simm.s32 $0xF600;
	s15 =	simm.s32 $0xD000  }
0x8: {  	v0 =	vlaneseq.u32;
	v28 =	vimm.f32 $0.0e+00;
	v29 =	vimm.f32 $1.000000000e+00;
	s16 =	simm.s32 $0xF680;
	s17 =	simm.s32 $0xE000;
	s18 =	simm.s32 $0x0  }
0x9: {  	s1 =	sand.u32 $0x1, s1;
	s4 =	smul.u32 $0x9C00, s8;
	[smem:$0x7FF] =	sst s3;
	v1 =	vor.u32 $0x10, v0;
	v2 =	vor.u32 $0x20, v0;
	v3 =	vor.u32 $0x30, v0  }
0xa: {  	s24 =	sshll.u32 s8, $0xC;
	p0 =	sgt.u32 s8, $0xD;
	v4 =	vor.u32 $0x40, v0;
	v5 =	vor.u32 $0x50, v0;
	v6 =	vor.u32 $0x60, v0;
	s5 =	smul.u32 $0x4E00, s1  }
0xb: {  	s8 =	simm.s32 $0xE00;
	v7 =	vor.u32 $0x70, v0;
	v8 =	vor.u32 $0x80, v0;
	v9 =	vor.u32 $0x90, v0;
	s6 =	smul.u32 $0xE000, s1;
	s1 =	ssub.s32 $0x2, s1  }
0xc: {  	v10 =	vor.u32 $0xA0, v0;
	v11 =	vor.u32 $0xB0, v0;
	v12 =	vor.u32 $0xC0, v0;
	_ =	strace $0x80000047;
	s26 =	sshrl.u32 s1, $0x1;
	s4 =	sadd.s32 s5, s4  }
0xd: {  	v13 =	vor.u32 $0xD0, v0;
	v14 =	vor.u32 $0xE0, v0;
	v15 =	vor.u32 $0xF0, v0;
	s6 =	sadd.s32 s24, s6;
	s1 =	ssub.s32 s1, s26;
	s26 =	simm.s32 $0x8000  }
0xe: {  	v16 =	vor.u32 $0x100, v0;
	v17 =	vor.u32 $0x110, v0;
	v18 =	vor.u32 $0x120, v0;
	s4 =	sshrl.u32 s4, $0x3;
	s25 =	sshrl.u32 s6, $0x3;
	s6 =	smax.u32 s1, $0x1  }
0xf: {  	v19 =	vor.u32 $0x130, v0;
	v20 =	vor.u32 $0x140, v0;
	v21 =	vor.u32 $0x150, v0;
	s1 =	simm.s32 $0xF500;
	s7 =	sadd.s32 s4, s0;
	s0 =	sadd.s32 s25, s0  }
0x10: {  	v22 =	vor.u32 $0x160, v0;
	v23 =	vor.u32 $0x170, v0;
	v24 =	vor.u32 $0x180, v0;
	s4 =	sadd.s32 s24, s2;
	s24 =	simm.s32 $0x7000;
	s25 =	simm.s32 $0xF380  }
0x11: {  	v25 =	vor.u32 $0x190, v0;
	v26 =	vor.u32 $0x1A0, v0;
	v27 =	vor.u32 $0x1B0, v0;
	s5 =	sadd.s32 $0x14800, s0;
	s7 =	sadd.s32 $0x1000, s7;
	s0 =	simm.s32 $0xB000  }
.LBB2_1:
0x12: {  	[tilespmem:$0xF000] =	vst v0  }
0x13: {  	[tilespmem:$0xF010] =	vst v1  }
0x14: {  	[tilespmem:$0xF080] =	vst v2  }
0x15: {  	[tilespmem:$0xF090] =	vst v3  }
0x16: {  	[tilespmem:$0xF100] =	vst v4  }
0x17: {  	[tilespmem:$0xF110] =	vst v5  }
0x18: {  	[tilespmem:$0xF180] =	vst v6  }
0x19: {  	[tilespmem:$0xF190] =	vst v7  }
0x1a: {  	[tilespmem:$0xF200] =	vst v8  }
0x1b: {  	[tilespmem:$0xF210] =	vst v9  }
0x1c: {  	[tilespmem:$0xF280] =	vst v10  }
0x1d: {  	[tilespmem:$0xF290] =	vst v11  }
0x1e: {  	[tilespmem:$0xF300] =	vst v12  }
0x1f: {  	[tilespmem:$0xF310] =	vst v13  }
0x20: {  	[tilespmem:$0xF380] =	vst v14  }
0x21: {  	[tilespmem:$0xF390] =	vst v15  }
0x22: {  	[tilespmem:$0xF400] =	vst v16  }
0x23: {  	[tilespmem:$0xF410] =	vst v17  }
0x24: {  	[tilespmem:$0xF480] =	vst v18  }
0x25: {  	[tilespmem:$0xF490] =	vst v19  }
0x26: {  	[tilespmem:$0xF500] =	vst v20  }
0x27: {  	[tilespmem:$0xF510] =	vst v21  }
0x28: {  	[tilespmem:$0xF580] =	vst v22  }
0x29: {  	[tilespmem:$0xF590] =	vst v23  }
0x2a: {  	[tilespmem:$0xF600] =	vst v24  }
0x2b: {  	[tilespmem:$0xF610] =	vst v25  }
0x2c: {  	[tilespmem:$0xF680] =	vst v26  }
0x2d: {  	[tilespmem:$0xF690] =	vst v27;
	s19 =	simm.s32 $0x0;
	s20 =	simm.s32 $0x200  }
.LBB2_2:
0x2e: {  	p1 =	sne.s32 s20, $0x37E00;
	[tilespmem:s19+$0x1070] =	vst v28  }
0x2f: {  	[tilespmem:s19+$0x1000] =	vst v28  }
0x30: {  	[tilespmem:s19+$0x1010] =	vst v28  }
.Ltmp0:
0x31: {  	[tilespmem:s19+$0x1020] =	vst v28;
	(pc) =	sbr.rel @p1 .LBB2_2-.Ltmp0, $4  }
0x32: {  	[tilespmem:s19+$0x1030] =	vst v28  }
0x33: {  	[tilespmem:s19+$0x1040] =	vst v28  }
0x34: {  	[tilespmem:s19+$0x1050] =	vst v28  }
0x35: {  	[tilespmem:s19+$0x1060] =	vst v28;
	s19 =	sshra.s32 s20, $0x2;
	s20 =	sadd.s32 $0x200, s20  }
0x36: {  	[tilespmem:s19+$0x1070] =	vst v28  }
0x37: {  	[tilespmem:s19+$0x1000] =	vst v28  }
0x38: {  	[tilespmem:s19+$0x1010] =	vst v28  }
0x39: {  	[tilespmem:s19+$0x1020] =	vst v28  }
0x3a: {  	[tilespmem:s19+$0x1030] =	vst v28  }
0x3b: {  	[tilespmem:s19+$0x1040] =	vst v28  }
0x3c: {  	[tilespmem:s19+$0x1050] =	vst v28  }
0x3d: {  	[tilespmem:s19+$0x1060] =	vst v28;
	s19 =	simm.s32 @!p0 $0x1000  }
0x3e: {  	[spmem:s4] =	stream.linear.scatter @!p0 [tilespmem:s19], [sflag:$0x1], $0x1000, $0x38;
	[tilespmem:$0xF800] =	vst v63  }
0x3f: {  	s19 =	simm.s32 @!p0 $0x1  }
0x40: {  	_ =	swait.ge @!p0 [sflag:s19], $0x1000  }
0x41: {  	[sflag:s19] =	ssyncset.done @!p0 $0x0  }
0x42: {  	[sflag:s19] =	ssyncadd.s32 @!p0 $0xFFFFF000  }
0x43: {  	s19 =	simm.s32 $0x0;
	[bflag:$0x0] =	sbarrier.arrive $0xFFFF  }
.LBB2_4:
0x44: {  	s20 =	sadd.s32 s19, s7  }
0x45: {  	[tilespmem:s8], [sflag:$0x1] =	stream.linear.gather [hbm4b:s20+s3], $0x200, $0x38;
	[tilespmem:$0xF800] =	vst v63  }
0x46: {  	_ =	swait.ge [sflag:s9], $0x200  }
0x47: {  	[sflag:s9] =	ssyncset.done $0x0  }
0x48: {  	[sflag:s9] =	ssyncadd.s32 $0xFFFFFE00  }
0x49: {  	v30 =	vld [tilespmem:$0xE00];
	_ =	sdelay $0x7  }
0x4a: {  	[tilespmem:v30+s10+$0x0] =	vst.idx.add.f32.msk $0xffff, v29  }
0x4b: {  	v30 =	vld [tilespmem:$0xE10];
	_ =	sdelay $0x7  }
0x4c: {  	[tilespmem:v30+s10+$0x0] =	vst.idx.add.f32.msk $0xffff, v29  }
0x4d: {  	v30 =	vld [tilespmem:$0xE20];
	_ =	sdelay $0x7  }
0x4e: {  	[tilespmem:v30+s10+$0x0] =	vst.idx.add.f32.msk $0xffff, v29  }
0x4f: {  	v30 =	vld [tilespmem:$0xE30];
	_ =	sdelay $0x7  }
0x50: {  	[tilespmem:v30+s10+$0x0] =	vst.idx.add.f32.msk $0xffff, v29  }
0x51: {  	v30 =	vld [tilespmem:$0xE40];
	_ =	sdelay $0x7  }
0x52: {  	[tilespmem:v30+s10+$0x0] =	vst.idx.add.f32.msk $0xffff, v29  }
0x53: {  	v30 =	vld [tilespmem:$0xE50];
	_ =	sdelay $0x7  }
0x54: {  	[tilespmem:v30+s10+$0x0] =	vst.idx.add.f32.msk $0xffff, v29  }
0x55: {  	v30 =	vld [tilespmem:$0xE60];
	_ =	sdelay $0x7  }
0x56: {  	[tilespmem:v30+s10+$0x0] =	vst.idx.add.f32.msk $0xffff, v29  }
0x57: {  	v30 =	vld [tilespmem:$0xE70];
	_ =	sdelay $0x7  }
0x58: {  	[tilespmem:v30+s10+$0x0] =	vst.idx.add.f32.msk $0xffff, v29  }
0x59: {  	v30 =	vld [tilespmem:$0xE80];
	_ =	sdelay $0x7  }
0x5a: {  	[tilespmem:v30+s10+$0x0] =	vst.idx.add.f32.msk $0xffff, v29  }
0x5b: {  	v30 =	vld [tilespmem:$0xE90];
	_ =	sdelay $0x7  }
0x5c: {  	[tilespmem:v30+s10+$0x0] =	vst.idx.add.f32.msk $0xffff, v29  }
0x5d: {  	v30 =	vld [tilespmem:$0xEA0];
	_ =	sdelay $0x7  }
0x5e: {  	[tilespmem:v30+s10+$0x0] =	vst.idx.add.f32.msk $0xffff, v29  }
0x5f: {  	v30 =	vld [tilespmem:$0xEB0];
	_ =	sdelay $0x7  }
0x60: {  	[tilespmem:v30+s10+$0x0] =	vst.idx.add.f32.msk $0xffff, v29  }
0x61: {  	v30 =	vld [tilespmem:$0xEC0];
	_ =	sdelay $0x7  }
0x62: {  	[tilespmem:v30+s10+$0x0] =	vst.idx.add.f32.msk $0xffff, v29  }
0x63: {  	v30 =	vld [tilespmem:$0xED0];
	_ =	sdelay $0x7  }
0x64: {  	[tilespmem:v30+s10+$0x0] =	vst.idx.add.f32.msk $0xffff, v29  }
0x65: {  	v30 =	vld [tilespmem:$0xEE0];
	_ =	sdelay $0x7  }
0x66: {  	[tilespmem:v30+s10+$0x0] =	vst.idx.add.f32.msk $0xffff, v29  }
0x67: {  	v30 =	vld [tilespmem:$0xEF0];
	_ =	sdelay $0x7  }
0x68: {  	[tilespmem:v30+s10+$0x0] =	vst.idx.add.f32.msk $0xffff, v29  }
0x69: {  	v30 =	vld [tilespmem:$0xF00];
	_ =	sdelay $0x7  }
0x6a: {  	[tilespmem:v30+s10+$0x0] =	vst.idx.add.f32.msk $0xffff, v29  }
0x6b: {  	v30 =	vld [tilespmem:$0xF10];
	_ =	sdelay $0x7  }
0x6c: {  	[tilespmem:v30+s10+$0x0] =	vst.idx.add.f32.msk $0xffff, v29  }
0x6d: {  	v30 =	vld [tilespmem:$0xF20];
	_ =	sdelay $0x7  }
0x6e: {  	[tilespmem:v30+s10+$0x0] =	vst.idx.add.f32.msk $0xffff, v29  }
0x6f: {  	v30 =	vld [tilespmem:$0xF30];
	_ =	sdelay $0x7  }
0x70: {  	[tilespmem:v30+s10+$0x0] =	vst.idx.add.f32.msk $0xffff, v29  }
0x71: {  	v30 =	vld [tilespmem:$0xF40];
	_ =	sdelay $0x7  }
0x72: {  	[tilespmem:v30+s10+$0x0] =	vst.idx.add.f32.msk $0xffff, v29  }
0x73: {  	v30 =	vld [tilespmem:$0xF50];
	_ =	sdelay $0x7  }
0x74: {  	[tilespmem:v30+s10+$0x0] =	vst.idx.add.f32.msk $0xffff, v29  }
0x75: {  	v30 =	vld [tilespmem:$0xF60];
	_ =	sdelay $0x7  }
0x76: {  	[tilespmem:v30+s10+$0x0] =	vst.idx.add.f32.msk $0xffff, v29  }
0x77: {  	v30 =	vld [tilespmem:$0xF70];
	_ =	sdelay $0x7  }
0x78: {  	[tilespmem:v30+s10+$0x0] =	vst.idx.add.f32.msk $0xffff, v29  }
0x79: {  	v30 =	vld [tilespmem:$0xF80];
	_ =	sdelay $0x7  }
0x7a: {  	[tilespmem:v30+s10+$0x0] =	vst.idx.add.f32.msk $0xffff, v29  }
0x7b: {  	v30 =	vld [tilespmem:$0xF90];
	_ =	sdelay $0x7  }
0x7c: {  	[tilespmem:v30+s10+$0x0] =	vst.idx.add.f32.msk $0xffff, v29  }
0x7d: {  	v30 =	vld [tilespmem:$0xFA0];
	_ =	sdelay $0x7  }
0x7e: {  	[tilespmem:v30+s10+$0x0] =	vst.idx.add.f32.msk $0xffff, v29  }
0x7f: {  	v30 =	vld [tilespmem:$0xFB0];
	_ =	sdelay $0x7  }
0x80: {  	[tilespmem:v30+s10+$0x0] =	vst.idx.add.f32.msk $0xffff, v29  }
0x81: {  	v30 =	vld [tilespmem:$0xFC0];
	_ =	sdelay $0x7  }
0x82: {  	[tilespmem:v30+s10+$0x0] =	vst.idx.add.f32.msk $0xffff, v29  }
0x83: {  	v30 =	vld [tilespmem:$0xFD0];
	_ =	sdelay $0x7  }
0x84: {  	[tilespmem:v30+s10+$0x0] =	vst.idx.add.f32.msk $0xffff, v29  }
0x85: {  	v30 =	vld [tilespmem:$0xFE0];
	_ =	sdelay $0x7  }
0x86: {  	[tilespmem:v30+s10+$0x0] =	vst.idx.add.f32.msk $0xffff, v29  }
0x87: {  	v30 =	vld [tilespmem:$0xFF0];
	_ =	sdelay $0x2  }
0x88: {  	p1 =	sne.s32 s19, $0x980  }
.Ltmp1:
0x89: {  	_ = 	snop;
	(pc) =	sbr.rel @p1 .LBB2_4-.Ltmp1, $2  }
0x8a: {  	_ =	sdelay $0x2  }
0x8b: {  	s19 =	sadd.s32 $0x40, s19;
	[tilespmem:v30+s10+$0x0] =	vst.idx.add.f32.msk $0xffff, v29  }
0x8c: {  	s19 =	simm.s32 $0xF000  }
0x8d: {  	[spmem:s2] =	stream.indirect.scatter.add.f32 [tilespmem:s10], [sflag:$0x1], $0x80, s19, s11, $0xb8;
	[tilespmem:$0xF800] =	vst v63  }
0x8e: {  	_ =	swait.ge [sflag:s9], $0x1000  }
0x8f: {  	[sflag:s9] =	ssyncset.done $0x0  }
0x90: {  	s20 =	simm.s32 $0x2000;
	s19 =	simm.s32 $0xF080;
	[sflag:s9] =	ssyncadd.s32 $0xFFFFF000  }
0x91: {  	[spmem:s2] =	stream.indirect.scatter.add.f32 [tilespmem:s20], [sflag:$0x1], $0x80, s19, s11, $0xb8;
	[tilespmem:$0xF800] =	vst v63  }
0x92: {  	_ =	swait.ge [sflag:s9], $0x1000  }
0x93: {  	[sflag:s9] =	ssyncset.done $0x0  }
0x94: {  	s19 =	simm.s32 $0xF100;
	s20 =	simm.s32 $0x3000;
	[sflag:s9] =	ssyncadd.s32 $0xFFFFF000  }
0x95: {  	[spmem:s2] =	stream.indirect.scatter.add.f32 [tilespmem:s20], [sflag:$0x1], $0x80, s19, s11, $0xb8;
	[tilespmem:$0xF800] =	vst v63  }
0x96: {  	_ =	swait.ge [sflag:s9], $0x1000  }
0x97: {  	[sflag:s9] =	ssyncset.done $0x0  }
0x98: {  	s19 =	simm.s32 $0xF180;
	s20 =	simm.s32 $0x4000;
	[sflag:s9] =	ssyncadd.s32 $0xFFFFF000  }
0x99: {  	[spmem:s2] =	stream.indirect.scatter.add.f32 [tilespmem:s20], [sflag:$0x1], $0x80, s19, s11, $0xb8;
	[tilespmem:$0xF800] =	vst v63  }
0x9a: {  	_ =	swait.ge [sflag:s9], $0x1000  }
0x9b: {  	[sflag:s9] =	ssyncset.done $0x0  }
0x9c: {  	s19 =	simm.s32 $0xF200;
	s20 =	simm.s32 $0x5000;
	[sflag:s9] =	ssyncadd.s32 $0xFFFFF000  }
0x9d: {  	[spmem:s2] =	stream.indirect.scatter.add.f32 [tilespmem:s20], [sflag:$0x1], $0x80, s19, s11, $0xb8;
	[tilespmem:$0xF800] =	vst v63  }
0x9e: {  	_ =	swait.ge [sflag:s9], $0x1000  }
0x9f: {  	[sflag:s9] =	ssyncset.done $0x0  }
0xa0: {  	[sflag:s9] =	ssyncadd.s32 $0xFFFFF000  }
0xa1: {  	[spmem:s2] =	stream.indirect.scatter.add.f32 [tilespmem:s22], [sflag:$0x1], $0x80, s21, s11, $0xb8;
	[tilespmem:$0xF800] =	vst v63  }
0xa2: {  	_ =	swait.ge [sflag:s9], $0x1000  }
0xa3: {  	[sflag:s9] =	ssyncset.done $0x0  }
0xa4: {  	[sflag:s9] =	ssyncadd.s32 $0xFFFFF000  }
0xa5: {  	[spmem:s2] =	stream.indirect.scatter.add.f32 [tilespmem:s24], [sflag:$0x1], $0x80, s23, s11, $0xb8;
	[tilespmem:$0xF800] =	vst v63  }
0xa6: {  	_ =	swait.ge [sflag:s9], $0x1000  }
0xa7: {  	[sflag:s9] =	ssyncset.done $0x0  }
0xa8: {  	[sflag:s9] =	ssyncadd.s32 $0xFFFFF000  }
0xa9: {  	[spmem:s2] =	stream.indirect.scatter.add.f32 [tilespmem:s26], [sflag:$0x1], $0x80, s25, s11, $0xb8;
	[tilespmem:$0xF800] =	vst v63  }
0xaa: {  	_ =	swait.ge [sflag:s9], $0x1000  }
0xab: {  	[sflag:s9] =	ssyncset.done $0x0  }
0xac: {  	[sflag:s9] =	ssyncadd.s32 $0xFFFFF000  }
0xad: {  	[spmem:s2] =	stream.indirect.scatter.add.f32 [tilespmem:s29], [sflag:$0x1], $0x80, s28, s11, $0xb8;
	[tilespmem:$0xF800] =	vst v63  }
0xae: {  	_ =	swait.ge [sflag:s9], $0x1000  }
0xaf: {  	[sflag:s9] =	ssyncset.done $0x0  }
0xb0: {  	[sflag:s9] =	ssyncadd.s32 $0xFFFFF000  }
0xb1: {  	[spmem:s2] =	stream.indirect.scatter.add.f32 [tilespmem:s31], [sflag:$0x1], $0x80, s30, s11, $0xb8;
	[tilespmem:$0xF800] =	vst v63  }
0xb2: {  	_ =	swait.ge [sflag:s9], $0x1000  }
0xb3: {  	[sflag:s9] =	ssyncset.done $0x0  }
0xb4: {  	[sflag:s9] =	ssyncadd.s32 $0xFFFFF000  }
0xb5: {  	[spmem:s2] =	stream.indirect.scatter.add.f32 [tilespmem:s0], [sflag:$0x1], $0x80, s1, s11, $0xb8;
	[tilespmem:$0xF800] =	vst v63  }
0xb6: {  	_ =	swait.ge [sflag:s9], $0x1000  }
0xb7: {  	[sflag:s9] =	ssyncset.done $0x0  }
0xb8: {  	[sflag:s9] =	ssyncadd.s32 $0xFFFFF000  }
0xb9: {  	[spmem:s2] =	stream.indirect.scatter.add.f32 [tilespmem:s13], [sflag:$0x1], $0x80, s12, s11, $0xb8;
	[tilespmem:$0xF800] =	vst v63  }
0xba: {  	_ =	swait.ge [sflag:s9], $0x1000  }
0xbb: {  	[sflag:s9] =	ssyncset.done $0x0  }
0xbc: {  	[sflag:s9] =	ssyncadd.s32 $0xFFFFF000  }
0xbd: {  	[spmem:s2] =	stream.indirect.scatter.add.f32 [tilespmem:s15], [sflag:$0x1], $0x80, s14, s11, $0xb8;
	[tilespmem:$0xF800] =	vst v63  }
0xbe: {  	_ =	swait.ge [sflag:s9], $0x1000  }
0xbf: {  	[sflag:s9] =	ssyncset.done $0x0  }
0xc0: {  	[sflag:s9] =	ssyncadd.s32 $0xFFFFF000  }
0xc1: {  	[spmem:s2] =	stream.indirect.scatter.add.f32 [tilespmem:s17], [sflag:$0x1], $0x80, s16, s11, $0xb8;
	[tilespmem:$0xF800] =	vst v63  }
0xc2: {  	_ =	swait.ge [sflag:s9], $0x1000  }
0xc3: {  	s18 =	sadd.s32 $0x1, s18;
	s19 =	stileid.u32;
	[sflag:s9] =	ssyncset.done $0x0  }
0xc4: {  	p1 =	sne.s32 s18, s6;
	s19 =	sshll.u32 @!p0 s19, $0x6;
	[sflag:s9] =	ssyncadd.s32 $0xFFFFF000  }
0xc5: {  	s20 =	sshrl.u32 @!p0 s4, $0x3;
	s19 =	sor.u32 @!p0 $0x1C01, s19;
	[bflag:$0x0] =	sbarrier.arrive $0xFFFF  }
0xc6: {  	[hbm:s5], [sflag:s19] =	dma.local @!p0 [spmem:s20], $0x200  }
.Ltmp2:
0xc7: {  	_ = 	snop;
	(pc) =	sbr.rel @p1 .LBB2_1-.Ltmp2, $4  }
0xc8: {  	s19 =	simm.s32 @!p0 $0x1  }
0xc9: {  	_ =	swait.ge @!p0 [sflag:s19], $0x200  }
0xca: {  	[sflag:s19] =	ssyncset.done @!p0 $0x0  }
0xcb: {  	[sflag:s19] =	ssyncadd.s32 @!p0 $0xFFFFFE00  }
0xcc: {  	_ =	sfence.sel $0x180000  }
0xcd: {  	[bflag:$0x0] =	sbarrier.arrive $0xFFFF  }
0xce: {  	_ =	strace $0x90000047  }
0xcf: {  	s0 =	stileid.u32;
	[bflag:$0x2] =	sbarrier.arrive $0xFFFF  }
0xd0: {  	p0 =	sne.s32 s0, $0x0;
	s0 =	rddreg [dreg:$0x2]  }
0xd1: {  	s0 =	sadd.s32 @!p0 $0x100000, s0  }
0xd2: {  	[sflag:s0] =	ssyncadd.tile.s32 @!p0 $0x1;
	_ =	shalt  }
.Lfunc_end2:
_tile_overlayer_lowered:
.L_overlay_start_2:
0xd3: {  	(tag) =	ssettag $0x2  }
0xd4: {  	s0 =	rddreg [dreg:$0x0];
	s2 =	stileid.u32  }
0xd5: {  	s1 =	rddreg [dreg:$0x1];
	p0 =	sne.s32 s2, $0x0  }
0xd6: {  	s3 =	rddreg [dreg:$0x2];
	[bflag:$0x3] =	sbarrier.arrive $0xFFFF;
	s2 =	simm.s32 @!p0 $0x1C01  }
0xd7: {  	[timem:s3], [sflag:s2] =	dma.local @!p0 [hbm:s0], s1  }
0xd8: {  	s0 =	simm.s32 @!p0 $0x1  }
0xd9: {  	_ =	swait.ge @!p0 [sflag:s0], s1  }
0xda: {  	s1 =	ssub.s32 @!p0 $0x0, s1;
	[sflag:s0] =	ssyncset.done @!p0 $0x0  }
0xdb: {  	[sflag:s0] =	ssyncadd.s32 @!p0 s1  }
0xdc: {  	[bflag:$0x3] =	sbarrier.arrive $0xFFFF  }
0xdd: {  	_ =	shalt  }

</sc_bundles>
